<compile_context>
chip_gen: v7x
topology: tpu7x:2x2x1
jax: 0.10.2.dev20260603
libtpu: 0.0.44.dev20260713+nightly
codegen_flags: <defaults>
</compile_context>

<pallas_src>
import functools

import jax
import jax.numpy as jnp
import numpy as np
from jax import lax
from jax.experimental import pallas as pl
from jax.experimental.pallas import tpu as pltpu
from jax.experimental.pallas import tpu_sc as plsc

_N, _C, _H, _W = 32, 256, 64, 64
_HW = _H * _W
_EPS = 1e-05
_PW = 128
_NW = 32
_NV = _PW // 16

_PERM_NP = np.asarray(
    [31, 7, 4, 29, 16, 19, 2, 5, 30, 3, 22, 6, 18, 10, 11, 15,
     20, 8, 24, 9, 25, 13, 14, 17, 23, 0, 21, 26, 1, 28, 27, 12],
    dtype=np.int32)
_INV_NP = np.argsort(_PERM_NP).astype(np.int32)


def _rsqrt_nr(ve):
    i = lax.bitcast_convert_type(ve, jnp.int32)
    y = lax.bitcast_convert_type(jnp.int32(0x5F3759DF) - (i >> 1), jnp.float32)
    for _ in range(3):
        y = y * (1.5 - 0.5 * ve * y * y)
    return y


def _sc_body(x_hbm, o_hbm, ring, mean_s, rstd_s, std_s, inv_smem,
             sem_i0, sem_i1, sem_o0, sem_o1):
    wid = lax.axis_index("s") * 2 + lax.axis_index("c")
    px0 = wid * _PW
    sems_i = (sem_i0, sem_i1)
    sems_o = (sem_o0, sem_o1)

    for k in range(_N):
        inv_smem[k] = _INV_NP[k]

    def in_dma(n, slot):
        return pltpu.async_copy(
            x_hbm.at[n, :, pl.ds(px0, _PW)], ring.at[slot], sems_i[slot])

    def out_dma(i, slot):
        return pltpu.async_copy(
            ring.at[slot], o_hbm.at[i, :, pl.ds(px0, _PW)], sems_o[slot])

    def wait_in(slot):
        pltpu.make_async_copy(
            x_hbm.at[0, :, pl.ds(px0, _PW)], ring.at[slot],
            sems_i[slot]).wait()

    def wait_out(slot):
        pltpu.make_async_copy(
            ring.at[slot], o_hbm.at[0, :, pl.ds(px0, _PW)],
            sems_o[slot]).wait()

    in_dma(0, 0)
    in_dma(1, 1)

    def stats_one(n, slot):
        wait_in(slot)

        def red_body(it, carry):
            acc = list(carry)
            for u in range(4):
                ch = 4 * it + u
                for v in range(_NV):
                    xv = ring[slot, ch, pl.ds(16 * v, 16)]
                    acc[v] = acc[v] + xv
                    acc[_NV + v] = acc[_NV + v] + xv * xv
            return tuple(acc)

        zero = jnp.zeros((16,), jnp.float32)
        acc = lax.fori_loop(0, _C // 4, red_body, (zero,) * (2 * _NV))
        for v in range(_NV):
            m = acc[v] * (1.0 / _C)
            ve = (acc[_NV + v] - _C * m * m) * (1.0 / (_C - 1)) + _EPS
            r = _rsqrt_nr(ve)
            mean_s[n, pl.ds(16 * v, 16)] = m
            rstd_s[n, pl.ds(16 * v, 16)] = r
            std_s[n, pl.ds(16 * v, 16)] = ve * r

    def pass_a(p, _):
        stats_one(2 * p, 0)

        @pl.when(p < _N // 2 - 1)
        def _():
            in_dma(2 * p + 2, 0)

        stats_one(2 * p + 1, 1)

        @pl.when(p < _N // 2 - 1)
        def _():
            in_dma(2 * p + 3, 1)

        return 0

    lax.fori_loop(0, _N // 2, pass_a, 0)

    in_dma(0, 0)
    in_dma(1, 1)

    def apply_one(j, slot):
        i = inv_smem[j]
        wait_in(slot)
        fg = []
        for v in range(_NV):
            dv = pl.ds(16 * v, 16)
            f = rstd_s[j, dv] * std_s[i, dv]
            g = mean_s[i, dv] - mean_s[j, dv] * f
            fg += [f, g]

        def app_body(it, carry):
            for u in range(4):
                ch = 4 * it + u
                for v in range(_NV):
                    dv = pl.ds(16 * v, 16)
                    ring[slot, ch, dv] = (ring[slot, ch, dv] * carry[2 * v]
                                          + carry[2 * v + 1])
            return carry

        lax.fori_loop(0, _C // 4, app_body, tuple(fg))
        out_dma(i, slot)

    def pass_b(p, _):
        apply_one(2 * p, 0)
        apply_one(2 * p + 1, 1)

        @pl.when(p < _N // 2 - 1)
        def _():
            wait_out(0)
            in_dma(2 * p + 2, 0)
            wait_out(1)
            in_dma(2 * p + 3, 1)

        return 0

    lax.fori_loop(0, _N // 2, pass_b, 0)
    wait_out(0)
    wait_out(1)


def kernel(x):
    n, c, h, w = x.shape
    xr = x.reshape(n, c, h * w)
    sc_fn = pl.kernel(
        _sc_body,
        out_type=jax.ShapeDtypeStruct((n, c, h * w), jnp.float32),
        mesh=plsc.VectorSubcoreMesh(core_axis_name="c", subcore_axis_name="s"),
        scratch_types=[
            pltpu.VMEM((2, _C, _PW), jnp.float32),
            pltpu.VMEM((_N, _PW), jnp.float32),
            pltpu.VMEM((_N, _PW), jnp.float32),
            pltpu.VMEM((_N, _PW), jnp.float32),
            pltpu.SMEM((_N,), jnp.int32),
            pltpu.SemaphoreType.DMA,
            pltpu.SemaphoreType.DMA,
            pltpu.SemaphoreType.DMA,
            pltpu.SemaphoreType.DMA,
        ],
    )
    out = sc_fn(xr)
    return out.reshape(n, c, h, w)

# --- scband reference (transcript-rebuilt; emitter-appended) ---
"""Pipeline reference for scband-spe-randomization-internal-swap-31026843746562 (READ-ONLY COPY).

The authoritative reference and input builder live on the scoring server;
editing this copy changes nothing except your own understanding.
"""

import jax, jax.numpy as jnp
import numpy as np

N, C, H, W = 32, 256, 64, 64
EPS = 1e-05

def setup_inputs(seed: int = 0) -> dict:
    key = jax.random.key(seed)
    x = jax.random.normal(key, (N, C, H, W), dtype=jnp.float32)
    return {"x": x}

def reference(x):
    # Training-mode path with y=None (the module's InstanceNorm2d is never invoked).
    n, c, h, w = x.shape
    xf = x.reshape(n, c, h * w)
    # torch: mean/var over dim=1 (channel dim), var unbiased by default
    mean = jnp.mean(xf, axis=1, keepdims=True)
    var = jnp.var(xf, axis=1, ddof=1, keepdims=True)
    xn = (xf - mean) / jnp.sqrt(var + EPS)
    # randperm over batch -> deterministic permutation for reproducibility
    perm = jax.random.permutation(jax.random.key(42), n)
    # x[idx_swap].detach(): gather along batch, gradient stopped
    xs = jax.lax.stop_gradient(jnp.take(xn, perm, axis=0))
    # re-apply ORIGINAL (unswapped) per-sample stats
    out = xs * jnp.sqrt(var + EPS) + mean
    return out.reshape(n, c, h, w)

if __name__ == "__main__":
    import jax
    _d = setup_inputs()
    print(jax.jit(kernel)(*tuple(_d.values())))

</pallas_src>

<mosaic_0001>
#map = affine_map<(d0, d1) -> (0, 0, 0)>
module attributes {stable_mosaic.version = 14 : i64} {
  func.func @_sc_body(%arg0: i32, %arg1: i32, %arg2: memref<32x256x4096xf32, #tpu.memory_space<hbm>>, %arg3: memref<32x256x4096xf32, #tpu.memory_space<hbm>>, %arg4: memref<2x256x128xf32, #tpu.memory_space<vmem>>, %arg5: memref<32x128xf32, #tpu.memory_space<vmem>>, %arg6: memref<32x128xf32, #tpu.memory_space<vmem>>, %arg7: memref<32x128xf32, #tpu.memory_space<vmem>>, %arg8: memref<32xi32, #tpu.memory_space<smem>>, %arg9: memref<!tpu.dma_semaphore, #tpu.memory_space<semaphore_mem>>, %arg10: memref<!tpu.dma_semaphore, #tpu.memory_space<semaphore_mem>>, %arg11: memref<!tpu.dma_semaphore, #tpu.memory_space<semaphore_mem>>, %arg12: memref<!tpu.dma_semaphore, #tpu.memory_space<semaphore_mem>>) attributes {dimension_semantics = [#tpu.dimension_semantics<core_parallel>, #tpu.dimension_semantics<subcore_parallel>], iteration_bounds = array<i64: 2, 16>, scalar_prefetch = 0 : i64, scratch_operands = 9 : i64, tpu.core_type = #tpu.core_type<sc_vector_subcore>, window_params = [{transform_indices = #map}, {transform_indices = #map}]} {
    %mul3A = arith.constant 2 : i32
    %mul3A_0 = arith.muli %arg1, %mul3A : i32
    %add3A = arith.addi %mul3A_0, %arg0 : i32
    %mul3A_1 = arith.constant 128 : i32
    %mul3A_2 = arith.muli %add3A, %mul3A_1 : i32
    %swap3A = arith.constant 25 : i32
    %swap3A_3 = arith.constant 0 : i32
    %swap3A_4 = arith.index_cast %swap3A_3 : i32 to index
    %swap3A_5 = memref.load %arg8[%swap3A_4] : memref<32xi32, #tpu.memory_space<smem>>
    memref.store %swap3A, %arg8[%swap3A_4] : memref<32xi32, #tpu.memory_space<smem>>
    %swap3A_6 = arith.constant 28 : i32
    %swap3A_7 = arith.constant 1 : i32
    %swap3A_8 = arith.index_cast %swap3A_7 : i32 to index
    %swap3A_9 = memref.load %arg8[%swap3A_8] : memref<32xi32, #tpu.memory_space<smem>>
    memref.store %swap3A_6, %arg8[%swap3A_8] : memref<32xi32, #tpu.memory_space<smem>>
    %swap3A_10 = arith.constant 6 : i32
    %swap3A_11 = arith.constant 2 : i32
    %swap3A_12 = arith.index_cast %swap3A_11 : i32 to index
    %swap3A_13 = memref.load %arg8[%swap3A_12] : memref<32xi32, #tpu.memory_space<smem>>
    memref.store %swap3A_10, %arg8[%swap3A_12] : memref<32xi32, #tpu.memory_space<smem>>
    %swap3A_14 = arith.constant 9 : i32
    %swap3A_15 = arith.constant 3 : i32
    %swap3A_16 = arith.index_cast %swap3A_15 : i32 to index
    %swap3A_17 = memref.load %arg8[%swap3A_16] : memref<32xi32, #tpu.memory_space<smem>>
    memref.store %swap3A_14, %arg8[%swap3A_16] : memref<32xi32, #tpu.memory_space<smem>>
    %swap3A_18 = arith.constant 2 : i32
    %swap3A_19 = arith.constant 4 : i32
    %swap3A_20 = arith.index_cast %swap3A_19 : i32 to index
    %swap3A_21 = memref.load %arg8[%swap3A_20] : memref<32xi32, #tpu.memory_space<smem>>
    memref.store %swap3A_18, %arg8[%swap3A_20] : memref<32xi32, #tpu.memory_space<smem>>
    %swap3A_22 = arith.constant 7 : i32
    %swap3A_23 = arith.constant 5 : i32
    %swap3A_24 = arith.index_cast %swap3A_23 : i32 to index
    %swap3A_25 = memref.load %arg8[%swap3A_24] : memref<32xi32, #tpu.memory_space<smem>>
    memref.store %swap3A_22, %arg8[%swap3A_24] : memref<32xi32, #tpu.memory_space<smem>>
    %swap3A_26 = arith.constant 11 : i32
    %swap3A_27 = arith.constant 6 : i32
    %swap3A_28 = arith.index_cast %swap3A_27 : i32 to index
    %swap3A_29 = memref.load %arg8[%swap3A_28] : memref<32xi32, #tpu.memory_space<smem>>
    memref.store %swap3A_26, %arg8[%swap3A_28] : memref<32xi32, #tpu.memory_space<smem>>
    %swap3A_30 = arith.constant 1 : i32
    %swap3A_31 = arith.constant 7 : i32
    %swap3A_32 = arith.index_cast %swap3A_31 : i32 to index
    %swap3A_33 = memref.load %arg8[%swap3A_32] : memref<32xi32, #tpu.memory_space<smem>>
    memref.store %swap3A_30, %arg8[%swap3A_32] : memref<32xi32, #tpu.memory_space<smem>>
    %swap3A_34 = arith.constant 17 : i32
    %swap3A_35 = arith.constant 8 : i32
    %swap3A_36 = arith.index_cast %swap3A_35 : i32 to index
    %swap3A_37 = memref.load %arg8[%swap3A_36] : memref<32xi32, #tpu.memory_space<smem>>
    memref.store %swap3A_34, %arg8[%swap3A_36] : memref<32xi32, #tpu.memory_space<smem>>
    %swap3A_38 = arith.constant 19 : i32
    %swap3A_39 = arith.constant 9 : i32
    %swap3A_40 = arith.index_cast %swap3A_39 : i32 to index
    %swap3A_41 = memref.load %arg8[%swap3A_40] : memref<32xi32, #tpu.memory_space<smem>>
    memref.store %swap3A_38, %arg8[%swap3A_40] : memref<32xi32, #tpu.memory_space<smem>>
    %swap3A_42 = arith.constant 13 : i32
    %swap3A_43 = arith.constant 10 : i32
    %swap3A_44 = arith.index_cast %swap3A_43 : i32 to index
    %swap3A_45 = memref.load %arg8[%swap3A_44] : memref<32xi32, #tpu.memory_space<smem>>
    memref.store %swap3A_42, %arg8[%swap3A_44] : memref<32xi32, #tpu.memory_space<smem>>
    %swap3A_46 = arith.constant 14 : i32
    %swap3A_47 = arith.constant 11 : i32
    %swap3A_48 = arith.index_cast %swap3A_47 : i32 to index
    %swap3A_49 = memref.load %arg8[%swap3A_48] : memref<32xi32, #tpu.memory_space<smem>>
    memref.store %swap3A_46, %arg8[%swap3A_48] : memref<32xi32, #tpu.memory_space<smem>>
    %swap3A_50 = arith.constant 31 : i32
    %swap3A_51 = arith.constant 12 : i32
    %swap3A_52 = arith.index_cast %swap3A_51 : i32 to index
    %swap3A_53 = memref.load %arg8[%swap3A_52] : memref<32xi32, #tpu.memory_space<smem>>
    memref.store %swap3A_50, %arg8[%swap3A_52] : memref<32xi32, #tpu.memory_space<smem>>
    %swap3A_54 = arith.constant 21 : i32
    %swap3A_55 = arith.constant 13 : i32
    %swap3A_56 = arith.index_cast %swap3A_55 : i32 to index
    %swap3A_57 = memref.load %arg8[%swap3A_56] : memref<32xi32, #tpu.memory_space<smem>>
    memref.store %swap3A_54, %arg8[%swap3A_56] : memref<32xi32, #tpu.memory_space<smem>>
    %swap3A_58 = arith.constant 22 : i32
    %swap3A_59 = arith.constant 14 : i32
    %swap3A_60 = arith.index_cast %swap3A_59 : i32 to index
    %swap3A_61 = memref.load %arg8[%swap3A_60] : memref<32xi32, #tpu.memory_space<smem>>
    memref.store %swap3A_58, %arg8[%swap3A_60] : memref<32xi32, #tpu.memory_space<smem>>
    %swap3A_62 = arith.constant 15 : i32
    %swap3A_63 = arith.constant 15 : i32
    %swap3A_64 = arith.index_cast %swap3A_63 : i32 to index
    %swap3A_65 = memref.load %arg8[%swap3A_64] : memref<32xi32, #tpu.memory_space<smem>>
    memref.store %swap3A_62, %arg8[%swap3A_64] : memref<32xi32, #tpu.memory_space<smem>>
    %swap3A_66 = arith.constant 4 : i32
    %swap3A_67 = arith.constant 16 : i32
    %swap3A_68 = arith.index_cast %swap3A_67 : i32 to index
    %swap3A_69 = memref.load %arg8[%swap3A_68] : memref<32xi32, #tpu.memory_space<smem>>
    memref.store %swap3A_66, %arg8[%swap3A_68] : memref<32xi32, #tpu.memory_space<smem>>
    %swap3A_70 = arith.constant 23 : i32
    %swap3A_71 = arith.constant 17 : i32
    %swap3A_72 = arith.index_cast %swap3A_71 : i32 to index
    %swap3A_73 = memref.load %arg8[%swap3A_72] : memref<32xi32, #tpu.memory_space<smem>>
    memref.store %swap3A_70, %arg8[%swap3A_72] : memref<32xi32, #tpu.memory_space<smem>>
    %swap3A_74 = arith.constant 12 : i32
    %swap3A_75 = arith.constant 18 : i32
    %swap3A_76 = arith.index_cast %swap3A_75 : i32 to index
    %swap3A_77 = memref.load %arg8[%swap3A_76] : memref<32xi32, #tpu.memory_space<smem>>
    memref.store %swap3A_74, %arg8[%swap3A_76] : memref<32xi32, #tpu.memory_space<smem>>
    %swap3A_78 = arith.constant 5 : i32
    %swap3A_79 = arith.constant 19 : i32
    %swap3A_80 = arith.index_cast %swap3A_79 : i32 to index
    %swap3A_81 = memref.load %arg8[%swap3A_80] : memref<32xi32, #tpu.memory_space<smem>>
    memref.store %swap3A_78, %arg8[%swap3A_80] : memref<32xi32, #tpu.memory_space<smem>>
    %swap3A_82 = arith.constant 16 : i32
    %swap3A_83 = arith.constant 20 : i32
    %swap3A_84 = arith.index_cast %swap3A_83 : i32 to index
    %swap3A_85 = memref.load %arg8[%swap3A_84] : memref<32xi32, #tpu.memory_space<smem>>
    memref.store %swap3A_82, %arg8[%swap3A_84] : memref<32xi32, #tpu.memory_space<smem>>
    %swap3A_86 = arith.constant 26 : i32
    %swap3A_87 = arith.constant 21 : i32
    %swap3A_88 = arith.index_cast %swap3A_87 : i32 to index
    %swap3A_89 = memref.load %arg8[%swap3A_88] : memref<32xi32, #tpu.memory_space<smem>>
    memref.store %swap3A_86, %arg8[%swap3A_88] : memref<32xi32, #tpu.memory_space<smem>>
    %swap3A_90 = arith.constant 10 : i32
    %swap3A_91 = arith.constant 22 : i32
    %swap3A_92 = arith.index_cast %swap3A_91 : i32 to index
    %swap3A_93 = memref.load %arg8[%swap3A_92] : memref<32xi32, #tpu.memory_space<smem>>
    memref.store %swap3A_90, %arg8[%swap3A_92] : memref<32xi32, #tpu.memory_space<smem>>
    %swap3A_94 = arith.constant 24 : i32
    %swap3A_95 = arith.constant 23 : i32
    %swap3A_96 = arith.index_cast %swap3A_95 : i32 to index
    %swap3A_97 = memref.load %arg8[%swap3A_96] : memref<32xi32, #tpu.memory_space<smem>>
    memref.store %swap3A_94, %arg8[%swap3A_96] : memref<32xi32, #tpu.memory_space<smem>>
    %swap3A_98 = arith.constant 18 : i32
    %swap3A_99 = arith.constant 24 : i32
    %swap3A_100 = arith.index_cast %swap3A_99 : i32 to index
    %swap3A_101 = memref.load %arg8[%swap3A_100] : memref<32xi32, #tpu.memory_space<smem>>
    memref.store %swap3A_98, %arg8[%swap3A_100] : memref<32xi32, #tpu.memory_space<smem>>
    %swap3A_102 = arith.constant 20 : i32
    %swap3A_103 = arith.constant 25 : i32
    %swap3A_104 = arith.index_cast %swap3A_103 : i32 to index
    %swap3A_105 = memref.load %arg8[%swap3A_104] : memref<32xi32, #tpu.memory_space<smem>>
    memref.store %swap3A_102, %arg8[%swap3A_104] : memref<32xi32, #tpu.memory_space<smem>>
    %swap3A_106 = arith.constant 27 : i32
    %swap3A_107 = arith.constant 26 : i32
    %swap3A_108 = arith.index_cast %swap3A_107 : i32 to index
    %swap3A_109 = memref.load %arg8[%swap3A_108] : memref<32xi32, #tpu.memory_space<smem>>
    memref.store %swap3A_106, %arg8[%swap3A_108] : memref<32xi32, #tpu.memory_space<smem>>
    %swap3A_110 = arith.constant 30 : i32
    %swap3A_111 = arith.constant 27 : i32
    %swap3A_112 = arith.index_cast %swap3A_111 : i32 to index
    %swap3A_113 = memref.load %arg8[%swap3A_112] : memref<32xi32, #tpu.memory_space<smem>>
    memref.store %swap3A_110, %arg8[%swap3A_112] : memref<32xi32, #tpu.memory_space<smem>>
    %swap3A_114 = arith.constant 29 : i32
    %swap3A_115 = arith.constant 28 : i32
    %swap3A_116 = arith.index_cast %swap3A_115 : i32 to index
    %swap3A_117 = memref.load %arg8[%swap3A_116] : memref<32xi32, #tpu.memory_space<smem>>
    memref.store %swap3A_114, %arg8[%swap3A_116] : memref<32xi32, #tpu.memory_space<smem>>
    %swap3A_118 = arith.constant 3 : i32
    %swap3A_119 = arith.constant 29 : i32
    %swap3A_120 = arith.index_cast %swap3A_119 : i32 to index
    %swap3A_121 = memref.load %arg8[%swap3A_120] : memref<32xi32, #tpu.memory_space<smem>>
    memref.store %swap3A_118, %arg8[%swap3A_120] : memref<32xi32, #tpu.memory_space<smem>>
    %swap3A_122 = arith.constant 8 : i32
    %swap3A_123 = arith.constant 30 : i32
    %swap3A_124 = arith.index_cast %swap3A_123 : i32 to index
    %swap3A_125 = memref.load %arg8[%swap3A_124] : memref<32xi32, #tpu.memory_space<smem>>
    memref.store %swap3A_122, %arg8[%swap3A_124] : memref<32xi32, #tpu.memory_space<smem>>
    %swap3A_126 = arith.constant 0 : i32
    %swap3A_127 = arith.constant 31 : i32
    %swap3A_128 = arith.index_cast %swap3A_127 : i32 to index
    %swap3A_129 = memref.load %arg8[%swap3A_128] : memref<32xi32, #tpu.memory_space<smem>>
    memref.store %swap3A_126, %arg8[%swap3A_128] : memref<32xi32, #tpu.memory_space<smem>>
    %dma_start3A = arith.constant 0 : i32
    %dma_start3A_130 = arith.constant 0 : i32
    %dma_start3A_131 = arith.constant 0 : i32
    %dma_start3A_132 = arith.constant 0 : i32
    %dma_start3A_133 = tpu.memref_slice %arg4[%dma_start3A_130, %dma_start3A_131, %dma_start3A_132] : memref<2x256x128xf32, #tpu.memory_space<vmem>> -> memref<1x256x128xf32, #tpu.memory_space<vmem>>
    %dma_start3A_134 = tpu.memref_squeeze %dma_start3A_133 : memref<1x256x128xf32, #tpu.memory_space<vmem>> -> memref<256x128xf32, #tpu.memory_space<vmem>>
    %dma_start3A_135 = arith.constant 0 : i32
    %dma_start3A_136 = tpu.memref_slice %arg2[%dma_start3A, %dma_start3A_135, %mul3A_2] : memref<32x256x4096xf32, #tpu.memory_space<hbm>> -> memref<1x256x128xf32, #tpu.memory_space<hbm>>
    %dma_start3A_137 = tpu.memref_squeeze %dma_start3A_136 : memref<1x256x128xf32, #tpu.memory_space<hbm>> -> memref<256x128xf32, #tpu.memory_space<hbm>>
    %dma_start3A_138 = arith.constant 0 : i32
    %dma_start3A_139 = arith.constant 0 : i32
    %dma_start3A_140 = tpu.memref_slice %arg4[%dma_start3A_130, %dma_start3A_138, %dma_start3A_139] : memref<2x256x128xf32, #tpu.memory_space<vmem>> -> memref<1x256x128xf32, #tpu.memory_space<vmem>>
    %dma_start3A_141 = tpu.memref_squeeze %dma_start3A_140 : memref<1x256x128xf32, #tpu.memory_space<vmem>> -> memref<256x128xf32, #tpu.memory_space<vmem>>
    %dma_start3A_142 = arith.constant 0 : i32
    %dma_start3A_143 = tpu.memref_slice %arg2[%dma_start3A, %dma_start3A_142, %mul3A_2] : memref<32x256x4096xf32, #tpu.memory_space<hbm>> -> memref<1x256x128xf32, #tpu.memory_space<hbm>>
    %dma_start3A_144 = tpu.memref_squeeze %dma_start3A_143 : memref<1x256x128xf32, #tpu.memory_space<hbm>> -> memref<256x128xf32, #tpu.memory_space<hbm>>
    tpu.enqueue_dma source(%dma_start3A_144 : memref<256x128xf32, #tpu.memory_space<hbm>>) target(%dma_start3A_141 : memref<256x128xf32, #tpu.memory_space<vmem>>) target_semaphore(%arg9 : memref<!tpu.dma_semaphore, #tpu.memory_space<semaphore_mem>>)
    %dma_start3A_145 = arith.constant 1 : i32
    %dma_start3A_146 = arith.constant 1 : i32
    %dma_start3A_147 = arith.constant 0 : i32
    %dma_start3A_148 = arith.constant 0 : i32
    %dma_start3A_149 = tpu.memref_slice %arg4[%dma_start3A_146, %dma_start3A_147, %dma_start3A_148] : memref<2x256x128xf32, #tpu.memory_space<vmem>> -> memref<1x256x128xf32, #tpu.memory_space<vmem>>
    %dma_start3A_150 = tpu.memref_squeeze %dma_start3A_149 : memref<1x256x128xf32, #tpu.memory_space<vmem>> -> memref<256x128xf32, #tpu.memory_space<vmem>>
    %dma_start3A_151 = arith.constant 0 : i32
    %dma_start3A_152 = tpu.memref_slice %arg2[%dma_start3A_145, %dma_start3A_151, %mul3A_2] : memref<32x256x4096xf32, #tpu.memory_space<hbm>> -> memref<1x256x128xf32, #tpu.memory_space<hbm>>
    %dma_start3A_153 = tpu.memref_squeeze %dma_start3A_152 : memref<1x256x128xf32, #tpu.memory_space<hbm>> -> memref<256x128xf32, #tpu.memory_space<hbm>>
    %dma_start3A_154 = arith.constant 0 : i32
    %dma_start3A_155 = arith.constant 0 : i32
    %dma_start3A_156 = tpu.memref_slice %arg4[%dma_start3A_146, %dma_start3A_154, %dma_start3A_155] : memref<2x256x128xf32, #tpu.memory_space<vmem>> -> memref<1x256x128xf32, #tpu.memory_space<vmem>>
    %dma_start3A_157 = tpu.memref_squeeze %dma_start3A_156 : memref<1x256x128xf32, #tpu.memory_space<vmem>> -> memref<256x128xf32, #tpu.memory_space<vmem>>
    %dma_start3A_158 = arith.constant 0 : i32
    %dma_start3A_159 = tpu.memref_slice %arg2[%dma_start3A_145, %dma_start3A_158, %mul3A_2] : memref<32x256x4096xf32, #tpu.memory_space<hbm>> -> memref<1x256x128xf32, #tpu.memory_space<hbm>>
    %dma_start3A_160 = tpu.memref_squeeze %dma_start3A_159 : memref<1x256x128xf32, #tpu.memory_space<hbm>> -> memref<256x128xf32, #tpu.memory_space<hbm>>
    tpu.enqueue_dma source(%dma_start3A_160 : memref<256x128xf32, #tpu.memory_space<hbm>>) target(%dma_start3A_157 : memref<256x128xf32, #tpu.memory_space<vmem>>) target_semaphore(%arg10 : memref<!tpu.dma_semaphore, #tpu.memory_space<semaphore_mem>>)
    %scan3A = arith.constant 0 : i32
    %scan3A_161 = arith.constant 0 : i32
    %scan3A_162 = arith.constant 16 : i32
    %scan3A_163 = arith.addi %scan3A_161, %scan3A_162 : i32
    %scan3A_164 = arith.constant 1 : i32
    %scan3A_165 = scf.for %scan3A_237 = %scan3A_161 to %scan3A_163 step %scan3A_164 iter_args(%scan3A_238 = %scan3A) -> (i32)  : i32 {
      %mul3A_239 = arith.constant 2 : i32
      %mul3A_240 = arith.muli %mul3A_239, %scan3A_237 : i32
      %dma_wait3A_241 = arith.constant 0 : i32
      %dma_wait3A_242 = arith.constant 0 : i32
      %dma_wait3A_243 = arith.constant 0 : i32
      %dma_wait3A_244 = arith.constant 0 : i32
      %dma_wait3A_245 = tpu.memref_slice %arg4[%dma_wait3A_242, %dma_wait3A_243, %dma_wait3A_244] : memref<2x256x128xf32, #tpu.memory_space<vmem>> -> memref<1x256x128xf32, #tpu.memory_space<vmem>>
      %dma_wait3A_246 = tpu.memref_squeeze %dma_wait3A_245 : memref<1x256x128xf32, #tpu.memory_space<vmem>> -> memref<256x128xf32, #tpu.memory_space<vmem>>
      %dma_wait3A_247 = arith.constant 0 : i32
      %dma_wait3A_248 = tpu.memref_slice %arg2[%dma_wait3A_241, %dma_wait3A_247, %mul3A_2] : memref<32x256x4096xf32, #tpu.memory_space<hbm>> -> memref<1x256x128xf32, #tpu.memory_space<hbm>>
      %dma_wait3A_249 = tpu.memref_squeeze %dma_wait3A_248 : memref<1x256x128xf32, #tpu.memory_space<hbm>> -> memref<256x128xf32, #tpu.memory_space<hbm>>
      %dma_wait3A_250 = arith.constant 0 : i32
      %dma_wait3A_251 = arith.constant 0 : i32
      %dma_wait3A_252 = tpu.memref_slice %arg4[%dma_wait3A_242, %dma_wait3A_250, %dma_wait3A_251] : memref<2x256x128xf32, #tpu.memory_space<vmem>> -> memref<1x256x128xf32, #tpu.memory_space<vmem>>
      %dma_wait3A_253 = tpu.memref_squeeze %dma_wait3A_252 : memref<1x256x128xf32, #tpu.memory_space<vmem>> -> memref<256x128xf32, #tpu.memory_space<vmem>>
      %dma_wait3A_254 = arith.constant 0 : i32
      %dma_wait3A_255 = tpu.memref_slice %arg2[%dma_wait3A_241, %dma_wait3A_254, %mul3A_2] : memref<32x256x4096xf32, #tpu.memory_space<hbm>> -> memref<1x256x128xf32, #tpu.memory_space<hbm>>
      %dma_wait3A_256 = tpu.memref_squeeze %dma_wait3A_255 : memref<1x256x128xf32, #tpu.memory_space<hbm>> -> memref<256x128xf32, #tpu.memory_space<hbm>>
      tpu.wait_dma2 semaphore(%arg9 : memref<!tpu.dma_semaphore, #tpu.memory_space<semaphore_mem>>) src(%dma_wait3A_256 : memref<256x128xf32, #tpu.memory_space<hbm>>) dst(%dma_wait3A_253 : memref<256x128xf32, #tpu.memory_space<vmem>>)
      %broadcast_in_dim3A = arith.constant 0.000000e+00 : f32
      %broadcast_in_dim3A_257 = vector.broadcast %broadcast_in_dim3A : f32 to vector<16xf32>
      %scan3A_258 = arith.constant 0 : i32
      %scan3A_259 = arith.constant 64 : i32
      %scan3A_260 = arith.addi %scan3A_258, %scan3A_259 : i32
      %scan3A_261 = arith.constant 1 : i32
      %scan3A_262:16 = scf.for %scan3A_1337 = %scan3A_258 to %scan3A_260 step %scan3A_261 iter_args(%scan3A_1338 = %broadcast_in_dim3A_257, %scan3A_1339 = %broadcast_in_dim3A_257, %scan3A_1340 = %broadcast_in_dim3A_257, %scan3A_1341 = %broadcast_in_dim3A_257, %scan3A_1342 = %broadcast_in_dim3A_257, %scan3A_1343 = %broadcast_in_dim3A_257, %scan3A_1344 = %broadcast_in_dim3A_257, %scan3A_1345 = %broadcast_in_dim3A_257, %scan3A_1346 = %broadcast_in_dim3A_257, %scan3A_1347 = %broadcast_in_dim3A_257, %scan3A_1348 = %broadcast_in_dim3A_257, %scan3A_1349 = %broadcast_in_dim3A_257, %scan3A_1350 = %broadcast_in_dim3A_257, %scan3A_1351 = %broadcast_in_dim3A_257, %scan3A_1352 = %broadcast_in_dim3A_257, %scan3A_1353 = %broadcast_in_dim3A_257) -> (vector<16xf32>, vector<16xf32>, vector<16xf32>, vector<16xf32>, vector<16xf32>, vector<16xf32>, vector<16xf32>, vector<16xf32>, vector<16xf32>, vector<16xf32>, vector<16xf32>, vector<16xf32>, vector<16xf32>, vector<16xf32>, vector<16xf32>, vector<16xf32>)  : i32 {
        %mul3A_1354 = arith.constant 4 : i32
        %mul3A_1355 = arith.muli %mul3A_1354, %scan3A_1337 : i32
        %add3A_1356 = arith.constant 0 : i32
        %add3A_1357 = arith.addi %mul3A_1355, %add3A_1356 : i32
        %get3A = arith.constant 0 : i32
        %get3A_1358 = arith.index_cast %get3A : i32 to index
        %get3A_1359 = arith.index_cast %add3A_1357 : i32 to index
        %get3A_1360 = arith.constant 0 : index
        %get3A_1361 = tpu.vector_load %arg4[%get3A_1358, %get3A_1359, %get3A_1360] {strides = array<i32>} : memref<2x256x128xf32, #tpu.memory_space<vmem>>, vector<1x1x16xf32>,
        %get3A_1362 = vector.shape_cast %get3A_1361 : vector<1x1x16xf32> to vector<16xf32>
        %add3A_1363 = arith.addf %scan3A_1338, %get3A_1362 : vector<16xf32>
        %mul3A_1364 = arith.mulf %get3A_1362, %get3A_1362 : vector<16xf32>
        %add3A_1365 = arith.addf %scan3A_1346, %mul3A_1364 : vector<16xf32>
        %get3A_1366 = arith.constant 0 : i32
        %get3A_1367 = arith.index_cast %get3A_1366 : i32 to index
        %get3A_1368 = arith.index_cast %add3A_1357 : i32 to index
        %get3A_1369 = arith.constant 16 : index
        %get3A_1370 = tpu.vector_load %arg4[%get3A_1367, %get3A_1368, %get3A_1369] {strides = array<i32>} : memref<2x256x128xf32, #tpu.memory_space<vmem>>, vector<1x1x16xf32>,
        %get3A_1371 = vector.shape_cast %get3A_1370 : vector<1x1x16xf32> to vector<16xf32>
        %add3A_1372 = arith.addf %scan3A_1339, %get3A_1371 : vector<16xf32>
        %mul3A_1373 = arith.mulf %get3A_1371, %get3A_1371 : vector<16xf32>
        %add3A_1374 = arith.addf %scan3A_1347, %mul3A_1373 : vector<16xf32>
        %get3A_1375 = arith.constant 0 : i32
        %get3A_1376 = arith.index_cast %get3A_1375 : i32 to index
        %get3A_1377 = arith.index_cast %add3A_1357 : i32 to index
        %get3A_1378 = arith.constant 32 : index
        %get3A_1379 = tpu.vector_load %arg4[%get3A_1376, %get3A_1377, %get3A_1378] {strides = array<i32>} : memref<2x256x128xf32, #tpu.memory_space<vmem>>, vector<1x1x16xf32>,
        %get3A_1380 = vector.shape_cast %get3A_1379 : vector<1x1x16xf32> to vector<16xf32>
        %add3A_1381 = arith.addf %scan3A_1340, %get3A_1380 : vector<16xf32>
        %mul3A_1382 = arith.mulf %get3A_1380, %get3A_1380 : vector<16xf32>
        %add3A_1383 = arith.addf %scan3A_1348, %mul3A_1382 : vector<16xf32>
        %get3A_1384 = arith.constant 0 : i32
        %get3A_1385 = arith.index_cast %get3A_1384 : i32 to index
        %get3A_1386 = arith.index_cast %add3A_1357 : i32 to index
        %get3A_1387 = arith.constant 48 : index
        %get3A_1388 = tpu.vector_load %arg4[%get3A_1385, %get3A_1386, %get3A_1387] {strides = array<i32>} : memref<2x256x128xf32, #tpu.memory_space<vmem>>, vector<1x1x16xf32>,
        %get3A_1389 = vector.shape_cast %get3A_1388 : vector<1x1x16xf32> to vector<16xf32>
        %add3A_1390 = arith.addf %scan3A_1341, %get3A_1389 : vector<16xf32>
        %mul3A_1391 = arith.mulf %get3A_1389, %get3A_1389 : vector<16xf32>
        %add3A_1392 = arith.addf %scan3A_1349, %mul3A_1391 : vector<16xf32>
        %get3A_1393 = arith.constant 0 : i32
        %get3A_1394 = arith.index_cast %get3A_1393 : i32 to index
        %get3A_1395 = arith.index_cast %add3A_1357 : i32 to index
        %get3A_1396 = arith.constant 64 : index
        %get3A_1397 = tpu.vector_load %arg4[%get3A_1394, %get3A_1395, %get3A_1396] {strides = array<i32>} : memref<2x256x128xf32, #tpu.memory_space<vmem>>, vector<1x1x16xf32>,
        %get3A_1398 = vector.shape_cast %get3A_1397 : vector<1x1x16xf32> to vector<16xf32>
        %add3A_1399 = arith.addf %scan3A_1342, %get3A_1398 : vector<16xf32>
        %mul3A_1400 = arith.mulf %get3A_1398, %get3A_1398 : vector<16xf32>
        %add3A_1401 = arith.addf %scan3A_1350, %mul3A_1400 : vector<16xf32>
        %get3A_1402 = arith.constant 0 : i32
        %get3A_1403 = arith.index_cast %get3A_1402 : i32 to index
        %get3A_1404 = arith.index_cast %add3A_1357 : i32 to index
        %get3A_1405 = arith.constant 80 : index
        %get3A_1406 = tpu.vector_load %arg4[%get3A_1403, %get3A_1404, %get3A_1405] {strides = array<i32>} : memref<2x256x128xf32, #tpu.memory_space<vmem>>, vector<1x1x16xf32>,
        %get3A_1407 = vector.shape_cast %get3A_1406 : vector<1x1x16xf32> to vector<16xf32>
        %add3A_1408 = arith.addf %scan3A_1343, %get3A_1407 : vector<16xf32>
        %mul3A_1409 = arith.mulf %get3A_1407, %get3A_1407 : vector<16xf32>
        %add3A_1410 = arith.addf %scan3A_1351, %mul3A_1409 : vector<16xf32>
        %get3A_1411 = arith.constant 0 : i32
        %get3A_1412 = arith.index_cast %get3A_1411 : i32 to index
        %get3A_1413 = arith.index_cast %add3A_1357 : i32 to index
        %get3A_1414 = arith.constant 96 : index
        %get3A_1415 = tpu.vector_load %arg4[%get3A_1412, %get3A_1413, %get3A_1414] {strides = array<i32>} : memref<2x256x128xf32, #tpu.memory_space<vmem>>, vector<1x1x16xf32>,
        %get3A_1416 = vector.shape_cast %get3A_1415 : vector<1x1x16xf32> to vector<16xf32>
        %add3A_1417 = arith.addf %scan3A_1344, %get3A_1416 : vector<16xf32>
        %mul3A_1418 = arith.mulf %get3A_1416, %get3A_1416 : vector<16xf32>
        %add3A_1419 = arith.addf %scan3A_1352, %mul3A_1418 : vector<16xf32>
        %get3A_1420 = arith.constant 0 : i32
        %get3A_1421 = arith.index_cast %get3A_1420 : i32 to index
        %get3A_1422 = arith.index_cast %add3A_1357 : i32 to index
        %get3A_1423 = arith.constant 112 : index
        %get3A_1424 = tpu.vector_load %arg4[%get3A_1421, %get3A_1422, %get3A_1423] {strides = array<i32>} : memref<2x256x128xf32, #tpu.memory_space<vmem>>, vector<1x1x16xf32>,
        %get3A_1425 = vector.shape_cast %get3A_1424 : vector<1x1x16xf32> to vector<16xf32>
        %add3A_1426 = arith.addf %scan3A_1345, %get3A_1425 : vector<16xf32>
        %mul3A_1427 = arith.mulf %get3A_1425, %get3A_1425 : vector<16xf32>
        %add3A_1428 = arith.addf %scan3A_1353, %mul3A_1427 : vector<16xf32>
        %mul3A_1429 = arith.constant 4 : i32
        %mul3A_1430 = arith.muli %mul3A_1429, %scan3A_1337 : i32
        %add3A_1431 = arith.constant 1 : i32
        %add3A_1432 = arith.addi %mul3A_1430, %add3A_1431 : i32
        %get3A_1433 = arith.constant 0 : i32
        %get3A_1434 = arith.index_cast %get3A_1433 : i32 to index
        %get3A_1435 = arith.index_cast %add3A_1432 : i32 to index
        %get3A_1436 = arith.constant 0 : index
        %get3A_1437 = tpu.vector_load %arg4[%get3A_1434, %get3A_1435, %get3A_1436] {strides = array<i32>} : memref<2x256x128xf32, #tpu.memory_space<vmem>>, vector<1x1x16xf32>,
        %get3A_1438 = vector.shape_cast %get3A_1437 : vector<1x1x16xf32> to vector<16xf32>
        %add3A_1439 = arith.addf %add3A_1363, %get3A_1438 : vector<16xf32>
        %mul3A_1440 = arith.mulf %get3A_1438, %get3A_1438 : vector<16xf32>
        %add3A_1441 = arith.addf %add3A_1365, %mul3A_1440 : vector<16xf32>
        %get3A_1442 = arith.constant 0 : i32
        %get3A_1443 = arith.index_cast %get3A_1442 : i32 to index
        %get3A_1444 = arith.index_cast %add3A_1432 : i32 to index
        %get3A_1445 = arith.constant 16 : index
        %get3A_1446 = tpu.vector_load %arg4[%get3A_1443, %get3A_1444, %get3A_1445] {strides = array<i32>} : memref<2x256x128xf32, #tpu.memory_space<vmem>>, vector<1x1x16xf32>,
        %get3A_1447 = vector.shape_cast %get3A_1446 : vector<1x1x16xf32> to vector<16xf32>
        %add3A_1448 = arith.addf %add3A_1372, %get3A_1447 : vector<16xf32>
        %mul3A_1449 = arith.mulf %get3A_1447, %get3A_1447 : vector<16xf32>
        %add3A_1450 = arith.addf %add3A_1374, %mul3A_1449 : vector<16xf32>
        %get3A_1451 = arith.constant 0 : i32
        %get3A_1452 = arith.index_cast %get3A_1451 : i32 to index
        %get3A_1453 = arith.index_cast %add3A_1432 : i32 to index
        %get3A_1454 = arith.constant 32 : index
        %get3A_1455 = tpu.vector_load %arg4[%get3A_1452, %get3A_1453, %get3A_1454] {strides = array<i32>} : memref<2x256x128xf32, #tpu.memory_space<vmem>>, vector<1x1x16xf32>,
        %get3A_1456 = vector.shape_cast %get3A_1455 : vector<1x1x16xf32> to vector<16xf32>
        %add3A_1457 = arith.addf %add3A_1381, %get3A_1456 : vector<16xf32>
        %mul3A_1458 = arith.mulf %get3A_1456, %get3A_1456 : vector<16xf32>
        %add3A_1459 = arith.addf %add3A_1383, %mul3A_1458 : vector<16xf32>
        %get3A_1460 = arith.constant 0 : i32
        %get3A_1461 = arith.index_cast %get3A_1460 : i32 to index
        %get3A_1462 = arith.index_cast %add3A_1432 : i32 to index
        %get3A_1463 = arith.constant 48 : index
        %get3A_1464 = tpu.vector_load %arg4[%get3A_1461, %get3A_1462, %get3A_1463] {strides = array<i32>} : memref<2x256x128xf32, #tpu.memory_space<vmem>>, vector<1x1x16xf32>,
        %get3A_1465 = vector.shape_cast %get3A_1464 : vector<1x1x16xf32> to vector<16xf32>
        %add3A_1466 = arith.addf %add3A_1390, %get3A_1465 : vector<16xf32>
        %mul3A_1467 = arith.mulf %get3A_1465, %get3A_1465 : vector<16xf32>
        %add3A_1468 = arith.addf %add3A_1392, %mul3A_1467 : vector<16xf32>
        %get3A_1469 = arith.constant 0 : i32
        %get3A_1470 = arith.index_cast %get3A_1469 : i32 to index
        %get3A_1471 = arith.index_cast %add3A_1432 : i32 to index
        %get3A_1472 = arith.constant 64 : index
        %get3A_1473 = tpu.vector_load %arg4[%get3A_1470, %get3A_1471, %get3A_1472] {strides = array<i32>} : memref<2x256x128xf32, #tpu.memory_space<vmem>>, vector<1x1x16xf32>,
        %get3A_1474 = vector.shape_cast %get3A_1473 : vector<1x1x16xf32> to vector<16xf32>
        %add3A_1475 = arith.addf %add3A_1399, %get3A_1474 : vector<16xf32>
        %mul3A_1476 = arith.mulf %get3A_1474, %get3A_1474 : vector<16xf32>
        %add3A_1477 = arith.addf %add3A_1401, %mul3A_1476 : vector<16xf32>
        %get3A_1478 = arith.constant 0 : i32
        %get3A_1479 = arith.index_cast %get3A_1478 : i32 to index
        %get3A_1480 = arith.index_cast %add3A_1432 : i32 to index
        %get3A_1481 = arith.constant 80 : index
        %get3A_1482 = tpu.vector_load %arg4[%get3A_1479, %get3A_1480, %get3A_1481] {strides = array<i32>} : memref<2x256x128xf32, #tpu.memory_space<vmem>>, vector<1x1x16xf32>,
        %get3A_1483 = vector.shape_cast %get3A_1482 : vector<1x1x16xf32> to vector<16xf32>
        %add3A_1484 = arith.addf %add3A_1408, %get3A_1483 : vector<16xf32>
        %mul3A_1485 = arith.mulf %get3A_1483, %get3A_1483 : vector<16xf32>
        %add3A_1486 = arith.addf %add3A_1410, %mul3A_1485 : vector<16xf32>
        %get3A_1487 = arith.constant 0 : i32
        %get3A_1488 = arith.index_cast %get3A_1487 : i32 to index
        %get3A_1489 = arith.index_cast %add3A_1432 : i32 to index
        %get3A_1490 = arith.constant 96 : index
        %get3A_1491 = tpu.vector_load %arg4[%get3A_1488, %get3A_1489, %get3A_1490] {strides = array<i32>} : memref<2x256x128xf32, #tpu.memory_space<vmem>>, vector<1x1x16xf32>,
        %get3A_1492 = vector.shape_cast %get3A_1491 : vector<1x1x16xf32> to vector<16xf32>
        %add3A_1493 = arith.addf %add3A_1417, %get3A_1492 : vector<16xf32>
        %mul3A_1494 = arith.mulf %get3A_1492, %get3A_1492 : vector<16xf32>
        %add3A_1495 = arith.addf %add3A_1419, %mul3A_1494 : vector<16xf32>
        %get3A_1496 = arith.constant 0 : i32
        %get3A_1497 = arith.index_cast %get3A_1496 : i32 to index
        %get3A_1498 = arith.index_cast %add3A_1432 : i32 to index
        %get3A_1499 = arith.constant 112 : index
        %get3A_1500 = tpu.vector_load %arg4[%get3A_1497, %get3A_1498, %get3A_1499] {strides = array<i32>} : memref<2x256x128xf32, #tpu.memory_space<vmem>>, vector<1x1x16xf32>,
        %get3A_1501 = vector.shape_cast %get3A_1500 : vector<1x1x16xf32> to vector<16xf32>
        %add3A_1502 = arith.addf %add3A_1426, %get3A_1501 : vector<16xf32>
        %mul3A_1503 = arith.mulf %get3A_1501, %get3A_1501 : vector<16xf32>
        %add3A_1504 = arith.addf %add3A_1428, %mul3A_1503 : vector<16xf32>
        %mul3A_1505 = arith.constant 4 : i32
        %mul3A_1506 = arith.muli %mul3A_1505, %scan3A_1337 : i32
        %add3A_1507 = arith.constant 2 : i32
        %add3A_1508 = arith.addi %mul3A_1506, %add3A_1507 : i32
        %get3A_1509 = arith.constant 0 : i32
        %get3A_1510 = arith.index_cast %get3A_1509 : i32 to index
        %get3A_1511 = arith.index_cast %add3A_1508 : i32 to index
        %get3A_1512 = arith.constant 0 : index
        %get3A_1513 = tpu.vector_load %arg4[%get3A_1510, %get3A_1511, %get3A_1512] {strides = array<i32>} : memref<2x256x128xf32, #tpu.memory_space<vmem>>, vector<1x1x16xf32>,
        %get3A_1514 = vector.shape_cast %get3A_1513 : vector<1x1x16xf32> to vector<16xf32>
        %add3A_1515 = arith.addf %add3A_1439, %get3A_1514 : vector<16xf32>
        %mul3A_1516 = arith.mulf %get3A_1514, %get3A_1514 : vector<16xf32>
        %add3A_1517 = arith.addf %add3A_1441, %mul3A_1516 : vector<16xf32>
        %get3A_1518 = arith.constant 0 : i32
        %get3A_1519 = arith.index_cast %get3A_1518 : i32 to index
        %get3A_1520 = arith.index_cast %add3A_1508 : i32 to index
        %get3A_1521 = arith.constant 16 : index
        %get3A_1522 = tpu.vector_load %arg4[%get3A_1519, %get3A_1520, %get3A_1521] {strides = array<i32>} : memref<2x256x128xf32, #tpu.memory_space<vmem>>, vector<1x1x16xf32>,
        %get3A_1523 = vector.shape_cast %get3A_1522 : vector<1x1x16xf32> to vector<16xf32>
        %add3A_1524 = arith.addf %add3A_1448, %get3A_1523 : vector<16xf32>
        %mul3A_1525 = arith.mulf %get3A_1523, %get3A_1523 : vector<16xf32>
        %add3A_1526 = arith.addf %add3A_1450, %mul3A_1525 : vector<16xf32>
        %get3A_1527 = arith.constant 0 : i32
        %get3A_1528 = arith.index_cast %get3A_1527 : i32 to index
        %get3A_1529 = arith.index_cast %add3A_1508 : i32 to index
        %get3A_1530 = arith.constant 32 : index
        %get3A_1531 = tpu.vector_load %arg4[%get3A_1528, %get3A_1529, %get3A_1530] {strides = array<i32>} : memref<2x256x128xf32, #tpu.memory_space<vmem>>, vector<1x1x16xf32>,
        %get3A_1532 = vector.shape_cast %get3A_1531 : vector<1x1x16xf32> to vector<16xf32>
        %add3A_1533 = arith.addf %add3A_1457, %get3A_1532 : vector<16xf32>
        %mul3A_1534 = arith.mulf %get3A_1532, %get3A_1532 : vector<16xf32>
        %add3A_1535 = arith.addf %add3A_1459, %mul3A_1534 : vector<16xf32>
        %get3A_1536 = arith.constant 0 : i32
        %get3A_1537 = arith.index_cast %get3A_1536 : i32 to index
        %get3A_1538 = arith.index_cast %add3A_1508 : i32 to index
        %get3A_1539 = arith.constant 48 : index
        %get3A_1540 = tpu.vector_load %arg4[%get3A_1537, %get3A_1538, %get3A_1539] {strides = array<i32>} : memref<2x256x128xf32, #tpu.memory_space<vmem>>, vector<1x1x16xf32>,
        %get3A_1541 = vector.shape_cast %get3A_1540 : vector<1x1x16xf32> to vector<16xf32>
        %add3A_1542 = arith.addf %add3A_1466, %get3A_1541 : vector<16xf32>
        %mul3A_1543 = arith.mulf %get3A_1541, %get3A_1541 : vector<16xf32>
        %add3A_1544 = arith.addf %add3A_1468, %mul3A_1543 : vector<16xf32>
        %get3A_1545 = arith.constant 0 : i32
        %get3A_1546 = arith.index_cast %get3A_1545 : i32 to index
        %get3A_1547 = arith.index_cast %add3A_1508 : i32 to index
        %get3A_1548 = arith.constant 64 : index
        %get3A_1549 = tpu.vector_load %arg4[%get3A_1546, %get3A_1547, %get3A_1548] {strides = array<i32>} : memref<2x256x128xf32, #tpu.memory_space<vmem>>, vector<1x1x16xf32>,
        %get3A_1550 = vector.shape_cast %get3A_1549 : vector<1x1x16xf32> to vector<16xf32>
        %add3A_1551 = arith.addf %add3A_1475, %get3A_1550 : vector<16xf32>
        %mul3A_1552 = arith.mulf %get3A_1550, %get3A_1550 : vector<16xf32>
        %add3A_1553 = arith.addf %add3A_1477, %mul3A_1552 : vector<16xf32>
        %get3A_1554 = arith.constant 0 : i32
        %get3A_1555 = arith.index_cast %get3A_1554 : i32 to index
        %get3A_1556 = arith.index_cast %add3A_1508 : i32 to index
        %get3A_1557 = arith.constant 80 : index
        %get3A_1558 = tpu.vector_load %arg4[%get3A_1555, %get3A_1556, %get3A_1557] {strides = array<i32>} : memref<2x256x128xf32, #tpu.memory_space<vmem>>, vector<1x1x16xf32>,
        %get3A_1559 = vector.shape_cast %get3A_1558 : vector<1x1x16xf32> to vector<16xf32>
        %add3A_1560 = arith.addf %add3A_1484, %get3A_1559 : vector<16xf32>
        %mul3A_1561 = arith.mulf %get3A_1559, %get3A_1559 : vector<16xf32>
        %add3A_1562 = arith.addf %add3A_1486, %mul3A_1561 : vector<16xf32>
        %get3A_1563 = arith.constant 0 : i32
        %get3A_1564 = arith.index_cast %get3A_1563 : i32 to index
        %get3A_1565 = arith.index_cast %add3A_1508 : i32 to index
        %get3A_1566 = arith.constant 96 : index
        %get3A_1567 = tpu.vector_load %arg4[%get3A_1564, %get3A_1565, %get3A_1566] {strides = array<i32>} : memref<2x256x128xf32, #tpu.memory_space<vmem>>, vector<1x1x16xf32>,
        %get3A_1568 = vector.shape_cast %get3A_1567 : vector<1x1x16xf32> to vector<16xf32>
        %add3A_1569 = arith.addf %add3A_1493, %get3A_1568 : vector<16xf32>
        %mul3A_1570 = arith.mulf %get3A_1568, %get3A_1568 : vector<16xf32>
        %add3A_1571 = arith.addf %add3A_1495, %mul3A_1570 : vector<16xf32>
        %get3A_1572 = arith.constant 0 : i32
        %get3A_1573 = arith.index_cast %get3A_1572 : i32 to index
        %get3A_1574 = arith.index_cast %add3A_1508 : i32 to index
        %get3A_1575 = arith.constant 112 : index
        %get3A_1576 = tpu.vector_load %arg4[%get3A_1573, %get3A_1574, %get3A_1575] {strides = array<i32>} : memref<2x256x128xf32, #tpu.memory_space<vmem>>, vector<1x1x16xf32>,
        %get3A_1577 = vector.shape_cast %get3A_1576 : vector<1x1x16xf32> to vector<16xf32>
        %add3A_1578 = arith.addf %add3A_1502, %get3A_1577 : vector<16xf32>
        %mul3A_1579 = arith.mulf %get3A_1577, %get3A_1577 : vector<16xf32>
        %add3A_1580 = arith.addf %add3A_1504, %mul3A_1579 : vector<16xf32>
        %mul3A_1581 = arith.constant 4 : i32
        %mul3A_1582 = arith.muli %mul3A_1581, %scan3A_1337 : i32
        %add3A_1583 = arith.constant 3 : i32
        %add3A_1584 = arith.addi %mul3A_1582, %add3A_1583 : i32
        %get3A_1585 = arith.constant 0 : i32
        %get3A_1586 = arith.index_cast %get3A_1585 : i32 to index
        %get3A_1587 = arith.index_cast %add3A_1584 : i32 to index
        %get3A_1588 = arith.constant 0 : index
        %get3A_1589 = tpu.vector_load %arg4[%get3A_1586, %get3A_1587, %get3A_1588] {strides = array<i32>} : memref<2x256x128xf32, #tpu.memory_space<vmem>>, vector<1x1x16xf32>,
        %get3A_1590 = vector.shape_cast %get3A_1589 : vector<1x1x16xf32> to vector<16xf32>
        %add3A_1591 = arith.addf %add3A_1515, %get3A_1590 : vector<16xf32>
        %mul3A_1592 = arith.mulf %get3A_1590, %get3A_1590 : vector<16xf32>
        %add3A_1593 = arith.addf %add3A_1517, %mul3A_1592 : vector<16xf32>
        %get3A_1594 = arith.constant 0 : i32
        %get3A_1595 = arith.index_cast %get3A_1594 : i32 to index
        %get3A_1596 = arith.index_cast %add3A_1584 : i32 to index
        %get3A_1597 = arith.constant 16 : index
        %get3A_1598 = tpu.vector_load %arg4[%get3A_1595, %get3A_1596, %get3A_1597] {strides = array<i32>} : memref<2x256x128xf32, #tpu.memory_space<vmem>>, vector<1x1x16xf32>,
        %get3A_1599 = vector.shape_cast %get3A_1598 : vector<1x1x16xf32> to vector<16xf32>
        %add3A_1600 = arith.addf %add3A_1524, %get3A_1599 : vector<16xf32>
        %mul3A_1601 = arith.mulf %get3A_1599, %get3A_1599 : vector<16xf32>
        %add3A_1602 = arith.addf %add3A_1526, %mul3A_1601 : vector<16xf32>
        %get3A_1603 = arith.constant 0 : i32
        %get3A_1604 = arith.index_cast %get3A_1603 : i32 to index
        %get3A_1605 = arith.index_cast %add3A_1584 : i32 to index
        %get3A_1606 = arith.constant 32 : index
        %get3A_1607 = tpu.vector_load %arg4[%get3A_1604, %get3A_1605, %get3A_1606] {strides = array<i32>} : memref<2x256x128xf32, #tpu.memory_space<vmem>>, vector<1x1x16xf32>,
        %get3A_1608 = vector.shape_cast %get3A_1607 : vector<1x1x16xf32> to vector<16xf32>
        %add3A_1609 = arith.addf %add3A_1533, %get3A_1608 : vector<16xf32>
        %mul3A_1610 = arith.mulf %get3A_1608, %get3A_1608 : vector<16xf32>
        %add3A_1611 = arith.addf %add3A_1535, %mul3A_1610 : vector<16xf32>
        %get3A_1612 = arith.constant 0 : i32
        %get3A_1613 = arith.index_cast %get3A_1612 : i32 to index
        %get3A_1614 = arith.index_cast %add3A_1584 : i32 to index
        %get3A_1615 = arith.constant 48 : index
        %get3A_1616 = tpu.vector_load %arg4[%get3A_1613, %get3A_1614, %get3A_1615] {strides = array<i32>} : memref<2x256x128xf32, #tpu.memory_space<vmem>>, vector<1x1x16xf32>,
        %get3A_1617 = vector.shape_cast %get3A_1616 : vector<1x1x16xf32> to vector<16xf32>
        %add3A_1618 = arith.addf %add3A_1542, %get3A_1617 : vector<16xf32>
        %mul3A_1619 = arith.mulf %get3A_1617, %get3A_1617 : vector<16xf32>
        %add3A_1620 = arith.addf %add3A_1544, %mul3A_1619 : vector<16xf32>
        %get3A_1621 = arith.constant 0 : i32
        %get3A_1622 = arith.index_cast %get3A_1621 : i32 to index
        %get3A_1623 = arith.index_cast %add3A_1584 : i32 to index
        %get3A_1624 = arith.constant 64 : index
        %get3A_1625 = tpu.vector_load %arg4[%get3A_1622, %get3A_1623, %get3A_1624] {strides = array<i32>} : memref<2x256x128xf32, #tpu.memory_space<vmem>>, vector<1x1x16xf32>,
        %get3A_1626 = vector.shape_cast %get3A_1625 : vector<1x1x16xf32> to vector<16xf32>
        %add3A_1627 = arith.addf %add3A_1551, %get3A_1626 : vector<16xf32>
        %mul3A_1628 = arith.mulf %get3A_1626, %get3A_1626 : vector<16xf32>
        %add3A_1629 = arith.addf %add3A_1553, %mul3A_1628 : vector<16xf32>
        %get3A_1630 = arith.constant 0 : i32
        %get3A_1631 = arith.index_cast %get3A_1630 : i32 to index
        %get3A_1632 = arith.index_cast %add3A_1584 : i32 to index
        %get3A_1633 = arith.constant 80 : index
        %get3A_1634 = tpu.vector_load %arg4[%get3A_1631, %get3A_1632, %get3A_1633] {strides = array<i32>} : memref<2x256x128xf32, #tpu.memory_space<vmem>>, vector<1x1x16xf32>,
        %get3A_1635 = vector.shape_cast %get3A_1634 : vector<1x1x16xf32> to vector<16xf32>
        %add3A_1636 = arith.addf %add3A_1560, %get3A_1635 : vector<16xf32>
        %mul3A_1637 = arith.mulf %get3A_1635, %get3A_1635 : vector<16xf32>
        %add3A_1638 = arith.addf %add3A_1562, %mul3A_1637 : vector<16xf32>
        %get3A_1639 = arith.constant 0 : i32
        %get3A_1640 = arith.index_cast %get3A_1639 : i32 to index
        %get3A_1641 = arith.index_cast %add3A_1584 : i32 to index
        %get3A_1642 = arith.constant 96 : index
        %get3A_1643 = tpu.vector_load %arg4[%get3A_1640, %get3A_1641, %get3A_1642] {strides = array<i32>} : memref<2x256x128xf32, #tpu.memory_space<vmem>>, vector<1x1x16xf32>,
        %get3A_1644 = vector.shape_cast %get3A_1643 : vector<1x1x16xf32> to vector<16xf32>
        %add3A_1645 = arith.addf %add3A_1569, %get3A_1644 : vector<16xf32>
        %mul3A_1646 = arith.mulf %get3A_1644, %get3A_1644 : vector<16xf32>
        %add3A_1647 = arith.addf %add3A_1571, %mul3A_1646 : vector<16xf32>
        %get3A_1648 = arith.constant 0 : i32
        %get3A_1649 = arith.index_cast %get3A_1648 : i32 to index
        %get3A_1650 = arith.index_cast %add3A_1584 : i32 to index
        %get3A_1651 = arith.constant 112 : index
        %get3A_1652 = tpu.vector_load %arg4[%get3A_1649, %get3A_1650, %get3A_1651] {strides = array<i32>} : memref<2x256x128xf32, #tpu.memory_space<vmem>>, vector<1x1x16xf32>,
        %get3A_1653 = vector.shape_cast %get3A_1652 : vector<1x1x16xf32> to vector<16xf32>
        %add3A_1654 = arith.addf %add3A_1578, %get3A_1653 : vector<16xf32>
        %mul3A_1655 = arith.mulf %get3A_1653, %get3A_1653 : vector<16xf32>
        %add3A_1656 = arith.addf %add3A_1580, %mul3A_1655 : vector<16xf32>
        scf.yield %add3A_1591, %add3A_1600, %add3A_1609, %add3A_1618, %add3A_1627, %add3A_1636, %add3A_1645, %add3A_1654, %add3A_1593, %add3A_1602, %add3A_1611, %add3A_1620, %add3A_1629, %add3A_1638, %add3A_1647, %add3A_1656 : vector<16xf32>, vector<16xf32>, vector<16xf32>, vector<16xf32>, vector<16xf32>, vector<16xf32>, vector<16xf32>, vector<16xf32>, vector<16xf32>, vector<16xf32>, vector<16xf32>, vector<16xf32>, vector<16xf32>, vector<16xf32>, vector<16xf32>, vector<16xf32>
      }
      %scan3A_263 = arith.constant 64 : i32
      %mul3A_264 = arith.constant 3.906250e-03 : f32
      %mul3A_265 = vector.broadcast %mul3A_264 : f32 to vector<16xf32>
      %mul3A_266 = arith.mulf %scan3A_262#0, %mul3A_265 : vector<16xf32>
      %mul3A_267 = arith.constant 2.560000e+02 : f32
      %mul3A_268 = vector.broadcast %mul3A_267 : f32 to vector<16xf32>
      %mul3A_269 = arith.mulf %mul3A_268, %mul3A_266 : vector<16xf32>
      %mul3A_270 = arith.mulf %mul3A_269, %mul3A_266 : vector<16xf32>
      %sub3A = arith.subf %scan3A_262#8, %mul3A_270 : vector<16xf32>
      %mul3A_271 = arith.constant 0.00392156886 : f32
      %mul3A_272 = vector.broadcast %mul3A_271 : f32 to vector<16xf32>
      %mul3A_273 = arith.mulf %sub3A, %mul3A_272 : vector<16xf32>
      %add3A_274 = arith.constant 9.99999974E-6 : f32
      %add3A_275 = vector.broadcast %add3A_274 : f32 to vector<16xf32>
      %add3A_276 = arith.addf %mul3A_273, %add3A_275 : vector<16xf32>
      %bitcast_convert_type3A = tpu.bitcast %add3A_276 : vector<16xf32> -> vector<16xi32>
      %shift_right_arithmetic3A = arith.constant 1 : i32
      %shift_right_arithmetic3A_277 = vector.broadcast %shift_right_arithmetic3A : i32 to vector<16xi32>
      %shift_right_arithmetic3A_278 = arith.shrsi %bitcast_convert_type3A, %shift_right_arithmetic3A_277 : vector<16xi32>
      %sub3A_279 = arith.constant 1597463007 : i32
      %sub3A_280 = vector.broadcast %sub3A_279 : i32 to vector<16xi32>
      %sub3A_281 = arith.subi %sub3A_280, %shift_right_arithmetic3A_278 : vector<16xi32>
      %bitcast_convert_type3A_282 = tpu.bitcast %sub3A_281 : vector<16xi32> -> vector<16xf32>
      %mul3A_283 = arith.constant 5.000000e-01 : f32
      %mul3A_284 = vector.broadcast %mul3A_283 : f32 to vector<16xf32>
      %mul3A_285 = arith.mulf %mul3A_284, %add3A_276 : vector<16xf32>
      %mul3A_286 = arith.mulf %mul3A_285, %bitcast_convert_type3A_282 : vector<16xf32>
      %mul3A_287 = arith.mulf %mul3A_286, %bitcast_convert_type3A_282 : vector<16xf32>
      %sub3A_288 = arith.constant 1.500000e+00 : f32
      %sub3A_289 = vector.broadcast %sub3A_288 : f32 to vector<16xf32>
      %sub3A_290 = arith.subf %sub3A_289, %mul3A_287 : vector<16xf32>
      %mul3A_291 = arith.mulf %bitcast_convert_type3A_282, %sub3A_290 : vector<16xf32>
      %mul3A_292 = arith.constant 5.000000e-01 : f32
      %mul3A_293 = vector.broadcast %mul3A_292 : f32 to vector<16xf32>
      %mul3A_294 = arith.mulf %mul3A_293, %add3A_276 : vector<16xf32>
      %mul3A_295 = arith.mulf %mul3A_294, %mul3A_291 : vector<16xf32>
      %mul3A_296 = arith.mulf %mul3A_295, %mul3A_291 : vector<16xf32>
      %sub3A_297 = arith.constant 1.500000e+00 : f32
      %sub3A_298 = vector.broadcast %sub3A_297 : f32 to vector<16xf32>
      %sub3A_299 = arith.subf %sub3A_298, %mul3A_296 : vector<16xf32>
      %mul3A_300 = arith.mulf %mul3A_291, %sub3A_299 : vector<16xf32>
      %mul3A_301 = arith.constant 5.000000e-01 : f32
      %mul3A_302 = vector.broadcast %mul3A_301 : f32 to vector<16xf32>
      %mul3A_303 = arith.mulf %mul3A_302, %add3A_276 : vector<16xf32>
      %mul3A_304 = arith.mulf %mul3A_303, %mul3A_300 : vector<16xf32>
      %mul3A_305 = arith.mulf %mul3A_304, %mul3A_300 : vector<16xf32>
      %sub3A_306 = arith.constant 1.500000e+00 : f32
      %sub3A_307 = vector.broadcast %sub3A_306 : f32 to vector<16xf32>
      %sub3A_308 = arith.subf %sub3A_307, %mul3A_305 : vector<16xf32>
      %mul3A_309 = arith.mulf %mul3A_300, %sub3A_308 : vector<16xf32>
      %swap3A_310 = arith.index_cast %mul3A_240 : i32 to index
      %swap3A_311 = arith.constant 0 : index
      %swap3A_312 = tpu.vector_load %arg5[%swap3A_310, %swap3A_311] {strides = array<i32>} : memref<32x128xf32, #tpu.memory_space<vmem>>, vector<1x16xf32>,
      %swap3A_313 = vector.shape_cast %swap3A_312 : vector<1x16xf32> to vector<16xf32>
      %swap3A_314 = vector.shape_cast %mul3A_266 : vector<16xf32> to vector<1x16xf32>
      tpu.vector_store %arg5[%swap3A_310, %swap3A_311], %swap3A_314 {strides = array<i32>} : memref<32x128xf32, #tpu.memory_space<vmem>>, vector<1x16xf32>,
      %swap3A_315 = arith.index_cast %mul3A_240 : i32 to index
      %swap3A_316 = arith.constant 0 : index
      %swap3A_317 = tpu.vector_load %arg6[%swap3A_315, %swap3A_316] {strides = array<i32>} : memref<32x128xf32, #tpu.memory_space<vmem>>, vector<1x16xf32>,
      %swap3A_318 = vector.shape_cast %swap3A_317 : vector<1x16xf32> to vector<16xf32>
      %swap3A_319 = vector.shape_cast %mul3A_309 : vector<16xf32> to vector<1x16xf32>
      tpu.vector_store %arg6[%swap3A_315, %swap3A_316], %swap3A_319 {strides = array<i32>} : memref<32x128xf32, #tpu.memory_space<vmem>>, vector<1x16xf32>,
      %mul3A_320 = arith.mulf %add3A_276, %mul3A_309 : vector<16xf32>
      %swap3A_321 = arith.index_cast %mul3A_240 : i32 to index
      %swap3A_322 = arith.constant 0 : index
      %swap3A_323 = tpu.vector_load %arg7[%swap3A_321, %swap3A_322] {strides = array<i32>} : memref<32x128xf32, #tpu.memory_space<vmem>>, vector<1x16xf32>,
      %swap3A_324 = vector.shape_cast %swap3A_323 : vector<1x16xf32> to vector<16xf32>
      %swap3A_325 = vector.shape_cast %mul3A_320 : vector<16xf32> to vector<1x16xf32>
      tpu.vector_store %arg7[%swap3A_321, %swap3A_322], %swap3A_325 {strides = array<i32>} : memref<32x128xf32, #tpu.memory_space<vmem>>, vector<1x16xf32>,
      %mul3A_326 = arith.constant 3.906250e-03 : f32
      %mul3A_327 = vector.broadcast %mul3A_326 : f32 to vector<16xf32>
      %mul3A_328 = arith.mulf %scan3A_262#1, %mul3A_327 : vector<16xf32>
      %mul3A_329 = arith.constant 2.560000e+02 : f32
      %mul3A_330 = vector.broadcast %mul3A_329 : f32 to vector<16xf32>
      %mul3A_331 = arith.mulf %mul3A_330, %mul3A_328 : vector<16xf32>
      %mul3A_332 = arith.mulf %mul3A_331, %mul3A_328 : vector<16xf32>
      %sub3A_333 = arith.subf %scan3A_262#9, %mul3A_332 : vector<16xf32>
      %mul3A_334 = arith.constant 0.00392156886 : f32
      %mul3A_335 = vector.broadcast %mul3A_334 : f32 to vector<16xf32>
      %mul3A_336 = arith.mulf %sub3A_333, %mul3A_335 : vector<16xf32>
      %add3A_337 = arith.constant 9.99999974E-6 : f32
      %add3A_338 = vector.broadcast %add3A_337 : f32 to vector<16xf32>
      %add3A_339 = arith.addf %mul3A_336, %add3A_338 : vector<16xf32>
      %bitcast_convert_type3A_340 = tpu.bitcast %add3A_339 : vector<16xf32> -> vector<16xi32>
      %shift_right_arithmetic3A_341 = arith.constant 1 : i32
      %shift_right_arithmetic3A_342 = vector.broadcast %shift_right_arithmetic3A_341 : i32 to vector<16xi32>
      %shift_right_arithmetic3A_343 = arith.shrsi %bitcast_convert_type3A_340, %shift_right_arithmetic3A_342 : vector<16xi32>
      %sub3A_344 = arith.constant 1597463007 : i32
      %sub3A_345 = vector.broadcast %sub3A_344 : i32 to vector<16xi32>
      %sub3A_346 = arith.subi %sub3A_345, %shift_right_arithmetic3A_343 : vector<16xi32>
      %bitcast_convert_type3A_347 = tpu.bitcast %sub3A_346 : vector<16xi32> -> vector<16xf32>
      %mul3A_348 = arith.constant 5.000000e-01 : f32
      %mul3A_349 = vector.broadcast %mul3A_348 : f32 to vector<16xf32>
      %mul3A_350 = arith.mulf %mul3A_349, %add3A_339 : vector<16xf32>
      %mul3A_351 = arith.mulf %mul3A_350, %bitcast_convert_type3A_347 : vector<16xf32>
      %mul3A_352 = arith.mulf %mul3A_351, %bitcast_convert_type3A_347 : vector<16xf32>
      %sub3A_353 = arith.constant 1.500000e+00 : f32
      %sub3A_354 = vector.broadcast %sub3A_353 : f32 to vector<16xf32>
      %sub3A_355 = arith.subf %sub3A_354, %mul3A_352 : vector<16xf32>
      %mul3A_356 = arith.mulf %bitcast_convert_type3A_347, %sub3A_355 : vector<16xf32>
      %mul3A_357 = arith.constant 5.000000e-01 : f32
      %mul3A_358 = vector.broadcast %mul3A_357 : f32 to vector<16xf32>
      %mul3A_359 = arith.mulf %mul3A_358, %add3A_339 : vector<16xf32>
      %mul3A_360 = arith.mulf %mul3A_359, %mul3A_356 : vector<16xf32>
      %mul3A_361 = arith.mulf %mul3A_360, %mul3A_356 : vector<16xf32>
      %sub3A_362 = arith.constant 1.500000e+00 : f32
      %sub3A_363 = vector.broadcast %sub3A_362 : f32 to vector<16xf32>
      %sub3A_364 = arith.subf %sub3A_363, %mul3A_361 : vector<16xf32>
      %mul3A_365 = arith.mulf %mul3A_356, %sub3A_364 : vector<16xf32>
      %mul3A_366 = arith.constant 5.000000e-01 : f32
      %mul3A_367 = vector.broadcast %mul3A_366 : f32 to vector<16xf32>
      %mul3A_368 = arith.mulf %mul3A_367, %add3A_339 : vector<16xf32>
      %mul3A_369 = arith.mulf %mul3A_368, %mul3A_365 : vector<16xf32>
      %mul3A_370 = arith.mulf %mul3A_369, %mul3A_365 : vector<16xf32>
      %sub3A_371 = arith.constant 1.500000e+00 : f32
      %sub3A_372 = vector.broadcast %sub3A_371 : f32 to vector<16xf32>
      %sub3A_373 = arith.subf %sub3A_372, %mul3A_370 : vector<16xf32>
      %mul3A_374 = arith.mulf %mul3A_365, %sub3A_373 : vector<16xf32>
      %swap3A_375 = arith.index_cast %mul3A_240 : i32 to index
      %swap3A_376 = arith.constant 16 : index
      %swap3A_377 = tpu.vector_load %arg5[%swap3A_375, %swap3A_376] {strides = array<i32>} : memref<32x128xf32, #tpu.memory_space<vmem>>, vector<1x16xf32>,
      %swap3A_378 = vector.shape_cast %swap3A_377 : vector<1x16xf32> to vector<16xf32>
      %swap3A_379 = vector.shape_cast %mul3A_328 : vector<16xf32> to vector<1x16xf32>
      tpu.vector_store %arg5[%swap3A_375, %swap3A_376], %swap3A_379 {strides = array<i32>} : memref<32x128xf32, #tpu.memory_space<vmem>>, vector<1x16xf32>,
      %swap3A_380 = arith.index_cast %mul3A_240 : i32 to index
      %swap3A_381 = arith.constant 16 : index
      %swap3A_382 = tpu.vector_load %arg6[%swap3A_380, %swap3A_381] {strides = array<i32>} : memref<32x128xf32, #tpu.memory_space<vmem>>, vector<1x16xf32>,
      %swap3A_383 = vector.shape_cast %swap3A_382 : vector<1x16xf32> to vector<16xf32>
      %swap3A_384 = vector.shape_cast %mul3A_374 : vector<16xf32> to vector<1x16xf32>
      tpu.vector_store %arg6[%swap3A_380, %swap3A_381], %swap3A_384 {strides = array<i32>} : memref<32x128xf32, #tpu.memory_space<vmem>>, vector<1x16xf32>,
      %mul3A_385 = arith.mulf %add3A_339, %mul3A_374 : vector<16xf32>
      %swap3A_386 = arith.index_cast %mul3A_240 : i32 to index
      %swap3A_387 = arith.constant 16 : index
      %swap3A_388 = tpu.vector_load %arg7[%swap3A_386, %swap3A_387] {strides = array<i32>} : memref<32x128xf32, #tpu.memory_space<vmem>>, vector<1x16xf32>,
      %swap3A_389 = vector.shape_cast %swap3A_388 : vector<1x16xf32> to vector<16xf32>
      %swap3A_390 = vector.shape_cast %mul3A_385 : vector<16xf32> to vector<1x16xf32>
      tpu.vector_store %arg7[%swap3A_386, %swap3A_387], %swap3A_390 {strides = array<i32>} : memref<32x128xf32, #tpu.memory_space<vmem>>, vector<1x16xf32>,
      %mul3A_391 = arith.constant 3.906250e-03 : f32
      %mul3A_392 = vector.broadcast %mul3A_391 : f32 to vector<16xf32>
      %mul3A_393 = arith.mulf %scan3A_262#2, %mul3A_392 : vector<16xf32>
      %mul3A_394 = arith.constant 2.560000e+02 : f32
      %mul3A_395 = vector.broadcast %mul3A_394 : f32 to vector<16xf32>
      %mul3A_396 = arith.mulf %mul3A_395, %mul3A_393 : vector<16xf32>
      %mul3A_397 = arith.mulf %mul3A_396, %mul3A_393 : vector<16xf32>
      %sub3A_398 = arith.subf %scan3A_262#10, %mul3A_397 : vector<16xf32>
      %mul3A_399 = arith.constant 0.00392156886 : f32
      %mul3A_400 = vector.broadcast %mul3A_399 : f32 to vector<16xf32>
      %mul3A_401 = arith.mulf %sub3A_398, %mul3A_400 : vector<16xf32>
      %add3A_402 = arith.constant 9.99999974E-6 : f32
      %add3A_403 = vector.broadcast %add3A_402 : f32 to vector<16xf32>
      %add3A_404 = arith.addf %mul3A_401, %add3A_403 : vector<16xf32>
      %bitcast_convert_type3A_405 = tpu.bitcast %add3A_404 : vector<16xf32> -> vector<16xi32>
      %shift_right_arithmetic3A_406 = arith.constant 1 : i32
      %shift_right_arithmetic3A_407 = vector.broadcast %shift_right_arithmetic3A_406 : i32 to vector<16xi32>
      %shift_right_arithmetic3A_408 = arith.shrsi %bitcast_convert_type3A_405, %shift_right_arithmetic3A_407 : vector<16xi32>
      %sub3A_409 = arith.constant 1597463007 : i32
      %sub3A_410 = vector.broadcast %sub3A_409 : i32 to vector<16xi32>
      %sub3A_411 = arith.subi %sub3A_410, %shift_right_arithmetic3A_408 : vector<16xi32>
      %bitcast_convert_type3A_412 = tpu.bitcast %sub3A_411 : vector<16xi32> -> vector<16xf32>
      %mul3A_413 = arith.constant 5.000000e-01 : f32
      %mul3A_414 = vector.broadcast %mul3A_413 : f32 to vector<16xf32>
      %mul3A_415 = arith.mulf %mul3A_414, %add3A_404 : vector<16xf32>
      %mul3A_416 = arith.mulf %mul3A_415, %bitcast_convert_type3A_412 : vector<16xf32>
      %mul3A_417 = arith.mulf %mul3A_416, %bitcast_convert_type3A_412 : vector<16xf32>
      %sub3A_418 = arith.constant 1.500000e+00 : f32
      %sub3A_419 = vector.broadcast %sub3A_418 : f32 to vector<16xf32>
      %sub3A_420 = arith.subf %sub3A_419, %mul3A_417 : vector<16xf32>
      %mul3A_421 = arith.mulf %bitcast_convert_type3A_412, %sub3A_420 : vector<16xf32>
      %mul3A_422 = arith.constant 5.000000e-01 : f32
      %mul3A_423 = vector.broadcast %mul3A_422 : f32 to vector<16xf32>
      %mul3A_424 = arith.mulf %mul3A_423, %add3A_404 : vector<16xf32>
      %mul3A_425 = arith.mulf %mul3A_424, %mul3A_421 : vector<16xf32>
      %mul3A_426 = arith.mulf %mul3A_425, %mul3A_421 : vector<16xf32>
      %sub3A_427 = arith.constant 1.500000e+00 : f32
      %sub3A_428 = vector.broadcast %sub3A_427 : f32 to vector<16xf32>
      %sub3A_429 = arith.subf %sub3A_428, %mul3A_426 : vector<16xf32>
      %mul3A_430 = arith.mulf %mul3A_421, %sub3A_429 : vector<16xf32>
      %mul3A_431 = arith.constant 5.000000e-01 : f32
      %mul3A_432 = vector.broadcast %mul3A_431 : f32 to vector<16xf32>
      %mul3A_433 = arith.mulf %mul3A_432, %add3A_404 : vector<16xf32>
      %mul3A_434 = arith.mulf %mul3A_433, %mul3A_430 : vector<16xf32>
      %mul3A_435 = arith.mulf %mul3A_434, %mul3A_430 : vector<16xf32>
      %sub3A_436 = arith.constant 1.500000e+00 : f32
      %sub3A_437 = vector.broadcast %sub3A_436 : f32 to vector<16xf32>
      %sub3A_438 = arith.subf %sub3A_437, %mul3A_435 : vector<16xf32>
      %mul3A_439 = arith.mulf %mul3A_430, %sub3A_438 : vector<16xf32>
      %swap3A_440 = arith.index_cast %mul3A_240 : i32 to index
      %swap3A_441 = arith.constant 32 : index
      %swap3A_442 = tpu.vector_load %arg5[%swap3A_440, %swap3A_441] {strides = array<i32>} : memref<32x128xf32, #tpu.memory_space<vmem>>, vector<1x16xf32>,
      %swap3A_443 = vector.shape_cast %swap3A_442 : vector<1x16xf32> to vector<16xf32>
      %swap3A_444 = vector.shape_cast %mul3A_393 : vector<16xf32> to vector<1x16xf32>
      tpu.vector_store %arg5[%swap3A_440, %swap3A_441], %swap3A_444 {strides = array<i32>} : memref<32x128xf32, #tpu.memory_space<vmem>>, vector<1x16xf32>,
      %swap3A_445 = arith.index_cast %mul3A_240 : i32 to index
      %swap3A_446 = arith.constant 32 : index
      %swap3A_447 = tpu.vector_load %arg6[%swap3A_445, %swap3A_446] {strides = array<i32>} : memref<32x128xf32, #tpu.memory_space<vmem>>, vector<1x16xf32>,
      %swap3A_448 = vector.shape_cast %swap3A_447 : vector<1x16xf32> to vector<16xf32>
      %swap3A_449 = vector.shape_cast %mul3A_439 : vector<16xf32> to vector<1x16xf32>
      tpu.vector_store %arg6[%swap3A_445, %swap3A_446], %swap3A_449 {strides = array<i32>} : memref<32x128xf32, #tpu.memory_space<vmem>>, vector<1x16xf32>,
      %mul3A_450 = arith.mulf %add3A_404, %mul3A_439 : vector<16xf32>
      %swap3A_451 = arith.index_cast %mul3A_240 : i32 to index
      %swap3A_452 = arith.constant 32 : index
      %swap3A_453 = tpu.vector_load %arg7[%swap3A_451, %swap3A_452] {strides = array<i32>} : memref<32x128xf32, #tpu.memory_space<vmem>>, vector<1x16xf32>,
      %swap3A_454 = vector.shape_cast %swap3A_453 : vector<1x16xf32> to vector<16xf32>
      %swap3A_455 = vector.shape_cast %mul3A_450 : vector<16xf32> to vector<1x16xf32>
      tpu.vector_store %arg7[%swap3A_451, %swap3A_452], %swap3A_455 {strides = array<i32>} : memref<32x128xf32, #tpu.memory_space<vmem>>, vector<1x16xf32>,
      %mul3A_456 = arith.constant 3.906250e-03 : f32
      %mul3A_457 = vector.broadcast %mul3A_456 : f32 to vector<16xf32>
      %mul3A_458 = arith.mulf %scan3A_262#3, %mul3A_457 : vector<16xf32>
      %mul3A_459 = arith.constant 2.560000e+02 : f32
      %mul3A_460 = vector.broadcast %mul3A_459 : f32 to vector<16xf32>
      %mul3A_461 = arith.mulf %mul3A_460, %mul3A_458 : vector<16xf32>
      %mul3A_462 = arith.mulf %mul3A_461, %mul3A_458 : vector<16xf32>
      %sub3A_463 = arith.subf %scan3A_262#11, %mul3A_462 : vector<16xf32>
      %mul3A_464 = arith.constant 0.00392156886 : f32
      %mul3A_465 = vector.broadcast %mul3A_464 : f32 to vector<16xf32>
      %mul3A_466 = arith.mulf %sub3A_463, %mul3A_465 : vector<16xf32>
      %add3A_467 = arith.constant 9.99999974E-6 : f32
      %add3A_468 = vector.broadcast %add3A_467 : f32 to vector<16xf32>
      %add3A_469 = arith.addf %mul3A_466, %add3A_468 : vector<16xf32>
      %bitcast_convert_type3A_470 = tpu.bitcast %add3A_469 : vector<16xf32> -> vector<16xi32>
      %shift_right_arithmetic3A_471 = arith.constant 1 : i32
      %shift_right_arithmetic3A_472 = vector.broadcast %shift_right_arithmetic3A_471 : i32 to vector<16xi32>
      %shift_right_arithmetic3A_473 = arith.shrsi %bitcast_convert_type3A_470, %shift_right_arithmetic3A_472 : vector<16xi32>
      %sub3A_474 = arith.constant 1597463007 : i32
      %sub3A_475 = vector.broadcast %sub3A_474 : i32 to vector<16xi32>
      %sub3A_476 = arith.subi %sub3A_475, %shift_right_arithmetic3A_473 : vector<16xi32>
      %bitcast_convert_type3A_477 = tpu.bitcast %sub3A_476 : vector<16xi32> -> vector<16xf32>
      %mul3A_478 = arith.constant 5.000000e-01 : f32
      %mul3A_479 = vector.broadcast %mul3A_478 : f32 to vector<16xf32>
      %mul3A_480 = arith.mulf %mul3A_479, %add3A_469 : vector<16xf32>
      %mul3A_481 = arith.mulf %mul3A_480, %bitcast_convert_type3A_477 : vector<16xf32>
      %mul3A_482 = arith.mulf %mul3A_481, %bitcast_convert_type3A_477 : vector<16xf32>
      %sub3A_483 = arith.constant 1.500000e+00 : f32
      %sub3A_484 = vector.broadcast %sub3A_483 : f32 to vector<16xf32>
      %sub3A_485 = arith.subf %sub3A_484, %mul3A_482 : vector<16xf32>
      %mul3A_486 = arith.mulf %bitcast_convert_type3A_477, %sub3A_485 : vector<16xf32>
      %mul3A_487 = arith.constant 5.000000e-01 : f32
      %mul3A_488 = vector.broadcast %mul3A_487 : f32 to vector<16xf32>
      %mul3A_489 = arith.mulf %mul3A_488, %add3A_469 : vector<16xf32>
      %mul3A_490 = arith.mulf %mul3A_489, %mul3A_486 : vector<16xf32>
      %mul3A_491 = arith.mulf %mul3A_490, %mul3A_486 : vector<16xf32>
      %sub3A_492 = arith.constant 1.500000e+00 : f32
      %sub3A_493 = vector.broadcast %sub3A_492 : f32 to vector<16xf32>
      %sub3A_494 = arith.subf %sub3A_493, %mul3A_491 : vector<16xf32>
      %mul3A_495 = arith.mulf %mul3A_486, %sub3A_494 : vector<16xf32>
      %mul3A_496 = arith.constant 5.000000e-01 : f32
      %mul3A_497 = vector.broadcast %mul3A_496 : f32 to vector<16xf32>
      %mul3A_498 = arith.mulf %mul3A_497, %add3A_469 : vector<16xf32>
      %mul3A_499 = arith.mulf %mul3A_498, %mul3A_495 : vector<16xf32>
      %mul3A_500 = arith.mulf %mul3A_499, %mul3A_495 : vector<16xf32>
      %sub3A_501 = arith.constant 1.500000e+00 : f32
      %sub3A_502 = vector.broadcast %sub3A_501 : f32 to vector<16xf32>
      %sub3A_503 = arith.subf %sub3A_502, %mul3A_500 : vector<16xf32>
      %mul3A_504 = arith.mulf %mul3A_495, %sub3A_503 : vector<16xf32>
      %swap3A_505 = arith.index_cast %mul3A_240 : i32 to index
      %swap3A_506 = arith.constant 48 : index
      %swap3A_507 = tpu.vector_load %arg5[%swap3A_505, %swap3A_506] {strides = array<i32>} : memref<32x128xf32, #tpu.memory_space<vmem>>, vector<1x16xf32>,
      %swap3A_508 = vector.shape_cast %swap3A_507 : vector<1x16xf32> to vector<16xf32>
      %swap3A_509 = vector.shape_cast %mul3A_458 : vector<16xf32> to vector<1x16xf32>
      tpu.vector_store %arg5[%swap3A_505, %swap3A_506], %swap3A_509 {strides = array<i32>} : memref<32x128xf32, #tpu.memory_space<vmem>>, vector<1x16xf32>,
      %swap3A_510 = arith.index_cast %mul3A_240 : i32 to index
      %swap3A_511 = arith.constant 48 : index
      %swap3A_512 = tpu.vector_load %arg6[%swap3A_510, %swap3A_511] {strides = array<i32>} : memref<32x128xf32, #tpu.memory_space<vmem>>, vector<1x16xf32>,
      %swap3A_513 = vector.shape_cast %swap3A_512 : vector<1x16xf32> to vector<16xf32>
      %swap3A_514 = vector.shape_cast %mul3A_504 : vector<16xf32> to vector<1x16xf32>
      tpu.vector_store %arg6[%swap3A_510, %swap3A_511], %swap3A_514 {strides = array<i32>} : memref<32x128xf32, #tpu.memory_space<vmem>>, vector<1x16xf32>,
      %mul3A_515 = arith.mulf %add3A_469, %mul3A_504 : vector<16xf32>
      %swap3A_516 = arith.index_cast %mul3A_240 : i32 to index
      %swap3A_517 = arith.constant 48 : index
      %swap3A_518 = tpu.vector_load %arg7[%swap3A_516, %swap3A_517] {strides = array<i32>} : memref<32x128xf32, #tpu.memory_space<vmem>>, vector<1x16xf32>,
      %swap3A_519 = vector.shape_cast %swap3A_518 : vector<1x16xf32> to vector<16xf32>
      %swap3A_520 = vector.shape_cast %mul3A_515 : vector<16xf32> to vector<1x16xf32>
      tpu.vector_store %arg7[%swap3A_516, %swap3A_517], %swap3A_520 {strides = array<i32>} : memref<32x128xf32, #tpu.memory_space<vmem>>, vector<1x16xf32>,
      %mul3A_521 = arith.constant 3.906250e-03 : f32
      %mul3A_522 = vector.broadcast %mul3A_521 : f32 to vector<16xf32>
      %mul3A_523 = arith.mulf %scan3A_262#4, %mul3A_522 : vector<16xf32>
      %mul3A_524 = arith.constant 2.560000e+02 : f32
      %mul3A_525 = vector.broadcast %mul3A_524 : f32 to vector<16xf32>
      %mul3A_526 = arith.mulf %mul3A_525, %mul3A_523 : vector<16xf32>
      %mul3A_527 = arith.mulf %mul3A_526, %mul3A_523 : vector<16xf32>
      %sub3A_528 = arith.subf %scan3A_262#12, %mul3A_527 : vector<16xf32>
      %mul3A_529 = arith.constant 0.00392156886 : f32
      %mul3A_530 = vector.broadcast %mul3A_529 : f32 to vector<16xf32>
      %mul3A_531 = arith.mulf %sub3A_528, %mul3A_530 : vector<16xf32>
      %add3A_532 = arith.constant 9.99999974E-6 : f32
      %add3A_533 = vector.broadcast %add3A_532 : f32 to vector<16xf32>
      %add3A_534 = arith.addf %mul3A_531, %add3A_533 : vector<16xf32>
      %bitcast_convert_type3A_535 = tpu.bitcast %add3A_534 : vector<16xf32> -> vector<16xi32>
      %shift_right_arithmetic3A_536 = arith.constant 1 : i32
      %shift_right_arithmetic3A_537 = vector.broadcast %shift_right_arithmetic3A_536 : i32 to vector<16xi32>
      %shift_right_arithmetic3A_538 = arith.shrsi %bitcast_convert_type3A_535, %shift_right_arithmetic3A_537 : vector<16xi32>
      %sub3A_539 = arith.constant 1597463007 : i32
      %sub3A_540 = vector.broadcast %sub3A_539 : i32 to vector<16xi32>
      %sub3A_541 = arith.subi %sub3A_540, %shift_right_arithmetic3A_538 : vector<16xi32>
      %bitcast_convert_type3A_542 = tpu.bitcast %sub3A_541 : vector<16xi32> -> vector<16xf32>
      %mul3A_543 = arith.constant 5.000000e-01 : f32
      %mul3A_544 = vector.broadcast %mul3A_543 : f32 to vector<16xf32>
      %mul3A_545 = arith.mulf %mul3A_544, %add3A_534 : vector<16xf32>
      %mul3A_546 = arith.mulf %mul3A_545, %bitcast_convert_type3A_542 : vector<16xf32>
      %mul3A_547 = arith.mulf %mul3A_546, %bitcast_convert_type3A_542 : vector<16xf32>
      %sub3A_548 = arith.constant 1.500000e+00 : f32
      %sub3A_549 = vector.broadcast %sub3A_548 : f32 to vector<16xf32>
      %sub3A_550 = arith.subf %sub3A_549, %mul3A_547 : vector<16xf32>
      %mul3A_551 = arith.mulf %bitcast_convert_type3A_542, %sub3A_550 : vector<16xf32>
      %mul3A_552 = arith.constant 5.000000e-01 : f32
      %mul3A_553 = vector.broadcast %mul3A_552 : f32 to vector<16xf32>
      %mul3A_554 = arith.mulf %mul3A_553, %add3A_534 : vector<16xf32>
      %mul3A_555 = arith.mulf %mul3A_554, %mul3A_551 : vector<16xf32>
      %mul3A_556 = arith.mulf %mul3A_555, %mul3A_551 : vector<16xf32>
      %sub3A_557 = arith.constant 1.500000e+00 : f32
      %sub3A_558 = vector.broadcast %sub3A_557 : f32 to vector<16xf32>
      %sub3A_559 = arith.subf %sub3A_558, %mul3A_556 : vector<16xf32>
      %mul3A_560 = arith.mulf %mul3A_551, %sub3A_559 : vector<16xf32>
      %mul3A_561 = arith.constant 5.000000e-01 : f32
      %mul3A_562 = vector.broadcast %mul3A_561 : f32 to vector<16xf32>
      %mul3A_563 = arith.mulf %mul3A_562, %add3A_534 : vector<16xf32>
      %mul3A_564 = arith.mulf %mul3A_563, %mul3A_560 : vector<16xf32>
      %mul3A_565 = arith.mulf %mul3A_564, %mul3A_560 : vector<16xf32>
      %sub3A_566 = arith.constant 1.500000e+00 : f32
      %sub3A_567 = vector.broadcast %sub3A_566 : f32 to vector<16xf32>
      %sub3A_568 = arith.subf %sub3A_567, %mul3A_565 : vector<16xf32>
      %mul3A_569 = arith.mulf %mul3A_560, %sub3A_568 : vector<16xf32>
      %swap3A_570 = arith.index_cast %mul3A_240 : i32 to index
      %swap3A_571 = arith.constant 64 : index
      %swap3A_572 = tpu.vector_load %arg5[%swap3A_570, %swap3A_571] {strides = array<i32>} : memref<32x128xf32, #tpu.memory_space<vmem>>, vector<1x16xf32>,
      %swap3A_573 = vector.shape_cast %swap3A_572 : vector<1x16xf32> to vector<16xf32>
      %swap3A_574 = vector.shape_cast %mul3A_523 : vector<16xf32> to vector<1x16xf32>
      tpu.vector_store %arg5[%swap3A_570, %swap3A_571], %swap3A_574 {strides = array<i32>} : memref<32x128xf32, #tpu.memory_space<vmem>>, vector<1x16xf32>,
      %swap3A_575 = arith.index_cast %mul3A_240 : i32 to index
      %swap3A_576 = arith.constant 64 : index
      %swap3A_577 = tpu.vector_load %arg6[%swap3A_575, %swap3A_576] {strides = array<i32>} : memref<32x128xf32, #tpu.memory_space<vmem>>, vector<1x16xf32>,
      %swap3A_578 = vector.shape_cast %swap3A_577 : vector<1x16xf32> to vector<16xf32>
      %swap3A_579 = vector.shape_cast %mul3A_569 : vector<16xf32> to vector<1x16xf32>
      tpu.vector_store %arg6[%swap3A_575, %swap3A_576], %swap3A_579 {strides = array<i32>} : memref<32x128xf32, #tpu.memory_space<vmem>>, vector<1x16xf32>,
      %mul3A_580 = arith.mulf %add3A_534, %mul3A_569 : vector<16xf32>
      %swap3A_581 = arith.index_cast %mul3A_240 : i32 to index
      %swap3A_582 = arith.constant 64 : index
      %swap3A_583 = tpu.vector_load %arg7[%swap3A_581, %swap3A_582] {strides = array<i32>} : memref<32x128xf32, #tpu.memory_space<vmem>>, vector<1x16xf32>,
      %swap3A_584 = vector.shape_cast %swap3A_583 : vector<1x16xf32> to vector<16xf32>
      %swap3A_585 = vector.shape_cast %mul3A_580 : vector<16xf32> to vector<1x16xf32>
      tpu.vector_store %arg7[%swap3A_581, %swap3A_582], %swap3A_585 {strides = array<i32>} : memref<32x128xf32, #tpu.memory_space<vmem>>, vector<1x16xf32>,
      %mul3A_586 = arith.constant 3.906250e-03 : f32
      %mul3A_587 = vector.broadcast %mul3A_586 : f32 to vector<16xf32>
      %mul3A_588 = arith.mulf %scan3A_262#5, %mul3A_587 : vector<16xf32>
      %mul3A_589 = arith.constant 2.560000e+02 : f32
      %mul3A_590 = vector.broadcast %mul3A_589 : f32 to vector<16xf32>
      %mul3A_591 = arith.mulf %mul3A_590, %mul3A_588 : vector<16xf32>
      %mul3A_592 = arith.mulf %mul3A_591, %mul3A_588 : vector<16xf32>
      %sub3A_593 = arith.subf %scan3A_262#13, %mul3A_592 : vector<16xf32>
      %mul3A_594 = arith.constant 0.00392156886 : f32
      %mul3A_595 = vector.broadcast %mul3A_594 : f32 to vector<16xf32>
      %mul3A_596 = arith.mulf %sub3A_593, %mul3A_595 : vector<16xf32>
      %add3A_597 = arith.constant 9.99999974E-6 : f32
      %add3A_598 = vector.broadcast %add3A_597 : f32 to vector<16xf32>
      %add3A_599 = arith.addf %mul3A_596, %add3A_598 : vector<16xf32>
      %bitcast_convert_type3A_600 = tpu.bitcast %add3A_599 : vector<16xf32> -> vector<16xi32>
      %shift_right_arithmetic3A_601 = arith.constant 1 : i32
      %shift_right_arithmetic3A_602 = vector.broadcast %shift_right_arithmetic3A_601 : i32 to vector<16xi32>
      %shift_right_arithmetic3A_603 = arith.shrsi %bitcast_convert_type3A_600, %shift_right_arithmetic3A_602 : vector<16xi32>
      %sub3A_604 = arith.constant 1597463007 : i32
      %sub3A_605 = vector.broadcast %sub3A_604 : i32 to vector<16xi32>
      %sub3A_606 = arith.subi %sub3A_605, %shift_right_arithmetic3A_603 : vector<16xi32>
      %bitcast_convert_type3A_607 = tpu.bitcast %sub3A_606 : vector<16xi32> -> vector<16xf32>
      %mul3A_608 = arith.constant 5.000000e-01 : f32
      %mul3A_609 = vector.broadcast %mul3A_608 : f32 to vector<16xf32>
      %mul3A_610 = arith.mulf %mul3A_609, %add3A_599 : vector<16xf32>
      %mul3A_611 = arith.mulf %mul3A_610, %bitcast_convert_type3A_607 : vector<16xf32>
      %mul3A_612 = arith.mulf %mul3A_611, %bitcast_convert_type3A_607 : vector<16xf32>
      %sub3A_613 = arith.constant 1.500000e+00 : f32
      %sub3A_614 = vector.broadcast %sub3A_613 : f32 to vector<16xf32>
      %sub3A_615 = arith.subf %sub3A_614, %mul3A_612 : vector<16xf32>
      %mul3A_616 = arith.mulf %bitcast_convert_type3A_607, %sub3A_615 : vector<16xf32>
      %mul3A_617 = arith.constant 5.000000e-01 : f32
      %mul3A_618 = vector.broadcast %mul3A_617 : f32 to vector<16xf32>
      %mul3A_619 = arith.mulf %mul3A_618, %add3A_599 : vector<16xf32>
      %mul3A_620 = arith.mulf %mul3A_619, %mul3A_616 : vector<16xf32>
      %mul3A_621 = arith.mulf %mul3A_620, %mul3A_616 : vector<16xf32>
      %sub3A_622 = arith.constant 1.500000e+00 : f32
      %sub3A_623 = vector.broadcast %sub3A_622 : f32 to vector<16xf32>
      %sub3A_624 = arith.subf %sub3A_623, %mul3A_621 : vector<16xf32>
      %mul3A_625 = arith.mulf %mul3A_616, %sub3A_624 : vector<16xf32>
      %mul3A_626 = arith.constant 5.000000e-01 : f32
      %mul3A_627 = vector.broadcast %mul3A_626 : f32 to vector<16xf32>
      %mul3A_628 = arith.mulf %mul3A_627, %add3A_599 : vector<16xf32>
      %mul3A_629 = arith.mulf %mul3A_628, %mul3A_625 : vector<16xf32>
      %mul3A_630 = arith.mulf %mul3A_629, %mul3A_625 : vector<16xf32>
      %sub3A_631 = arith.constant 1.500000e+00 : f32
      %sub3A_632 = vector.broadcast %sub3A_631 : f32 to vector<16xf32>
      %sub3A_633 = arith.subf %sub3A_632, %mul3A_630 : vector<16xf32>
      %mul3A_634 = arith.mulf %mul3A_625, %sub3A_633 : vector<16xf32>
      %swap3A_635 = arith.index_cast %mul3A_240 : i32 to index
      %swap3A_636 = arith.constant 80 : index
      %swap3A_637 = tpu.vector_load %arg5[%swap3A_635, %swap3A_636] {strides = array<i32>} : memref<32x128xf32, #tpu.memory_space<vmem>>, vector<1x16xf32>,
      %swap3A_638 = vector.shape_cast %swap3A_637 : vector<1x16xf32> to vector<16xf32>
      %swap3A_639 = vector.shape_cast %mul3A_588 : vector<16xf32> to vector<1x16xf32>
      tpu.vector_store %arg5[%swap3A_635, %swap3A_636], %swap3A_639 {strides = array<i32>} : memref<32x128xf32, #tpu.memory_space<vmem>>, vector<1x16xf32>,
      %swap3A_640 = arith.index_cast %mul3A_240 : i32 to index
      %swap3A_641 = arith.constant 80 : index
      %swap3A_642 = tpu.vector_load %arg6[%swap3A_640, %swap3A_641] {strides = array<i32>} : memref<32x128xf32, #tpu.memory_space<vmem>>, vector<1x16xf32>,
      %swap3A_643 = vector.shape_cast %swap3A_642 : vector<1x16xf32> to vector<16xf32>
      %swap3A_644 = vector.shape_cast %mul3A_634 : vector<16xf32> to vector<1x16xf32>
      tpu.vector_store %arg6[%swap3A_640, %swap3A_641], %swap3A_644 {strides = array<i32>} : memref<32x128xf32, #tpu.memory_space<vmem>>, vector<1x16xf32>,
      %mul3A_645 = arith.mulf %add3A_599, %mul3A_634 : vector<16xf32>
      %swap3A_646 = arith.index_cast %mul3A_240 : i32 to index
      %swap3A_647 = arith.constant 80 : index
      %swap3A_648 = tpu.vector_load %arg7[%swap3A_646, %swap3A_647] {strides = array<i32>} : memref<32x128xf32, #tpu.memory_space<vmem>>, vector<1x16xf32>,
      %swap3A_649 = vector.shape_cast %swap3A_648 : vector<1x16xf32> to vector<16xf32>
      %swap3A_650 = vector.shape_cast %mul3A_645 : vector<16xf32> to vector<1x16xf32>
      tpu.vector_store %arg7[%swap3A_646, %swap3A_647], %swap3A_650 {strides = array<i32>} : memref<32x128xf32, #tpu.memory_space<vmem>>, vector<1x16xf32>,
      %mul3A_651 = arith.constant 3.906250e-03 : f32
      %mul3A_652 = vector.broadcast %mul3A_651 : f32 to vector<16xf32>
      %mul3A_653 = arith.mulf %scan3A_262#6, %mul3A_652 : vector<16xf32>
      %mul3A_654 = arith.constant 2.560000e+02 : f32
      %mul3A_655 = vector.broadcast %mul3A_654 : f32 to vector<16xf32>
      %mul3A_656 = arith.mulf %mul3A_655, %mul3A_653 : vector<16xf32>
      %mul3A_657 = arith.mulf %mul3A_656, %mul3A_653 : vector<16xf32>
      %sub3A_658 = arith.subf %scan3A_262#14, %mul3A_657 : vector<16xf32>
      %mul3A_659 = arith.constant 0.00392156886 : f32
      %mul3A_660 = vector.broadcast %mul3A_659 : f32 to vector<16xf32>
      %mul3A_661 = arith.mulf %sub3A_658, %mul3A_660 : vector<16xf32>
      %add3A_662 = arith.constant 9.99999974E-6 : f32
      %add3A_663 = vector.broadcast %add3A_662 : f32 to vector<16xf32>
      %add3A_664 = arith.addf %mul3A_661, %add3A_663 : vector<16xf32>
      %bitcast_convert_type3A_665 = tpu.bitcast %add3A_664 : vector<16xf32> -> vector<16xi32>
      %shift_right_arithmetic3A_666 = arith.constant 1 : i32
      %shift_right_arithmetic3A_667 = vector.broadcast %shift_right_arithmetic3A_666 : i32 to vector<16xi32>
      %shift_right_arithmetic3A_668 = arith.shrsi %bitcast_convert_type3A_665, %shift_right_arithmetic3A_667 : vector<16xi32>
      %sub3A_669 = arith.constant 1597463007 : i32
      %sub3A_670 = vector.broadcast %sub3A_669 : i32 to vector<16xi32>
      %sub3A_671 = arith.subi %sub3A_670, %shift_right_arithmetic3A_668 : vector<16xi32>
      %bitcast_convert_type3A_672 = tpu.bitcast %sub3A_671 : vector<16xi32> -> vector<16xf32>
      %mul3A_673 = arith.constant 5.000000e-01 : f32
      %mul3A_674 = vector.broadcast %mul3A_673 : f32 to vector<16xf32>
      %mul3A_675 = arith.mulf %mul3A_674, %add3A_664 : vector<16xf32>
      %mul3A_676 = arith.mulf %mul3A_675, %bitcast_convert_type3A_672 : vector<16xf32>
      %mul3A_677 = arith.mulf %mul3A_676, %bitcast_convert_type3A_672 : vector<16xf32>
      %sub3A_678 = arith.constant 1.500000e+00 : f32
      %sub3A_679 = vector.broadcast %sub3A_678 : f32 to vector<16xf32>
      %sub3A_680 = arith.subf %sub3A_679, %mul3A_677 : vector<16xf32>
      %mul3A_681 = arith.mulf %bitcast_convert_type3A_672, %sub3A_680 : vector<16xf32>
      %mul3A_682 = arith.constant 5.000000e-01 : f32
      %mul3A_683 = vector.broadcast %mul3A_682 : f32 to vector<16xf32>
      %mul3A_684 = arith.mulf %mul3A_683, %add3A_664 : vector<16xf32>
      %mul3A_685 = arith.mulf %mul3A_684, %mul3A_681 : vector<16xf32>
      %mul3A_686 = arith.mulf %mul3A_685, %mul3A_681 : vector<16xf32>
      %sub3A_687 = arith.constant 1.500000e+00 : f32
      %sub3A_688 = vector.broadcast %sub3A_687 : f32 to vector<16xf32>
      %sub3A_689 = arith.subf %sub3A_688, %mul3A_686 : vector<16xf32>
      %mul3A_690 = arith.mulf %mul3A_681, %sub3A_689 : vector<16xf32>
      %mul3A_691 = arith.constant 5.000000e-01 : f32
      %mul3A_692 = vector.broadcast %mul3A_691 : f32 to vector<16xf32>
      %mul3A_693 = arith.mulf %mul3A_692, %add3A_664 : vector<16xf32>
      %mul3A_694 = arith.mulf %mul3A_693, %mul3A_690 : vector<16xf32>
      %mul3A_695 = arith.mulf %mul3A_694, %mul3A_690 : vector<16xf32>
      %sub3A_696 = arith.constant 1.500000e+00 : f32
      %sub3A_697 = vector.broadcast %sub3A_696 : f32 to vector<16xf32>
      %sub3A_698 = arith.subf %sub3A_697, %mul3A_695 : vector<16xf32>
      %mul3A_699 = arith.mulf %mul3A_690, %sub3A_698 : vector<16xf32>
      %swap3A_700 = arith.index_cast %mul3A_240 : i32 to index
      %swap3A_701 = arith.constant 96 : index
      %swap3A_702 = tpu.vector_load %arg5[%swap3A_700, %swap3A_701] {strides = array<i32>} : memref<32x128xf32, #tpu.memory_space<vmem>>, vector<1x16xf32>,
      %swap3A_703 = vector.shape_cast %swap3A_702 : vector<1x16xf32> to vector<16xf32>
      %swap3A_704 = vector.shape_cast %mul3A_653 : vector<16xf32> to vector<1x16xf32>
      tpu.vector_store %arg5[%swap3A_700, %swap3A_701], %swap3A_704 {strides = array<i32>} : memref<32x128xf32, #tpu.memory_space<vmem>>, vector<1x16xf32>,
      %swap3A_705 = arith.index_cast %mul3A_240 : i32 to index
      %swap3A_706 = arith.constant 96 : index
      %swap3A_707 = tpu.vector_load %arg6[%swap3A_705, %swap3A_706] {strides = array<i32>} : memref<32x128xf32, #tpu.memory_space<vmem>>, vector<1x16xf32>,
      %swap3A_708 = vector.shape_cast %swap3A_707 : vector<1x16xf32> to vector<16xf32>
      %swap3A_709 = vector.shape_cast %mul3A_699 : vector<16xf32> to vector<1x16xf32>
      tpu.vector_store %arg6[%swap3A_705, %swap3A_706], %swap3A_709 {strides = array<i32>} : memref<32x128xf32, #tpu.memory_space<vmem>>, vector<1x16xf32>,
      %mul3A_710 = arith.mulf %add3A_664, %mul3A_699 : vector<16xf32>
      %swap3A_711 = arith.index_cast %mul3A_240 : i32 to index
      %swap3A_712 = arith.constant 96 : index
      %swap3A_713 = tpu.vector_load %arg7[%swap3A_711, %swap3A_712] {strides = array<i32>} : memref<32x128xf32, #tpu.memory_space<vmem>>, vector<1x16xf32>,
      %swap3A_714 = vector.shape_cast %swap3A_713 : vector<1x16xf32> to vector<16xf32>
      %swap3A_715 = vector.shape_cast %mul3A_710 : vector<16xf32> to vector<1x16xf32>
      tpu.vector_store %arg7[%swap3A_711, %swap3A_712], %swap3A_715 {strides = array<i32>} : memref<32x128xf32, #tpu.memory_space<vmem>>, vector<1x16xf32>,
      %mul3A_716 = arith.constant 3.906250e-03 : f32
      %mul3A_717 = vector.broadcast %mul3A_716 : f32 to vector<16xf32>
      %mul3A_718 = arith.mulf %scan3A_262#7, %mul3A_717 : vector<16xf32>
      %mul3A_719 = arith.constant 2.560000e+02 : f32
      %mul3A_720 = vector.broadcast %mul3A_719 : f32 to vector<16xf32>
      %mul3A_721 = arith.mulf %mul3A_720, %mul3A_718 : vector<16xf32>
      %mul3A_722 = arith.mulf %mul3A_721, %mul3A_718 : vector<16xf32>
      %sub3A_723 = arith.subf %scan3A_262#15, %mul3A_722 : vector<16xf32>
      %mul3A_724 = arith.constant 0.00392156886 : f32
      %mul3A_725 = vector.broadcast %mul3A_724 : f32 to vector<16xf32>
      %mul3A_726 = arith.mulf %sub3A_723, %mul3A_725 : vector<16xf32>
      %add3A_727 = arith.constant 9.99999974E-6 : f32
      %add3A_728 = vector.broadcast %add3A_727 : f32 to vector<16xf32>
      %add3A_729 = arith.addf %mul3A_726, %add3A_728 : vector<16xf32>
      %bitcast_convert_type3A_730 = tpu.bitcast %add3A_729 : vector<16xf32> -> vector<16xi32>
      %shift_right_arithmetic3A_731 = arith.constant 1 : i32
      %shift_right_arithmetic3A_732 = vector.broadcast %shift_right_arithmetic3A_731 : i32 to vector<16xi32>
      %shift_right_arithmetic3A_733 = arith.shrsi %bitcast_convert_type3A_730, %shift_right_arithmetic3A_732 : vector<16xi32>
      %sub3A_734 = arith.constant 1597463007 : i32
      %sub3A_735 = vector.broadcast %sub3A_734 : i32 to vector<16xi32>
      %sub3A_736 = arith.subi %sub3A_735, %shift_right_arithmetic3A_733 : vector<16xi32>
      %bitcast_convert_type3A_737 = tpu.bitcast %sub3A_736 : vector<16xi32> -> vector<16xf32>
      %mul3A_738 = arith.constant 5.000000e-01 : f32
      %mul3A_739 = vector.broadcast %mul3A_738 : f32 to vector<16xf32>
      %mul3A_740 = arith.mulf %mul3A_739, %add3A_729 : vector<16xf32>
      %mul3A_741 = arith.mulf %mul3A_740, %bitcast_convert_type3A_737 : vector<16xf32>
      %mul3A_742 = arith.mulf %mul3A_741, %bitcast_convert_type3A_737 : vector<16xf32>
      %sub3A_743 = arith.constant 1.500000e+00 : f32
      %sub3A_744 = vector.broadcast %sub3A_743 : f32 to vector<16xf32>
      %sub3A_745 = arith.subf %sub3A_744, %mul3A_742 : vector<16xf32>
      %mul3A_746 = arith.mulf %bitcast_convert_type3A_737, %sub3A_745 : vector<16xf32>
      %mul3A_747 = arith.constant 5.000000e-01 : f32
      %mul3A_748 = vector.broadcast %mul3A_747 : f32 to vector<16xf32>
      %mul3A_749 = arith.mulf %mul3A_748, %add3A_729 : vector<16xf32>
      %mul3A_750 = arith.mulf %mul3A_749, %mul3A_746 : vector<16xf32>
      %mul3A_751 = arith.mulf %mul3A_750, %mul3A_746 : vector<16xf32>
      %sub3A_752 = arith.constant 1.500000e+00 : f32
      %sub3A_753 = vector.broadcast %sub3A_752 : f32 to vector<16xf32>
      %sub3A_754 = arith.subf %sub3A_753, %mul3A_751 : vector<16xf32>
      %mul3A_755 = arith.mulf %mul3A_746, %sub3A_754 : vector<16xf32>
      %mul3A_756 = arith.constant 5.000000e-01 : f32
      %mul3A_757 = vector.broadcast %mul3A_756 : f32 to vector<16xf32>
      %mul3A_758 = arith.mulf %mul3A_757, %add3A_729 : vector<16xf32>
      %mul3A_759 = arith.mulf %mul3A_758, %mul3A_755 : vector<16xf32>
      %mul3A_760 = arith.mulf %mul3A_759, %mul3A_755 : vector<16xf32>
      %sub3A_761 = arith.constant 1.500000e+00 : f32
      %sub3A_762 = vector.broadcast %sub3A_761 : f32 to vector<16xf32>
      %sub3A_763 = arith.subf %sub3A_762, %mul3A_760 : vector<16xf32>
      %mul3A_764 = arith.mulf %mul3A_755, %sub3A_763 : vector<16xf32>
      %swap3A_765 = arith.index_cast %mul3A_240 : i32 to index
      %swap3A_766 = arith.constant 112 : index
      %swap3A_767 = tpu.vector_load %arg5[%swap3A_765, %swap3A_766] {strides = array<i32>} : memref<32x128xf32, #tpu.memory_space<vmem>>, vector<1x16xf32>,
      %swap3A_768 = vector.shape_cast %swap3A_767 : vector<1x16xf32> to vector<16xf32>
      %swap3A_769 = vector.shape_cast %mul3A_718 : vector<16xf32> to vector<1x16xf32>
      tpu.vector_store %arg5[%swap3A_765, %swap3A_766], %swap3A_769 {strides = array<i32>} : memref<32x128xf32, #tpu.memory_space<vmem>>, vector<1x16xf32>,
      %swap3A_770 = arith.index_cast %mul3A_240 : i32 to index
      %swap3A_771 = arith.constant 112 : index
      %swap3A_772 = tpu.vector_load %arg6[%swap3A_770, %swap3A_771] {strides = array<i32>} : memref<32x128xf32, #tpu.memory_space<vmem>>, vector<1x16xf32>,
      %swap3A_773 = vector.shape_cast %swap3A_772 : vector<1x16xf32> to vector<16xf32>
      %swap3A_774 = vector.shape_cast %mul3A_764 : vector<16xf32> to vector<1x16xf32>
      tpu.vector_store %arg6[%swap3A_770, %swap3A_771], %swap3A_774 {strides = array<i32>} : memref<32x128xf32, #tpu.memory_space<vmem>>, vector<1x16xf32>,
      %mul3A_775 = arith.mulf %add3A_729, %mul3A_764 : vector<16xf32>
      %swap3A_776 = arith.index_cast %mul3A_240 : i32 to index
      %swap3A_777 = arith.constant 112 : index
      %swap3A_778 = tpu.vector_load %arg7[%swap3A_776, %swap3A_777] {strides = array<i32>} : memref<32x128xf32, #tpu.memory_space<vmem>>, vector<1x16xf32>,
      %swap3A_779 = vector.shape_cast %swap3A_778 : vector<1x16xf32> to vector<16xf32>
      %swap3A_780 = vector.shape_cast %mul3A_775 : vector<16xf32> to vector<1x16xf32>
      tpu.vector_store %arg7[%swap3A_776, %swap3A_777], %swap3A_780 {strides = array<i32>} : memref<32x128xf32, #tpu.memory_space<vmem>>, vector<1x16xf32>,
      %lt3A = arith.constant 15 : i32
      %lt3A_781 = arith.cmpi slt, %scan3A_237, %lt3A : i32
      %convert_element_type3A = arith.extui %lt3A_781 : i1 to i32
      %cond3A = arith.constant 0 : i32
      %cond3A_782 = arith.cmpi ne, %convert_element_type3A, %cond3A : i32
      scf.if %cond3A_782 {
        %mul3A_1337 = arith.constant 2 : i32
        %mul3A_1338 = arith.muli %mul3A_1337, %scan3A_237 : i32
        %add3A_1339 = arith.constant 2 : i32
        %add3A_1340 = arith.addi %mul3A_1338, %add3A_1339 : i32
        %dma_start3A_1341 = arith.constant 0 : i32
        %dma_start3A_1342 = arith.constant 0 : i32
        %dma_start3A_1343 = arith.constant 0 : i32
        %dma_start3A_1344 = tpu.memref_slice %arg4[%dma_start3A_1341, %dma_start3A_1342, %dma_start3A_1343] : memref<2x256x128xf32, #tpu.memory_space<vmem>> -> memref<1x256x128xf32, #tpu.memory_space<vmem>>
        %dma_start3A_1345 = tpu.memref_squeeze %dma_start3A_1344 : memref<1x256x128xf32, #tpu.memory_space<vmem>> -> memref<256x128xf32, #tpu.memory_space<vmem>>
        %dma_start3A_1346 = arith.constant 0 : i32
        %dma_start3A_1347 = tpu.memref_slice %arg2[%add3A_1340, %dma_start3A_1346, %mul3A_2] : memref<32x256x4096xf32, #tpu.memory_space<hbm>> -> memref<1x256x128xf32, #tpu.memory_space<hbm>>
        %dma_start3A_1348 = tpu.memref_squeeze %dma_start3A_1347 : memref<1x256x128xf32, #tpu.memory_space<hbm>> -> memref<256x128xf32, #tpu.memory_space<hbm>>
        %dma_start3A_1349 = arith.constant 0 : i32
        %dma_start3A_1350 = arith.constant 0 : i32
        %dma_start3A_1351 = tpu.memref_slice %arg4[%dma_start3A_1341, %dma_start3A_1349, %dma_start3A_1350] : memref<2x256x128xf32, #tpu.memory_space<vmem>> -> memref<1x256x128xf32, #tpu.memory_space<vmem>>
        %dma_start3A_1352 = tpu.memref_squeeze %dma_start3A_1351 : memref<1x256x128xf32, #tpu.memory_space<vmem>> -> memref<256x128xf32, #tpu.memory_space<vmem>>
        %dma_start3A_1353 = arith.constant 0 : i32
        %dma_start3A_1354 = tpu.memref_slice %arg2[%add3A_1340, %dma_start3A_1353, %mul3A_2] : memref<32x256x4096xf32, #tpu.memory_space<hbm>> -> memref<1x256x128xf32, #tpu.memory_space<hbm>>
        %dma_start3A_1355 = tpu.memref_squeeze %dma_start3A_1354 : memref<1x256x128xf32, #tpu.memory_space<hbm>> -> memref<256x128xf32, #tpu.memory_space<hbm>>
        tpu.enqueue_dma source(%dma_start3A_1355 : memref<256x128xf32, #tpu.memory_space<hbm>>) target(%dma_start3A_1352 : memref<256x128xf32, #tpu.memory_space<vmem>>) target_semaphore(%arg9 : memref<!tpu.dma_semaphore, #tpu.memory_space<semaphore_mem>>)
      } else {
      }
      %mul3A_783 = arith.constant 2 : i32
      %mul3A_784 = arith.muli %mul3A_783, %scan3A_237 : i32
      %add3A_785 = arith.constant 1 : i32
      %add3A_786 = arith.addi %mul3A_784, %add3A_785 : i32
      %dma_wait3A_787 = arith.constant 0 : i32
      %dma_wait3A_788 = arith.constant 1 : i32
      %dma_wait3A_789 = arith.constant 0 : i32
      %dma_wait3A_790 = arith.constant 0 : i32
      %dma_wait3A_791 = tpu.memref_slice %arg4[%dma_wait3A_788, %dma_wait3A_789, %dma_wait3A_790] : memref<2x256x128xf32, #tpu.memory_space<vmem>> -> memref<1x256x128xf32, #tpu.memory_space<vmem>>
      %dma_wait3A_792 = tpu.memref_squeeze %dma_wait3A_791 : memref<1x256x128xf32, #tpu.memory_space<vmem>> -> memref<256x128xf32, #tpu.memory_space<vmem>>
      %dma_wait3A_793 = arith.constant 0 : i32
      %dma_wait3A_794 = tpu.memref_slice %arg2[%dma_wait3A_787, %dma_wait3A_793, %mul3A_2] : memref<32x256x4096xf32, #tpu.memory_space<hbm>> -> memref<1x256x128xf32, #tpu.memory_space<hbm>>
      %dma_wait3A_795 = tpu.memref_squeeze %dma_wait3A_794 : memref<1x256x128xf32, #tpu.memory_space<hbm>> -> memref<256x128xf32, #tpu.memory_space<hbm>>
      %dma_wait3A_796 = arith.constant 0 : i32
      %dma_wait3A_797 = arith.constant 0 : i32
      %dma_wait3A_798 = tpu.memref_slice %arg4[%dma_wait3A_788, %dma_wait3A_796, %dma_wait3A_797] : memref<2x256x128xf32, #tpu.memory_space<vmem>> -> memref<1x256x128xf32, #tpu.memory_space<vmem>>
      %dma_wait3A_799 = tpu.memref_squeeze %dma_wait3A_798 : memref<1x256x128xf32, #tpu.memory_space<vmem>> -> memref<256x128xf32, #tpu.memory_space<vmem>>
      %dma_wait3A_800 = arith.constant 0 : i32
      %dma_wait3A_801 = tpu.memref_slice %arg2[%dma_wait3A_787, %dma_wait3A_800, %mul3A_2] : memref<32x256x4096xf32, #tpu.memory_space<hbm>> -> memref<1x256x128xf32, #tpu.memory_space<hbm>>
      %dma_wait3A_802 = tpu.memref_squeeze %dma_wait3A_801 : memref<1x256x128xf32, #tpu.memory_space<hbm>> -> memref<256x128xf32, #tpu.memory_space<hbm>>
      tpu.wait_dma2 semaphore(%arg10 : memref<!tpu.dma_semaphore, #tpu.memory_space<semaphore_mem>>) src(%dma_wait3A_802 : memref<256x128xf32, #tpu.memory_space<hbm>>) dst(%dma_wait3A_799 : memref<256x128xf32, #tpu.memory_space<vmem>>)
      %broadcast_in_dim3A_803 = arith.constant 0.000000e+00 : f32
      %broadcast_in_dim3A_804 = vector.broadcast %broadcast_in_dim3A_803 : f32 to vector<16xf32>
      %scan3A_805 = arith.constant 0 : i32
      %scan3A_806 = arith.constant 64 : i32
      %scan3A_807 = arith.addi %scan3A_805, %scan3A_806 : i32
      %scan3A_808 = arith.constant 1 : i32
      %scan3A_809:16 = scf.for %scan3A_1337 = %scan3A_805 to %scan3A_807 step %scan3A_808 iter_args(%scan3A_1338 = %broadcast_in_dim3A_804, %scan3A_1339 = %broadcast_in_dim3A_804, %scan3A_1340 = %broadcast_in_dim3A_804, %scan3A_1341 = %broadcast_in_dim3A_804, %scan3A_1342 = %broadcast_in_dim3A_804, %scan3A_1343 = %broadcast_in_dim3A_804, %scan3A_1344 = %broadcast_in_dim3A_804, %scan3A_1345 = %broadcast_in_dim3A_804, %scan3A_1346 = %broadcast_in_dim3A_804, %scan3A_1347 = %broadcast_in_dim3A_804, %scan3A_1348 = %broadcast_in_dim3A_804, %scan3A_1349 = %broadcast_in_dim3A_804, %scan3A_1350 = %broadcast_in_dim3A_804, %scan3A_1351 = %broadcast_in_dim3A_804, %scan3A_1352 = %broadcast_in_dim3A_804, %scan3A_1353 = %broadcast_in_dim3A_804) -> (vector<16xf32>, vector<16xf32>, vector<16xf32>, vector<16xf32>, vector<16xf32>, vector<16xf32>, vector<16xf32>, vector<16xf32>, vector<16xf32>, vector<16xf32>, vector<16xf32>, vector<16xf32>, vector<16xf32>, vector<16xf32>, vector<16xf32>, vector<16xf32>)  : i32 {
        %mul3A_1354 = arith.constant 4 : i32
        %mul3A_1355 = arith.muli %mul3A_1354, %scan3A_1337 : i32
        %add3A_1356 = arith.constant 0 : i32
        %add3A_1357 = arith.addi %mul3A_1355, %add3A_1356 : i32
        %get3A = arith.constant 1 : i32
        %get3A_1358 = arith.index_cast %get3A : i32 to index
        %get3A_1359 = arith.index_cast %add3A_1357 : i32 to index
        %get3A_1360 = arith.constant 0 : index
        %get3A_1361 = tpu.vector_load %arg4[%get3A_1358, %get3A_1359, %get3A_1360] {strides = array<i32>} : memref<2x256x128xf32, #tpu.memory_space<vmem>>, vector<1x1x16xf32>,
        %get3A_1362 = vector.shape_cast %get3A_1361 : vector<1x1x16xf32> to vector<16xf32>
        %add3A_1363 = arith.addf %scan3A_1338, %get3A_1362 : vector<16xf32>
        %mul3A_1364 = arith.mulf %get3A_1362, %get3A_1362 : vector<16xf32>
        %add3A_1365 = arith.addf %scan3A_1346, %mul3A_1364 : vector<16xf32>
        %get3A_1366 = arith.constant 1 : i32
        %get3A_1367 = arith.index_cast %get3A_1366 : i32 to index
        %get3A_1368 = arith.index_cast %add3A_1357 : i32 to index
        %get3A_1369 = arith.constant 16 : index
        %get3A_1370 = tpu.vector_load %arg4[%get3A_1367, %get3A_1368, %get3A_1369] {strides = array<i32>} : memref<2x256x128xf32, #tpu.memory_space<vmem>>, vector<1x1x16xf32>,
        %get3A_1371 = vector.shape_cast %get3A_1370 : vector<1x1x16xf32> to vector<16xf32>
        %add3A_1372 = arith.addf %scan3A_1339, %get3A_1371 : vector<16xf32>
        %mul3A_1373 = arith.mulf %get3A_1371, %get3A_1371 : vector<16xf32>
        %add3A_1374 = arith.addf %scan3A_1347, %mul3A_1373 : vector<16xf32>
        %get3A_1375 = arith.constant 1 : i32
        %get3A_1376 = arith.index_cast %get3A_1375 : i32 to index
        %get3A_1377 = arith.index_cast %add3A_1357 : i32 to index
        %get3A_1378 = arith.constant 32 : index
        %get3A_1379 = tpu.vector_load %arg4[%get3A_1376, %get3A_1377, %get3A_1378] {strides = array<i32>} : memref<2x256x128xf32, #tpu.memory_space<vmem>>, vector<1x1x16xf32>,
        %get3A_1380 = vector.shape_cast %get3A_1379 : vector<1x1x16xf32> to vector<16xf32>
        %add3A_1381 = arith.addf %scan3A_1340, %get3A_1380 : vector<16xf32>
        %mul3A_1382 = arith.mulf %get3A_1380, %get3A_1380 : vector<16xf32>
        %add3A_1383 = arith.addf %scan3A_1348, %mul3A_1382 : vector<16xf32>
        %get3A_1384 = arith.constant 1 : i32
        %get3A_1385 = arith.index_cast %get3A_1384 : i32 to index
        %get3A_1386 = arith.index_cast %add3A_1357 : i32 to index
        %get3A_1387 = arith.constant 48 : index
        %get3A_1388 = tpu.vector_load %arg4[%get3A_1385, %get3A_1386, %get3A_1387] {strides = array<i32>} : memref<2x256x128xf32, #tpu.memory_space<vmem>>, vector<1x1x16xf32>,
        %get3A_1389 = vector.shape_cast %get3A_1388 : vector<1x1x16xf32> to vector<16xf32>
        %add3A_1390 = arith.addf %scan3A_1341, %get3A_1389 : vector<16xf32>
        %mul3A_1391 = arith.mulf %get3A_1389, %get3A_1389 : vector<16xf32>
        %add3A_1392 = arith.addf %scan3A_1349, %mul3A_1391 : vector<16xf32>
        %get3A_1393 = arith.constant 1 : i32
        %get3A_1394 = arith.index_cast %get3A_1393 : i32 to index
        %get3A_1395 = arith.index_cast %add3A_1357 : i32 to index
        %get3A_1396 = arith.constant 64 : index
        %get3A_1397 = tpu.vector_load %arg4[%get3A_1394, %get3A_1395, %get3A_1396] {strides = array<i32>} : memref<2x256x128xf32, #tpu.memory_space<vmem>>, vector<1x1x16xf32>,
        %get3A_1398 = vector.shape_cast %get3A_1397 : vector<1x1x16xf32> to vector<16xf32>
        %add3A_1399 = arith.addf %scan3A_1342, %get3A_1398 : vector<16xf32>
        %mul3A_1400 = arith.mulf %get3A_1398, %get3A_1398 : vector<16xf32>
        %add3A_1401 = arith.addf %scan3A_1350, %mul3A_1400 : vector<16xf32>
        %get3A_1402 = arith.constant 1 : i32
        %get3A_1403 = arith.index_cast %get3A_1402 : i32 to index
        %get3A_1404 = arith.index_cast %add3A_1357 : i32 to index
        %get3A_1405 = arith.constant 80 : index
        %get3A_1406 = tpu.vector_load %arg4[%get3A_1403, %get3A_1404, %get3A_1405] {strides = array<i32>} : memref<2x256x128xf32, #tpu.memory_space<vmem>>, vector<1x1x16xf32>,
        %get3A_1407 = vector.shape_cast %get3A_1406 : vector<1x1x16xf32> to vector<16xf32>
        %add3A_1408 = arith.addf %scan3A_1343, %get3A_1407 : vector<16xf32>
        %mul3A_1409 = arith.mulf %get3A_1407, %get3A_1407 : vector<16xf32>
        %add3A_1410 = arith.addf %scan3A_1351, %mul3A_1409 : vector<16xf32>
        %get3A_1411 = arith.constant 1 : i32
        %get3A_1412 = arith.index_cast %get3A_1411 : i32 to index
        %get3A_1413 = arith.index_cast %add3A_1357 : i32 to index
        %get3A_1414 = arith.constant 96 : index
        %get3A_1415 = tpu.vector_load %arg4[%get3A_1412, %get3A_1413, %get3A_1414] {strides = array<i32>} : memref<2x256x128xf32, #tpu.memory_space<vmem>>, vector<1x1x16xf32>,
        %get3A_1416 = vector.shape_cast %get3A_1415 : vector<1x1x16xf32> to vector<16xf32>
        %add3A_1417 = arith.addf %scan3A_1344, %get3A_1416 : vector<16xf32>
        %mul3A_1418 = arith.mulf %get3A_1416, %get3A_1416 : vector<16xf32>
        %add3A_1419 = arith.addf %scan3A_1352, %mul3A_1418 : vector<16xf32>
        %get3A_1420 = arith.constant 1 : i32
        %get3A_1421 = arith.index_cast %get3A_1420 : i32 to index
        %get3A_1422 = arith.index_cast %add3A_1357 : i32 to index
        %get3A_1423 = arith.constant 112 : index
        %get3A_1424 = tpu.vector_load %arg4[%get3A_1421, %get3A_1422, %get3A_1423] {strides = array<i32>} : memref<2x256x128xf32, #tpu.memory_space<vmem>>, vector<1x1x16xf32>,
        %get3A_1425 = vector.shape_cast %get3A_1424 : vector<1x1x16xf32> to vector<16xf32>
        %add3A_1426 = arith.addf %scan3A_1345, %get3A_1425 : vector<16xf32>
        %mul3A_1427 = arith.mulf %get3A_1425, %get3A_1425 : vector<16xf32>
        %add3A_1428 = arith.addf %scan3A_1353, %mul3A_1427 : vector<16xf32>
        %mul3A_1429 = arith.constant 4 : i32
        %mul3A_1430 = arith.muli %mul3A_1429, %scan3A_1337 : i32
        %add3A_1431 = arith.constant 1 : i32
        %add3A_1432 = arith.addi %mul3A_1430, %add3A_1431 : i32
        %get3A_1433 = arith.constant 1 : i32
        %get3A_1434 = arith.index_cast %get3A_1433 : i32 to index
        %get3A_1435 = arith.index_cast %add3A_1432 : i32 to index
        %get3A_1436 = arith.constant 0 : index
        %get3A_1437 = tpu.vector_load %arg4[%get3A_1434, %get3A_1435, %get3A_1436] {strides = array<i32>} : memref<2x256x128xf32, #tpu.memory_space<vmem>>, vector<1x1x16xf32>,
        %get3A_1438 = vector.shape_cast %get3A_1437 : vector<1x1x16xf32> to vector<16xf32>
        %add3A_1439 = arith.addf %add3A_1363, %get3A_1438 : vector<16xf32>
        %mul3A_1440 = arith.mulf %get3A_1438, %get3A_1438 : vector<16xf32>
        %add3A_1441 = arith.addf %add3A_1365, %mul3A_1440 : vector<16xf32>
        %get3A_1442 = arith.constant 1 : i32
        %get3A_1443 = arith.index_cast %get3A_1442 : i32 to index
        %get3A_1444 = arith.index_cast %add3A_1432 : i32 to index
        %get3A_1445 = arith.constant 16 : index
        %get3A_1446 = tpu.vector_load %arg4[%get3A_1443, %get3A_1444, %get3A_1445] {strides = array<i32>} : memref<2x256x128xf32, #tpu.memory_space<vmem>>, vector<1x1x16xf32>,
        %get3A_1447 = vector.shape_cast %get3A_1446 : vector<1x1x16xf32> to vector<16xf32>
        %add3A_1448 = arith.addf %add3A_1372, %get3A_1447 : vector<16xf32>
        %mul3A_1449 = arith.mulf %get3A_1447, %get3A_1447 : vector<16xf32>
        %add3A_1450 = arith.addf %add3A_1374, %mul3A_1449 : vector<16xf32>
        %get3A_1451 = arith.constant 1 : i32
        %get3A_1452 = arith.index_cast %get3A_1451 : i32 to index
        %get3A_1453 = arith.index_cast %add3A_1432 : i32 to index
        %get3A_1454 = arith.constant 32 : index
        %get3A_1455 = tpu.vector_load %arg4[%get3A_1452, %get3A_1453, %get3A_1454] {strides = array<i32>} : memref<2x256x128xf32, #tpu.memory_space<vmem>>, vector<1x1x16xf32>,
        %get3A_1456 = vector.shape_cast %get3A_1455 : vector<1x1x16xf32> to vector<16xf32>
        %add3A_1457 = arith.addf %add3A_1381, %get3A_1456 : vector<16xf32>
        %mul3A_1458 = arith.mulf %get3A_1456, %get3A_1456 : vector<16xf32>
        %add3A_1459 = arith.addf %add3A_1383, %mul3A_1458 : vector<16xf32>
        %get3A_1460 = arith.constant 1 : i32
        %get3A_1461 = arith.index_cast %get3A_1460 : i32 to index
        %get3A_1462 = arith.index_cast %add3A_1432 : i32 to index
        %get3A_1463 = arith.constant 48 : index
        %get3A_1464 = tpu.vector_load %arg4[%get3A_1461, %get3A_1462, %get3A_1463] {strides = array<i32>} : memref<2x256x128xf32, #tpu.memory_space<vmem>>, vector<1x1x16xf32>,
        %get3A_1465 = vector.shape_cast %get3A_1464 : vector<1x1x16xf32> to vector<16xf32>
        %add3A_1466 = arith.addf %add3A_1390, %get3A_1465 : vector<16xf32>
        %mul3A_1467 = arith.mulf %get3A_1465, %get3A_1465 : vector<16xf32>
        %add3A_1468 = arith.addf %add3A_1392, %mul3A_1467 : vector<16xf32>
        %get3A_1469 = arith.constant 1 : i32
        %get3A_1470 = arith.index_cast %get3A_1469 : i32 to index
        %get3A_1471 = arith.index_cast %add3A_1432 : i32 to index
        %get3A_1472 = arith.constant 64 : index
        %get3A_1473 = tpu.vector_load %arg4[%get3A_1470, %get3A_1471, %get3A_1472] {strides = array<i32>} : memref<2x256x128xf32, #tpu.memory_space<vmem>>, vector<1x1x16xf32>,
        %get3A_1474 = vector.shape_cast %get3A_1473 : vector<1x1x16xf32> to vector<16xf32>
        %add3A_1475 = arith.addf %add3A_1399, %get3A_1474 : vector<16xf32>
        %mul3A_1476 = arith.mulf %get3A_1474, %get3A_1474 : vector<16xf32>
        %add3A_1477 = arith.addf %add3A_1401, %mul3A_1476 : vector<16xf32>
        %get3A_1478 = arith.constant 1 : i32
        %get3A_1479 = arith.index_cast %get3A_1478 : i32 to index
        %get3A_1480 = arith.index_cast %add3A_1432 : i32 to index
        %get3A_1481 = arith.constant 80 : index
        %get3A_1482 = tpu.vector_load %arg4[%get3A_1479, %get3A_1480, %get3A_1481] {strides = array<i32>} : memref<2x256x128xf32, #tpu.memory_space<vmem>>, vector<1x1x16xf32>,
        %get3A_1483 = vector.shape_cast %get3A_1482 : vector<1x1x16xf32> to vector<16xf32>
        %add3A_1484 = arith.addf %add3A_1408, %get3A_1483 : vector<16xf32>
        %mul3A_1485 = arith.mulf %get3A_1483, %get3A_1483 : vector<16xf32>
        %add3A_1486 = arith.addf %add3A_1410, %mul3A_1485 : vector<16xf32>
        %get3A_1487 = arith.constant 1 : i32
        %get3A_1488 = arith.index_cast %get3A_1487 : i32 to index
        %get3A_1489 = arith.index_cast %add3A_1432 : i32 to index
        %get3A_1490 = arith.constant 96 : index
        %get3A_1491 = tpu.vector_load %arg4[%get3A_1488, %get3A_1489, %get3A_1490] {strides = array<i32>} : memref<2x256x128xf32, #tpu.memory_space<vmem>>, vector<1x1x16xf32>,
        %get3A_1492 = vector.shape_cast %get3A_1491 : vector<1x1x16xf32> to vector<16xf32>
        %add3A_1493 = arith.addf %add3A_1417, %get3A_1492 : vector<16xf32>
        %mul3A_1494 = arith.mulf %get3A_1492, %get3A_1492 : vector<16xf32>
        %add3A_1495 = arith.addf %add3A_1419, %mul3A_1494 : vector<16xf32>
        %get3A_1496 = arith.constant 1 : i32
        %get3A_1497 = arith.index_cast %get3A_1496 : i32 to index
        %get3A_1498 = arith.index_cast %add3A_1432 : i32 to index
        %get3A_1499 = arith.constant 112 : index
        %get3A_1500 = tpu.vector_load %arg4[%get3A_1497, %get3A_1498, %get3A_1499] {strides = array<i32>} : memref<2x256x128xf32, #tpu.memory_space<vmem>>, vector<1x1x16xf32>,
        %get3A_1501 = vector.shape_cast %get3A_1500 : vector<1x1x16xf32> to vector<16xf32>
        %add3A_1502 = arith.addf %add3A_1426, %get3A_1501 : vector<16xf32>
        %mul3A_1503 = arith.mulf %get3A_1501, %get3A_1501 : vector<16xf32>
        %add3A_1504 = arith.addf %add3A_1428, %mul3A_1503 : vector<16xf32>
        %mul3A_1505 = arith.constant 4 : i32
        %mul3A_1506 = arith.muli %mul3A_1505, %scan3A_1337 : i32
        %add3A_1507 = arith.constant 2 : i32
        %add3A_1508 = arith.addi %mul3A_1506, %add3A_1507 : i32
        %get3A_1509 = arith.constant 1 : i32
        %get3A_1510 = arith.index_cast %get3A_1509 : i32 to index
        %get3A_1511 = arith.index_cast %add3A_1508 : i32 to index
        %get3A_1512 = arith.constant 0 : index
        %get3A_1513 = tpu.vector_load %arg4[%get3A_1510, %get3A_1511, %get3A_1512] {strides = array<i32>} : memref<2x256x128xf32, #tpu.memory_space<vmem>>, vector<1x1x16xf32>,
        %get3A_1514 = vector.shape_cast %get3A_1513 : vector<1x1x16xf32> to vector<16xf32>
        %add3A_1515 = arith.addf %add3A_1439, %get3A_1514 : vector<16xf32>
        %mul3A_1516 = arith.mulf %get3A_1514, %get3A_1514 : vector<16xf32>
        %add3A_1517 = arith.addf %add3A_1441, %mul3A_1516 : vector<16xf32>
        %get3A_1518 = arith.constant 1 : i32
        %get3A_1519 = arith.index_cast %get3A_1518 : i32 to index
        %get3A_1520 = arith.index_cast %add3A_1508 : i32 to index
        %get3A_1521 = arith.constant 16 : index
        %get3A_1522 = tpu.vector_load %arg4[%get3A_1519, %get3A_1520, %get3A_1521] {strides = array<i32>} : memref<2x256x128xf32, #tpu.memory_space<vmem>>, vector<1x1x16xf32>,
        %get3A_1523 = vector.shape_cast %get3A_1522 : vector<1x1x16xf32> to vector<16xf32>
        %add3A_1524 = arith.addf %add3A_1448, %get3A_1523 : vector<16xf32>
        %mul3A_1525 = arith.mulf %get3A_1523, %get3A_1523 : vector<16xf32>
        %add3A_1526 = arith.addf %add3A_1450, %mul3A_1525 : vector<16xf32>
        %get3A_1527 = arith.constant 1 : i32
        %get3A_1528 = arith.index_cast %get3A_1527 : i32 to index
        %get3A_1529 = arith.index_cast %add3A_1508 : i32 to index
        %get3A_1530 = arith.constant 32 : index
        %get3A_1531 = tpu.vector_load %arg4[%get3A_1528, %get3A_1529, %get3A_1530] {strides = array<i32>} : memref<2x256x128xf32, #tpu.memory_space<vmem>>, vector<1x1x16xf32>,
        %get3A_1532 = vector.shape_cast %get3A_1531 : vector<1x1x16xf32> to vector<16xf32>
        %add3A_1533 = arith.addf %add3A_1457, %get3A_1532 : vector<16xf32>
        %mul3A_1534 = arith.mulf %get3A_1532, %get3A_1532 : vector<16xf32>
        %add3A_1535 = arith.addf %add3A_1459, %mul3A_1534 : vector<16xf32>
        %get3A_1536 = arith.constant 1 : i32
        %get3A_1537 = arith.index_cast %get3A_1536 : i32 to index
        %get3A_1538 = arith.index_cast %add3A_1508 : i32 to index
        %get3A_1539 = arith.constant 48 : index
        %get3A_1540 = tpu.vector_load %arg4[%get3A_1537, %get3A_1538, %get3A_1539] {strides = array<i32>} : memref<2x256x128xf32, #tpu.memory_space<vmem>>, vector<1x1x16xf32>,
        %get3A_1541 = vector.shape_cast %get3A_1540 : vector<1x1x16xf32> to vector<16xf32>
        %add3A_1542 = arith.addf %add3A_1466, %get3A_1541 : vector<16xf32>
        %mul3A_1543 = arith.mulf %get3A_1541, %get3A_1541 : vector<16xf32>
        %add3A_1544 = arith.addf %add3A_1468, %mul3A_1543 : vector<16xf32>
        %get3A_1545 = arith.constant 1 : i32
        %get3A_1546 = arith.index_cast %get3A_1545 : i32 to index
        %get3A_1547 = arith.index_cast %add3A_1508 : i32 to index
        %get3A_1548 = arith.constant 64 : index
        %get3A_1549 = tpu.vector_load %arg4[%get3A_1546, %get3A_1547, %get3A_1548] {strides = array<i32>} : memref<2x256x128xf32, #tpu.memory_space<vmem>>, vector<1x1x16xf32>,
        %get3A_1550 = vector.shape_cast %get3A_1549 : vector<1x1x16xf32> to vector<16xf32>
        %add3A_1551 = arith.addf %add3A_1475, %get3A_1550 : vector<16xf32>
        %mul3A_1552 = arith.mulf %get3A_1550, %get3A_1550 : vector<16xf32>
        %add3A_1553 = arith.addf %add3A_1477, %mul3A_1552 : vector<16xf32>
        %get3A_1554 = arith.constant 1 : i32
        %get3A_1555 = arith.index_cast %get3A_1554 : i32 to index
        %get3A_1556 = arith.index_cast %add3A_1508 : i32 to index
        %get3A_1557 = arith.constant 80 : index
        %get3A_1558 = tpu.vector_load %arg4[%get3A_1555, %get3A_1556, %get3A_1557] {strides = array<i32>} : memref<2x256x128xf32, #tpu.memory_space<vmem>>, vector<1x1x16xf32>,
        %get3A_1559 = vector.shape_cast %get3A_1558 : vector<1x1x16xf32> to vector<16xf32>
        %add3A_1560 = arith.addf %add3A_1484, %get3A_1559 : vector<16xf32>
        %mul3A_1561 = arith.mulf %get3A_1559, %get3A_1559 : vector<16xf32>
        %add3A_1562 = arith.addf %add3A_1486, %mul3A_1561 : vector<16xf32>
        %get3A_1563 = arith.constant 1 : i32
        %get3A_1564 = arith.index_cast %get3A_1563 : i32 to index
        %get3A_1565 = arith.index_cast %add3A_1508 : i32 to index
        %get3A_1566 = arith.constant 96 : index
        %get3A_1567 = tpu.vector_load %arg4[%get3A_1564, %get3A_1565, %get3A_1566] {strides = array<i32>} : memref<2x256x128xf32, #tpu.memory_space<vmem>>, vector<1x1x16xf32>,
        %get3A_1568 = vector.shape_cast %get3A_1567 : vector<1x1x16xf32> to vector<16xf32>
        %add3A_1569 = arith.addf %add3A_1493, %get3A_1568 : vector<16xf32>
        %mul3A_1570 = arith.mulf %get3A_1568, %get3A_1568 : vector<16xf32>
        %add3A_1571 = arith.addf %add3A_1495, %mul3A_1570 : vector<16xf32>
        %get3A_1572 = arith.constant 1 : i32
        %get3A_1573 = arith.index_cast %get3A_1572 : i32 to index
        %get3A_1574 = arith.index_cast %add3A_1508 : i32 to index
        %get3A_1575 = arith.constant 112 : index
        %get3A_1576 = tpu.vector_load %arg4[%get3A_1573, %get3A_1574, %get3A_1575] {strides = array<i32>} : memref<2x256x128xf32, #tpu.memory_space<vmem>>, vector<1x1x16xf32>,
        %get3A_1577 = vector.shape_cast %get3A_1576 : vector<1x1x16xf32> to vector<16xf32>
        %add3A_1578 = arith.addf %add3A_1502, %get3A_1577 : vector<16xf32>
        %mul3A_1579 = arith.mulf %get3A_1577, %get3A_1577 : vector<16xf32>
        %add3A_1580 = arith.addf %add3A_1504, %mul3A_1579 : vector<16xf32>
        %mul3A_1581 = arith.constant 4 : i32
        %mul3A_1582 = arith.muli %mul3A_1581, %scan3A_1337 : i32
        %add3A_1583 = arith.constant 3 : i32
        %add3A_1584 = arith.addi %mul3A_1582, %add3A_1583 : i32
        %get3A_1585 = arith.constant 1 : i32
        %get3A_1586 = arith.index_cast %get3A_1585 : i32 to index
        %get3A_1587 = arith.index_cast %add3A_1584 : i32 to index
        %get3A_1588 = arith.constant 0 : index
        %get3A_1589 = tpu.vector_load %arg4[%get3A_1586, %get3A_1587, %get3A_1588] {strides = array<i32>} : memref<2x256x128xf32, #tpu.memory_space<vmem>>, vector<1x1x16xf32>,
        %get3A_1590 = vector.shape_cast %get3A_1589 : vector<1x1x16xf32> to vector<16xf32>
        %add3A_1591 = arith.addf %add3A_1515, %get3A_1590 : vector<16xf32>
        %mul3A_1592 = arith.mulf %get3A_1590, %get3A_1590 : vector<16xf32>
        %add3A_1593 = arith.addf %add3A_1517, %mul3A_1592 : vector<16xf32>
        %get3A_1594 = arith.constant 1 : i32
        %get3A_1595 = arith.index_cast %get3A_1594 : i32 to index
        %get3A_1596 = arith.index_cast %add3A_1584 : i32 to index
        %get3A_1597 = arith.constant 16 : index
        %get3A_1598 = tpu.vector_load %arg4[%get3A_1595, %get3A_1596, %get3A_1597] {strides = array<i32>} : memref<2x256x128xf32, #tpu.memory_space<vmem>>, vector<1x1x16xf32>,
        %get3A_1599 = vector.shape_cast %get3A_1598 : vector<1x1x16xf32> to vector<16xf32>
        %add3A_1600 = arith.addf %add3A_1524, %get3A_1599 : vector<16xf32>
        %mul3A_1601 = arith.mulf %get3A_1599, %get3A_1599 : vector<16xf32>
        %add3A_1602 = arith.addf %add3A_1526, %mul3A_1601 : vector<16xf32>
        %get3A_1603 = arith.constant 1 : i32
        %get3A_1604 = arith.index_cast %get3A_1603 : i32 to index
        %get3A_1605 = arith.index_cast %add3A_1584 : i32 to index
        %get3A_1606 = arith.constant 32 : index
        %get3A_1607 = tpu.vector_load %arg4[%get3A_1604, %get3A_1605, %get3A_1606] {strides = array<i32>} : memref<2x256x128xf32, #tpu.memory_space<vmem>>, vector<1x1x16xf32>,
        %get3A_1608 = vector.shape_cast %get3A_1607 : vector<1x1x16xf32> to vector<16xf32>
        %add3A_1609 = arith.addf %add3A_1533, %get3A_1608 : vector<16xf32>
        %mul3A_1610 = arith.mulf %get3A_1608, %get3A_1608 : vector<16xf32>
        %add3A_1611 = arith.addf %add3A_1535, %mul3A_1610 : vector<16xf32>
        %get3A_1612 = arith.constant 1 : i32
        %get3A_1613 = arith.index_cast %get3A_1612 : i32 to index
        %get3A_1614 = arith.index_cast %add3A_1584 : i32 to index
        %get3A_1615 = arith.constant 48 : index
        %get3A_1616 = tpu.vector_load %arg4[%get3A_1613, %get3A_1614, %get3A_1615] {strides = array<i32>} : memref<2x256x128xf32, #tpu.memory_space<vmem>>, vector<1x1x16xf32>,
        %get3A_1617 = vector.shape_cast %get3A_1616 : vector<1x1x16xf32> to vector<16xf32>
        %add3A_1618 = arith.addf %add3A_1542, %get3A_1617 : vector<16xf32>
        %mul3A_1619 = arith.mulf %get3A_1617, %get3A_1617 : vector<16xf32>
        %add3A_1620 = arith.addf %add3A_1544, %mul3A_1619 : vector<16xf32>
        %get3A_1621 = arith.constant 1 : i32
        %get3A_1622 = arith.index_cast %get3A_1621 : i32 to index
        %get3A_1623 = arith.index_cast %add3A_1584 : i32 to index
        %get3A_1624 = arith.constant 64 : index
        %get3A_1625 = tpu.vector_load %arg4[%get3A_1622, %get3A_1623, %get3A_1624] {strides = array<i32>} : memref<2x256x128xf32, #tpu.memory_space<vmem>>, vector<1x1x16xf32>,
        %get3A_1626 = vector.shape_cast %get3A_1625 : vector<1x1x16xf32> to vector<16xf32>
        %add3A_1627 = arith.addf %add3A_1551, %get3A_1626 : vector<16xf32>
        %mul3A_1628 = arith.mulf %get3A_1626, %get3A_1626 : vector<16xf32>
        %add3A_1629 = arith.addf %add3A_1553, %mul3A_1628 : vector<16xf32>
        %get3A_1630 = arith.constant 1 : i32
        %get3A_1631 = arith.index_cast %get3A_1630 : i32 to index
        %get3A_1632 = arith.index_cast %add3A_1584 : i32 to index
        %get3A_1633 = arith.constant 80 : index
        %get3A_1634 = tpu.vector_load %arg4[%get3A_1631, %get3A_1632, %get3A_1633] {strides = array<i32>} : memref<2x256x128xf32, #tpu.memory_space<vmem>>, vector<1x1x16xf32>,
        %get3A_1635 = vector.shape_cast %get3A_1634 : vector<1x1x16xf32> to vector<16xf32>
        %add3A_1636 = arith.addf %add3A_1560, %get3A_1635 : vector<16xf32>
        %mul3A_1637 = arith.mulf %get3A_1635, %get3A_1635 : vector<16xf32>
        %add3A_1638 = arith.addf %add3A_1562, %mul3A_1637 : vector<16xf32>
        %get3A_1639 = arith.constant 1 : i32
        %get3A_1640 = arith.index_cast %get3A_1639 : i32 to index
        %get3A_1641 = arith.index_cast %add3A_1584 : i32 to index
        %get3A_1642 = arith.constant 96 : index
        %get3A_1643 = tpu.vector_load %arg4[%get3A_1640, %get3A_1641, %get3A_1642] {strides = array<i32>} : memref<2x256x128xf32, #tpu.memory_space<vmem>>, vector<1x1x16xf32>,
        %get3A_1644 = vector.shape_cast %get3A_1643 : vector<1x1x16xf32> to vector<16xf32>
        %add3A_1645 = arith.addf %add3A_1569, %get3A_1644 : vector<16xf32>
        %mul3A_1646 = arith.mulf %get3A_1644, %get3A_1644 : vector<16xf32>
        %add3A_1647 = arith.addf %add3A_1571, %mul3A_1646 : vector<16xf32>
        %get3A_1648 = arith.constant 1 : i32
        %get3A_1649 = arith.index_cast %get3A_1648 : i32 to index
        %get3A_1650 = arith.index_cast %add3A_1584 : i32 to index
        %get3A_1651 = arith.constant 112 : index
        %get3A_1652 = tpu.vector_load %arg4[%get3A_1649, %get3A_1650, %get3A_1651] {strides = array<i32>} : memref<2x256x128xf32, #tpu.memory_space<vmem>>, vector<1x1x16xf32>,
        %get3A_1653 = vector.shape_cast %get3A_1652 : vector<1x1x16xf32> to vector<16xf32>
        %add3A_1654 = arith.addf %add3A_1578, %get3A_1653 : vector<16xf32>
        %mul3A_1655 = arith.mulf %get3A_1653, %get3A_1653 : vector<16xf32>
        %add3A_1656 = arith.addf %add3A_1580, %mul3A_1655 : vector<16xf32>
        scf.yield %add3A_1591, %add3A_1600, %add3A_1609, %add3A_1618, %add3A_1627, %add3A_1636, %add3A_1645, %add3A_1654, %add3A_1593, %add3A_1602, %add3A_1611, %add3A_1620, %add3A_1629, %add3A_1638, %add3A_1647, %add3A_1656 : vector<16xf32>, vector<16xf32>, vector<16xf32>, vector<16xf32>, vector<16xf32>, vector<16xf32>, vector<16xf32>, vector<16xf32>, vector<16xf32>, vector<16xf32>, vector<16xf32>, vector<16xf32>, vector<16xf32>, vector<16xf32>, vector<16xf32>, vector<16xf32>
      }
      %scan3A_810 = arith.constant 64 : i32
      %mul3A_811 = arith.constant 3.906250e-03 : f32
      %mul3A_812 = vector.broadcast %mul3A_811 : f32 to vector<16xf32>
      %mul3A_813 = arith.mulf %scan3A_809#0, %mul3A_812 : vector<16xf32>
      %mul3A_814 = arith.constant 2.560000e+02 : f32
      %mul3A_815 = vector.broadcast %mul3A_814 : f32 to vector<16xf32>
      %mul3A_816 = arith.mulf %mul3A_815, %mul3A_813 : vector<16xf32>
      %mul3A_817 = arith.mulf %mul3A_816, %mul3A_813 : vector<16xf32>
      %sub3A_818 = arith.subf %scan3A_809#8, %mul3A_817 : vector<16xf32>
      %mul3A_819 = arith.constant 0.00392156886 : f32
      %mul3A_820 = vector.broadcast %mul3A_819 : f32 to vector<16xf32>
      %mul3A_821 = arith.mulf %sub3A_818, %mul3A_820 : vector<16xf32>
      %add3A_822 = arith.constant 9.99999974E-6 : f32
      %add3A_823 = vector.broadcast %add3A_822 : f32 to vector<16xf32>
      %add3A_824 = arith.addf %mul3A_821, %add3A_823 : vector<16xf32>
      %bitcast_convert_type3A_825 = tpu.bitcast %add3A_824 : vector<16xf32> -> vector<16xi32>
      %shift_right_arithmetic3A_826 = arith.constant 1 : i32
      %shift_right_arithmetic3A_827 = vector.broadcast %shift_right_arithmetic3A_826 : i32 to vector<16xi32>
      %shift_right_arithmetic3A_828 = arith.shrsi %bitcast_convert_type3A_825, %shift_right_arithmetic3A_827 : vector<16xi32>
      %sub3A_829 = arith.constant 1597463007 : i32
      %sub3A_830 = vector.broadcast %sub3A_829 : i32 to vector<16xi32>
      %sub3A_831 = arith.subi %sub3A_830, %shift_right_arithmetic3A_828 : vector<16xi32>
      %bitcast_convert_type3A_832 = tpu.bitcast %sub3A_831 : vector<16xi32> -> vector<16xf32>
      %mul3A_833 = arith.constant 5.000000e-01 : f32
      %mul3A_834 = vector.broadcast %mul3A_833 : f32 to vector<16xf32>
      %mul3A_835 = arith.mulf %mul3A_834, %add3A_824 : vector<16xf32>
      %mul3A_836 = arith.mulf %mul3A_835, %bitcast_convert_type3A_832 : vector<16xf32>
      %mul3A_837 = arith.mulf %mul3A_836, %bitcast_convert_type3A_832 : vector<16xf32>
      %sub3A_838 = arith.constant 1.500000e+00 : f32
      %sub3A_839 = vector.broadcast %sub3A_838 : f32 to vector<16xf32>
      %sub3A_840 = arith.subf %sub3A_839, %mul3A_837 : vector<16xf32>
      %mul3A_841 = arith.mulf %bitcast_convert_type3A_832, %sub3A_840 : vector<16xf32>
      %mul3A_842 = arith.constant 5.000000e-01 : f32
      %mul3A_843 = vector.broadcast %mul3A_842 : f32 to vector<16xf32>
      %mul3A_844 = arith.mulf %mul3A_843, %add3A_824 : vector<16xf32>
      %mul3A_845 = arith.mulf %mul3A_844, %mul3A_841 : vector<16xf32>
      %mul3A_846 = arith.mulf %mul3A_845, %mul3A_841 : vector<16xf32>
      %sub3A_847 = arith.constant 1.500000e+00 : f32
      %sub3A_848 = vector.broadcast %sub3A_847 : f32 to vector<16xf32>
      %sub3A_849 = arith.subf %sub3A_848, %mul3A_846 : vector<16xf32>
      %mul3A_850 = arith.mulf %mul3A_841, %sub3A_849 : vector<16xf32>
      %mul3A_851 = arith.constant 5.000000e-01 : f32
      %mul3A_852 = vector.broadcast %mul3A_851 : f32 to vector<16xf32>
      %mul3A_853 = arith.mulf %mul3A_852, %add3A_824 : vector<16xf32>
      %mul3A_854 = arith.mulf %mul3A_853, %mul3A_850 : vector<16xf32>
      %mul3A_855 = arith.mulf %mul3A_854, %mul3A_850 : vector<16xf32>
      %sub3A_856 = arith.constant 1.500000e+00 : f32
      %sub3A_857 = vector.broadcast %sub3A_856 : f32 to vector<16xf32>
      %sub3A_858 = arith.subf %sub3A_857, %mul3A_855 : vector<16xf32>
      %mul3A_859 = arith.mulf %mul3A_850, %sub3A_858 : vector<16xf32>
      %swap3A_860 = arith.index_cast %add3A_786 : i32 to index
      %swap3A_861 = arith.constant 0 : index
      %swap3A_862 = tpu.vector_load %arg5[%swap3A_860, %swap3A_861] {strides = array<i32>} : memref<32x128xf32, #tpu.memory_space<vmem>>, vector<1x16xf32>,
      %swap3A_863 = vector.shape_cast %swap3A_862 : vector<1x16xf32> to vector<16xf32>
      %swap3A_864 = vector.shape_cast %mul3A_813 : vector<16xf32> to vector<1x16xf32>
      tpu.vector_store %arg5[%swap3A_860, %swap3A_861], %swap3A_864 {strides = array<i32>} : memref<32x128xf32, #tpu.memory_space<vmem>>, vector<1x16xf32>,
      %swap3A_865 = arith.index_cast %add3A_786 : i32 to index
      %swap3A_866 = arith.constant 0 : index
      %swap3A_867 = tpu.vector_load %arg6[%swap3A_865, %swap3A_866] {strides = array<i32>} : memref<32x128xf32, #tpu.memory_space<vmem>>, vector<1x16xf32>,
      %swap3A_868 = vector.shape_cast %swap3A_867 : vector<1x16xf32> to vector<16xf32>
      %swap3A_869 = vector.shape_cast %mul3A_859 : vector<16xf32> to vector<1x16xf32>
      tpu.vector_store %arg6[%swap3A_865, %swap3A_866], %swap3A_869 {strides = array<i32>} : memref<32x128xf32, #tpu.memory_space<vmem>>, vector<1x16xf32>,
      %mul3A_870 = arith.mulf %add3A_824, %mul3A_859 : vector<16xf32>
      %swap3A_871 = arith.index_cast %add3A_786 : i32 to index
      %swap3A_872 = arith.constant 0 : index
      %swap3A_873 = tpu.vector_load %arg7[%swap3A_871, %swap3A_872] {strides = array<i32>} : memref<32x128xf32, #tpu.memory_space<vmem>>, vector<1x16xf32>,
      %swap3A_874 = vector.shape_cast %swap3A_873 : vector<1x16xf32> to vector<16xf32>
      %swap3A_875 = vector.shape_cast %mul3A_870 : vector<16xf32> to vector<1x16xf32>
      tpu.vector_store %arg7[%swap3A_871, %swap3A_872], %swap3A_875 {strides = array<i32>} : memref<32x128xf32, #tpu.memory_space<vmem>>, vector<1x16xf32>,
      %mul3A_876 = arith.constant 3.906250e-03 : f32
      %mul3A_877 = vector.broadcast %mul3A_876 : f32 to vector<16xf32>
      %mul3A_878 = arith.mulf %scan3A_809#1, %mul3A_877 : vector<16xf32>
      %mul3A_879 = arith.constant 2.560000e+02 : f32
      %mul3A_880 = vector.broadcast %mul3A_879 : f32 to vector<16xf32>
      %mul3A_881 = arith.mulf %mul3A_880, %mul3A_878 : vector<16xf32>
      %mul3A_882 = arith.mulf %mul3A_881, %mul3A_878 : vector<16xf32>
      %sub3A_883 = arith.subf %scan3A_809#9, %mul3A_882 : vector<16xf32>
      %mul3A_884 = arith.constant 0.00392156886 : f32
      %mul3A_885 = vector.broadcast %mul3A_884 : f32 to vector<16xf32>
      %mul3A_886 = arith.mulf %sub3A_883, %mul3A_885 : vector<16xf32>
      %add3A_887 = arith.constant 9.99999974E-6 : f32
      %add3A_888 = vector.broadcast %add3A_887 : f32 to vector<16xf32>
      %add3A_889 = arith.addf %mul3A_886, %add3A_888 : vector<16xf32>
      %bitcast_convert_type3A_890 = tpu.bitcast %add3A_889 : vector<16xf32> -> vector<16xi32>
      %shift_right_arithmetic3A_891 = arith.constant 1 : i32
      %shift_right_arithmetic3A_892 = vector.broadcast %shift_right_arithmetic3A_891 : i32 to vector<16xi32>
      %shift_right_arithmetic3A_893 = arith.shrsi %bitcast_convert_type3A_890, %shift_right_arithmetic3A_892 : vector<16xi32>
      %sub3A_894 = arith.constant 1597463007 : i32
      %sub3A_895 = vector.broadcast %sub3A_894 : i32 to vector<16xi32>
      %sub3A_896 = arith.subi %sub3A_895, %shift_right_arithmetic3A_893 : vector<16xi32>
      %bitcast_convert_type3A_897 = tpu.bitcast %sub3A_896 : vector<16xi32> -> vector<16xf32>
      %mul3A_898 = arith.constant 5.000000e-01 : f32
      %mul3A_899 = vector.broadcast %mul3A_898 : f32 to vector<16xf32>
      %mul3A_900 = arith.mulf %mul3A_899, %add3A_889 : vector<16xf32>
      %mul3A_901 = arith.mulf %mul3A_900, %bitcast_convert_type3A_897 : vector<16xf32>
      %mul3A_902 = arith.mulf %mul3A_901, %bitcast_convert_type3A_897 : vector<16xf32>
      %sub3A_903 = arith.constant 1.500000e+00 : f32
      %sub3A_904 = vector.broadcast %sub3A_903 : f32 to vector<16xf32>
      %sub3A_905 = arith.subf %sub3A_904, %mul3A_902 : vector<16xf32>
      %mul3A_906 = arith.mulf %bitcast_convert_type3A_897, %sub3A_905 : vector<16xf32>
      %mul3A_907 = arith.constant 5.000000e-01 : f32
      %mul3A_908 = vector.broadcast %mul3A_907 : f32 to vector<16xf32>
      %mul3A_909 = arith.mulf %mul3A_908, %add3A_889 : vector<16xf32>
      %mul3A_910 = arith.mulf %mul3A_909, %mul3A_906 : vector<16xf32>
      %mul3A_911 = arith.mulf %mul3A_910, %mul3A_906 : vector<16xf32>
      %sub3A_912 = arith.constant 1.500000e+00 : f32
      %sub3A_913 = vector.broadcast %sub3A_912 : f32 to vector<16xf32>
      %sub3A_914 = arith.subf %sub3A_913, %mul3A_911 : vector<16xf32>
      %mul3A_915 = arith.mulf %mul3A_906, %sub3A_914 : vector<16xf32>
      %mul3A_916 = arith.constant 5.000000e-01 : f32
      %mul3A_917 = vector.broadcast %mul3A_916 : f32 to vector<16xf32>
      %mul3A_918 = arith.mulf %mul3A_917, %add3A_889 : vector<16xf32>
      %mul3A_919 = arith.mulf %mul3A_918, %mul3A_915 : vector<16xf32>
      %mul3A_920 = arith.mulf %mul3A_919, %mul3A_915 : vector<16xf32>
      %sub3A_921 = arith.constant 1.500000e+00 : f32
      %sub3A_922 = vector.broadcast %sub3A_921 : f32 to vector<16xf32>
      %sub3A_923 = arith.subf %sub3A_922, %mul3A_920 : vector<16xf32>
      %mul3A_924 = arith.mulf %mul3A_915, %sub3A_923 : vector<16xf32>
      %swap3A_925 = arith.index_cast %add3A_786 : i32 to index
      %swap3A_926 = arith.constant 16 : index
      %swap3A_927 = tpu.vector_load %arg5[%swap3A_925, %swap3A_926] {strides = array<i32>} : memref<32x128xf32, #tpu.memory_space<vmem>>, vector<1x16xf32>,
      %swap3A_928 = vector.shape_cast %swap3A_927 : vector<1x16xf32> to vector<16xf32>
      %swap3A_929 = vector.shape_cast %mul3A_878 : vector<16xf32> to vector<1x16xf32>
      tpu.vector_store %arg5[%swap3A_925, %swap3A_926], %swap3A_929 {strides = array<i32>} : memref<32x128xf32, #tpu.memory_space<vmem>>, vector<1x16xf32>,
      %swap3A_930 = arith.index_cast %add3A_786 : i32 to index
      %swap3A_931 = arith.constant 16 : index
      %swap3A_932 = tpu.vector_load %arg6[%swap3A_930, %swap3A_931] {strides = array<i32>} : memref<32x128xf32, #tpu.memory_space<vmem>>, vector<1x16xf32>,
      %swap3A_933 = vector.shape_cast %swap3A_932 : vector<1x16xf32> to vector<16xf32>
      %swap3A_934 = vector.shape_cast %mul3A_924 : vector<16xf32> to vector<1x16xf32>
      tpu.vector_store %arg6[%swap3A_930, %swap3A_931], %swap3A_934 {strides = array<i32>} : memref<32x128xf32, #tpu.memory_space<vmem>>, vector<1x16xf32>,
      %mul3A_935 = arith.mulf %add3A_889, %mul3A_924 : vector<16xf32>
      %swap3A_936 = arith.index_cast %add3A_786 : i32 to index
      %swap3A_937 = arith.constant 16 : index
      %swap3A_938 = tpu.vector_load %arg7[%swap3A_936, %swap3A_937] {strides = array<i32>} : memref<32x128xf32, #tpu.memory_space<vmem>>, vector<1x16xf32>,
      %swap3A_939 = vector.shape_cast %swap3A_938 : vector<1x16xf32> to vector<16xf32>
      %swap3A_940 = vector.shape_cast %mul3A_935 : vector<16xf32> to vector<1x16xf32>
      tpu.vector_store %arg7[%swap3A_936, %swap3A_937], %swap3A_940 {strides = array<i32>} : memref<32x128xf32, #tpu.memory_space<vmem>>, vector<1x16xf32>,
      %mul3A_941 = arith.constant 3.906250e-03 : f32
      %mul3A_942 = vector.broadcast %mul3A_941 : f32 to vector<16xf32>
      %mul3A_943 = arith.mulf %scan3A_809#2, %mul3A_942 : vector<16xf32>
      %mul3A_944 = arith.constant 2.560000e+02 : f32
      %mul3A_945 = vector.broadcast %mul3A_944 : f32 to vector<16xf32>
      %mul3A_946 = arith.mulf %mul3A_945, %mul3A_943 : vector<16xf32>
      %mul3A_947 = arith.mulf %mul3A_946, %mul3A_943 : vector<16xf32>
      %sub3A_948 = arith.subf %scan3A_809#10, %mul3A_947 : vector<16xf32>
      %mul3A_949 = arith.constant 0.00392156886 : f32
      %mul3A_950 = vector.broadcast %mul3A_949 : f32 to vector<16xf32>
      %mul3A_951 = arith.mulf %sub3A_948, %mul3A_950 : vector<16xf32>
      %add3A_952 = arith.constant 9.99999974E-6 : f32
      %add3A_953 = vector.broadcast %add3A_952 : f32 to vector<16xf32>
      %add3A_954 = arith.addf %mul3A_951, %add3A_953 : vector<16xf32>
      %bitcast_convert_type3A_955 = tpu.bitcast %add3A_954 : vector<16xf32> -> vector<16xi32>
      %shift_right_arithmetic3A_956 = arith.constant 1 : i32
      %shift_right_arithmetic3A_957 = vector.broadcast %shift_right_arithmetic3A_956 : i32 to vector<16xi32>
      %shift_right_arithmetic3A_958 = arith.shrsi %bitcast_convert_type3A_955, %shift_right_arithmetic3A_957 : vector<16xi32>
      %sub3A_959 = arith.constant 1597463007 : i32
      %sub3A_960 = vector.broadcast %sub3A_959 : i32 to vector<16xi32>
      %sub3A_961 = arith.subi %sub3A_960, %shift_right_arithmetic3A_958 : vector<16xi32>
      %bitcast_convert_type3A_962 = tpu.bitcast %sub3A_961 : vector<16xi32> -> vector<16xf32>
      %mul3A_963 = arith.constant 5.000000e-01 : f32
      %mul3A_964 = vector.broadcast %mul3A_963 : f32 to vector<16xf32>
      %mul3A_965 = arith.mulf %mul3A_964, %add3A_954 : vector<16xf32>
      %mul3A_966 = arith.mulf %mul3A_965, %bitcast_convert_type3A_962 : vector<16xf32>
      %mul3A_967 = arith.mulf %mul3A_966, %bitcast_convert_type3A_962 : vector<16xf32>
      %sub3A_968 = arith.constant 1.500000e+00 : f32
      %sub3A_969 = vector.broadcast %sub3A_968 : f32 to vector<16xf32>
      %sub3A_970 = arith.subf %sub3A_969, %mul3A_967 : vector<16xf32>
      %mul3A_971 = arith.mulf %bitcast_convert_type3A_962, %sub3A_970 : vector<16xf32>
      %mul3A_972 = arith.constant 5.000000e-01 : f32
      %mul3A_973 = vector.broadcast %mul3A_972 : f32 to vector<16xf32>
      %mul3A_974 = arith.mulf %mul3A_973, %add3A_954 : vector<16xf32>
      %mul3A_975 = arith.mulf %mul3A_974, %mul3A_971 : vector<16xf32>
      %mul3A_976 = arith.mulf %mul3A_975, %mul3A_971 : vector<16xf32>
      %sub3A_977 = arith.constant 1.500000e+00 : f32
      %sub3A_978 = vector.broadcast %sub3A_977 : f32 to vector<16xf32>
      %sub3A_979 = arith.subf %sub3A_978, %mul3A_976 : vector<16xf32>
      %mul3A_980 = arith.mulf %mul3A_971, %sub3A_979 : vector<16xf32>
      %mul3A_981 = arith.constant 5.000000e-01 : f32
      %mul3A_982 = vector.broadcast %mul3A_981 : f32 to vector<16xf32>
      %mul3A_983 = arith.mulf %mul3A_982, %add3A_954 : vector<16xf32>
      %mul3A_984 = arith.mulf %mul3A_983, %mul3A_980 : vector<16xf32>
      %mul3A_985 = arith.mulf %mul3A_984, %mul3A_980 : vector<16xf32>
      %sub3A_986 = arith.constant 1.500000e+00 : f32
      %sub3A_987 = vector.broadcast %sub3A_986 : f32 to vector<16xf32>
      %sub3A_988 = arith.subf %sub3A_987, %mul3A_985 : vector<16xf32>
      %mul3A_989 = arith.mulf %mul3A_980, %sub3A_988 : vector<16xf32>
      %swap3A_990 = arith.index_cast %add3A_786 : i32 to index
      %swap3A_991 = arith.constant 32 : index
      %swap3A_992 = tpu.vector_load %arg5[%swap3A_990, %swap3A_991] {strides = array<i32>} : memref<32x128xf32, #tpu.memory_space<vmem>>, vector<1x16xf32>,
      %swap3A_993 = vector.shape_cast %swap3A_992 : vector<1x16xf32> to vector<16xf32>
      %swap3A_994 = vector.shape_cast %mul3A_943 : vector<16xf32> to vector<1x16xf32>
      tpu.vector_store %arg5[%swap3A_990, %swap3A_991], %swap3A_994 {strides = array<i32>} : memref<32x128xf32, #tpu.memory_space<vmem>>, vector<1x16xf32>,
      %swap3A_995 = arith.index_cast %add3A_786 : i32 to index
      %swap3A_996 = arith.constant 32 : index
      %swap3A_997 = tpu.vector_load %arg6[%swap3A_995, %swap3A_996] {strides = array<i32>} : memref<32x128xf32, #tpu.memory_space<vmem>>, vector<1x16xf32>,
      %swap3A_998 = vector.shape_cast %swap3A_997 : vector<1x16xf32> to vector<16xf32>
      %swap3A_999 = vector.shape_cast %mul3A_989 : vector<16xf32> to vector<1x16xf32>
      tpu.vector_store %arg6[%swap3A_995, %swap3A_996], %swap3A_999 {strides = array<i32>} : memref<32x128xf32, #tpu.memory_space<vmem>>, vector<1x16xf32>,
      %mul3A_1000 = arith.mulf %add3A_954, %mul3A_989 : vector<16xf32>
      %swap3A_1001 = arith.index_cast %add3A_786 : i32 to index
      %swap3A_1002 = arith.constant 32 : index
      %swap3A_1003 = tpu.vector_load %arg7[%swap3A_1001, %swap3A_1002] {strides = array<i32>} : memref<32x128xf32, #tpu.memory_space<vmem>>, vector<1x16xf32>,
      %swap3A_1004 = vector.shape_cast %swap3A_1003 : vector<1x16xf32> to vector<16xf32>
      %swap3A_1005 = vector.shape_cast %mul3A_1000 : vector<16xf32> to vector<1x16xf32>
      tpu.vector_store %arg7[%swap3A_1001, %swap3A_1002], %swap3A_1005 {strides = array<i32>} : memref<32x128xf32, #tpu.memory_space<vmem>>, vector<1x16xf32>,
      %mul3A_1006 = arith.constant 3.906250e-03 : f32
      %mul3A_1007 = vector.broadcast %mul3A_1006 : f32 to vector<16xf32>
      %mul3A_1008 = arith.mulf %scan3A_809#3, %mul3A_1007 : vector<16xf32>
      %mul3A_1009 = arith.constant 2.560000e+02 : f32
      %mul3A_1010 = vector.broadcast %mul3A_1009 : f32 to vector<16xf32>
      %mul3A_1011 = arith.mulf %mul3A_1010, %mul3A_1008 : vector<16xf32>
      %mul3A_1012 = arith.mulf %mul3A_1011, %mul3A_1008 : vector<16xf32>
      %sub3A_1013 = arith.subf %scan3A_809#11, %mul3A_1012 : vector<16xf32>
      %mul3A_1014 = arith.constant 0.00392156886 : f32
      %mul3A_1015 = vector.broadcast %mul3A_1014 : f32 to vector<16xf32>
      %mul3A_1016 = arith.mulf %sub3A_1013, %mul3A_1015 : vector<16xf32>
      %add3A_1017 = arith.constant 9.99999974E-6 : f32
      %add3A_1018 = vector.broadcast %add3A_1017 : f32 to vector<16xf32>
      %add3A_1019 = arith.addf %mul3A_1016, %add3A_1018 : vector<16xf32>
      %bitcast_convert_type3A_1020 = tpu.bitcast %add3A_1019 : vector<16xf32> -> vector<16xi32>
      %shift_right_arithmetic3A_1021 = arith.constant 1 : i32
      %shift_right_arithmetic3A_1022 = vector.broadcast %shift_right_arithmetic3A_1021 : i32 to vector<16xi32>
      %shift_right_arithmetic3A_1023 = arith.shrsi %bitcast_convert_type3A_1020, %shift_right_arithmetic3A_1022 : vector<16xi32>
      %sub3A_1024 = arith.constant 1597463007 : i32
      %sub3A_1025 = vector.broadcast %sub3A_1024 : i32 to vector<16xi32>
      %sub3A_1026 = arith.subi %sub3A_1025, %shift_right_arithmetic3A_1023 : vector<16xi32>
      %bitcast_convert_type3A_1027 = tpu.bitcast %sub3A_1026 : vector<16xi32> -> vector<16xf32>
      %mul3A_1028 = arith.constant 5.000000e-01 : f32
      %mul3A_1029 = vector.broadcast %mul3A_1028 : f32 to vector<16xf32>
      %mul3A_1030 = arith.mulf %mul3A_1029, %add3A_1019 : vector<16xf32>
      %mul3A_1031 = arith.mulf %mul3A_1030, %bitcast_convert_type3A_1027 : vector<16xf32>
      %mul3A_1032 = arith.mulf %mul3A_1031, %bitcast_convert_type3A_1027 : vector<16xf32>
      %sub3A_1033 = arith.constant 1.500000e+00 : f32
      %sub3A_1034 = vector.broadcast %sub3A_1033 : f32 to vector<16xf32>
      %sub3A_1035 = arith.subf %sub3A_1034, %mul3A_1032 : vector<16xf32>
      %mul3A_1036 = arith.mulf %bitcast_convert_type3A_1027, %sub3A_1035 : vector<16xf32>
      %mul3A_1037 = arith.constant 5.000000e-01 : f32
      %mul3A_1038 = vector.broadcast %mul3A_1037 : f32 to vector<16xf32>
      %mul3A_1039 = arith.mulf %mul3A_1038, %add3A_1019 : vector<16xf32>
      %mul3A_1040 = arith.mulf %mul3A_1039, %mul3A_1036 : vector<16xf32>
      %mul3A_1041 = arith.mulf %mul3A_1040, %mul3A_1036 : vector<16xf32>
      %sub3A_1042 = arith.constant 1.500000e+00 : f32
      %sub3A_1043 = vector.broadcast %sub3A_1042 : f32 to vector<16xf32>
      %sub3A_1044 = arith.subf %sub3A_1043, %mul3A_1041 : vector<16xf32>
      %mul3A_1045 = arith.mulf %mul3A_1036, %sub3A_1044 : vector<16xf32>
      %mul3A_1046 = arith.constant 5.000000e-01 : f32
      %mul3A_1047 = vector.broadcast %mul3A_1046 : f32 to vector<16xf32>
      %mul3A_1048 = arith.mulf %mul3A_1047, %add3A_1019 : vector<16xf32>
      %mul3A_1049 = arith.mulf %mul3A_1048, %mul3A_1045 : vector<16xf32>
      %mul3A_1050 = arith.mulf %mul3A_1049, %mul3A_1045 : vector<16xf32>
      %sub3A_1051 = arith.constant 1.500000e+00 : f32
      %sub3A_1052 = vector.broadcast %sub3A_1051 : f32 to vector<16xf32>
      %sub3A_1053 = arith.subf %sub3A_1052, %mul3A_1050 : vector<16xf32>
      %mul3A_1054 = arith.mulf %mul3A_1045, %sub3A_1053 : vector<16xf32>
      %swap3A_1055 = arith.index_cast %add3A_786 : i32 to index
      %swap3A_1056 = arith.constant 48 : index
      %swap3A_1057 = tpu.vector_load %arg5[%swap3A_1055, %swap3A_1056] {strides = array<i32>} : memref<32x128xf32, #tpu.memory_space<vmem>>, vector<1x16xf32>,
      %swap3A_1058 = vector.shape_cast %swap3A_1057 : vector<1x16xf32> to vector<16xf32>
      %swap3A_1059 = vector.shape_cast %mul3A_1008 : vector<16xf32> to vector<1x16xf32>
      tpu.vector_store %arg5[%swap3A_1055, %swap3A_1056], %swap3A_1059 {strides = array<i32>} : memref<32x128xf32, #tpu.memory_space<vmem>>, vector<1x16xf32>,
      %swap3A_1060 = arith.index_cast %add3A_786 : i32 to index
      %swap3A_1061 = arith.constant 48 : index
      %swap3A_1062 = tpu.vector_load %arg6[%swap3A_1060, %swap3A_1061] {strides = array<i32>} : memref<32x128xf32, #tpu.memory_space<vmem>>, vector<1x16xf32>,
      %swap3A_1063 = vector.shape_cast %swap3A_1062 : vector<1x16xf32> to vector<16xf32>
      %swap3A_1064 = vector.shape_cast %mul3A_1054 : vector<16xf32> to vector<1x16xf32>
      tpu.vector_store %arg6[%swap3A_1060, %swap3A_1061], %swap3A_1064 {strides = array<i32>} : memref<32x128xf32, #tpu.memory_space<vmem>>, vector<1x16xf32>,
      %mul3A_1065 = arith.mulf %add3A_1019, %mul3A_1054 : vector<16xf32>
      %swap3A_1066 = arith.index_cast %add3A_786 : i32 to index
      %swap3A_1067 = arith.constant 48 : index
      %swap3A_1068 = tpu.vector_load %arg7[%swap3A_1066, %swap3A_1067] {strides = array<i32>} : memref<32x128xf32, #tpu.memory_space<vmem>>, vector<1x16xf32>,
      %swap3A_1069 = vector.shape_cast %swap3A_1068 : vector<1x16xf32> to vector<16xf32>
      %swap3A_1070 = vector.shape_cast %mul3A_1065 : vector<16xf32> to vector<1x16xf32>
      tpu.vector_store %arg7[%swap3A_1066, %swap3A_1067], %swap3A_1070 {strides = array<i32>} : memref<32x128xf32, #tpu.memory_space<vmem>>, vector<1x16xf32>,
      %mul3A_1071 = arith.constant 3.906250e-03 : f32
      %mul3A_1072 = vector.broadcast %mul3A_1071 : f32 to vector<16xf32>
      %mul3A_1073 = arith.mulf %scan3A_809#4, %mul3A_1072 : vector<16xf32>
      %mul3A_1074 = arith.constant 2.560000e+02 : f32
      %mul3A_1075 = vector.broadcast %mul3A_1074 : f32 to vector<16xf32>
      %mul3A_1076 = arith.mulf %mul3A_1075, %mul3A_1073 : vector<16xf32>
      %mul3A_1077 = arith.mulf %mul3A_1076, %mul3A_1073 : vector<16xf32>
      %sub3A_1078 = arith.subf %scan3A_809#12, %mul3A_1077 : vector<16xf32>
      %mul3A_1079 = arith.constant 0.00392156886 : f32
      %mul3A_1080 = vector.broadcast %mul3A_1079 : f32 to vector<16xf32>
      %mul3A_1081 = arith.mulf %sub3A_1078, %mul3A_1080 : vector<16xf32>
      %add3A_1082 = arith.constant 9.99999974E-6 : f32
      %add3A_1083 = vector.broadcast %add3A_1082 : f32 to vector<16xf32>
      %add3A_1084 = arith.addf %mul3A_1081, %add3A_1083 : vector<16xf32>
      %bitcast_convert_type3A_1085 = tpu.bitcast %add3A_1084 : vector<16xf32> -> vector<16xi32>
      %shift_right_arithmetic3A_1086 = arith.constant 1 : i32
      %shift_right_arithmetic3A_1087 = vector.broadcast %shift_right_arithmetic3A_1086 : i32 to vector<16xi32>
      %shift_right_arithmetic3A_1088 = arith.shrsi %bitcast_convert_type3A_1085, %shift_right_arithmetic3A_1087 : vector<16xi32>
      %sub3A_1089 = arith.constant 1597463007 : i32
      %sub3A_1090 = vector.broadcast %sub3A_1089 : i32 to vector<16xi32>
      %sub3A_1091 = arith.subi %sub3A_1090, %shift_right_arithmetic3A_1088 : vector<16xi32>
      %bitcast_convert_type3A_1092 = tpu.bitcast %sub3A_1091 : vector<16xi32> -> vector<16xf32>
      %mul3A_1093 = arith.constant 5.000000e-01 : f32
      %mul3A_1094 = vector.broadcast %mul3A_1093 : f32 to vector<16xf32>
      %mul3A_1095 = arith.mulf %mul3A_1094, %add3A_1084 : vector<16xf32>
      %mul3A_1096 = arith.mulf %mul3A_1095, %bitcast_convert_type3A_1092 : vector<16xf32>
      %mul3A_1097 = arith.mulf %mul3A_1096, %bitcast_convert_type3A_1092 : vector<16xf32>
      %sub3A_1098 = arith.constant 1.500000e+00 : f32
      %sub3A_1099 = vector.broadcast %sub3A_1098 : f32 to vector<16xf32>
      %sub3A_1100 = arith.subf %sub3A_1099, %mul3A_1097 : vector<16xf32>
      %mul3A_1101 = arith.mulf %bitcast_convert_type3A_1092, %sub3A_1100 : vector<16xf32>
      %mul3A_1102 = arith.constant 5.000000e-01 : f32
      %mul3A_1103 = vector.broadcast %mul3A_1102 : f32 to vector<16xf32>
      %mul3A_1104 = arith.mulf %mul3A_1103, %add3A_1084 : vector<16xf32>
      %mul3A_1105 = arith.mulf %mul3A_1104, %mul3A_1101 : vector<16xf32>
      %mul3A_1106 = arith.mulf %mul3A_1105, %mul3A_1101 : vector<16xf32>
      %sub3A_1107 = arith.constant 1.500000e+00 : f32
      %sub3A_1108 = vector.broadcast %sub3A_1107 : f32 to vector<16xf32>
      %sub3A_1109 = arith.subf %sub3A_1108, %mul3A_1106 : vector<16xf32>
      %mul3A_1110 = arith.mulf %mul3A_1101, %sub3A_1109 : vector<16xf32>
      %mul3A_1111 = arith.constant 5.000000e-01 : f32
      %mul3A_1112 = vector.broadcast %mul3A_1111 : f32 to vector<16xf32>
      %mul3A_1113 = arith.mulf %mul3A_1112, %add3A_1084 : vector<16xf32>
      %mul3A_1114 = arith.mulf %mul3A_1113, %mul3A_1110 : vector<16xf32>
      %mul3A_1115 = arith.mulf %mul3A_1114, %mul3A_1110 : vector<16xf32>
      %sub3A_1116 = arith.constant 1.500000e+00 : f32
      %sub3A_1117 = vector.broadcast %sub3A_1116 : f32 to vector<16xf32>
      %sub3A_1118 = arith.subf %sub3A_1117, %mul3A_1115 : vector<16xf32>
      %mul3A_1119 = arith.mulf %mul3A_1110, %sub3A_1118 : vector<16xf32>
      %swap3A_1120 = arith.index_cast %add3A_786 : i32 to index
      %swap3A_1121 = arith.constant 64 : index
      %swap3A_1122 = tpu.vector_load %arg5[%swap3A_1120, %swap3A_1121] {strides = array<i32>} : memref<32x128xf32, #tpu.memory_space<vmem>>, vector<1x16xf32>,
      %swap3A_1123 = vector.shape_cast %swap3A_1122 : vector<1x16xf32> to vector<16xf32>
      %swap3A_1124 = vector.shape_cast %mul3A_1073 : vector<16xf32> to vector<1x16xf32>
      tpu.vector_store %arg5[%swap3A_1120, %swap3A_1121], %swap3A_1124 {strides = array<i32>} : memref<32x128xf32, #tpu.memory_space<vmem>>, vector<1x16xf32>,
      %swap3A_1125 = arith.index_cast %add3A_786 : i32 to index
      %swap3A_1126 = arith.constant 64 : index
      %swap3A_1127 = tpu.vector_load %arg6[%swap3A_1125, %swap3A_1126] {strides = array<i32>} : memref<32x128xf32, #tpu.memory_space<vmem>>, vector<1x16xf32>,
      %swap3A_1128 = vector.shape_cast %swap3A_1127 : vector<1x16xf32> to vector<16xf32>
      %swap3A_1129 = vector.shape_cast %mul3A_1119 : vector<16xf32> to vector<1x16xf32>
      tpu.vector_store %arg6[%swap3A_1125, %swap3A_1126], %swap3A_1129 {strides = array<i32>} : memref<32x128xf32, #tpu.memory_space<vmem>>, vector<1x16xf32>,
      %mul3A_1130 = arith.mulf %add3A_1084, %mul3A_1119 : vector<16xf32>
      %swap3A_1131 = arith.index_cast %add3A_786 : i32 to index
      %swap3A_1132 = arith.constant 64 : index
      %swap3A_1133 = tpu.vector_load %arg7[%swap3A_1131, %swap3A_1132] {strides = array<i32>} : memref<32x128xf32, #tpu.memory_space<vmem>>, vector<1x16xf32>,
      %swap3A_1134 = vector.shape_cast %swap3A_1133 : vector<1x16xf32> to vector<16xf32>
      %swap3A_1135 = vector.shape_cast %mul3A_1130 : vector<16xf32> to vector<1x16xf32>
      tpu.vector_store %arg7[%swap3A_1131, %swap3A_1132], %swap3A_1135 {strides = array<i32>} : memref<32x128xf32, #tpu.memory_space<vmem>>, vector<1x16xf32>,
      %mul3A_1136 = arith.constant 3.906250e-03 : f32
      %mul3A_1137 = vector.broadcast %mul3A_1136 : f32 to vector<16xf32>
      %mul3A_1138 = arith.mulf %scan3A_809#5, %mul3A_1137 : vector<16xf32>
      %mul3A_1139 = arith.constant 2.560000e+02 : f32
      %mul3A_1140 = vector.broadcast %mul3A_1139 : f32 to vector<16xf32>
      %mul3A_1141 = arith.mulf %mul3A_1140, %mul3A_1138 : vector<16xf32>
      %mul3A_1142 = arith.mulf %mul3A_1141, %mul3A_1138 : vector<16xf32>
      %sub3A_1143 = arith.subf %scan3A_809#13, %mul3A_1142 : vector<16xf32>
      %mul3A_1144 = arith.constant 0.00392156886 : f32
      %mul3A_1145 = vector.broadcast %mul3A_1144 : f32 to vector<16xf32>
      %mul3A_1146 = arith.mulf %sub3A_1143, %mul3A_1145 : vector<16xf32>
      %add3A_1147 = arith.constant 9.99999974E-6 : f32
      %add3A_1148 = vector.broadcast %add3A_1147 : f32 to vector<16xf32>
      %add3A_1149 = arith.addf %mul3A_1146, %add3A_1148 : vector<16xf32>
      %bitcast_convert_type3A_1150 = tpu.bitcast %add3A_1149 : vector<16xf32> -> vector<16xi32>
      %shift_right_arithmetic3A_1151 = arith.constant 1 : i32
      %shift_right_arithmetic3A_1152 = vector.broadcast %shift_right_arithmetic3A_1151 : i32 to vector<16xi32>
      %shift_right_arithmetic3A_1153 = arith.shrsi %bitcast_convert_type3A_1150, %shift_right_arithmetic3A_1152 : vector<16xi32>
      %sub3A_1154 = arith.constant 1597463007 : i32
      %sub3A_1155 = vector.broadcast %sub3A_1154 : i32 to vector<16xi32>
      %sub3A_1156 = arith.subi %sub3A_1155, %shift_right_arithmetic3A_1153 : vector<16xi32>
      %bitcast_convert_type3A_1157 = tpu.bitcast %sub3A_1156 : vector<16xi32> -> vector<16xf32>
      %mul3A_1158 = arith.constant 5.000000e-01 : f32
      %mul3A_1159 = vector.broadcast %mul3A_1158 : f32 to vector<16xf32>
      %mul3A_1160 = arith.mulf %mul3A_1159, %add3A_1149 : vector<16xf32>
      %mul3A_1161 = arith.mulf %mul3A_1160, %bitcast_convert_type3A_1157 : vector<16xf32>
      %mul3A_1162 = arith.mulf %mul3A_1161, %bitcast_convert_type3A_1157 : vector<16xf32>
      %sub3A_1163 = arith.constant 1.500000e+00 : f32
      %sub3A_1164 = vector.broadcast %sub3A_1163 : f32 to vector<16xf32>
      %sub3A_1165 = arith.subf %sub3A_1164, %mul3A_1162 : vector<16xf32>
      %mul3A_1166 = arith.mulf %bitcast_convert_type3A_1157, %sub3A_1165 : vector<16xf32>
      %mul3A_1167 = arith.constant 5.000000e-01 : f32
      %mul3A_1168 = vector.broadcast %mul3A_1167 : f32 to vector<16xf32>
      %mul3A_1169 = arith.mulf %mul3A_1168, %add3A_1149 : vector<16xf32>
      %mul3A_1170 = arith.mulf %mul3A_1169, %mul3A_1166 : vector<16xf32>
      %mul3A_1171 = arith.mulf %mul3A_1170, %mul3A_1166 : vector<16xf32>
      %sub3A_1172 = arith.constant 1.500000e+00 : f32
      %sub3A_1173 = vector.broadcast %sub3A_1172 : f32 to vector<16xf32>
      %sub3A_1174 = arith.subf %sub3A_1173, %mul3A_1171 : vector<16xf32>
      %mul3A_1175 = arith.mulf %mul3A_1166, %sub3A_1174 : vector<16xf32>
      %mul3A_1176 = arith.constant 5.000000e-01 : f32
      %mul3A_1177 = vector.broadcast %mul3A_1176 : f32 to vector<16xf32>
      %mul3A_1178 = arith.mulf %mul3A_1177, %add3A_1149 : vector<16xf32>
      %mul3A_1179 = arith.mulf %mul3A_1178, %mul3A_1175 : vector<16xf32>
      %mul3A_1180 = arith.mulf %mul3A_1179, %mul3A_1175 : vector<16xf32>
      %sub3A_1181 = arith.constant 1.500000e+00 : f32
      %sub3A_1182 = vector.broadcast %sub3A_1181 : f32 to vector<16xf32>
      %sub3A_1183 = arith.subf %sub3A_1182, %mul3A_1180 : vector<16xf32>
      %mul3A_1184 = arith.mulf %mul3A_1175, %sub3A_1183 : vector<16xf32>
      %swap3A_1185 = arith.index_cast %add3A_786 : i32 to index
      %swap3A_1186 = arith.constant 80 : index
      %swap3A_1187 = tpu.vector_load %arg5[%swap3A_1185, %swap3A_1186] {strides = array<i32>} : memref<32x128xf32, #tpu.memory_space<vmem>>, vector<1x16xf32>,
      %swap3A_1188 = vector.shape_cast %swap3A_1187 : vector<1x16xf32> to vector<16xf32>
      %swap3A_1189 = vector.shape_cast %mul3A_1138 : vector<16xf32> to vector<1x16xf32>
      tpu.vector_store %arg5[%swap3A_1185, %swap3A_1186], %swap3A_1189 {strides = array<i32>} : memref<32x128xf32, #tpu.memory_space<vmem>>, vector<1x16xf32>,
      %swap3A_1190 = arith.index_cast %add3A_786 : i32 to index
      %swap3A_1191 = arith.constant 80 : index
      %swap3A_1192 = tpu.vector_load %arg6[%swap3A_1190, %swap3A_1191] {strides = array<i32>} : memref<32x128xf32, #tpu.memory_space<vmem>>, vector<1x16xf32>,
      %swap3A_1193 = vector.shape_cast %swap3A_1192 : vector<1x16xf32> to vector<16xf32>
      %swap3A_1194 = vector.shape_cast %mul3A_1184 : vector<16xf32> to vector<1x16xf32>
      tpu.vector_store %arg6[%swap3A_1190, %swap3A_1191], %swap3A_1194 {strides = array<i32>} : memref<32x128xf32, #tpu.memory_space<vmem>>, vector<1x16xf32>,
      %mul3A_1195 = arith.mulf %add3A_1149, %mul3A_1184 : vector<16xf32>
      %swap3A_1196 = arith.index_cast %add3A_786 : i32 to index
      %swap3A_1197 = arith.constant 80 : index
      %swap3A_1198 = tpu.vector_load %arg7[%swap3A_1196, %swap3A_1197] {strides = array<i32>} : memref<32x128xf32, #tpu.memory_space<vmem>>, vector<1x16xf32>,
      %swap3A_1199 = vector.shape_cast %swap3A_1198 : vector<1x16xf32> to vector<16xf32>
      %swap3A_1200 = vector.shape_cast %mul3A_1195 : vector<16xf32> to vector<1x16xf32>
      tpu.vector_store %arg7[%swap3A_1196, %swap3A_1197], %swap3A_1200 {strides = array<i32>} : memref<32x128xf32, #tpu.memory_space<vmem>>, vector<1x16xf32>,
      %mul3A_1201 = arith.constant 3.906250e-03 : f32
      %mul3A_1202 = vector.broadcast %mul3A_1201 : f32 to vector<16xf32>
      %mul3A_1203 = arith.mulf %scan3A_809#6, %mul3A_1202 : vector<16xf32>
      %mul3A_1204 = arith.constant 2.560000e+02 : f32
      %mul3A_1205 = vector.broadcast %mul3A_1204 : f32 to vector<16xf32>
      %mul3A_1206 = arith.mulf %mul3A_1205, %mul3A_1203 : vector<16xf32>
      %mul3A_1207 = arith.mulf %mul3A_1206, %mul3A_1203 : vector<16xf32>
      %sub3A_1208 = arith.subf %scan3A_809#14, %mul3A_1207 : vector<16xf32>
      %mul3A_1209 = arith.constant 0.00392156886 : f32
      %mul3A_1210 = vector.broadcast %mul3A_1209 : f32 to vector<16xf32>
      %mul3A_1211 = arith.mulf %sub3A_1208, %mul3A_1210 : vector<16xf32>
      %add3A_1212 = arith.constant 9.99999974E-6 : f32
      %add3A_1213 = vector.broadcast %add3A_1212 : f32 to vector<16xf32>
      %add3A_1214 = arith.addf %mul3A_1211, %add3A_1213 : vector<16xf32>
      %bitcast_convert_type3A_1215 = tpu.bitcast %add3A_1214 : vector<16xf32> -> vector<16xi32>
      %shift_right_arithmetic3A_1216 = arith.constant 1 : i32
      %shift_right_arithmetic3A_1217 = vector.broadcast %shift_right_arithmetic3A_1216 : i32 to vector<16xi32>
      %shift_right_arithmetic3A_1218 = arith.shrsi %bitcast_convert_type3A_1215, %shift_right_arithmetic3A_1217 : vector<16xi32>
      %sub3A_1219 = arith.constant 1597463007 : i32
      %sub3A_1220 = vector.broadcast %sub3A_1219 : i32 to vector<16xi32>
      %sub3A_1221 = arith.subi %sub3A_1220, %shift_right_arithmetic3A_1218 : vector<16xi32>
      %bitcast_convert_type3A_1222 = tpu.bitcast %sub3A_1221 : vector<16xi32> -> vector<16xf32>
      %mul3A_1223 = arith.constant 5.000000e-01 : f32
      %mul3A_1224 = vector.broadcast %mul3A_1223 : f32 to vector<16xf32>
      %mul3A_1225 = arith.mulf %mul3A_1224, %add3A_1214 : vector<16xf32>
      %mul3A_1226 = arith.mulf %mul3A_1225, %bitcast_convert_type3A_1222 : vector<16xf32>
      %mul3A_1227 = arith.mulf %mul3A_1226, %bitcast_convert_type3A_1222 : vector<16xf32>
      %sub3A_1228 = arith.constant 1.500000e+00 : f32
      %sub3A_1229 = vector.broadcast %sub3A_1228 : f32 to vector<16xf32>
      %sub3A_1230 = arith.subf %sub3A_1229, %mul3A_1227 : vector<16xf32>
      %mul3A_1231 = arith.mulf %bitcast_convert_type3A_1222, %sub3A_1230 : vector<16xf32>
      %mul3A_1232 = arith.constant 5.000000e-01 : f32
      %mul3A_1233 = vector.broadcast %mul3A_1232 : f32 to vector<16xf32>
      %mul3A_1234 = arith.mulf %mul3A_1233, %add3A_1214 : vector<16xf32>
      %mul3A_1235 = arith.mulf %mul3A_1234, %mul3A_1231 : vector<16xf32>
      %mul3A_1236 = arith.mulf %mul3A_1235, %mul3A_1231 : vector<16xf32>
      %sub3A_1237 = arith.constant 1.500000e+00 : f32
      %sub3A_1238 = vector.broadcast %sub3A_1237 : f32 to vector<16xf32>
      %sub3A_1239 = arith.subf %sub3A_1238, %mul3A_1236 : vector<16xf32>
      %mul3A_1240 = arith.mulf %mul3A_1231, %sub3A_1239 : vector<16xf32>
      %mul3A_1241 = arith.constant 5.000000e-01 : f32
      %mul3A_1242 = vector.broadcast %mul3A_1241 : f32 to vector<16xf32>
      %mul3A_1243 = arith.mulf %mul3A_1242, %add3A_1214 : vector<16xf32>
      %mul3A_1244 = arith.mulf %mul3A_1243, %mul3A_1240 : vector<16xf32>
      %mul3A_1245 = arith.mulf %mul3A_1244, %mul3A_1240 : vector<16xf32>
      %sub3A_1246 = arith.constant 1.500000e+00 : f32
      %sub3A_1247 = vector.broadcast %sub3A_1246 : f32 to vector<16xf32>
      %sub3A_1248 = arith.subf %sub3A_1247, %mul3A_1245 : vector<16xf32>
      %mul3A_1249 = arith.mulf %mul3A_1240, %sub3A_1248 : vector<16xf32>
      %swap3A_1250 = arith.index_cast %add3A_786 : i32 to index
      %swap3A_1251 = arith.constant 96 : index
      %swap3A_1252 = tpu.vector_load %arg5[%swap3A_1250, %swap3A_1251] {strides = array<i32>} : memref<32x128xf32, #tpu.memory_space<vmem>>, vector<1x16xf32>,
      %swap3A_1253 = vector.shape_cast %swap3A_1252 : vector<1x16xf32> to vector<16xf32>
      %swap3A_1254 = vector.shape_cast %mul3A_1203 : vector<16xf32> to vector<1x16xf32>
      tpu.vector_store %arg5[%swap3A_1250, %swap3A_1251], %swap3A_1254 {strides = array<i32>} : memref<32x128xf32, #tpu.memory_space<vmem>>, vector<1x16xf32>,
      %swap3A_1255 = arith.index_cast %add3A_786 : i32 to index
      %swap3A_1256 = arith.constant 96 : index
      %swap3A_1257 = tpu.vector_load %arg6[%swap3A_1255, %swap3A_1256] {strides = array<i32>} : memref<32x128xf32, #tpu.memory_space<vmem>>, vector<1x16xf32>,
      %swap3A_1258 = vector.shape_cast %swap3A_1257 : vector<1x16xf32> to vector<16xf32>
      %swap3A_1259 = vector.shape_cast %mul3A_1249 : vector<16xf32> to vector<1x16xf32>
      tpu.vector_store %arg6[%swap3A_1255, %swap3A_1256], %swap3A_1259 {strides = array<i32>} : memref<32x128xf32, #tpu.memory_space<vmem>>, vector<1x16xf32>,
      %mul3A_1260 = arith.mulf %add3A_1214, %mul3A_1249 : vector<16xf32>
      %swap3A_1261 = arith.index_cast %add3A_786 : i32 to index
      %swap3A_1262 = arith.constant 96 : index
      %swap3A_1263 = tpu.vector_load %arg7[%swap3A_1261, %swap3A_1262] {strides = array<i32>} : memref<32x128xf32, #tpu.memory_space<vmem>>, vector<1x16xf32>,
      %swap3A_1264 = vector.shape_cast %swap3A_1263 : vector<1x16xf32> to vector<16xf32>
      %swap3A_1265 = vector.shape_cast %mul3A_1260 : vector<16xf32> to vector<1x16xf32>
      tpu.vector_store %arg7[%swap3A_1261, %swap3A_1262], %swap3A_1265 {strides = array<i32>} : memref<32x128xf32, #tpu.memory_space<vmem>>, vector<1x16xf32>,
      %mul3A_1266 = arith.constant 3.906250e-03 : f32
      %mul3A_1267 = vector.broadcast %mul3A_1266 : f32 to vector<16xf32>
      %mul3A_1268 = arith.mulf %scan3A_809#7, %mul3A_1267 : vector<16xf32>
      %mul3A_1269 = arith.constant 2.560000e+02 : f32
      %mul3A_1270 = vector.broadcast %mul3A_1269 : f32 to vector<16xf32>
      %mul3A_1271 = arith.mulf %mul3A_1270, %mul3A_1268 : vector<16xf32>
      %mul3A_1272 = arith.mulf %mul3A_1271, %mul3A_1268 : vector<16xf32>
      %sub3A_1273 = arith.subf %scan3A_809#15, %mul3A_1272 : vector<16xf32>
      %mul3A_1274 = arith.constant 0.00392156886 : f32
      %mul3A_1275 = vector.broadcast %mul3A_1274 : f32 to vector<16xf32>
      %mul3A_1276 = arith.mulf %sub3A_1273, %mul3A_1275 : vector<16xf32>
      %add3A_1277 = arith.constant 9.99999974E-6 : f32
      %add3A_1278 = vector.broadcast %add3A_1277 : f32 to vector<16xf32>
      %add3A_1279 = arith.addf %mul3A_1276, %add3A_1278 : vector<16xf32>
      %bitcast_convert_type3A_1280 = tpu.bitcast %add3A_1279 : vector<16xf32> -> vector<16xi32>
      %shift_right_arithmetic3A_1281 = arith.constant 1 : i32
      %shift_right_arithmetic3A_1282 = vector.broadcast %shift_right_arithmetic3A_1281 : i32 to vector<16xi32>
      %shift_right_arithmetic3A_1283 = arith.shrsi %bitcast_convert_type3A_1280, %shift_right_arithmetic3A_1282 : vector<16xi32>
      %sub3A_1284 = arith.constant 1597463007 : i32
      %sub3A_1285 = vector.broadcast %sub3A_1284 : i32 to vector<16xi32>
      %sub3A_1286 = arith.subi %sub3A_1285, %shift_right_arithmetic3A_1283 : vector<16xi32>
      %bitcast_convert_type3A_1287 = tpu.bitcast %sub3A_1286 : vector<16xi32> -> vector<16xf32>
      %mul3A_1288 = arith.constant 5.000000e-01 : f32
      %mul3A_1289 = vector.broadcast %mul3A_1288 : f32 to vector<16xf32>
      %mul3A_1290 = arith.mulf %mul3A_1289, %add3A_1279 : vector<16xf32>
      %mul3A_1291 = arith.mulf %mul3A_1290, %bitcast_convert_type3A_1287 : vector<16xf32>
      %mul3A_1292 = arith.mulf %mul3A_1291, %bitcast_convert_type3A_1287 : vector<16xf32>
      %sub3A_1293 = arith.constant 1.500000e+00 : f32
      %sub3A_1294 = vector.broadcast %sub3A_1293 : f32 to vector<16xf32>
      %sub3A_1295 = arith.subf %sub3A_1294, %mul3A_1292 : vector<16xf32>
      %mul3A_1296 = arith.mulf %bitcast_convert_type3A_1287, %sub3A_1295 : vector<16xf32>
      %mul3A_1297 = arith.constant 5.000000e-01 : f32
      %mul3A_1298 = vector.broadcast %mul3A_1297 : f32 to vector<16xf32>
      %mul3A_1299 = arith.mulf %mul3A_1298, %add3A_1279 : vector<16xf32>
      %mul3A_1300 = arith.mulf %mul3A_1299, %mul3A_1296 : vector<16xf32>
      %mul3A_1301 = arith.mulf %mul3A_1300, %mul3A_1296 : vector<16xf32>
      %sub3A_1302 = arith.constant 1.500000e+00 : f32
      %sub3A_1303 = vector.broadcast %sub3A_1302 : f32 to vector<16xf32>
      %sub3A_1304 = arith.subf %sub3A_1303, %mul3A_1301 : vector<16xf32>
      %mul3A_1305 = arith.mulf %mul3A_1296, %sub3A_1304 : vector<16xf32>
      %mul3A_1306 = arith.constant 5.000000e-01 : f32
      %mul3A_1307 = vector.broadcast %mul3A_1306 : f32 to vector<16xf32>
      %mul3A_1308 = arith.mulf %mul3A_1307, %add3A_1279 : vector<16xf32>
      %mul3A_1309 = arith.mulf %mul3A_1308, %mul3A_1305 : vector<16xf32>
      %mul3A_1310 = arith.mulf %mul3A_1309, %mul3A_1305 : vector<16xf32>
      %sub3A_1311 = arith.constant 1.500000e+00 : f32
      %sub3A_1312 = vector.broadcast %sub3A_1311 : f32 to vector<16xf32>
      %sub3A_1313 = arith.subf %sub3A_1312, %mul3A_1310 : vector<16xf32>
      %mul3A_1314 = arith.mulf %mul3A_1305, %sub3A_1313 : vector<16xf32>
      %swap3A_1315 = arith.index_cast %add3A_786 : i32 to index
      %swap3A_1316 = arith.constant 112 : index
      %swap3A_1317 = tpu.vector_load %arg5[%swap3A_1315, %swap3A_1316] {strides = array<i32>} : memref<32x128xf32, #tpu.memory_space<vmem>>, vector<1x16xf32>,
      %swap3A_1318 = vector.shape_cast %swap3A_1317 : vector<1x16xf32> to vector<16xf32>
      %swap3A_1319 = vector.shape_cast %mul3A_1268 : vector<16xf32> to vector<1x16xf32>
      tpu.vector_store %arg5[%swap3A_1315, %swap3A_1316], %swap3A_1319 {strides = array<i32>} : memref<32x128xf32, #tpu.memory_space<vmem>>, vector<1x16xf32>,
      %swap3A_1320 = arith.index_cast %add3A_786 : i32 to index
      %swap3A_1321 = arith.constant 112 : index
      %swap3A_1322 = tpu.vector_load %arg6[%swap3A_1320, %swap3A_1321] {strides = array<i32>} : memref<32x128xf32, #tpu.memory_space<vmem>>, vector<1x16xf32>,
      %swap3A_1323 = vector.shape_cast %swap3A_1322 : vector<1x16xf32> to vector<16xf32>
      %swap3A_1324 = vector.shape_cast %mul3A_1314 : vector<16xf32> to vector<1x16xf32>
      tpu.vector_store %arg6[%swap3A_1320, %swap3A_1321], %swap3A_1324 {strides = array<i32>} : memref<32x128xf32, #tpu.memory_space<vmem>>, vector<1x16xf32>,
      %mul3A_1325 = arith.mulf %add3A_1279, %mul3A_1314 : vector<16xf32>
      %swap3A_1326 = arith.index_cast %add3A_786 : i32 to index
      %swap3A_1327 = arith.constant 112 : index
      %swap3A_1328 = tpu.vector_load %arg7[%swap3A_1326, %swap3A_1327] {strides = array<i32>} : memref<32x128xf32, #tpu.memory_space<vmem>>, vector<1x16xf32>,
      %swap3A_1329 = vector.shape_cast %swap3A_1328 : vector<1x16xf32> to vector<16xf32>
      %swap3A_1330 = vector.shape_cast %mul3A_1325 : vector<16xf32> to vector<1x16xf32>
      tpu.vector_store %arg7[%swap3A_1326, %swap3A_1327], %swap3A_1330 {strides = array<i32>} : memref<32x128xf32, #tpu.memory_space<vmem>>, vector<1x16xf32>,
      %lt3A_1331 = arith.constant 15 : i32
      %lt3A_1332 = arith.cmpi slt, %scan3A_237, %lt3A_1331 : i32
      %convert_element_type3A_1333 = arith.extui %lt3A_1332 : i1 to i32
      %cond3A_1334 = arith.constant 0 : i32
      %cond3A_1335 = arith.cmpi ne, %convert_element_type3A_1333, %cond3A_1334 : i32
      scf.if %cond3A_1335 {
        %mul3A_1337 = arith.constant 2 : i32
        %mul3A_1338 = arith.muli %mul3A_1337, %scan3A_237 : i32
        %add3A_1339 = arith.constant 3 : i32
        %add3A_1340 = arith.addi %mul3A_1338, %add3A_1339 : i32
        %dma_start3A_1341 = arith.constant 1 : i32
        %dma_start3A_1342 = arith.constant 0 : i32
        %dma_start3A_1343 = arith.constant 0 : i32
        %dma_start3A_1344 = tpu.memref_slice %arg4[%dma_start3A_1341, %dma_start3A_1342, %dma_start3A_1343] : memref<2x256x128xf32, #tpu.memory_space<vmem>> -> memref<1x256x128xf32, #tpu.memory_space<vmem>>
        %dma_start3A_1345 = tpu.memref_squeeze %dma_start3A_1344 : memref<1x256x128xf32, #tpu.memory_space<vmem>> -> memref<256x128xf32, #tpu.memory_space<vmem>>
        %dma_start3A_1346 = arith.constant 0 : i32
        %dma_start3A_1347 = tpu.memref_slice %arg2[%add3A_1340, %dma_start3A_1346, %mul3A_2] : memref<32x256x4096xf32, #tpu.memory_space<hbm>> -> memref<1x256x128xf32, #tpu.memory_space<hbm>>
        %dma_start3A_1348 = tpu.memref_squeeze %dma_start3A_1347 : memref<1x256x128xf32, #tpu.memory_space<hbm>> -> memref<256x128xf32, #tpu.memory_space<hbm>>
        %dma_start3A_1349 = arith.constant 0 : i32
        %dma_start3A_1350 = arith.constant 0 : i32
        %dma_start3A_1351 = tpu.memref_slice %arg4[%dma_start3A_1341, %dma_start3A_1349, %dma_start3A_1350] : memref<2x256x128xf32, #tpu.memory_space<vmem>> -> memref<1x256x128xf32, #tpu.memory_space<vmem>>
        %dma_start3A_1352 = tpu.memref_squeeze %dma_start3A_1351 : memref<1x256x128xf32, #tpu.memory_space<vmem>> -> memref<256x128xf32, #tpu.memory_space<vmem>>
        %dma_start3A_1353 = arith.constant 0 : i32
        %dma_start3A_1354 = tpu.memref_slice %arg2[%add3A_1340, %dma_start3A_1353, %mul3A_2] : memref<32x256x4096xf32, #tpu.memory_space<hbm>> -> memref<1x256x128xf32, #tpu.memory_space<hbm>>
        %dma_start3A_1355 = tpu.memref_squeeze %dma_start3A_1354 : memref<1x256x128xf32, #tpu.memory_space<hbm>> -> memref<256x128xf32, #tpu.memory_space<hbm>>
        tpu.enqueue_dma source(%dma_start3A_1355 : memref<256x128xf32, #tpu.memory_space<hbm>>) target(%dma_start3A_1352 : memref<256x128xf32, #tpu.memory_space<vmem>>) target_semaphore(%arg10 : memref<!tpu.dma_semaphore, #tpu.memory_space<semaphore_mem>>)
      } else {
      }
      %scan3A_1336 = arith.constant 0 : i32
      scf.yield %scan3A_1336 : i32
    }
    %scan3A_166 = arith.constant 16 : i32
    %dma_start3A_167 = arith.constant 0 : i32
    %dma_start3A_168 = arith.constant 0 : i32
    %dma_start3A_169 = arith.constant 0 : i32
    %dma_start3A_170 = arith.constant 0 : i32
    %dma_start3A_171 = tpu.memref_slice %arg4[%dma_start3A_168, %dma_start3A_169, %dma_start3A_170] : memref<2x256x128xf32, #tpu.memory_space<vmem>> -> memref<1x256x128xf32, #tpu.memory_space<vmem>>
    %dma_start3A_172 = tpu.memref_squeeze %dma_start3A_171 : memref<1x256x128xf32, #tpu.memory_space<vmem>> -> memref<256x128xf32, #tpu.memory_space<vmem>>
    %dma_start3A_173 = arith.constant 0 : i32
    %dma_start3A_174 = tpu.memref_slice %arg2[%dma_start3A_167, %dma_start3A_173, %mul3A_2] : memref<32x256x4096xf32, #tpu.memory_space<hbm>> -> memref<1x256x128xf32, #tpu.memory_space<hbm>>
    %dma_start3A_175 = tpu.memref_squeeze %dma_start3A_174 : memref<1x256x128xf32, #tpu.memory_space<hbm>> -> memref<256x128xf32, #tpu.memory_space<hbm>>
    %dma_start3A_176 = arith.constant 0 : i32
    %dma_start3A_177 = arith.constant 0 : i32
    %dma_start3A_178 = tpu.memref_slice %arg4[%dma_start3A_168, %dma_start3A_176, %dma_start3A_177] : memref<2x256x128xf32, #tpu.memory_space<vmem>> -> memref<1x256x128xf32, #tpu.memory_space<vmem>>
    %dma_start3A_179 = tpu.memref_squeeze %dma_start3A_178 : memref<1x256x128xf32, #tpu.memory_space<vmem>> -> memref<256x128xf32, #tpu.memory_space<vmem>>
    %dma_start3A_180 = arith.constant 0 : i32
    %dma_start3A_181 = tpu.memref_slice %arg2[%dma_start3A_167, %dma_start3A_180, %mul3A_2] : memref<32x256x4096xf32, #tpu.memory_space<hbm>> -> memref<1x256x128xf32, #tpu.memory_space<hbm>>
    %dma_start3A_182 = tpu.memref_squeeze %dma_start3A_181 : memref<1x256x128xf32, #tpu.memory_space<hbm>> -> memref<256x128xf32, #tpu.memory_space<hbm>>
    tpu.enqueue_dma source(%dma_start3A_182 : memref<256x128xf32, #tpu.memory_space<hbm>>) target(%dma_start3A_179 : memref<256x128xf32, #tpu.memory_space<vmem>>) target_semaphore(%arg9 : memref<!tpu.dma_semaphore, #tpu.memory_space<semaphore_mem>>)
    %dma_start3A_183 = arith.constant 1 : i32
    %dma_start3A_184 = arith.constant 1 : i32
    %dma_start3A_185 = arith.constant 0 : i32
    %dma_start3A_186 = arith.constant 0 : i32
    %dma_start3A_187 = tpu.memref_slice %arg4[%dma_start3A_184, %dma_start3A_185, %dma_start3A_186] : memref<2x256x128xf32, #tpu.memory_space<vmem>> -> memref<1x256x128xf32, #tpu.memory_space<vmem>>
    %dma_start3A_188 = tpu.memref_squeeze %dma_start3A_187 : memref<1x256x128xf32, #tpu.memory_space<vmem>> -> memref<256x128xf32, #tpu.memory_space<vmem>>
    %dma_start3A_189 = arith.constant 0 : i32
    %dma_start3A_190 = tpu.memref_slice %arg2[%dma_start3A_183, %dma_start3A_189, %mul3A_2] : memref<32x256x4096xf32, #tpu.memory_space<hbm>> -> memref<1x256x128xf32, #tpu.memory_space<hbm>>
    %dma_start3A_191 = tpu.memref_squeeze %dma_start3A_190 : memref<1x256x128xf32, #tpu.memory_space<hbm>> -> memref<256x128xf32, #tpu.memory_space<hbm>>
    %dma_start3A_192 = arith.constant 0 : i32
    %dma_start3A_193 = arith.constant 0 : i32
    %dma_start3A_194 = tpu.memref_slice %arg4[%dma_start3A_184, %dma_start3A_192, %dma_start3A_193] : memref<2x256x128xf32, #tpu.memory_space<vmem>> -> memref<1x256x128xf32, #tpu.memory_space<vmem>>
    %dma_start3A_195 = tpu.memref_squeeze %dma_start3A_194 : memref<1x256x128xf32, #tpu.memory_space<vmem>> -> memref<256x128xf32, #tpu.memory_space<vmem>>
    %dma_start3A_196 = arith.constant 0 : i32
    %dma_start3A_197 = tpu.memref_slice %arg2[%dma_start3A_183, %dma_start3A_196, %mul3A_2] : memref<32x256x4096xf32, #tpu.memory_space<hbm>> -> memref<1x256x128xf32, #tpu.memory_space<hbm>>
    %dma_start3A_198 = tpu.memref_squeeze %dma_start3A_197 : memref<1x256x128xf32, #tpu.memory_space<hbm>> -> memref<256x128xf32, #tpu.memory_space<hbm>>
    tpu.enqueue_dma source(%dma_start3A_198 : memref<256x128xf32, #tpu.memory_space<hbm>>) target(%dma_start3A_195 : memref<256x128xf32, #tpu.memory_space<vmem>>) target_semaphore(%arg10 : memref<!tpu.dma_semaphore, #tpu.memory_space<semaphore_mem>>)
    %scan3A_199 = arith.constant 0 : i32
    %scan3A_200 = arith.constant 0 : i32
    %scan3A_201 = arith.constant 16 : i32
    %scan3A_202 = arith.addi %scan3A_200, %scan3A_201 : i32
    %scan3A_203 = arith.constant 1 : i32
    %scan3A_204 = scf.for %scan3A_237 = %scan3A_200 to %scan3A_202 step %scan3A_203 iter_args(%scan3A_238 = %scan3A_199) -> (i32)  : i32 {
      %mul3A_239 = arith.constant 2 : i32
      %mul3A_240 = arith.muli %mul3A_239, %scan3A_237 : i32
      %get3A = arith.index_cast %mul3A_240 : i32 to index
      %get3A_241 = memref.load %arg8[%get3A] : memref<32xi32, #tpu.memory_space<smem>>
      %dma_wait3A_242 = arith.constant 0 : i32
      %dma_wait3A_243 = arith.constant 0 : i32
      %dma_wait3A_244 = arith.constant 0 : i32
      %dma_wait3A_245 = arith.constant 0 : i32
      %dma_wait3A_246 = tpu.memref_slice %arg4[%dma_wait3A_243, %dma_wait3A_244, %dma_wait3A_245] : memref<2x256x128xf32, #tpu.memory_space<vmem>> -> memref<1x256x128xf32, #tpu.memory_space<vmem>>
      %dma_wait3A_247 = tpu.memref_squeeze %dma_wait3A_246 : memref<1x256x128xf32, #tpu.memory_space<vmem>> -> memref<256x128xf32, #tpu.memory_space<vmem>>
      %dma_wait3A_248 = arith.constant 0 : i32
      %dma_wait3A_249 = tpu.memref_slice %arg2[%dma_wait3A_242, %dma_wait3A_248, %mul3A_2] : memref<32x256x4096xf32, #tpu.memory_space<hbm>> -> memref<1x256x128xf32, #tpu.memory_space<hbm>>
      %dma_wait3A_250 = tpu.memref_squeeze %dma_wait3A_249 : memref<1x256x128xf32, #tpu.memory_space<hbm>> -> memref<256x128xf32, #tpu.memory_space<hbm>>
      %dma_wait3A_251 = arith.constant 0 : i32
      %dma_wait3A_252 = arith.constant 0 : i32
      %dma_wait3A_253 = tpu.memref_slice %arg4[%dma_wait3A_243, %dma_wait3A_251, %dma_wait3A_252] : memref<2x256x128xf32, #tpu.memory_space<vmem>> -> memref<1x256x128xf32, #tpu.memory_space<vmem>>
      %dma_wait3A_254 = tpu.memref_squeeze %dma_wait3A_253 : memref<1x256x128xf32, #tpu.memory_space<vmem>> -> memref<256x128xf32, #tpu.memory_space<vmem>>
      %dma_wait3A_255 = arith.constant 0 : i32
      %dma_wait3A_256 = tpu.memref_slice %arg2[%dma_wait3A_242, %dma_wait3A_255, %mul3A_2] : memref<32x256x4096xf32, #tpu.memory_space<hbm>> -> memref<1x256x128xf32, #tpu.memory_space<hbm>>
      %dma_wait3A_257 = tpu.memref_squeeze %dma_wait3A_256 : memref<1x256x128xf32, #tpu.memory_space<hbm>> -> memref<256x128xf32, #tpu.memory_space<hbm>>
      tpu.wait_dma2 semaphore(%arg9 : memref<!tpu.dma_semaphore, #tpu.memory_space<semaphore_mem>>) src(%dma_wait3A_257 : memref<256x128xf32, #tpu.memory_space<hbm>>) dst(%dma_wait3A_254 : memref<256x128xf32, #tpu.memory_space<vmem>>)
      %get3A_258 = arith.index_cast %mul3A_240 : i32 to index
      %get3A_259 = arith.constant 0 : index
      %get3A_260 = tpu.vector_load %arg6[%get3A_258, %get3A_259] {strides = array<i32>} : memref<32x128xf32, #tpu.memory_space<vmem>>, vector<1x16xf32>,
      %get3A_261 = vector.shape_cast %get3A_260 : vector<1x16xf32> to vector<16xf32>
      %get3A_262 = arith.index_cast %get3A_241 : i32 to index
      %get3A_263 = arith.constant 0 : index
      %get3A_264 = tpu.vector_load %arg7[%get3A_262, %get3A_263] {strides = array<i32>} : memref<32x128xf32, #tpu.memory_space<vmem>>, vector<1x16xf32>,
      %get3A_265 = vector.shape_cast %get3A_264 : vector<1x16xf32> to vector<16xf32>
      %mul3A_266 = arith.mulf %get3A_261, %get3A_265 : vector<16xf32>
      %get3A_267 = arith.index_cast %get3A_241 : i32 to index
      %get3A_268 = arith.constant 0 : index
      %get3A_269 = tpu.vector_load %arg5[%get3A_267, %get3A_268] {strides = array<i32>} : memref<32x128xf32, #tpu.memory_space<vmem>>, vector<1x16xf32>,
      %get3A_270 = vector.shape_cast %get3A_269 : vector<1x16xf32> to vector<16xf32>
      %get3A_271 = arith.index_cast %mul3A_240 : i32 to index
      %get3A_272 = arith.constant 0 : index
      %get3A_273 = tpu.vector_load %arg5[%get3A_271, %get3A_272] {strides = array<i32>} : memref<32x128xf32, #tpu.memory_space<vmem>>, vector<1x16xf32>,
      %get3A_274 = vector.shape_cast %get3A_273 : vector<1x16xf32> to vector<16xf32>
      %mul3A_275 = arith.mulf %get3A_274, %mul3A_266 : vector<16xf32>
      %sub3A = arith.subf %get3A_270, %mul3A_275 : vector<16xf32>
      %get3A_276 = arith.index_cast %mul3A_240 : i32 to index
      %get3A_277 = arith.constant 16 : index
      %get3A_278 = tpu.vector_load %arg6[%get3A_276, %get3A_277] {strides = array<i32>} : memref<32x128xf32, #tpu.memory_space<vmem>>, vector<1x16xf32>,
      %get3A_279 = vector.shape_cast %get3A_278 : vector<1x16xf32> to vector<16xf32>
      %get3A_280 = arith.index_cast %get3A_241 : i32 to index
      %get3A_281 = arith.constant 16 : index
      %get3A_282 = tpu.vector_load %arg7[%get3A_280, %get3A_281] {strides = array<i32>} : memref<32x128xf32, #tpu.memory_space<vmem>>, vector<1x16xf32>,
      %get3A_283 = vector.shape_cast %get3A_282 : vector<1x16xf32> to vector<16xf32>
      %mul3A_284 = arith.mulf %get3A_279, %get3A_283 : vector<16xf32>
      %get3A_285 = arith.index_cast %get3A_241 : i32 to index
      %get3A_286 = arith.constant 16 : index
      %get3A_287 = tpu.vector_load %arg5[%get3A_285, %get3A_286] {strides = array<i32>} : memref<32x128xf32, #tpu.memory_space<vmem>>, vector<1x16xf32>,
      %get3A_288 = vector.shape_cast %get3A_287 : vector<1x16xf32> to vector<16xf32>
      %get3A_289 = arith.index_cast %mul3A_240 : i32 to index
      %get3A_290 = arith.constant 16 : index
      %get3A_291 = tpu.vector_load %arg5[%get3A_289, %get3A_290] {strides = array<i32>} : memref<32x128xf32, #tpu.memory_space<vmem>>, vector<1x16xf32>,
      %get3A_292 = vector.shape_cast %get3A_291 : vector<1x16xf32> to vector<16xf32>
      %mul3A_293 = arith.mulf %get3A_292, %mul3A_284 : vector<16xf32>
      %sub3A_294 = arith.subf %get3A_288, %mul3A_293 : vector<16xf32>
      %get3A_295 = arith.index_cast %mul3A_240 : i32 to index
      %get3A_296 = arith.constant 32 : index
      %get3A_297 = tpu.vector_load %arg6[%get3A_295, %get3A_296] {strides = array<i32>} : memref<32x128xf32, #tpu.memory_space<vmem>>, vector<1x16xf32>,
      %get3A_298 = vector.shape_cast %get3A_297 : vector<1x16xf32> to vector<16xf32>
      %get3A_299 = arith.index_cast %get3A_241 : i32 to index
      %get3A_300 = arith.constant 32 : index
      %get3A_301 = tpu.vector_load %arg7[%get3A_299, %get3A_300] {strides = array<i32>} : memref<32x128xf32, #tpu.memory_space<vmem>>, vector<1x16xf32>,
      %get3A_302 = vector.shape_cast %get3A_301 : vector<1x16xf32> to vector<16xf32>
      %mul3A_303 = arith.mulf %get3A_298, %get3A_302 : vector<16xf32>
      %get3A_304 = arith.index_cast %get3A_241 : i32 to index
      %get3A_305 = arith.constant 32 : index
      %get3A_306 = tpu.vector_load %arg5[%get3A_304, %get3A_305] {strides = array<i32>} : memref<32x128xf32, #tpu.memory_space<vmem>>, vector<1x16xf32>,
      %get3A_307 = vector.shape_cast %get3A_306 : vector<1x16xf32> to vector<16xf32>
      %get3A_308 = arith.index_cast %mul3A_240 : i32 to index
      %get3A_309 = arith.constant 32 : index
      %get3A_310 = tpu.vector_load %arg5[%get3A_308, %get3A_309] {strides = array<i32>} : memref<32x128xf32, #tpu.memory_space<vmem>>, vector<1x16xf32>,
      %get3A_311 = vector.shape_cast %get3A_310 : vector<1x16xf32> to vector<16xf32>
      %mul3A_312 = arith.mulf %get3A_311, %mul3A_303 : vector<16xf32>
      %sub3A_313 = arith.subf %get3A_307, %mul3A_312 : vector<16xf32>
      %get3A_314 = arith.index_cast %mul3A_240 : i32 to index
      %get3A_315 = arith.constant 48 : index
      %get3A_316 = tpu.vector_load %arg6[%get3A_314, %get3A_315] {strides = array<i32>} : memref<32x128xf32, #tpu.memory_space<vmem>>, vector<1x16xf32>,
      %get3A_317 = vector.shape_cast %get3A_316 : vector<1x16xf32> to vector<16xf32>
      %get3A_318 = arith.index_cast %get3A_241 : i32 to index
      %get3A_319 = arith.constant 48 : index
      %get3A_320 = tpu.vector_load %arg7[%get3A_318, %get3A_319] {strides = array<i32>} : memref<32x128xf32, #tpu.memory_space<vmem>>, vector<1x16xf32>,
      %get3A_321 = vector.shape_cast %get3A_320 : vector<1x16xf32> to vector<16xf32>
      %mul3A_322 = arith.mulf %get3A_317, %get3A_321 : vector<16xf32>
      %get3A_323 = arith.index_cast %get3A_241 : i32 to index
      %get3A_324 = arith.constant 48 : index
      %get3A_325 = tpu.vector_load %arg5[%get3A_323, %get3A_324] {strides = array<i32>} : memref<32x128xf32, #tpu.memory_space<vmem>>, vector<1x16xf32>,
      %get3A_326 = vector.shape_cast %get3A_325 : vector<1x16xf32> to vector<16xf32>
      %get3A_327 = arith.index_cast %mul3A_240 : i32 to index
      %get3A_328 = arith.constant 48 : index
      %get3A_329 = tpu.vector_load %arg5[%get3A_327, %get3A_328] {strides = array<i32>} : memref<32x128xf32, #tpu.memory_space<vmem>>, vector<1x16xf32>,
      %get3A_330 = vector.shape_cast %get3A_329 : vector<1x16xf32> to vector<16xf32>
      %mul3A_331 = arith.mulf %get3A_330, %mul3A_322 : vector<16xf32>
      %sub3A_332 = arith.subf %get3A_326, %mul3A_331 : vector<16xf32>
      %get3A_333 = arith.index_cast %mul3A_240 : i32 to index
      %get3A_334 = arith.constant 64 : index
      %get3A_335 = tpu.vector_load %arg6[%get3A_333, %get3A_334] {strides = array<i32>} : memref<32x128xf32, #tpu.memory_space<vmem>>, vector<1x16xf32>,
      %get3A_336 = vector.shape_cast %get3A_335 : vector<1x16xf32> to vector<16xf32>
      %get3A_337 = arith.index_cast %get3A_241 : i32 to index
      %get3A_338 = arith.constant 64 : index
      %get3A_339 = tpu.vector_load %arg7[%get3A_337, %get3A_338] {strides = array<i32>} : memref<32x128xf32, #tpu.memory_space<vmem>>, vector<1x16xf32>,
      %get3A_340 = vector.shape_cast %get3A_339 : vector<1x16xf32> to vector<16xf32>
      %mul3A_341 = arith.mulf %get3A_336, %get3A_340 : vector<16xf32>
      %get3A_342 = arith.index_cast %get3A_241 : i32 to index
      %get3A_343 = arith.constant 64 : index
      %get3A_344 = tpu.vector_load %arg5[%get3A_342, %get3A_343] {strides = array<i32>} : memref<32x128xf32, #tpu.memory_space<vmem>>, vector<1x16xf32>,
      %get3A_345 = vector.shape_cast %get3A_344 : vector<1x16xf32> to vector<16xf32>
      %get3A_346 = arith.index_cast %mul3A_240 : i32 to index
      %get3A_347 = arith.constant 64 : index
      %get3A_348 = tpu.vector_load %arg5[%get3A_346, %get3A_347] {strides = array<i32>} : memref<32x128xf32, #tpu.memory_space<vmem>>, vector<1x16xf32>,
      %get3A_349 = vector.shape_cast %get3A_348 : vector<1x16xf32> to vector<16xf32>
      %mul3A_350 = arith.mulf %get3A_349, %mul3A_341 : vector<16xf32>
      %sub3A_351 = arith.subf %get3A_345, %mul3A_350 : vector<16xf32>
      %get3A_352 = arith.index_cast %mul3A_240 : i32 to index
      %get3A_353 = arith.constant 80 : index
      %get3A_354 = tpu.vector_load %arg6[%get3A_352, %get3A_353] {strides = array<i32>} : memref<32x128xf32, #tpu.memory_space<vmem>>, vector<1x16xf32>,
      %get3A_355 = vector.shape_cast %get3A_354 : vector<1x16xf32> to vector<16xf32>
      %get3A_356 = arith.index_cast %get3A_241 : i32 to index
      %get3A_357 = arith.constant 80 : index
      %get3A_358 = tpu.vector_load %arg7[%get3A_356, %get3A_357] {strides = array<i32>} : memref<32x128xf32, #tpu.memory_space<vmem>>, vector<1x16xf32>,
      %get3A_359 = vector.shape_cast %get3A_358 : vector<1x16xf32> to vector<16xf32>
      %mul3A_360 = arith.mulf %get3A_355, %get3A_359 : vector<16xf32>
      %get3A_361 = arith.index_cast %get3A_241 : i32 to index
      %get3A_362 = arith.constant 80 : index
      %get3A_363 = tpu.vector_load %arg5[%get3A_361, %get3A_362] {strides = array<i32>} : memref<32x128xf32, #tpu.memory_space<vmem>>, vector<1x16xf32>,
      %get3A_364 = vector.shape_cast %get3A_363 : vector<1x16xf32> to vector<16xf32>
      %get3A_365 = arith.index_cast %mul3A_240 : i32 to index
      %get3A_366 = arith.constant 80 : index
      %get3A_367 = tpu.vector_load %arg5[%get3A_365, %get3A_366] {strides = array<i32>} : memref<32x128xf32, #tpu.memory_space<vmem>>, vector<1x16xf32>,
      %get3A_368 = vector.shape_cast %get3A_367 : vector<1x16xf32> to vector<16xf32>
      %mul3A_369 = arith.mulf %get3A_368, %mul3A_360 : vector<16xf32>
      %sub3A_370 = arith.subf %get3A_364, %mul3A_369 : vector<16xf32>
      %get3A_371 = arith.index_cast %mul3A_240 : i32 to index
      %get3A_372 = arith.constant 96 : index
      %get3A_373 = tpu.vector_load %arg6[%get3A_371, %get3A_372] {strides = array<i32>} : memref<32x128xf32, #tpu.memory_space<vmem>>, vector<1x16xf32>,
      %get3A_374 = vector.shape_cast %get3A_373 : vector<1x16xf32> to vector<16xf32>
      %get3A_375 = arith.index_cast %get3A_241 : i32 to index
      %get3A_376 = arith.constant 96 : index
      %get3A_377 = tpu.vector_load %arg7[%get3A_375, %get3A_376] {strides = array<i32>} : memref<32x128xf32, #tpu.memory_space<vmem>>, vector<1x16xf32>,
      %get3A_378 = vector.shape_cast %get3A_377 : vector<1x16xf32> to vector<16xf32>
      %mul3A_379 = arith.mulf %get3A_374, %get3A_378 : vector<16xf32>
      %get3A_380 = arith.index_cast %get3A_241 : i32 to index
      %get3A_381 = arith.constant 96 : index
      %get3A_382 = tpu.vector_load %arg5[%get3A_380, %get3A_381] {strides = array<i32>} : memref<32x128xf32, #tpu.memory_space<vmem>>, vector<1x16xf32>,
      %get3A_383 = vector.shape_cast %get3A_382 : vector<1x16xf32> to vector<16xf32>
      %get3A_384 = arith.index_cast %mul3A_240 : i32 to index
      %get3A_385 = arith.constant 96 : index
      %get3A_386 = tpu.vector_load %arg5[%get3A_384, %get3A_385] {strides = array<i32>} : memref<32x128xf32, #tpu.memory_space<vmem>>, vector<1x16xf32>,
      %get3A_387 = vector.shape_cast %get3A_386 : vector<1x16xf32> to vector<16xf32>
      %mul3A_388 = arith.mulf %get3A_387, %mul3A_379 : vector<16xf32>
      %sub3A_389 = arith.subf %get3A_383, %mul3A_388 : vector<16xf32>
      %get3A_390 = arith.index_cast %mul3A_240 : i32 to index
      %get3A_391 = arith.constant 112 : index
      %get3A_392 = tpu.vector_load %arg6[%get3A_390, %get3A_391] {strides = array<i32>} : memref<32x128xf32, #tpu.memory_space<vmem>>, vector<1x16xf32>,
      %get3A_393 = vector.shape_cast %get3A_392 : vector<1x16xf32> to vector<16xf32>
      %get3A_394 = arith.index_cast %get3A_241 : i32 to index
      %get3A_395 = arith.constant 112 : index
      %get3A_396 = tpu.vector_load %arg7[%get3A_394, %get3A_395] {strides = array<i32>} : memref<32x128xf32, #tpu.memory_space<vmem>>, vector<1x16xf32>,
      %get3A_397 = vector.shape_cast %get3A_396 : vector<1x16xf32> to vector<16xf32>
      %mul3A_398 = arith.mulf %get3A_393, %get3A_397 : vector<16xf32>
      %get3A_399 = arith.index_cast %get3A_241 : i32 to index
      %get3A_400 = arith.constant 112 : index
      %get3A_401 = tpu.vector_load %arg5[%get3A_399, %get3A_400] {strides = array<i32>} : memref<32x128xf32, #tpu.memory_space<vmem>>, vector<1x16xf32>,
      %get3A_402 = vector.shape_cast %get3A_401 : vector<1x16xf32> to vector<16xf32>
      %get3A_403 = arith.index_cast %mul3A_240 : i32 to index
      %get3A_404 = arith.constant 112 : index
      %get3A_405 = tpu.vector_load %arg5[%get3A_403, %get3A_404] {strides = array<i32>} : memref<32x128xf32, #tpu.memory_space<vmem>>, vector<1x16xf32>,
      %get3A_406 = vector.shape_cast %get3A_405 : vector<1x16xf32> to vector<16xf32>
      %mul3A_407 = arith.mulf %get3A_406, %mul3A_398 : vector<16xf32>
      %sub3A_408 = arith.subf %get3A_402, %mul3A_407 : vector<16xf32>
      %scan3A_409 = arith.constant 0 : i32
      %scan3A_410 = arith.constant 64 : i32
      %scan3A_411 = arith.addi %scan3A_409, %scan3A_410 : i32
      %scan3A_412 = arith.constant 1 : i32
      scf.for %scan3A_626 = %scan3A_409 to %scan3A_411 step %scan3A_412  : i32 {
        %mul3A_627 = arith.constant 4 : i32
        %mul3A_628 = arith.muli %mul3A_627, %scan3A_626 : i32
        %add3A_629 = arith.constant 0 : i32
        %add3A_630 = arith.addi %mul3A_628, %add3A_629 : i32
        %get3A_631 = arith.constant 0 : i32
        %get3A_632 = arith.index_cast %get3A_631 : i32 to index
        %get3A_633 = arith.index_cast %add3A_630 : i32 to index
        %get3A_634 = arith.constant 0 : index
        %get3A_635 = tpu.vector_load %arg4[%get3A_632, %get3A_633, %get3A_634] {strides = array<i32>} : memref<2x256x128xf32, #tpu.memory_space<vmem>>, vector<1x1x16xf32>,
        %get3A_636 = vector.shape_cast %get3A_635 : vector<1x1x16xf32> to vector<16xf32>
        %mul3A_637 = arith.mulf %get3A_636, %mul3A_266 : vector<16xf32>
        %add3A_638 = arith.addf %mul3A_637, %sub3A : vector<16xf32>
        %swap3A_639 = arith.constant 0 : i32
        %swap3A_640 = arith.index_cast %swap3A_639 : i32 to index
        %swap3A_641 = arith.index_cast %add3A_630 : i32 to index
        %swap3A_642 = arith.constant 0 : index
        %swap3A_643 = tpu.vector_load %arg4[%swap3A_640, %swap3A_641, %swap3A_642] {strides = array<i32>} : memref<2x256x128xf32, #tpu.memory_space<vmem>>, vector<1x1x16xf32>,
        %swap3A_644 = vector.shape_cast %swap3A_643 : vector<1x1x16xf32> to vector<16xf32>
        %swap3A_645 = vector.shape_cast %add3A_638 : vector<16xf32> to vector<1x1x16xf32>
        tpu.vector_store %arg4[%swap3A_640, %swap3A_641, %swap3A_642], %swap3A_645 {strides = array<i32>} : memref<2x256x128xf32, #tpu.memory_space<vmem>>, vector<1x1x16xf32>,
        %get3A_646 = arith.constant 0 : i32
        %get3A_647 = arith.index_cast %get3A_646 : i32 to index
        %get3A_648 = arith.index_cast %add3A_630 : i32 to index
        %get3A_649 = arith.constant 16 : index
        %get3A_650 = tpu.vector_load %arg4[%get3A_647, %get3A_648, %get3A_649] {strides = array<i32>} : memref<2x256x128xf32, #tpu.memory_space<vmem>>, vector<1x1x16xf32>,
        %get3A_651 = vector.shape_cast %get3A_650 : vector<1x1x16xf32> to vector<16xf32>
        %mul3A_652 = arith.mulf %get3A_651, %mul3A_284 : vector<16xf32>
        %add3A_653 = arith.addf %mul3A_652, %sub3A_294 : vector<16xf32>
        %swap3A_654 = arith.constant 0 : i32
        %swap3A_655 = arith.index_cast %swap3A_654 : i32 to index
        %swap3A_656 = arith.index_cast %add3A_630 : i32 to index
        %swap3A_657 = arith.constant 16 : index
        %swap3A_658 = tpu.vector_load %arg4[%swap3A_655, %swap3A_656, %swap3A_657] {strides = array<i32>} : memref<2x256x128xf32, #tpu.memory_space<vmem>>, vector<1x1x16xf32>,
        %swap3A_659 = vector.shape_cast %swap3A_658 : vector<1x1x16xf32> to vector<16xf32>
        %swap3A_660 = vector.shape_cast %add3A_653 : vector<16xf32> to vector<1x1x16xf32>
        tpu.vector_store %arg4[%swap3A_655, %swap3A_656, %swap3A_657], %swap3A_660 {strides = array<i32>} : memref<2x256x128xf32, #tpu.memory_space<vmem>>, vector<1x1x16xf32>,
        %get3A_661 = arith.constant 0 : i32
        %get3A_662 = arith.index_cast %get3A_661 : i32 to index
        %get3A_663 = arith.index_cast %add3A_630 : i32 to index
        %get3A_664 = arith.constant 32 : index
        %get3A_665 = tpu.vector_load %arg4[%get3A_662, %get3A_663, %get3A_664] {strides = array<i32>} : memref<2x256x128xf32, #tpu.memory_space<vmem>>, vector<1x1x16xf32>,
        %get3A_666 = vector.shape_cast %get3A_665 : vector<1x1x16xf32> to vector<16xf32>
        %mul3A_667 = arith.mulf %get3A_666, %mul3A_303 : vector<16xf32>
        %add3A_668 = arith.addf %mul3A_667, %sub3A_313 : vector<16xf32>
        %swap3A_669 = arith.constant 0 : i32
        %swap3A_670 = arith.index_cast %swap3A_669 : i32 to index
        %swap3A_671 = arith.index_cast %add3A_630 : i32 to index
        %swap3A_672 = arith.constant 32 : index
        %swap3A_673 = tpu.vector_load %arg4[%swap3A_670, %swap3A_671, %swap3A_672] {strides = array<i32>} : memref<2x256x128xf32, #tpu.memory_space<vmem>>, vector<1x1x16xf32>,
        %swap3A_674 = vector.shape_cast %swap3A_673 : vector<1x1x16xf32> to vector<16xf32>
        %swap3A_675 = vector.shape_cast %add3A_668 : vector<16xf32> to vector<1x1x16xf32>
        tpu.vector_store %arg4[%swap3A_670, %swap3A_671, %swap3A_672], %swap3A_675 {strides = array<i32>} : memref<2x256x128xf32, #tpu.memory_space<vmem>>, vector<1x1x16xf32>,
        %get3A_676 = arith.constant 0 : i32
        %get3A_677 = arith.index_cast %get3A_676 : i32 to index
        %get3A_678 = arith.index_cast %add3A_630 : i32 to index
        %get3A_679 = arith.constant 48 : index
        %get3A_680 = tpu.vector_load %arg4[%get3A_677, %get3A_678, %get3A_679] {strides = array<i32>} : memref<2x256x128xf32, #tpu.memory_space<vmem>>, vector<1x1x16xf32>,
        %get3A_681 = vector.shape_cast %get3A_680 : vector<1x1x16xf32> to vector<16xf32>
        %mul3A_682 = arith.mulf %get3A_681, %mul3A_322 : vector<16xf32>
        %add3A_683 = arith.addf %mul3A_682, %sub3A_332 : vector<16xf32>
        %swap3A_684 = arith.constant 0 : i32
        %swap3A_685 = arith.index_cast %swap3A_684 : i32 to index
        %swap3A_686 = arith.index_cast %add3A_630 : i32 to index
        %swap3A_687 = arith.constant 48 : index
        %swap3A_688 = tpu.vector_load %arg4[%swap3A_685, %swap3A_686, %swap3A_687] {strides = array<i32>} : memref<2x256x128xf32, #tpu.memory_space<vmem>>, vector<1x1x16xf32>,
        %swap3A_689 = vector.shape_cast %swap3A_688 : vector<1x1x16xf32> to vector<16xf32>
        %swap3A_690 = vector.shape_cast %add3A_683 : vector<16xf32> to vector<1x1x16xf32>
        tpu.vector_store %arg4[%swap3A_685, %swap3A_686, %swap3A_687], %swap3A_690 {strides = array<i32>} : memref<2x256x128xf32, #tpu.memory_space<vmem>>, vector<1x1x16xf32>,
        %get3A_691 = arith.constant 0 : i32
        %get3A_692 = arith.index_cast %get3A_691 : i32 to index
        %get3A_693 = arith.index_cast %add3A_630 : i32 to index
        %get3A_694 = arith.constant 64 : index
        %get3A_695 = tpu.vector_load %arg4[%get3A_692, %get3A_693, %get3A_694] {strides = array<i32>} : memref<2x256x128xf32, #tpu.memory_space<vmem>>, vector<1x1x16xf32>,
        %get3A_696 = vector.shape_cast %get3A_695 : vector<1x1x16xf32> to vector<16xf32>
        %mul3A_697 = arith.mulf %get3A_696, %mul3A_341 : vector<16xf32>
        %add3A_698 = arith.addf %mul3A_697, %sub3A_351 : vector<16xf32>
        %swap3A_699 = arith.constant 0 : i32
        %swap3A_700 = arith.index_cast %swap3A_699 : i32 to index
        %swap3A_701 = arith.index_cast %add3A_630 : i32 to index
        %swap3A_702 = arith.constant 64 : index
        %swap3A_703 = tpu.vector_load %arg4[%swap3A_700, %swap3A_701, %swap3A_702] {strides = array<i32>} : memref<2x256x128xf32, #tpu.memory_space<vmem>>, vector<1x1x16xf32>,
        %swap3A_704 = vector.shape_cast %swap3A_703 : vector<1x1x16xf32> to vector<16xf32>
        %swap3A_705 = vector.shape_cast %add3A_698 : vector<16xf32> to vector<1x1x16xf32>
        tpu.vector_store %arg4[%swap3A_700, %swap3A_701, %swap3A_702], %swap3A_705 {strides = array<i32>} : memref<2x256x128xf32, #tpu.memory_space<vmem>>, vector<1x1x16xf32>,
        %get3A_706 = arith.constant 0 : i32
        %get3A_707 = arith.index_cast %get3A_706 : i32 to index
        %get3A_708 = arith.index_cast %add3A_630 : i32 to index
        %get3A_709 = arith.constant 80 : index
        %get3A_710 = tpu.vector_load %arg4[%get3A_707, %get3A_708, %get3A_709] {strides = array<i32>} : memref<2x256x128xf32, #tpu.memory_space<vmem>>, vector<1x1x16xf32>,
        %get3A_711 = vector.shape_cast %get3A_710 : vector<1x1x16xf32> to vector<16xf32>
        %mul3A_712 = arith.mulf %get3A_711, %mul3A_360 : vector<16xf32>
        %add3A_713 = arith.addf %mul3A_712, %sub3A_370 : vector<16xf32>
        %swap3A_714 = arith.constant 0 : i32
        %swap3A_715 = arith.index_cast %swap3A_714 : i32 to index
        %swap3A_716 = arith.index_cast %add3A_630 : i32 to index
        %swap3A_717 = arith.constant 80 : index
        %swap3A_718 = tpu.vector_load %arg4[%swap3A_715, %swap3A_716, %swap3A_717] {strides = array<i32>} : memref<2x256x128xf32, #tpu.memory_space<vmem>>, vector<1x1x16xf32>,
        %swap3A_719 = vector.shape_cast %swap3A_718 : vector<1x1x16xf32> to vector<16xf32>
        %swap3A_720 = vector.shape_cast %add3A_713 : vector<16xf32> to vector<1x1x16xf32>
        tpu.vector_store %arg4[%swap3A_715, %swap3A_716, %swap3A_717], %swap3A_720 {strides = array<i32>} : memref<2x256x128xf32, #tpu.memory_space<vmem>>, vector<1x1x16xf32>,
        %get3A_721 = arith.constant 0 : i32
        %get3A_722 = arith.index_cast %get3A_721 : i32 to index
        %get3A_723 = arith.index_cast %add3A_630 : i32 to index
        %get3A_724 = arith.constant 96 : index
        %get3A_725 = tpu.vector_load %arg4[%get3A_722, %get3A_723, %get3A_724] {strides = array<i32>} : memref<2x256x128xf32, #tpu.memory_space<vmem>>, vector<1x1x16xf32>,
        %get3A_726 = vector.shape_cast %get3A_725 : vector<1x1x16xf32> to vector<16xf32>
        %mul3A_727 = arith.mulf %get3A_726, %mul3A_379 : vector<16xf32>
        %add3A_728 = arith.addf %mul3A_727, %sub3A_389 : vector<16xf32>
        %swap3A_729 = arith.constant 0 : i32
        %swap3A_730 = arith.index_cast %swap3A_729 : i32 to index
        %swap3A_731 = arith.index_cast %add3A_630 : i32 to index
        %swap3A_732 = arith.constant 96 : index
        %swap3A_733 = tpu.vector_load %arg4[%swap3A_730, %swap3A_731, %swap3A_732] {strides = array<i32>} : memref<2x256x128xf32, #tpu.memory_space<vmem>>, vector<1x1x16xf32>,
        %swap3A_734 = vector.shape_cast %swap3A_733 : vector<1x1x16xf32> to vector<16xf32>
        %swap3A_735 = vector.shape_cast %add3A_728 : vector<16xf32> to vector<1x1x16xf32>
        tpu.vector_store %arg4[%swap3A_730, %swap3A_731, %swap3A_732], %swap3A_735 {strides = array<i32>} : memref<2x256x128xf32, #tpu.memory_space<vmem>>, vector<1x1x16xf32>,
        %get3A_736 = arith.constant 0 : i32
        %get3A_737 = arith.index_cast %get3A_736 : i32 to index
        %get3A_738 = arith.index_cast %add3A_630 : i32 to index
        %get3A_739 = arith.constant 112 : index
        %get3A_740 = tpu.vector_load %arg4[%get3A_737, %get3A_738, %get3A_739] {strides = array<i32>} : memref<2x256x128xf32, #tpu.memory_space<vmem>>, vector<1x1x16xf32>,
        %get3A_741 = vector.shape_cast %get3A_740 : vector<1x1x16xf32> to vector<16xf32>
        %mul3A_742 = arith.mulf %get3A_741, %mul3A_398 : vector<16xf32>
        %add3A_743 = arith.addf %mul3A_742, %sub3A_408 : vector<16xf32>
        %swap3A_744 = arith.constant 0 : i32
        %swap3A_745 = arith.index_cast %swap3A_744 : i32 to index
        %swap3A_746 = arith.index_cast %add3A_630 : i32 to index
        %swap3A_747 = arith.constant 112 : index
        %swap3A_748 = tpu.vector_load %arg4[%swap3A_745, %swap3A_746, %swap3A_747] {strides = array<i32>} : memref<2x256x128xf32, #tpu.memory_space<vmem>>, vector<1x1x16xf32>,
        %swap3A_749 = vector.shape_cast %swap3A_748 : vector<1x1x16xf32> to vector<16xf32>
        %swap3A_750 = vector.shape_cast %add3A_743 : vector<16xf32> to vector<1x1x16xf32>
        tpu.vector_store %arg4[%swap3A_745, %swap3A_746, %swap3A_747], %swap3A_750 {strides = array<i32>} : memref<2x256x128xf32, #tpu.memory_space<vmem>>, vector<1x1x16xf32>,
        %mul3A_751 = arith.constant 4 : i32
        %mul3A_752 = arith.muli %mul3A_751, %scan3A_626 : i32
        %add3A_753 = arith.constant 1 : i32
        %add3A_754 = arith.addi %mul3A_752, %add3A_753 : i32
        %get3A_755 = arith.constant 0 : i32
        %get3A_756 = arith.index_cast %get3A_755 : i32 to index
        %get3A_757 = arith.index_cast %add3A_754 : i32 to index
        %get3A_758 = arith.constant 0 : index
        %get3A_759 = tpu.vector_load %arg4[%get3A_756, %get3A_757, %get3A_758] {strides = array<i32>} : memref<2x256x128xf32, #tpu.memory_space<vmem>>, vector<1x1x16xf32>,
        %get3A_760 = vector.shape_cast %get3A_759 : vector<1x1x16xf32> to vector<16xf32>
        %mul3A_761 = arith.mulf %get3A_760, %mul3A_266 : vector<16xf32>
        %add3A_762 = arith.addf %mul3A_761, %sub3A : vector<16xf32>
        %swap3A_763 = arith.constant 0 : i32
        %swap3A_764 = arith.index_cast %swap3A_763 : i32 to index
        %swap3A_765 = arith.index_cast %add3A_754 : i32 to index
        %swap3A_766 = arith.constant 0 : index
        %swap3A_767 = tpu.vector_load %arg4[%swap3A_764, %swap3A_765, %swap3A_766] {strides = array<i32>} : memref<2x256x128xf32, #tpu.memory_space<vmem>>, vector<1x1x16xf32>,
        %swap3A_768 = vector.shape_cast %swap3A_767 : vector<1x1x16xf32> to vector<16xf32>
        %swap3A_769 = vector.shape_cast %add3A_762 : vector<16xf32> to vector<1x1x16xf32>
        tpu.vector_store %arg4[%swap3A_764, %swap3A_765, %swap3A_766], %swap3A_769 {strides = array<i32>} : memref<2x256x128xf32, #tpu.memory_space<vmem>>, vector<1x1x16xf32>,
        %get3A_770 = arith.constant 0 : i32
        %get3A_771 = arith.index_cast %get3A_770 : i32 to index
        %get3A_772 = arith.index_cast %add3A_754 : i32 to index
        %get3A_773 = arith.constant 16 : index
        %get3A_774 = tpu.vector_load %arg4[%get3A_771, %get3A_772, %get3A_773] {strides = array<i32>} : memref<2x256x128xf32, #tpu.memory_space<vmem>>, vector<1x1x16xf32>,
        %get3A_775 = vector.shape_cast %get3A_774 : vector<1x1x16xf32> to vector<16xf32>
        %mul3A_776 = arith.mulf %get3A_775, %mul3A_284 : vector<16xf32>
        %add3A_777 = arith.addf %mul3A_776, %sub3A_294 : vector<16xf32>
        %swap3A_778 = arith.constant 0 : i32
        %swap3A_779 = arith.index_cast %swap3A_778 : i32 to index
        %swap3A_780 = arith.index_cast %add3A_754 : i32 to index
        %swap3A_781 = arith.constant 16 : index
        %swap3A_782 = tpu.vector_load %arg4[%swap3A_779, %swap3A_780, %swap3A_781] {strides = array<i32>} : memref<2x256x128xf32, #tpu.memory_space<vmem>>, vector<1x1x16xf32>,
        %swap3A_783 = vector.shape_cast %swap3A_782 : vector<1x1x16xf32> to vector<16xf32>
        %swap3A_784 = vector.shape_cast %add3A_777 : vector<16xf32> to vector<1x1x16xf32>
        tpu.vector_store %arg4[%swap3A_779, %swap3A_780, %swap3A_781], %swap3A_784 {strides = array<i32>} : memref<2x256x128xf32, #tpu.memory_space<vmem>>, vector<1x1x16xf32>,
        %get3A_785 = arith.constant 0 : i32
        %get3A_786 = arith.index_cast %get3A_785 : i32 to index
        %get3A_787 = arith.index_cast %add3A_754 : i32 to index
        %get3A_788 = arith.constant 32 : index
        %get3A_789 = tpu.vector_load %arg4[%get3A_786, %get3A_787, %get3A_788] {strides = array<i32>} : memref<2x256x128xf32, #tpu.memory_space<vmem>>, vector<1x1x16xf32>,
        %get3A_790 = vector.shape_cast %get3A_789 : vector<1x1x16xf32> to vector<16xf32>
        %mul3A_791 = arith.mulf %get3A_790, %mul3A_303 : vector<16xf32>
        %add3A_792 = arith.addf %mul3A_791, %sub3A_313 : vector<16xf32>
        %swap3A_793 = arith.constant 0 : i32
        %swap3A_794 = arith.index_cast %swap3A_793 : i32 to index
        %swap3A_795 = arith.index_cast %add3A_754 : i32 to index
        %swap3A_796 = arith.constant 32 : index
        %swap3A_797 = tpu.vector_load %arg4[%swap3A_794, %swap3A_795, %swap3A_796] {strides = array<i32>} : memref<2x256x128xf32, #tpu.memory_space<vmem>>, vector<1x1x16xf32>,
        %swap3A_798 = vector.shape_cast %swap3A_797 : vector<1x1x16xf32> to vector<16xf32>
        %swap3A_799 = vector.shape_cast %add3A_792 : vector<16xf32> to vector<1x1x16xf32>
        tpu.vector_store %arg4[%swap3A_794, %swap3A_795, %swap3A_796], %swap3A_799 {strides = array<i32>} : memref<2x256x128xf32, #tpu.memory_space<vmem>>, vector<1x1x16xf32>,
        %get3A_800 = arith.constant 0 : i32
        %get3A_801 = arith.index_cast %get3A_800 : i32 to index
        %get3A_802 = arith.index_cast %add3A_754 : i32 to index
        %get3A_803 = arith.constant 48 : index
        %get3A_804 = tpu.vector_load %arg4[%get3A_801, %get3A_802, %get3A_803] {strides = array<i32>} : memref<2x256x128xf32, #tpu.memory_space<vmem>>, vector<1x1x16xf32>,
        %get3A_805 = vector.shape_cast %get3A_804 : vector<1x1x16xf32> to vector<16xf32>
        %mul3A_806 = arith.mulf %get3A_805, %mul3A_322 : vector<16xf32>
        %add3A_807 = arith.addf %mul3A_806, %sub3A_332 : vector<16xf32>
        %swap3A_808 = arith.constant 0 : i32
        %swap3A_809 = arith.index_cast %swap3A_808 : i32 to index
        %swap3A_810 = arith.index_cast %add3A_754 : i32 to index
        %swap3A_811 = arith.constant 48 : index
        %swap3A_812 = tpu.vector_load %arg4[%swap3A_809, %swap3A_810, %swap3A_811] {strides = array<i32>} : memref<2x256x128xf32, #tpu.memory_space<vmem>>, vector<1x1x16xf32>,
        %swap3A_813 = vector.shape_cast %swap3A_812 : vector<1x1x16xf32> to vector<16xf32>
        %swap3A_814 = vector.shape_cast %add3A_807 : vector<16xf32> to vector<1x1x16xf32>
        tpu.vector_store %arg4[%swap3A_809, %swap3A_810, %swap3A_811], %swap3A_814 {strides = array<i32>} : memref<2x256x128xf32, #tpu.memory_space<vmem>>, vector<1x1x16xf32>,
        %get3A_815 = arith.constant 0 : i32
        %get3A_816 = arith.index_cast %get3A_815 : i32 to index
        %get3A_817 = arith.index_cast %add3A_754 : i32 to index
        %get3A_818 = arith.constant 64 : index
        %get3A_819 = tpu.vector_load %arg4[%get3A_816, %get3A_817, %get3A_818] {strides = array<i32>} : memref<2x256x128xf32, #tpu.memory_space<vmem>>, vector<1x1x16xf32>,
        %get3A_820 = vector.shape_cast %get3A_819 : vector<1x1x16xf32> to vector<16xf32>
        %mul3A_821 = arith.mulf %get3A_820, %mul3A_341 : vector<16xf32>
        %add3A_822 = arith.addf %mul3A_821, %sub3A_351 : vector<16xf32>
        %swap3A_823 = arith.constant 0 : i32
        %swap3A_824 = arith.index_cast %swap3A_823 : i32 to index
        %swap3A_825 = arith.index_cast %add3A_754 : i32 to index
        %swap3A_826 = arith.constant 64 : index
        %swap3A_827 = tpu.vector_load %arg4[%swap3A_824, %swap3A_825, %swap3A_826] {strides = array<i32>} : memref<2x256x128xf32, #tpu.memory_space<vmem>>, vector<1x1x16xf32>,
        %swap3A_828 = vector.shape_cast %swap3A_827 : vector<1x1x16xf32> to vector<16xf32>
        %swap3A_829 = vector.shape_cast %add3A_822 : vector<16xf32> to vector<1x1x16xf32>
        tpu.vector_store %arg4[%swap3A_824, %swap3A_825, %swap3A_826], %swap3A_829 {strides = array<i32>} : memref<2x256x128xf32, #tpu.memory_space<vmem>>, vector<1x1x16xf32>,
        %get3A_830 = arith.constant 0 : i32
        %get3A_831 = arith.index_cast %get3A_830 : i32 to index
        %get3A_832 = arith.index_cast %add3A_754 : i32 to index
        %get3A_833 = arith.constant 80 : index
        %get3A_834 = tpu.vector_load %arg4[%get3A_831, %get3A_832, %get3A_833] {strides = array<i32>} : memref<2x256x128xf32, #tpu.memory_space<vmem>>, vector<1x1x16xf32>,
        %get3A_835 = vector.shape_cast %get3A_834 : vector<1x1x16xf32> to vector<16xf32>
        %mul3A_836 = arith.mulf %get3A_835, %mul3A_360 : vector<16xf32>
        %add3A_837 = arith.addf %mul3A_836, %sub3A_370 : vector<16xf32>
        %swap3A_838 = arith.constant 0 : i32
        %swap3A_839 = arith.index_cast %swap3A_838 : i32 to index
        %swap3A_840 = arith.index_cast %add3A_754 : i32 to index
        %swap3A_841 = arith.constant 80 : index
        %swap3A_842 = tpu.vector_load %arg4[%swap3A_839, %swap3A_840, %swap3A_841] {strides = array<i32>} : memref<2x256x128xf32, #tpu.memory_space<vmem>>, vector<1x1x16xf32>,
        %swap3A_843 = vector.shape_cast %swap3A_842 : vector<1x1x16xf32> to vector<16xf32>
        %swap3A_844 = vector.shape_cast %add3A_837 : vector<16xf32> to vector<1x1x16xf32>
        tpu.vector_store %arg4[%swap3A_839, %swap3A_840, %swap3A_841], %swap3A_844 {strides = array<i32>} : memref<2x256x128xf32, #tpu.memory_space<vmem>>, vector<1x1x16xf32>,
        %get3A_845 = arith.constant 0 : i32
        %get3A_846 = arith.index_cast %get3A_845 : i32 to index
        %get3A_847 = arith.index_cast %add3A_754 : i32 to index
        %get3A_848 = arith.constant 96 : index
        %get3A_849 = tpu.vector_load %arg4[%get3A_846, %get3A_847, %get3A_848] {strides = array<i32>} : memref<2x256x128xf32, #tpu.memory_space<vmem>>, vector<1x1x16xf32>,
        %get3A_850 = vector.shape_cast %get3A_849 : vector<1x1x16xf32> to vector<16xf32>
        %mul3A_851 = arith.mulf %get3A_850, %mul3A_379 : vector<16xf32>
        %add3A_852 = arith.addf %mul3A_851, %sub3A_389 : vector<16xf32>
        %swap3A_853 = arith.constant 0 : i32
        %swap3A_854 = arith.index_cast %swap3A_853 : i32 to index
        %swap3A_855 = arith.index_cast %add3A_754 : i32 to index
        %swap3A_856 = arith.constant 96 : index
        %swap3A_857 = tpu.vector_load %arg4[%swap3A_854, %swap3A_855, %swap3A_856] {strides = array<i32>} : memref<2x256x128xf32, #tpu.memory_space<vmem>>, vector<1x1x16xf32>,
        %swap3A_858 = vector.shape_cast %swap3A_857 : vector<1x1x16xf32> to vector<16xf32>
        %swap3A_859 = vector.shape_cast %add3A_852 : vector<16xf32> to vector<1x1x16xf32>
        tpu.vector_store %arg4[%swap3A_854, %swap3A_855, %swap3A_856], %swap3A_859 {strides = array<i32>} : memref<2x256x128xf32, #tpu.memory_space<vmem>>, vector<1x1x16xf32>,
        %get3A_860 = arith.constant 0 : i32
        %get3A_861 = arith.index_cast %get3A_860 : i32 to index
        %get3A_862 = arith.index_cast %add3A_754 : i32 to index
        %get3A_863 = arith.constant 112 : index
        %get3A_864 = tpu.vector_load %arg4[%get3A_861, %get3A_862, %get3A_863] {strides = array<i32>} : memref<2x256x128xf32, #tpu.memory_space<vmem>>, vector<1x1x16xf32>,
        %get3A_865 = vector.shape_cast %get3A_864 : vector<1x1x16xf32> to vector<16xf32>
        %mul3A_866 = arith.mulf %get3A_865, %mul3A_398 : vector<16xf32>
        %add3A_867 = arith.addf %mul3A_866, %sub3A_408 : vector<16xf32>
        %swap3A_868 = arith.constant 0 : i32
        %swap3A_869 = arith.index_cast %swap3A_868 : i32 to index
        %swap3A_870 = arith.index_cast %add3A_754 : i32 to index
        %swap3A_871 = arith.constant 112 : index
        %swap3A_872 = tpu.vector_load %arg4[%swap3A_869, %swap3A_870, %swap3A_871] {strides = array<i32>} : memref<2x256x128xf32, #tpu.memory_space<vmem>>, vector<1x1x16xf32>,
        %swap3A_873 = vector.shape_cast %swap3A_872 : vector<1x1x16xf32> to vector<16xf32>
        %swap3A_874 = vector.shape_cast %add3A_867 : vector<16xf32> to vector<1x1x16xf32>
        tpu.vector_store %arg4[%swap3A_869, %swap3A_870, %swap3A_871], %swap3A_874 {strides = array<i32>} : memref<2x256x128xf32, #tpu.memory_space<vmem>>, vector<1x1x16xf32>,
        %mul3A_875 = arith.constant 4 : i32
        %mul3A_876 = arith.muli %mul3A_875, %scan3A_626 : i32
        %add3A_877 = arith.constant 2 : i32
        %add3A_878 = arith.addi %mul3A_876, %add3A_877 : i32
        %get3A_879 = arith.constant 0 : i32
        %get3A_880 = arith.index_cast %get3A_879 : i32 to index
        %get3A_881 = arith.index_cast %add3A_878 : i32 to index
        %get3A_882 = arith.constant 0 : index
        %get3A_883 = tpu.vector_load %arg4[%get3A_880, %get3A_881, %get3A_882] {strides = array<i32>} : memref<2x256x128xf32, #tpu.memory_space<vmem>>, vector<1x1x16xf32>,
        %get3A_884 = vector.shape_cast %get3A_883 : vector<1x1x16xf32> to vector<16xf32>
        %mul3A_885 = arith.mulf %get3A_884, %mul3A_266 : vector<16xf32>
        %add3A_886 = arith.addf %mul3A_885, %sub3A : vector<16xf32>
        %swap3A_887 = arith.constant 0 : i32
        %swap3A_888 = arith.index_cast %swap3A_887 : i32 to index
        %swap3A_889 = arith.index_cast %add3A_878 : i32 to index
        %swap3A_890 = arith.constant 0 : index
        %swap3A_891 = tpu.vector_load %arg4[%swap3A_888, %swap3A_889, %swap3A_890] {strides = array<i32>} : memref<2x256x128xf32, #tpu.memory_space<vmem>>, vector<1x1x16xf32>,
        %swap3A_892 = vector.shape_cast %swap3A_891 : vector<1x1x16xf32> to vector<16xf32>
        %swap3A_893 = vector.shape_cast %add3A_886 : vector<16xf32> to vector<1x1x16xf32>
        tpu.vector_store %arg4[%swap3A_888, %swap3A_889, %swap3A_890], %swap3A_893 {strides = array<i32>} : memref<2x256x128xf32, #tpu.memory_space<vmem>>, vector<1x1x16xf32>,
        %get3A_894 = arith.constant 0 : i32
        %get3A_895 = arith.index_cast %get3A_894 : i32 to index
        %get3A_896 = arith.index_cast %add3A_878 : i32 to index
        %get3A_897 = arith.constant 16 : index
        %get3A_898 = tpu.vector_load %arg4[%get3A_895, %get3A_896, %get3A_897] {strides = array<i32>} : memref<2x256x128xf32, #tpu.memory_space<vmem>>, vector<1x1x16xf32>,
        %get3A_899 = vector.shape_cast %get3A_898 : vector<1x1x16xf32> to vector<16xf32>
        %mul3A_900 = arith.mulf %get3A_899, %mul3A_284 : vector<16xf32>
        %add3A_901 = arith.addf %mul3A_900, %sub3A_294 : vector<16xf32>
        %swap3A_902 = arith.constant 0 : i32
        %swap3A_903 = arith.index_cast %swap3A_902 : i32 to index
        %swap3A_904 = arith.index_cast %add3A_878 : i32 to index
        %swap3A_905 = arith.constant 16 : index
        %swap3A_906 = tpu.vector_load %arg4[%swap3A_903, %swap3A_904, %swap3A_905] {strides = array<i32>} : memref<2x256x128xf32, #tpu.memory_space<vmem>>, vector<1x1x16xf32>,
        %swap3A_907 = vector.shape_cast %swap3A_906 : vector<1x1x16xf32> to vector<16xf32>
        %swap3A_908 = vector.shape_cast %add3A_901 : vector<16xf32> to vector<1x1x16xf32>
        tpu.vector_store %arg4[%swap3A_903, %swap3A_904, %swap3A_905], %swap3A_908 {strides = array<i32>} : memref<2x256x128xf32, #tpu.memory_space<vmem>>, vector<1x1x16xf32>,
        %get3A_909 = arith.constant 0 : i32
        %get3A_910 = arith.index_cast %get3A_909 : i32 to index
        %get3A_911 = arith.index_cast %add3A_878 : i32 to index
        %get3A_912 = arith.constant 32 : index
        %get3A_913 = tpu.vector_load %arg4[%get3A_910, %get3A_911, %get3A_912] {strides = array<i32>} : memref<2x256x128xf32, #tpu.memory_space<vmem>>, vector<1x1x16xf32>,
        %get3A_914 = vector.shape_cast %get3A_913 : vector<1x1x16xf32> to vector<16xf32>
        %mul3A_915 = arith.mulf %get3A_914, %mul3A_303 : vector<16xf32>
        %add3A_916 = arith.addf %mul3A_915, %sub3A_313 : vector<16xf32>
        %swap3A_917 = arith.constant 0 : i32
        %swap3A_918 = arith.index_cast %swap3A_917 : i32 to index
        %swap3A_919 = arith.index_cast %add3A_878 : i32 to index
        %swap3A_920 = arith.constant 32 : index
        %swap3A_921 = tpu.vector_load %arg4[%swap3A_918, %swap3A_919, %swap3A_920] {strides = array<i32>} : memref<2x256x128xf32, #tpu.memory_space<vmem>>, vector<1x1x16xf32>,
        %swap3A_922 = vector.shape_cast %swap3A_921 : vector<1x1x16xf32> to vector<16xf32>
        %swap3A_923 = vector.shape_cast %add3A_916 : vector<16xf32> to vector<1x1x16xf32>
        tpu.vector_store %arg4[%swap3A_918, %swap3A_919, %swap3A_920], %swap3A_923 {strides = array<i32>} : memref<2x256x128xf32, #tpu.memory_space<vmem>>, vector<1x1x16xf32>,
        %get3A_924 = arith.constant 0 : i32
        %get3A_925 = arith.index_cast %get3A_924 : i32 to index
        %get3A_926 = arith.index_cast %add3A_878 : i32 to index
        %get3A_927 = arith.constant 48 : index
        %get3A_928 = tpu.vector_load %arg4[%get3A_925, %get3A_926, %get3A_927] {strides = array<i32>} : memref<2x256x128xf32, #tpu.memory_space<vmem>>, vector<1x1x16xf32>,
        %get3A_929 = vector.shape_cast %get3A_928 : vector<1x1x16xf32> to vector<16xf32>
        %mul3A_930 = arith.mulf %get3A_929, %mul3A_322 : vector<16xf32>
        %add3A_931 = arith.addf %mul3A_930, %sub3A_332 : vector<16xf32>
        %swap3A_932 = arith.constant 0 : i32
        %swap3A_933 = arith.index_cast %swap3A_932 : i32 to index
        %swap3A_934 = arith.index_cast %add3A_878 : i32 to index
        %swap3A_935 = arith.constant 48 : index
        %swap3A_936 = tpu.vector_load %arg4[%swap3A_933, %swap3A_934, %swap3A_935] {strides = array<i32>} : memref<2x256x128xf32, #tpu.memory_space<vmem>>, vector<1x1x16xf32>,
        %swap3A_937 = vector.shape_cast %swap3A_936 : vector<1x1x16xf32> to vector<16xf32>
        %swap3A_938 = vector.shape_cast %add3A_931 : vector<16xf32> to vector<1x1x16xf32>
        tpu.vector_store %arg4[%swap3A_933, %swap3A_934, %swap3A_935], %swap3A_938 {strides = array<i32>} : memref<2x256x128xf32, #tpu.memory_space<vmem>>, vector<1x1x16xf32>,
        %get3A_939 = arith.constant 0 : i32
        %get3A_940 = arith.index_cast %get3A_939 : i32 to index
        %get3A_941 = arith.index_cast %add3A_878 : i32 to index
        %get3A_942 = arith.constant 64 : index
        %get3A_943 = tpu.vector_load %arg4[%get3A_940, %get3A_941, %get3A_942] {strides = array<i32>} : memref<2x256x128xf32, #tpu.memory_space<vmem>>, vector<1x1x16xf32>,
        %get3A_944 = vector.shape_cast %get3A_943 : vector<1x1x16xf32> to vector<16xf32>
        %mul3A_945 = arith.mulf %get3A_944, %mul3A_341 : vector<16xf32>
        %add3A_946 = arith.addf %mul3A_945, %sub3A_351 : vector<16xf32>
        %swap3A_947 = arith.constant 0 : i32
        %swap3A_948 = arith.index_cast %swap3A_947 : i32 to index
        %swap3A_949 = arith.index_cast %add3A_878 : i32 to index
        %swap3A_950 = arith.constant 64 : index
        %swap3A_951 = tpu.vector_load %arg4[%swap3A_948, %swap3A_949, %swap3A_950] {strides = array<i32>} : memref<2x256x128xf32, #tpu.memory_space<vmem>>, vector<1x1x16xf32>,
        %swap3A_952 = vector.shape_cast %swap3A_951 : vector<1x1x16xf32> to vector<16xf32>
        %swap3A_953 = vector.shape_cast %add3A_946 : vector<16xf32> to vector<1x1x16xf32>
        tpu.vector_store %arg4[%swap3A_948, %swap3A_949, %swap3A_950], %swap3A_953 {strides = array<i32>} : memref<2x256x128xf32, #tpu.memory_space<vmem>>, vector<1x1x16xf32>,
        %get3A_954 = arith.constant 0 : i32
        %get3A_955 = arith.index_cast %get3A_954 : i32 to index
        %get3A_956 = arith.index_cast %add3A_878 : i32 to index
        %get3A_957 = arith.constant 80 : index
        %get3A_958 = tpu.vector_load %arg4[%get3A_955, %get3A_956, %get3A_957] {strides = array<i32>} : memref<2x256x128xf32, #tpu.memory_space<vmem>>, vector<1x1x16xf32>,
        %get3A_959 = vector.shape_cast %get3A_958 : vector<1x1x16xf32> to vector<16xf32>
        %mul3A_960 = arith.mulf %get3A_959, %mul3A_360 : vector<16xf32>
        %add3A_961 = arith.addf %mul3A_960, %sub3A_370 : vector<16xf32>
        %swap3A_962 = arith.constant 0 : i32
        %swap3A_963 = arith.index_cast %swap3A_962 : i32 to index
        %swap3A_964 = arith.index_cast %add3A_878 : i32 to index
        %swap3A_965 = arith.constant 80 : index
        %swap3A_966 = tpu.vector_load %arg4[%swap3A_963, %swap3A_964, %swap3A_965] {strides = array<i32>} : memref<2x256x128xf32, #tpu.memory_space<vmem>>, vector<1x1x16xf32>,
        %swap3A_967 = vector.shape_cast %swap3A_966 : vector<1x1x16xf32> to vector<16xf32>
        %swap3A_968 = vector.shape_cast %add3A_961 : vector<16xf32> to vector<1x1x16xf32>
        tpu.vector_store %arg4[%swap3A_963, %swap3A_964, %swap3A_965], %swap3A_968 {strides = array<i32>} : memref<2x256x128xf32, #tpu.memory_space<vmem>>, vector<1x1x16xf32>,
        %get3A_969 = arith.constant 0 : i32
        %get3A_970 = arith.index_cast %get3A_969 : i32 to index
        %get3A_971 = arith.index_cast %add3A_878 : i32 to index
        %get3A_972 = arith.constant 96 : index
        %get3A_973 = tpu.vector_load %arg4[%get3A_970, %get3A_971, %get3A_972] {strides = array<i32>} : memref<2x256x128xf32, #tpu.memory_space<vmem>>, vector<1x1x16xf32>,
        %get3A_974 = vector.shape_cast %get3A_973 : vector<1x1x16xf32> to vector<16xf32>
        %mul3A_975 = arith.mulf %get3A_974, %mul3A_379 : vector<16xf32>
        %add3A_976 = arith.addf %mul3A_975, %sub3A_389 : vector<16xf32>
        %swap3A_977 = arith.constant 0 : i32
        %swap3A_978 = arith.index_cast %swap3A_977 : i32 to index
        %swap3A_979 = arith.index_cast %add3A_878 : i32 to index
        %swap3A_980 = arith.constant 96 : index
        %swap3A_981 = tpu.vector_load %arg4[%swap3A_978, %swap3A_979, %swap3A_980] {strides = array<i32>} : memref<2x256x128xf32, #tpu.memory_space<vmem>>, vector<1x1x16xf32>,
        %swap3A_982 = vector.shape_cast %swap3A_981 : vector<1x1x16xf32> to vector<16xf32>
        %swap3A_983 = vector.shape_cast %add3A_976 : vector<16xf32> to vector<1x1x16xf32>
        tpu.vector_store %arg4[%swap3A_978, %swap3A_979, %swap3A_980], %swap3A_983 {strides = array<i32>} : memref<2x256x128xf32, #tpu.memory_space<vmem>>, vector<1x1x16xf32>,
        %get3A_984 = arith.constant 0 : i32
        %get3A_985 = arith.index_cast %get3A_984 : i32 to index
        %get3A_986 = arith.index_cast %add3A_878 : i32 to index
        %get3A_987 = arith.constant 112 : index
        %get3A_988 = tpu.vector_load %arg4[%get3A_985, %get3A_986, %get3A_987] {strides = array<i32>} : memref<2x256x128xf32, #tpu.memory_space<vmem>>, vector<1x1x16xf32>,
        %get3A_989 = vector.shape_cast %get3A_988 : vector<1x1x16xf32> to vector<16xf32>
        %mul3A_990 = arith.mulf %get3A_989, %mul3A_398 : vector<16xf32>
        %add3A_991 = arith.addf %mul3A_990, %sub3A_408 : vector<16xf32>
        %swap3A_992 = arith.constant 0 : i32
        %swap3A_993 = arith.index_cast %swap3A_992 : i32 to index
        %swap3A_994 = arith.index_cast %add3A_878 : i32 to index
        %swap3A_995 = arith.constant 112 : index
        %swap3A_996 = tpu.vector_load %arg4[%swap3A_993, %swap3A_994, %swap3A_995] {strides = array<i32>} : memref<2x256x128xf32, #tpu.memory_space<vmem>>, vector<1x1x16xf32>,
        %swap3A_997 = vector.shape_cast %swap3A_996 : vector<1x1x16xf32> to vector<16xf32>
        %swap3A_998 = vector.shape_cast %add3A_991 : vector<16xf32> to vector<1x1x16xf32>
        tpu.vector_store %arg4[%swap3A_993, %swap3A_994, %swap3A_995], %swap3A_998 {strides = array<i32>} : memref<2x256x128xf32, #tpu.memory_space<vmem>>, vector<1x1x16xf32>,
        %mul3A_999 = arith.constant 4 : i32
        %mul3A_1000 = arith.muli %mul3A_999, %scan3A_626 : i32
        %add3A_1001 = arith.constant 3 : i32
        %add3A_1002 = arith.addi %mul3A_1000, %add3A_1001 : i32
        %get3A_1003 = arith.constant 0 : i32
        %get3A_1004 = arith.index_cast %get3A_1003 : i32 to index
        %get3A_1005 = arith.index_cast %add3A_1002 : i32 to index
        %get3A_1006 = arith.constant 0 : index
        %get3A_1007 = tpu.vector_load %arg4[%get3A_1004, %get3A_1005, %get3A_1006] {strides = array<i32>} : memref<2x256x128xf32, #tpu.memory_space<vmem>>, vector<1x1x16xf32>,
        %get3A_1008 = vector.shape_cast %get3A_1007 : vector<1x1x16xf32> to vector<16xf32>
        %mul3A_1009 = arith.mulf %get3A_1008, %mul3A_266 : vector<16xf32>
        %add3A_1010 = arith.addf %mul3A_1009, %sub3A : vector<16xf32>
        %swap3A_1011 = arith.constant 0 : i32
        %swap3A_1012 = arith.index_cast %swap3A_1011 : i32 to index
        %swap3A_1013 = arith.index_cast %add3A_1002 : i32 to index
        %swap3A_1014 = arith.constant 0 : index
        %swap3A_1015 = tpu.vector_load %arg4[%swap3A_1012, %swap3A_1013, %swap3A_1014] {strides = array<i32>} : memref<2x256x128xf32, #tpu.memory_space<vmem>>, vector<1x1x16xf32>,
        %swap3A_1016 = vector.shape_cast %swap3A_1015 : vector<1x1x16xf32> to vector<16xf32>
        %swap3A_1017 = vector.shape_cast %add3A_1010 : vector<16xf32> to vector<1x1x16xf32>
        tpu.vector_store %arg4[%swap3A_1012, %swap3A_1013, %swap3A_1014], %swap3A_1017 {strides = array<i32>} : memref<2x256x128xf32, #tpu.memory_space<vmem>>, vector<1x1x16xf32>,
        %get3A_1018 = arith.constant 0 : i32
        %get3A_1019 = arith.index_cast %get3A_1018 : i32 to index
        %get3A_1020 = arith.index_cast %add3A_1002 : i32 to index
        %get3A_1021 = arith.constant 16 : index
        %get3A_1022 = tpu.vector_load %arg4[%get3A_1019, %get3A_1020, %get3A_1021] {strides = array<i32>} : memref<2x256x128xf32, #tpu.memory_space<vmem>>, vector<1x1x16xf32>,
        %get3A_1023 = vector.shape_cast %get3A_1022 : vector<1x1x16xf32> to vector<16xf32>
        %mul3A_1024 = arith.mulf %get3A_1023, %mul3A_284 : vector<16xf32>
        %add3A_1025 = arith.addf %mul3A_1024, %sub3A_294 : vector<16xf32>
        %swap3A_1026 = arith.constant 0 : i32
        %swap3A_1027 = arith.index_cast %swap3A_1026 : i32 to index
        %swap3A_1028 = arith.index_cast %add3A_1002 : i32 to index
        %swap3A_1029 = arith.constant 16 : index
        %swap3A_1030 = tpu.vector_load %arg4[%swap3A_1027, %swap3A_1028, %swap3A_1029] {strides = array<i32>} : memref<2x256x128xf32, #tpu.memory_space<vmem>>, vector<1x1x16xf32>,
        %swap3A_1031 = vector.shape_cast %swap3A_1030 : vector<1x1x16xf32> to vector<16xf32>
        %swap3A_1032 = vector.shape_cast %add3A_1025 : vector<16xf32> to vector<1x1x16xf32>
        tpu.vector_store %arg4[%swap3A_1027, %swap3A_1028, %swap3A_1029], %swap3A_1032 {strides = array<i32>} : memref<2x256x128xf32, #tpu.memory_space<vmem>>, vector<1x1x16xf32>,
        %get3A_1033 = arith.constant 0 : i32
        %get3A_1034 = arith.index_cast %get3A_1033 : i32 to index
        %get3A_1035 = arith.index_cast %add3A_1002 : i32 to index
        %get3A_1036 = arith.constant 32 : index
        %get3A_1037 = tpu.vector_load %arg4[%get3A_1034, %get3A_1035, %get3A_1036] {strides = array<i32>} : memref<2x256x128xf32, #tpu.memory_space<vmem>>, vector<1x1x16xf32>,
        %get3A_1038 = vector.shape_cast %get3A_1037 : vector<1x1x16xf32> to vector<16xf32>
        %mul3A_1039 = arith.mulf %get3A_1038, %mul3A_303 : vector<16xf32>
        %add3A_1040 = arith.addf %mul3A_1039, %sub3A_313 : vector<16xf32>
        %swap3A_1041 = arith.constant 0 : i32
        %swap3A_1042 = arith.index_cast %swap3A_1041 : i32 to index
        %swap3A_1043 = arith.index_cast %add3A_1002 : i32 to index
        %swap3A_1044 = arith.constant 32 : index
        %swap3A_1045 = tpu.vector_load %arg4[%swap3A_1042, %swap3A_1043, %swap3A_1044] {strides = array<i32>} : memref<2x256x128xf32, #tpu.memory_space<vmem>>, vector<1x1x16xf32>,
        %swap3A_1046 = vector.shape_cast %swap3A_1045 : vector<1x1x16xf32> to vector<16xf32>
        %swap3A_1047 = vector.shape_cast %add3A_1040 : vector<16xf32> to vector<1x1x16xf32>
        tpu.vector_store %arg4[%swap3A_1042, %swap3A_1043, %swap3A_1044], %swap3A_1047 {strides = array<i32>} : memref<2x256x128xf32, #tpu.memory_space<vmem>>, vector<1x1x16xf32>,
        %get3A_1048 = arith.constant 0 : i32
        %get3A_1049 = arith.index_cast %get3A_1048 : i32 to index
        %get3A_1050 = arith.index_cast %add3A_1002 : i32 to index
        %get3A_1051 = arith.constant 48 : index
        %get3A_1052 = tpu.vector_load %arg4[%get3A_1049, %get3A_1050, %get3A_1051] {strides = array<i32>} : memref<2x256x128xf32, #tpu.memory_space<vmem>>, vector<1x1x16xf32>,
        %get3A_1053 = vector.shape_cast %get3A_1052 : vector<1x1x16xf32> to vector<16xf32>
        %mul3A_1054 = arith.mulf %get3A_1053, %mul3A_322 : vector<16xf32>
        %add3A_1055 = arith.addf %mul3A_1054, %sub3A_332 : vector<16xf32>
        %swap3A_1056 = arith.constant 0 : i32
        %swap3A_1057 = arith.index_cast %swap3A_1056 : i32 to index
        %swap3A_1058 = arith.index_cast %add3A_1002 : i32 to index
        %swap3A_1059 = arith.constant 48 : index
        %swap3A_1060 = tpu.vector_load %arg4[%swap3A_1057, %swap3A_1058, %swap3A_1059] {strides = array<i32>} : memref<2x256x128xf32, #tpu.memory_space<vmem>>, vector<1x1x16xf32>,
        %swap3A_1061 = vector.shape_cast %swap3A_1060 : vector<1x1x16xf32> to vector<16xf32>
        %swap3A_1062 = vector.shape_cast %add3A_1055 : vector<16xf32> to vector<1x1x16xf32>
        tpu.vector_store %arg4[%swap3A_1057, %swap3A_1058, %swap3A_1059], %swap3A_1062 {strides = array<i32>} : memref<2x256x128xf32, #tpu.memory_space<vmem>>, vector<1x1x16xf32>,
        %get3A_1063 = arith.constant 0 : i32
        %get3A_1064 = arith.index_cast %get3A_1063 : i32 to index
        %get3A_1065 = arith.index_cast %add3A_1002 : i32 to index
        %get3A_1066 = arith.constant 64 : index
        %get3A_1067 = tpu.vector_load %arg4[%get3A_1064, %get3A_1065, %get3A_1066] {strides = array<i32>} : memref<2x256x128xf32, #tpu.memory_space<vmem>>, vector<1x1x16xf32>,
        %get3A_1068 = vector.shape_cast %get3A_1067 : vector<1x1x16xf32> to vector<16xf32>
        %mul3A_1069 = arith.mulf %get3A_1068, %mul3A_341 : vector<16xf32>
        %add3A_1070 = arith.addf %mul3A_1069, %sub3A_351 : vector<16xf32>
        %swap3A_1071 = arith.constant 0 : i32
        %swap3A_1072 = arith.index_cast %swap3A_1071 : i32 to index
        %swap3A_1073 = arith.index_cast %add3A_1002 : i32 to index
        %swap3A_1074 = arith.constant 64 : index
        %swap3A_1075 = tpu.vector_load %arg4[%swap3A_1072, %swap3A_1073, %swap3A_1074] {strides = array<i32>} : memref<2x256x128xf32, #tpu.memory_space<vmem>>, vector<1x1x16xf32>,
        %swap3A_1076 = vector.shape_cast %swap3A_1075 : vector<1x1x16xf32> to vector<16xf32>
        %swap3A_1077 = vector.shape_cast %add3A_1070 : vector<16xf32> to vector<1x1x16xf32>
        tpu.vector_store %arg4[%swap3A_1072, %swap3A_1073, %swap3A_1074], %swap3A_1077 {strides = array<i32>} : memref<2x256x128xf32, #tpu.memory_space<vmem>>, vector<1x1x16xf32>,
        %get3A_1078 = arith.constant 0 : i32
        %get3A_1079 = arith.index_cast %get3A_1078 : i32 to index
        %get3A_1080 = arith.index_cast %add3A_1002 : i32 to index
        %get3A_1081 = arith.constant 80 : index
        %get3A_1082 = tpu.vector_load %arg4[%get3A_1079, %get3A_1080, %get3A_1081] {strides = array<i32>} : memref<2x256x128xf32, #tpu.memory_space<vmem>>, vector<1x1x16xf32>,
        %get3A_1083 = vector.shape_cast %get3A_1082 : vector<1x1x16xf32> to vector<16xf32>
        %mul3A_1084 = arith.mulf %get3A_1083, %mul3A_360 : vector<16xf32>
        %add3A_1085 = arith.addf %mul3A_1084, %sub3A_370 : vector<16xf32>
        %swap3A_1086 = arith.constant 0 : i32
        %swap3A_1087 = arith.index_cast %swap3A_1086 : i32 to index
        %swap3A_1088 = arith.index_cast %add3A_1002 : i32 to index
        %swap3A_1089 = arith.constant 80 : index
        %swap3A_1090 = tpu.vector_load %arg4[%swap3A_1087, %swap3A_1088, %swap3A_1089] {strides = array<i32>} : memref<2x256x128xf32, #tpu.memory_space<vmem>>, vector<1x1x16xf32>,
        %swap3A_1091 = vector.shape_cast %swap3A_1090 : vector<1x1x16xf32> to vector<16xf32>
        %swap3A_1092 = vector.shape_cast %add3A_1085 : vector<16xf32> to vector<1x1x16xf32>
        tpu.vector_store %arg4[%swap3A_1087, %swap3A_1088, %swap3A_1089], %swap3A_1092 {strides = array<i32>} : memref<2x256x128xf32, #tpu.memory_space<vmem>>, vector<1x1x16xf32>,
        %get3A_1093 = arith.constant 0 : i32
        %get3A_1094 = arith.index_cast %get3A_1093 : i32 to index
        %get3A_1095 = arith.index_cast %add3A_1002 : i32 to index
        %get3A_1096 = arith.constant 96 : index
        %get3A_1097 = tpu.vector_load %arg4[%get3A_1094, %get3A_1095, %get3A_1096] {strides = array<i32>} : memref<2x256x128xf32, #tpu.memory_space<vmem>>, vector<1x1x16xf32>,
        %get3A_1098 = vector.shape_cast %get3A_1097 : vector<1x1x16xf32> to vector<16xf32>
        %mul3A_1099 = arith.mulf %get3A_1098, %mul3A_379 : vector<16xf32>
        %add3A_1100 = arith.addf %mul3A_1099, %sub3A_389 : vector<16xf32>
        %swap3A_1101 = arith.constant 0 : i32
        %swap3A_1102 = arith.index_cast %swap3A_1101 : i32 to index
        %swap3A_1103 = arith.index_cast %add3A_1002 : i32 to index
        %swap3A_1104 = arith.constant 96 : index
        %swap3A_1105 = tpu.vector_load %arg4[%swap3A_1102, %swap3A_1103, %swap3A_1104] {strides = array<i32>} : memref<2x256x128xf32, #tpu.memory_space<vmem>>, vector<1x1x16xf32>,
        %swap3A_1106 = vector.shape_cast %swap3A_1105 : vector<1x1x16xf32> to vector<16xf32>
        %swap3A_1107 = vector.shape_cast %add3A_1100 : vector<16xf32> to vector<1x1x16xf32>
        tpu.vector_store %arg4[%swap3A_1102, %swap3A_1103, %swap3A_1104], %swap3A_1107 {strides = array<i32>} : memref<2x256x128xf32, #tpu.memory_space<vmem>>, vector<1x1x16xf32>,
        %get3A_1108 = arith.constant 0 : i32
        %get3A_1109 = arith.index_cast %get3A_1108 : i32 to index
        %get3A_1110 = arith.index_cast %add3A_1002 : i32 to index
        %get3A_1111 = arith.constant 112 : index
        %get3A_1112 = tpu.vector_load %arg4[%get3A_1109, %get3A_1110, %get3A_1111] {strides = array<i32>} : memref<2x256x128xf32, #tpu.memory_space<vmem>>, vector<1x1x16xf32>,
        %get3A_1113 = vector.shape_cast %get3A_1112 : vector<1x1x16xf32> to vector<16xf32>
        %mul3A_1114 = arith.mulf %get3A_1113, %mul3A_398 : vector<16xf32>
        %add3A_1115 = arith.addf %mul3A_1114, %sub3A_408 : vector<16xf32>
        %swap3A_1116 = arith.constant 0 : i32
        %swap3A_1117 = arith.index_cast %swap3A_1116 : i32 to index
        %swap3A_1118 = arith.index_cast %add3A_1002 : i32 to index
        %swap3A_1119 = arith.constant 112 : index
        %swap3A_1120 = tpu.vector_load %arg4[%swap3A_1117, %swap3A_1118, %swap3A_1119] {strides = array<i32>} : memref<2x256x128xf32, #tpu.memory_space<vmem>>, vector<1x1x16xf32>,
        %swap3A_1121 = vector.shape_cast %swap3A_1120 : vector<1x1x16xf32> to vector<16xf32>
        %swap3A_1122 = vector.shape_cast %add3A_1115 : vector<16xf32> to vector<1x1x16xf32>
        tpu.vector_store %arg4[%swap3A_1117, %swap3A_1118, %swap3A_1119], %swap3A_1122 {strides = array<i32>} : memref<2x256x128xf32, #tpu.memory_space<vmem>>, vector<1x1x16xf32>,
      }
      %scan3A_413 = arith.constant 64 : i32
      %dma_start3A_414 = arith.constant 0 : i32
      %dma_start3A_415 = arith.constant 0 : i32
      %dma_start3A_416 = arith.constant 0 : i32
      %dma_start3A_417 = tpu.memref_slice %arg4[%dma_start3A_414, %dma_start3A_415, %dma_start3A_416] : memref<2x256x128xf32, #tpu.memory_space<vmem>> -> memref<1x256x128xf32, #tpu.memory_space<vmem>>
      %dma_start3A_418 = tpu.memref_squeeze %dma_start3A_417 : memref<1x256x128xf32, #tpu.memory_space<vmem>> -> memref<256x128xf32, #tpu.memory_space<vmem>>
      %dma_start3A_419 = arith.constant 0 : i32
      %dma_start3A_420 = tpu.memref_slice %arg3[%get3A_241, %dma_start3A_419, %mul3A_2] : memref<32x256x4096xf32, #tpu.memory_space<hbm>> -> memref<1x256x128xf32, #tpu.memory_space<hbm>>
      %dma_start3A_421 = tpu.memref_squeeze %dma_start3A_420 : memref<1x256x128xf32, #tpu.memory_space<hbm>> -> memref<256x128xf32, #tpu.memory_space<hbm>>
      %dma_start3A_422 = arith.constant 0 : i32
      %dma_start3A_423 = tpu.memref_slice %arg3[%get3A_241, %dma_start3A_422, %mul3A_2] : memref<32x256x4096xf32, #tpu.memory_space<hbm>> -> memref<1x256x128xf32, #tpu.memory_space<hbm>>
      %dma_start3A_424 = tpu.memref_squeeze %dma_start3A_423 : memref<1x256x128xf32, #tpu.memory_space<hbm>> -> memref<256x128xf32, #tpu.memory_space<hbm>>
      %dma_start3A_425 = arith.constant 0 : i32
      %dma_start3A_426 = arith.constant 0 : i32
      %dma_start3A_427 = tpu.memref_slice %arg4[%dma_start3A_414, %dma_start3A_425, %dma_start3A_426] : memref<2x256x128xf32, #tpu.memory_space<vmem>> -> memref<1x256x128xf32, #tpu.memory_space<vmem>>
      %dma_start3A_428 = tpu.memref_squeeze %dma_start3A_427 : memref<1x256x128xf32, #tpu.memory_space<vmem>> -> memref<256x128xf32, #tpu.memory_space<vmem>>
      tpu.enqueue_dma source(%dma_start3A_428 : memref<256x128xf32, #tpu.memory_space<vmem>>) target(%dma_start3A_424 : memref<256x128xf32, #tpu.memory_space<hbm>>) target_semaphore(%arg11 : memref<!tpu.dma_semaphore, #tpu.memory_space<semaphore_mem>>)
      %mul3A_429 = arith.constant 2 : i32
      %mul3A_430 = arith.muli %mul3A_429, %scan3A_237 : i32
      %add3A_431 = arith.constant 1 : i32
      %add3A_432 = arith.addi %mul3A_430, %add3A_431 : i32
      %get3A_433 = arith.index_cast %add3A_432 : i32 to index
      %get3A_434 = memref.load %arg8[%get3A_433] : memref<32xi32, #tpu.memory_space<smem>>
      %dma_wait3A_435 = arith.constant 0 : i32
      %dma_wait3A_436 = arith.constant 1 : i32
      %dma_wait3A_437 = arith.constant 0 : i32
      %dma_wait3A_438 = arith.constant 0 : i32
      %dma_wait3A_439 = tpu.memref_slice %arg4[%dma_wait3A_436, %dma_wait3A_437, %dma_wait3A_438] : memref<2x256x128xf32, #tpu.memory_space<vmem>> -> memref<1x256x128xf32, #tpu.memory_space<vmem>>
      %dma_wait3A_440 = tpu.memref_squeeze %dma_wait3A_439 : memref<1x256x128xf32, #tpu.memory_space<vmem>> -> memref<256x128xf32, #tpu.memory_space<vmem>>
      %dma_wait3A_441 = arith.constant 0 : i32
      %dma_wait3A_442 = tpu.memref_slice %arg2[%dma_wait3A_435, %dma_wait3A_441, %mul3A_2] : memref<32x256x4096xf32, #tpu.memory_space<hbm>> -> memref<1x256x128xf32, #tpu.memory_space<hbm>>
      %dma_wait3A_443 = tpu.memref_squeeze %dma_wait3A_442 : memref<1x256x128xf32, #tpu.memory_space<hbm>> -> memref<256x128xf32, #tpu.memory_space<hbm>>
      %dma_wait3A_444 = arith.constant 0 : i32
      %dma_wait3A_445 = arith.constant 0 : i32
      %dma_wait3A_446 = tpu.memref_slice %arg4[%dma_wait3A_436, %dma_wait3A_444, %dma_wait3A_445] : memref<2x256x128xf32, #tpu.memory_space<vmem>> -> memref<1x256x128xf32, #tpu.memory_space<vmem>>
      %dma_wait3A_447 = tpu.memref_squeeze %dma_wait3A_446 : memref<1x256x128xf32, #tpu.memory_space<vmem>> -> memref<256x128xf32, #tpu.memory_space<vmem>>
      %dma_wait3A_448 = arith.constant 0 : i32
      %dma_wait3A_449 = tpu.memref_slice %arg2[%dma_wait3A_435, %dma_wait3A_448, %mul3A_2] : memref<32x256x4096xf32, #tpu.memory_space<hbm>> -> memref<1x256x128xf32, #tpu.memory_space<hbm>>
      %dma_wait3A_450 = tpu.memref_squeeze %dma_wait3A_449 : memref<1x256x128xf32, #tpu.memory_space<hbm>> -> memref<256x128xf32, #tpu.memory_space<hbm>>
      tpu.wait_dma2 semaphore(%arg10 : memref<!tpu.dma_semaphore, #tpu.memory_space<semaphore_mem>>) src(%dma_wait3A_450 : memref<256x128xf32, #tpu.memory_space<hbm>>) dst(%dma_wait3A_447 : memref<256x128xf32, #tpu.memory_space<vmem>>)
      %get3A_451 = arith.index_cast %add3A_432 : i32 to index
      %get3A_452 = arith.constant 0 : index
      %get3A_453 = tpu.vector_load %arg6[%get3A_451, %get3A_452] {strides = array<i32>} : memref<32x128xf32, #tpu.memory_space<vmem>>, vector<1x16xf32>,
      %get3A_454 = vector.shape_cast %get3A_453 : vector<1x16xf32> to vector<16xf32>
      %get3A_455 = arith.index_cast %get3A_434 : i32 to index
      %get3A_456 = arith.constant 0 : index
      %get3A_457 = tpu.vector_load %arg7[%get3A_455, %get3A_456] {strides = array<i32>} : memref<32x128xf32, #tpu.memory_space<vmem>>, vector<1x16xf32>,
      %get3A_458 = vector.shape_cast %get3A_457 : vector<1x16xf32> to vector<16xf32>
      %mul3A_459 = arith.mulf %get3A_454, %get3A_458 : vector<16xf32>
      %get3A_460 = arith.index_cast %get3A_434 : i32 to index
      %get3A_461 = arith.constant 0 : index
      %get3A_462 = tpu.vector_load %arg5[%get3A_460, %get3A_461] {strides = array<i32>} : memref<32x128xf32, #tpu.memory_space<vmem>>, vector<1x16xf32>,
      %get3A_463 = vector.shape_cast %get3A_462 : vector<1x16xf32> to vector<16xf32>
      %get3A_464 = arith.index_cast %add3A_432 : i32 to index
      %get3A_465 = arith.constant 0 : index
      %get3A_466 = tpu.vector_load %arg5[%get3A_464, %get3A_465] {strides = array<i32>} : memref<32x128xf32, #tpu.memory_space<vmem>>, vector<1x16xf32>,
      %get3A_467 = vector.shape_cast %get3A_466 : vector<1x16xf32> to vector<16xf32>
      %mul3A_468 = arith.mulf %get3A_467, %mul3A_459 : vector<16xf32>
      %sub3A_469 = arith.subf %get3A_463, %mul3A_468 : vector<16xf32>
      %get3A_470 = arith.index_cast %add3A_432 : i32 to index
      %get3A_471 = arith.constant 16 : index
      %get3A_472 = tpu.vector_load %arg6[%get3A_470, %get3A_471] {strides = array<i32>} : memref<32x128xf32, #tpu.memory_space<vmem>>, vector<1x16xf32>,
      %get3A_473 = vector.shape_cast %get3A_472 : vector<1x16xf32> to vector<16xf32>
      %get3A_474 = arith.index_cast %get3A_434 : i32 to index
      %get3A_475 = arith.constant 16 : index
      %get3A_476 = tpu.vector_load %arg7[%get3A_474, %get3A_475] {strides = array<i32>} : memref<32x128xf32, #tpu.memory_space<vmem>>, vector<1x16xf32>,
      %get3A_477 = vector.shape_cast %get3A_476 : vector<1x16xf32> to vector<16xf32>
      %mul3A_478 = arith.mulf %get3A_473, %get3A_477 : vector<16xf32>
      %get3A_479 = arith.index_cast %get3A_434 : i32 to index
      %get3A_480 = arith.constant 16 : index
      %get3A_481 = tpu.vector_load %arg5[%get3A_479, %get3A_480] {strides = array<i32>} : memref<32x128xf32, #tpu.memory_space<vmem>>, vector<1x16xf32>,
      %get3A_482 = vector.shape_cast %get3A_481 : vector<1x16xf32> to vector<16xf32>
      %get3A_483 = arith.index_cast %add3A_432 : i32 to index
      %get3A_484 = arith.constant 16 : index
      %get3A_485 = tpu.vector_load %arg5[%get3A_483, %get3A_484] {strides = array<i32>} : memref<32x128xf32, #tpu.memory_space<vmem>>, vector<1x16xf32>,
      %get3A_486 = vector.shape_cast %get3A_485 : vector<1x16xf32> to vector<16xf32>
      %mul3A_487 = arith.mulf %get3A_486, %mul3A_478 : vector<16xf32>
      %sub3A_488 = arith.subf %get3A_482, %mul3A_487 : vector<16xf32>
      %get3A_489 = arith.index_cast %add3A_432 : i32 to index
      %get3A_490 = arith.constant 32 : index
      %get3A_491 = tpu.vector_load %arg6[%get3A_489, %get3A_490] {strides = array<i32>} : memref<32x128xf32, #tpu.memory_space<vmem>>, vector<1x16xf32>,
      %get3A_492 = vector.shape_cast %get3A_491 : vector<1x16xf32> to vector<16xf32>
      %get3A_493 = arith.index_cast %get3A_434 : i32 to index
      %get3A_494 = arith.constant 32 : index
      %get3A_495 = tpu.vector_load %arg7[%get3A_493, %get3A_494] {strides = array<i32>} : memref<32x128xf32, #tpu.memory_space<vmem>>, vector<1x16xf32>,
      %get3A_496 = vector.shape_cast %get3A_495 : vector<1x16xf32> to vector<16xf32>
      %mul3A_497 = arith.mulf %get3A_492, %get3A_496 : vector<16xf32>
      %get3A_498 = arith.index_cast %get3A_434 : i32 to index
      %get3A_499 = arith.constant 32 : index
      %get3A_500 = tpu.vector_load %arg5[%get3A_498, %get3A_499] {strides = array<i32>} : memref<32x128xf32, #tpu.memory_space<vmem>>, vector<1x16xf32>,
      %get3A_501 = vector.shape_cast %get3A_500 : vector<1x16xf32> to vector<16xf32>
      %get3A_502 = arith.index_cast %add3A_432 : i32 to index
      %get3A_503 = arith.constant 32 : index
      %get3A_504 = tpu.vector_load %arg5[%get3A_502, %get3A_503] {strides = array<i32>} : memref<32x128xf32, #tpu.memory_space<vmem>>, vector<1x16xf32>,
      %get3A_505 = vector.shape_cast %get3A_504 : vector<1x16xf32> to vector<16xf32>
      %mul3A_506 = arith.mulf %get3A_505, %mul3A_497 : vector<16xf32>
      %sub3A_507 = arith.subf %get3A_501, %mul3A_506 : vector<16xf32>
      %get3A_508 = arith.index_cast %add3A_432 : i32 to index
      %get3A_509 = arith.constant 48 : index
      %get3A_510 = tpu.vector_load %arg6[%get3A_508, %get3A_509] {strides = array<i32>} : memref<32x128xf32, #tpu.memory_space<vmem>>, vector<1x16xf32>,
      %get3A_511 = vector.shape_cast %get3A_510 : vector<1x16xf32> to vector<16xf32>
      %get3A_512 = arith.index_cast %get3A_434 : i32 to index
      %get3A_513 = arith.constant 48 : index
      %get3A_514 = tpu.vector_load %arg7[%get3A_512, %get3A_513] {strides = array<i32>} : memref<32x128xf32, #tpu.memory_space<vmem>>, vector<1x16xf32>,
      %get3A_515 = vector.shape_cast %get3A_514 : vector<1x16xf32> to vector<16xf32>
      %mul3A_516 = arith.mulf %get3A_511, %get3A_515 : vector<16xf32>
      %get3A_517 = arith.index_cast %get3A_434 : i32 to index
      %get3A_518 = arith.constant 48 : index
      %get3A_519 = tpu.vector_load %arg5[%get3A_517, %get3A_518] {strides = array<i32>} : memref<32x128xf32, #tpu.memory_space<vmem>>, vector<1x16xf32>,
      %get3A_520 = vector.shape_cast %get3A_519 : vector<1x16xf32> to vector<16xf32>
      %get3A_521 = arith.index_cast %add3A_432 : i32 to index
      %get3A_522 = arith.constant 48 : index
      %get3A_523 = tpu.vector_load %arg5[%get3A_521, %get3A_522] {strides = array<i32>} : memref<32x128xf32, #tpu.memory_space<vmem>>, vector<1x16xf32>,
      %get3A_524 = vector.shape_cast %get3A_523 : vector<1x16xf32> to vector<16xf32>
      %mul3A_525 = arith.mulf %get3A_524, %mul3A_516 : vector<16xf32>
      %sub3A_526 = arith.subf %get3A_520, %mul3A_525 : vector<16xf32>
      %get3A_527 = arith.index_cast %add3A_432 : i32 to index
      %get3A_528 = arith.constant 64 : index
      %get3A_529 = tpu.vector_load %arg6[%get3A_527, %get3A_528] {strides = array<i32>} : memref<32x128xf32, #tpu.memory_space<vmem>>, vector<1x16xf32>,
      %get3A_530 = vector.shape_cast %get3A_529 : vector<1x16xf32> to vector<16xf32>
      %get3A_531 = arith.index_cast %get3A_434 : i32 to index
      %get3A_532 = arith.constant 64 : index
      %get3A_533 = tpu.vector_load %arg7[%get3A_531, %get3A_532] {strides = array<i32>} : memref<32x128xf32, #tpu.memory_space<vmem>>, vector<1x16xf32>,
      %get3A_534 = vector.shape_cast %get3A_533 : vector<1x16xf32> to vector<16xf32>
      %mul3A_535 = arith.mulf %get3A_530, %get3A_534 : vector<16xf32>
      %get3A_536 = arith.index_cast %get3A_434 : i32 to index
      %get3A_537 = arith.constant 64 : index
      %get3A_538 = tpu.vector_load %arg5[%get3A_536, %get3A_537] {strides = array<i32>} : memref<32x128xf32, #tpu.memory_space<vmem>>, vector<1x16xf32>,
      %get3A_539 = vector.shape_cast %get3A_538 : vector<1x16xf32> to vector<16xf32>
      %get3A_540 = arith.index_cast %add3A_432 : i32 to index
      %get3A_541 = arith.constant 64 : index
      %get3A_542 = tpu.vector_load %arg5[%get3A_540, %get3A_541] {strides = array<i32>} : memref<32x128xf32, #tpu.memory_space<vmem>>, vector<1x16xf32>,
      %get3A_543 = vector.shape_cast %get3A_542 : vector<1x16xf32> to vector<16xf32>
      %mul3A_544 = arith.mulf %get3A_543, %mul3A_535 : vector<16xf32>
      %sub3A_545 = arith.subf %get3A_539, %mul3A_544 : vector<16xf32>
      %get3A_546 = arith.index_cast %add3A_432 : i32 to index
      %get3A_547 = arith.constant 80 : index
      %get3A_548 = tpu.vector_load %arg6[%get3A_546, %get3A_547] {strides = array<i32>} : memref<32x128xf32, #tpu.memory_space<vmem>>, vector<1x16xf32>,
      %get3A_549 = vector.shape_cast %get3A_548 : vector<1x16xf32> to vector<16xf32>
      %get3A_550 = arith.index_cast %get3A_434 : i32 to index
      %get3A_551 = arith.constant 80 : index
      %get3A_552 = tpu.vector_load %arg7[%get3A_550, %get3A_551] {strides = array<i32>} : memref<32x128xf32, #tpu.memory_space<vmem>>, vector<1x16xf32>,
      %get3A_553 = vector.shape_cast %get3A_552 : vector<1x16xf32> to vector<16xf32>
      %mul3A_554 = arith.mulf %get3A_549, %get3A_553 : vector<16xf32>
      %get3A_555 = arith.index_cast %get3A_434 : i32 to index
      %get3A_556 = arith.constant 80 : index
      %get3A_557 = tpu.vector_load %arg5[%get3A_555, %get3A_556] {strides = array<i32>} : memref<32x128xf32, #tpu.memory_space<vmem>>, vector<1x16xf32>,
      %get3A_558 = vector.shape_cast %get3A_557 : vector<1x16xf32> to vector<16xf32>
      %get3A_559 = arith.index_cast %add3A_432 : i32 to index
      %get3A_560 = arith.constant 80 : index
      %get3A_561 = tpu.vector_load %arg5[%get3A_559, %get3A_560] {strides = array<i32>} : memref<32x128xf32, #tpu.memory_space<vmem>>, vector<1x16xf32>,
      %get3A_562 = vector.shape_cast %get3A_561 : vector<1x16xf32> to vector<16xf32>
      %mul3A_563 = arith.mulf %get3A_562, %mul3A_554 : vector<16xf32>
      %sub3A_564 = arith.subf %get3A_558, %mul3A_563 : vector<16xf32>
      %get3A_565 = arith.index_cast %add3A_432 : i32 to index
      %get3A_566 = arith.constant 96 : index
      %get3A_567 = tpu.vector_load %arg6[%get3A_565, %get3A_566] {strides = array<i32>} : memref<32x128xf32, #tpu.memory_space<vmem>>, vector<1x16xf32>,
      %get3A_568 = vector.shape_cast %get3A_567 : vector<1x16xf32> to vector<16xf32>
      %get3A_569 = arith.index_cast %get3A_434 : i32 to index
      %get3A_570 = arith.constant 96 : index
      %get3A_571 = tpu.vector_load %arg7[%get3A_569, %get3A_570] {strides = array<i32>} : memref<32x128xf32, #tpu.memory_space<vmem>>, vector<1x16xf32>,
      %get3A_572 = vector.shape_cast %get3A_571 : vector<1x16xf32> to vector<16xf32>
      %mul3A_573 = arith.mulf %get3A_568, %get3A_572 : vector<16xf32>
      %get3A_574 = arith.index_cast %get3A_434 : i32 to index
      %get3A_575 = arith.constant 96 : index
      %get3A_576 = tpu.vector_load %arg5[%get3A_574, %get3A_575] {strides = array<i32>} : memref<32x128xf32, #tpu.memory_space<vmem>>, vector<1x16xf32>,
      %get3A_577 = vector.shape_cast %get3A_576 : vector<1x16xf32> to vector<16xf32>
      %get3A_578 = arith.index_cast %add3A_432 : i32 to index
      %get3A_579 = arith.constant 96 : index
      %get3A_580 = tpu.vector_load %arg5[%get3A_578, %get3A_579] {strides = array<i32>} : memref<32x128xf32, #tpu.memory_space<vmem>>, vector<1x16xf32>,
      %get3A_581 = vector.shape_cast %get3A_580 : vector<1x16xf32> to vector<16xf32>
      %mul3A_582 = arith.mulf %get3A_581, %mul3A_573 : vector<16xf32>
      %sub3A_583 = arith.subf %get3A_577, %mul3A_582 : vector<16xf32>
      %get3A_584 = arith.index_cast %add3A_432 : i32 to index
      %get3A_585 = arith.constant 112 : index
      %get3A_586 = tpu.vector_load %arg6[%get3A_584, %get3A_585] {strides = array<i32>} : memref<32x128xf32, #tpu.memory_space<vmem>>, vector<1x16xf32>,
      %get3A_587 = vector.shape_cast %get3A_586 : vector<1x16xf32> to vector<16xf32>
      %get3A_588 = arith.index_cast %get3A_434 : i32 to index
      %get3A_589 = arith.constant 112 : index
      %get3A_590 = tpu.vector_load %arg7[%get3A_588, %get3A_589] {strides = array<i32>} : memref<32x128xf32, #tpu.memory_space<vmem>>, vector<1x16xf32>,
      %get3A_591 = vector.shape_cast %get3A_590 : vector<1x16xf32> to vector<16xf32>
      %mul3A_592 = arith.mulf %get3A_587, %get3A_591 : vector<16xf32>
      %get3A_593 = arith.index_cast %get3A_434 : i32 to index
      %get3A_594 = arith.constant 112 : index
      %get3A_595 = tpu.vector_load %arg5[%get3A_593, %get3A_594] {strides = array<i32>} : memref<32x128xf32, #tpu.memory_space<vmem>>, vector<1x16xf32>,
      %get3A_596 = vector.shape_cast %get3A_595 : vector<1x16xf32> to vector<16xf32>
      %get3A_597 = arith.index_cast %add3A_432 : i32 to index
      %get3A_598 = arith.constant 112 : index
      %get3A_599 = tpu.vector_load %arg5[%get3A_597, %get3A_598] {strides = array<i32>} : memref<32x128xf32, #tpu.memory_space<vmem>>, vector<1x16xf32>,
      %get3A_600 = vector.shape_cast %get3A_599 : vector<1x16xf32> to vector<16xf32>
      %mul3A_601 = arith.mulf %get3A_600, %mul3A_592 : vector<16xf32>
      %sub3A_602 = arith.subf %get3A_596, %mul3A_601 : vector<16xf32>
      %scan3A_603 = arith.constant 0 : i32
      %scan3A_604 = arith.constant 64 : i32
      %scan3A_605 = arith.addi %scan3A_603, %scan3A_604 : i32
      %scan3A_606 = arith.constant 1 : i32
      scf.for %scan3A_626 = %scan3A_603 to %scan3A_605 step %scan3A_606  : i32 {
        %mul3A_627 = arith.constant 4 : i32
        %mul3A_628 = arith.muli %mul3A_627, %scan3A_626 : i32
        %add3A_629 = arith.constant 0 : i32
        %add3A_630 = arith.addi %mul3A_628, %add3A_629 : i32
        %get3A_631 = arith.constant 1 : i32
        %get3A_632 = arith.index_cast %get3A_631 : i32 to index
        %get3A_633 = arith.index_cast %add3A_630 : i32 to index
        %get3A_634 = arith.constant 0 : index
        %get3A_635 = tpu.vector_load %arg4[%get3A_632, %get3A_633, %get3A_634] {strides = array<i32>} : memref<2x256x128xf32, #tpu.memory_space<vmem>>, vector<1x1x16xf32>,
        %get3A_636 = vector.shape_cast %get3A_635 : vector<1x1x16xf32> to vector<16xf32>
        %mul3A_637 = arith.mulf %get3A_636, %mul3A_459 : vector<16xf32>
        %add3A_638 = arith.addf %mul3A_637, %sub3A_469 : vector<16xf32>
        %swap3A_639 = arith.constant 1 : i32
        %swap3A_640 = arith.index_cast %swap3A_639 : i32 to index
        %swap3A_641 = arith.index_cast %add3A_630 : i32 to index
        %swap3A_642 = arith.constant 0 : index
        %swap3A_643 = tpu.vector_load %arg4[%swap3A_640, %swap3A_641, %swap3A_642] {strides = array<i32>} : memref<2x256x128xf32, #tpu.memory_space<vmem>>, vector<1x1x16xf32>,
        %swap3A_644 = vector.shape_cast %swap3A_643 : vector<1x1x16xf32> to vector<16xf32>
        %swap3A_645 = vector.shape_cast %add3A_638 : vector<16xf32> to vector<1x1x16xf32>
        tpu.vector_store %arg4[%swap3A_640, %swap3A_641, %swap3A_642], %swap3A_645 {strides = array<i32>} : memref<2x256x128xf32, #tpu.memory_space<vmem>>, vector<1x1x16xf32>,
        %get3A_646 = arith.constant 1 : i32
        %get3A_647 = arith.index_cast %get3A_646 : i32 to index
        %get3A_648 = arith.index_cast %add3A_630 : i32 to index
        %get3A_649 = arith.constant 16 : index
        %get3A_650 = tpu.vector_load %arg4[%get3A_647, %get3A_648, %get3A_649] {strides = array<i32>} : memref<2x256x128xf32, #tpu.memory_space<vmem>>, vector<1x1x16xf32>,
        %get3A_651 = vector.shape_cast %get3A_650 : vector<1x1x16xf32> to vector<16xf32>
        %mul3A_652 = arith.mulf %get3A_651, %mul3A_478 : vector<16xf32>
        %add3A_653 = arith.addf %mul3A_652, %sub3A_488 : vector<16xf32>
        %swap3A_654 = arith.constant 1 : i32
        %swap3A_655 = arith.index_cast %swap3A_654 : i32 to index
        %swap3A_656 = arith.index_cast %add3A_630 : i32 to index
        %swap3A_657 = arith.constant 16 : index
        %swap3A_658 = tpu.vector_load %arg4[%swap3A_655, %swap3A_656, %swap3A_657] {strides = array<i32>} : memref<2x256x128xf32, #tpu.memory_space<vmem>>, vector<1x1x16xf32>,
        %swap3A_659 = vector.shape_cast %swap3A_658 : vector<1x1x16xf32> to vector<16xf32>
        %swap3A_660 = vector.shape_cast %add3A_653 : vector<16xf32> to vector<1x1x16xf32>
        tpu.vector_store %arg4[%swap3A_655, %swap3A_656, %swap3A_657], %swap3A_660 {strides = array<i32>} : memref<2x256x128xf32, #tpu.memory_space<vmem>>, vector<1x1x16xf32>,
        %get3A_661 = arith.constant 1 : i32
        %get3A_662 = arith.index_cast %get3A_661 : i32 to index
        %get3A_663 = arith.index_cast %add3A_630 : i32 to index
        %get3A_664 = arith.constant 32 : index
        %get3A_665 = tpu.vector_load %arg4[%get3A_662, %get3A_663, %get3A_664] {strides = array<i32>} : memref<2x256x128xf32, #tpu.memory_space<vmem>>, vector<1x1x16xf32>,
        %get3A_666 = vector.shape_cast %get3A_665 : vector<1x1x16xf32> to vector<16xf32>
        %mul3A_667 = arith.mulf %get3A_666, %mul3A_497 : vector<16xf32>
        %add3A_668 = arith.addf %mul3A_667, %sub3A_507 : vector<16xf32>
        %swap3A_669 = arith.constant 1 : i32
        %swap3A_670 = arith.index_cast %swap3A_669 : i32 to index
        %swap3A_671 = arith.index_cast %add3A_630 : i32 to index
        %swap3A_672 = arith.constant 32 : index
        %swap3A_673 = tpu.vector_load %arg4[%swap3A_670, %swap3A_671, %swap3A_672] {strides = array<i32>} : memref<2x256x128xf32, #tpu.memory_space<vmem>>, vector<1x1x16xf32>,
        %swap3A_674 = vector.shape_cast %swap3A_673 : vector<1x1x16xf32> to vector<16xf32>
        %swap3A_675 = vector.shape_cast %add3A_668 : vector<16xf32> to vector<1x1x16xf32>
        tpu.vector_store %arg4[%swap3A_670, %swap3A_671, %swap3A_672], %swap3A_675 {strides = array<i32>} : memref<2x256x128xf32, #tpu.memory_space<vmem>>, vector<1x1x16xf32>,
        %get3A_676 = arith.constant 1 : i32
        %get3A_677 = arith.index_cast %get3A_676 : i32 to index
        %get3A_678 = arith.index_cast %add3A_630 : i32 to index
        %get3A_679 = arith.constant 48 : index
        %get3A_680 = tpu.vector_load %arg4[%get3A_677, %get3A_678, %get3A_679] {strides = array<i32>} : memref<2x256x128xf32, #tpu.memory_space<vmem>>, vector<1x1x16xf32>,
        %get3A_681 = vector.shape_cast %get3A_680 : vector<1x1x16xf32> to vector<16xf32>
        %mul3A_682 = arith.mulf %get3A_681, %mul3A_516 : vector<16xf32>
        %add3A_683 = arith.addf %mul3A_682, %sub3A_526 : vector<16xf32>
        %swap3A_684 = arith.constant 1 : i32
        %swap3A_685 = arith.index_cast %swap3A_684 : i32 to index
        %swap3A_686 = arith.index_cast %add3A_630 : i32 to index
        %swap3A_687 = arith.constant 48 : index
        %swap3A_688 = tpu.vector_load %arg4[%swap3A_685, %swap3A_686, %swap3A_687] {strides = array<i32>} : memref<2x256x128xf32, #tpu.memory_space<vmem>>, vector<1x1x16xf32>,
        %swap3A_689 = vector.shape_cast %swap3A_688 : vector<1x1x16xf32> to vector<16xf32>
        %swap3A_690 = vector.shape_cast %add3A_683 : vector<16xf32> to vector<1x1x16xf32>
        tpu.vector_store %arg4[%swap3A_685, %swap3A_686, %swap3A_687], %swap3A_690 {strides = array<i32>} : memref<2x256x128xf32, #tpu.memory_space<vmem>>, vector<1x1x16xf32>,
        %get3A_691 = arith.constant 1 : i32
        %get3A_692 = arith.index_cast %get3A_691 : i32 to index
        %get3A_693 = arith.index_cast %add3A_630 : i32 to index
        %get3A_694 = arith.constant 64 : index
        %get3A_695 = tpu.vector_load %arg4[%get3A_692, %get3A_693, %get3A_694] {strides = array<i32>} : memref<2x256x128xf32, #tpu.memory_space<vmem>>, vector<1x1x16xf32>,
        %get3A_696 = vector.shape_cast %get3A_695 : vector<1x1x16xf32> to vector<16xf32>
        %mul3A_697 = arith.mulf %get3A_696, %mul3A_535 : vector<16xf32>
        %add3A_698 = arith.addf %mul3A_697, %sub3A_545 : vector<16xf32>
        %swap3A_699 = arith.constant 1 : i32
        %swap3A_700 = arith.index_cast %swap3A_699 : i32 to index
        %swap3A_701 = arith.index_cast %add3A_630 : i32 to index
        %swap3A_702 = arith.constant 64 : index
        %swap3A_703 = tpu.vector_load %arg4[%swap3A_700, %swap3A_701, %swap3A_702] {strides = array<i32>} : memref<2x256x128xf32, #tpu.memory_space<vmem>>, vector<1x1x16xf32>,
        %swap3A_704 = vector.shape_cast %swap3A_703 : vector<1x1x16xf32> to vector<16xf32>
        %swap3A_705 = vector.shape_cast %add3A_698 : vector<16xf32> to vector<1x1x16xf32>
        tpu.vector_store %arg4[%swap3A_700, %swap3A_701, %swap3A_702], %swap3A_705 {strides = array<i32>} : memref<2x256x128xf32, #tpu.memory_space<vmem>>, vector<1x1x16xf32>,
        %get3A_706 = arith.constant 1 : i32
        %get3A_707 = arith.index_cast %get3A_706 : i32 to index
        %get3A_708 = arith.index_cast %add3A_630 : i32 to index
        %get3A_709 = arith.constant 80 : index
        %get3A_710 = tpu.vector_load %arg4[%get3A_707, %get3A_708, %get3A_709] {strides = array<i32>} : memref<2x256x128xf32, #tpu.memory_space<vmem>>, vector<1x1x16xf32>,
        %get3A_711 = vector.shape_cast %get3A_710 : vector<1x1x16xf32> to vector<16xf32>
        %mul3A_712 = arith.mulf %get3A_711, %mul3A_554 : vector<16xf32>
        %add3A_713 = arith.addf %mul3A_712, %sub3A_564 : vector<16xf32>
        %swap3A_714 = arith.constant 1 : i32
        %swap3A_715 = arith.index_cast %swap3A_714 : i32 to index
        %swap3A_716 = arith.index_cast %add3A_630 : i32 to index
        %swap3A_717 = arith.constant 80 : index
        %swap3A_718 = tpu.vector_load %arg4[%swap3A_715, %swap3A_716, %swap3A_717] {strides = array<i32>} : memref<2x256x128xf32, #tpu.memory_space<vmem>>, vector<1x1x16xf32>,
        %swap3A_719 = vector.shape_cast %swap3A_718 : vector<1x1x16xf32> to vector<16xf32>
        %swap3A_720 = vector.shape_cast %add3A_713 : vector<16xf32> to vector<1x1x16xf32>
        tpu.vector_store %arg4[%swap3A_715, %swap3A_716, %swap3A_717], %swap3A_720 {strides = array<i32>} : memref<2x256x128xf32, #tpu.memory_space<vmem>>, vector<1x1x16xf32>,
        %get3A_721 = arith.constant 1 : i32
        %get3A_722 = arith.index_cast %get3A_721 : i32 to index
        %get3A_723 = arith.index_cast %add3A_630 : i32 to index
        %get3A_724 = arith.constant 96 : index
        %get3A_725 = tpu.vector_load %arg4[%get3A_722, %get3A_723, %get3A_724] {strides = array<i32>} : memref<2x256x128xf32, #tpu.memory_space<vmem>>, vector<1x1x16xf32>,
        %get3A_726 = vector.shape_cast %get3A_725 : vector<1x1x16xf32> to vector<16xf32>
        %mul3A_727 = arith.mulf %get3A_726, %mul3A_573 : vector<16xf32>
        %add3A_728 = arith.addf %mul3A_727, %sub3A_583 : vector<16xf32>
        %swap3A_729 = arith.constant 1 : i32
        %swap3A_730 = arith.index_cast %swap3A_729 : i32 to index
        %swap3A_731 = arith.index_cast %add3A_630 : i32 to index
        %swap3A_732 = arith.constant 96 : index
        %swap3A_733 = tpu.vector_load %arg4[%swap3A_730, %swap3A_731, %swap3A_732] {strides = array<i32>} : memref<2x256x128xf32, #tpu.memory_space<vmem>>, vector<1x1x16xf32>,
        %swap3A_734 = vector.shape_cast %swap3A_733 : vector<1x1x16xf32> to vector<16xf32>
        %swap3A_735 = vector.shape_cast %add3A_728 : vector<16xf32> to vector<1x1x16xf32>
        tpu.vector_store %arg4[%swap3A_730, %swap3A_731, %swap3A_732], %swap3A_735 {strides = array<i32>} : memref<2x256x128xf32, #tpu.memory_space<vmem>>, vector<1x1x16xf32>,
        %get3A_736 = arith.constant 1 : i32
        %get3A_737 = arith.index_cast %get3A_736 : i32 to index
        %get3A_738 = arith.index_cast %add3A_630 : i32 to index
        %get3A_739 = arith.constant 112 : index
        %get3A_740 = tpu.vector_load %arg4[%get3A_737, %get3A_738, %get3A_739] {strides = array<i32>} : memref<2x256x128xf32, #tpu.memory_space<vmem>>, vector<1x1x16xf32>,
        %get3A_741 = vector.shape_cast %get3A_740 : vector<1x1x16xf32> to vector<16xf32>
        %mul3A_742 = arith.mulf %get3A_741, %mul3A_592 : vector<16xf32>
        %add3A_743 = arith.addf %mul3A_742, %sub3A_602 : vector<16xf32>
        %swap3A_744 = arith.constant 1 : i32
        %swap3A_745 = arith.index_cast %swap3A_744 : i32 to index
        %swap3A_746 = arith.index_cast %add3A_630 : i32 to index
        %swap3A_747 = arith.constant 112 : index
        %swap3A_748 = tpu.vector_load %arg4[%swap3A_745, %swap3A_746, %swap3A_747] {strides = array<i32>} : memref<2x256x128xf32, #tpu.memory_space<vmem>>, vector<1x1x16xf32>,
        %swap3A_749 = vector.shape_cast %swap3A_748 : vector<1x1x16xf32> to vector<16xf32>
        %swap3A_750 = vector.shape_cast %add3A_743 : vector<16xf32> to vector<1x1x16xf32>
        tpu.vector_store %arg4[%swap3A_745, %swap3A_746, %swap3A_747], %swap3A_750 {strides = array<i32>} : memref<2x256x128xf32, #tpu.memory_space<vmem>>, vector<1x1x16xf32>,
        %mul3A_751 = arith.constant 4 : i32
        %mul3A_752 = arith.muli %mul3A_751, %scan3A_626 : i32
        %add3A_753 = arith.constant 1 : i32
        %add3A_754 = arith.addi %mul3A_752, %add3A_753 : i32
        %get3A_755 = arith.constant 1 : i32
        %get3A_756 = arith.index_cast %get3A_755 : i32 to index
        %get3A_757 = arith.index_cast %add3A_754 : i32 to index
        %get3A_758 = arith.constant 0 : index
        %get3A_759 = tpu.vector_load %arg4[%get3A_756, %get3A_757, %get3A_758] {strides = array<i32>} : memref<2x256x128xf32, #tpu.memory_space<vmem>>, vector<1x1x16xf32>,
        %get3A_760 = vector.shape_cast %get3A_759 : vector<1x1x16xf32> to vector<16xf32>
        %mul3A_761 = arith.mulf %get3A_760, %mul3A_459 : vector<16xf32>
        %add3A_762 = arith.addf %mul3A_761, %sub3A_469 : vector<16xf32>
        %swap3A_763 = arith.constant 1 : i32
        %swap3A_764 = arith.index_cast %swap3A_763 : i32 to index
        %swap3A_765 = arith.index_cast %add3A_754 : i32 to index
        %swap3A_766 = arith.constant 0 : index
        %swap3A_767 = tpu.vector_load %arg4[%swap3A_764, %swap3A_765, %swap3A_766] {strides = array<i32>} : memref<2x256x128xf32, #tpu.memory_space<vmem>>, vector<1x1x16xf32>,
        %swap3A_768 = vector.shape_cast %swap3A_767 : vector<1x1x16xf32> to vector<16xf32>
        %swap3A_769 = vector.shape_cast %add3A_762 : vector<16xf32> to vector<1x1x16xf32>
        tpu.vector_store %arg4[%swap3A_764, %swap3A_765, %swap3A_766], %swap3A_769 {strides = array<i32>} : memref<2x256x128xf32, #tpu.memory_space<vmem>>, vector<1x1x16xf32>,
        %get3A_770 = arith.constant 1 : i32
        %get3A_771 = arith.index_cast %get3A_770 : i32 to index
        %get3A_772 = arith.index_cast %add3A_754 : i32 to index
        %get3A_773 = arith.constant 16 : index
        %get3A_774 = tpu.vector_load %arg4[%get3A_771, %get3A_772, %get3A_773] {strides = array<i32>} : memref<2x256x128xf32, #tpu.memory_space<vmem>>, vector<1x1x16xf32>,
        %get3A_775 = vector.shape_cast %get3A_774 : vector<1x1x16xf32> to vector<16xf32>
        %mul3A_776 = arith.mulf %get3A_775, %mul3A_478 : vector<16xf32>
        %add3A_777 = arith.addf %mul3A_776, %sub3A_488 : vector<16xf32>
        %swap3A_778 = arith.constant 1 : i32
        %swap3A_779 = arith.index_cast %swap3A_778 : i32 to index
        %swap3A_780 = arith.index_cast %add3A_754 : i32 to index
        %swap3A_781 = arith.constant 16 : index
        %swap3A_782 = tpu.vector_load %arg4[%swap3A_779, %swap3A_780, %swap3A_781] {strides = array<i32>} : memref<2x256x128xf32, #tpu.memory_space<vmem>>, vector<1x1x16xf32>,
        %swap3A_783 = vector.shape_cast %swap3A_782 : vector<1x1x16xf32> to vector<16xf32>
        %swap3A_784 = vector.shape_cast %add3A_777 : vector<16xf32> to vector<1x1x16xf32>
        tpu.vector_store %arg4[%swap3A_779, %swap3A_780, %swap3A_781], %swap3A_784 {strides = array<i32>} : memref<2x256x128xf32, #tpu.memory_space<vmem>>, vector<1x1x16xf32>,
        %get3A_785 = arith.constant 1 : i32
        %get3A_786 = arith.index_cast %get3A_785 : i32 to index
        %get3A_787 = arith.index_cast %add3A_754 : i32 to index
        %get3A_788 = arith.constant 32 : index
        %get3A_789 = tpu.vector_load %arg4[%get3A_786, %get3A_787, %get3A_788] {strides = array<i32>} : memref<2x256x128xf32, #tpu.memory_space<vmem>>, vector<1x1x16xf32>,
        %get3A_790 = vector.shape_cast %get3A_789 : vector<1x1x16xf32> to vector<16xf32>
        %mul3A_791 = arith.mulf %get3A_790, %mul3A_497 : vector<16xf32>
        %add3A_792 = arith.addf %mul3A_791, %sub3A_507 : vector<16xf32>
        %swap3A_793 = arith.constant 1 : i32
        %swap3A_794 = arith.index_cast %swap3A_793 : i32 to index
        %swap3A_795 = arith.index_cast %add3A_754 : i32 to index
        %swap3A_796 = arith.constant 32 : index
        %swap3A_797 = tpu.vector_load %arg4[%swap3A_794, %swap3A_795, %swap3A_796] {strides = array<i32>} : memref<2x256x128xf32, #tpu.memory_space<vmem>>, vector<1x1x16xf32>,
        %swap3A_798 = vector.shape_cast %swap3A_797 : vector<1x1x16xf32> to vector<16xf32>
        %swap3A_799 = vector.shape_cast %add3A_792 : vector<16xf32> to vector<1x1x16xf32>
        tpu.vector_store %arg4[%swap3A_794, %swap3A_795, %swap3A_796], %swap3A_799 {strides = array<i32>} : memref<2x256x128xf32, #tpu.memory_space<vmem>>, vector<1x1x16xf32>,
        %get3A_800 = arith.constant 1 : i32
        %get3A_801 = arith.index_cast %get3A_800 : i32 to index
        %get3A_802 = arith.index_cast %add3A_754 : i32 to index
        %get3A_803 = arith.constant 48 : index
        %get3A_804 = tpu.vector_load %arg4[%get3A_801, %get3A_802, %get3A_803] {strides = array<i32>} : memref<2x256x128xf32, #tpu.memory_space<vmem>>, vector<1x1x16xf32>,
        %get3A_805 = vector.shape_cast %get3A_804 : vector<1x1x16xf32> to vector<16xf32>
        %mul3A_806 = arith.mulf %get3A_805, %mul3A_516 : vector<16xf32>
        %add3A_807 = arith.addf %mul3A_806, %sub3A_526 : vector<16xf32>
        %swap3A_808 = arith.constant 1 : i32
        %swap3A_809 = arith.index_cast %swap3A_808 : i32 to index
        %swap3A_810 = arith.index_cast %add3A_754 : i32 to index
        %swap3A_811 = arith.constant 48 : index
        %swap3A_812 = tpu.vector_load %arg4[%swap3A_809, %swap3A_810, %swap3A_811] {strides = array<i32>} : memref<2x256x128xf32, #tpu.memory_space<vmem>>, vector<1x1x16xf32>,
        %swap3A_813 = vector.shape_cast %swap3A_812 : vector<1x1x16xf32> to vector<16xf32>
        %swap3A_814 = vector.shape_cast %add3A_807 : vector<16xf32> to vector<1x1x16xf32>
        tpu.vector_store %arg4[%swap3A_809, %swap3A_810, %swap3A_811], %swap3A_814 {strides = array<i32>} : memref<2x256x128xf32, #tpu.memory_space<vmem>>, vector<1x1x16xf32>,
        %get3A_815 = arith.constant 1 : i32
        %get3A_816 = arith.index_cast %get3A_815 : i32 to index
        %get3A_817 = arith.index_cast %add3A_754 : i32 to index
        %get3A_818 = arith.constant 64 : index
        %get3A_819 = tpu.vector_load %arg4[%get3A_816, %get3A_817, %get3A_818] {strides = array<i32>} : memref<2x256x128xf32, #tpu.memory_space<vmem>>, vector<1x1x16xf32>,
        %get3A_820 = vector.shape_cast %get3A_819 : vector<1x1x16xf32> to vector<16xf32>
        %mul3A_821 = arith.mulf %get3A_820, %mul3A_535 : vector<16xf32>
        %add3A_822 = arith.addf %mul3A_821, %sub3A_545 : vector<16xf32>
        %swap3A_823 = arith.constant 1 : i32
        %swap3A_824 = arith.index_cast %swap3A_823 : i32 to index
        %swap3A_825 = arith.index_cast %add3A_754 : i32 to index
        %swap3A_826 = arith.constant 64 : index
        %swap3A_827 = tpu.vector_load %arg4[%swap3A_824, %swap3A_825, %swap3A_826] {strides = array<i32>} : memref<2x256x128xf32, #tpu.memory_space<vmem>>, vector<1x1x16xf32>,
        %swap3A_828 = vector.shape_cast %swap3A_827 : vector<1x1x16xf32> to vector<16xf32>
        %swap3A_829 = vector.shape_cast %add3A_822 : vector<16xf32> to vector<1x1x16xf32>
        tpu.vector_store %arg4[%swap3A_824, %swap3A_825, %swap3A_826], %swap3A_829 {strides = array<i32>} : memref<2x256x128xf32, #tpu.memory_space<vmem>>, vector<1x1x16xf32>,
        %get3A_830 = arith.constant 1 : i32
        %get3A_831 = arith.index_cast %get3A_830 : i32 to index
        %get3A_832 = arith.index_cast %add3A_754 : i32 to index
        %get3A_833 = arith.constant 80 : index
        %get3A_834 = tpu.vector_load %arg4[%get3A_831, %get3A_832, %get3A_833] {strides = array<i32>} : memref<2x256x128xf32, #tpu.memory_space<vmem>>, vector<1x1x16xf32>,
        %get3A_835 = vector.shape_cast %get3A_834 : vector<1x1x16xf32> to vector<16xf32>
        %mul3A_836 = arith.mulf %get3A_835, %mul3A_554 : vector<16xf32>
        %add3A_837 = arith.addf %mul3A_836, %sub3A_564 : vector<16xf32>
        %swap3A_838 = arith.constant 1 : i32
        %swap3A_839 = arith.index_cast %swap3A_838 : i32 to index
        %swap3A_840 = arith.index_cast %add3A_754 : i32 to index
        %swap3A_841 = arith.constant 80 : index
        %swap3A_842 = tpu.vector_load %arg4[%swap3A_839, %swap3A_840, %swap3A_841] {strides = array<i32>} : memref<2x256x128xf32, #tpu.memory_space<vmem>>, vector<1x1x16xf32>,
        %swap3A_843 = vector.shape_cast %swap3A_842 : vector<1x1x16xf32> to vector<16xf32>
        %swap3A_844 = vector.shape_cast %add3A_837 : vector<16xf32> to vector<1x1x16xf32>
        tpu.vector_store %arg4[%swap3A_839, %swap3A_840, %swap3A_841], %swap3A_844 {strides = array<i32>} : memref<2x256x128xf32, #tpu.memory_space<vmem>>, vector<1x1x16xf32>,
        %get3A_845 = arith.constant 1 : i32
        %get3A_846 = arith.index_cast %get3A_845 : i32 to index
        %get3A_847 = arith.index_cast %add3A_754 : i32 to index
        %get3A_848 = arith.constant 96 : index
        %get3A_849 = tpu.vector_load %arg4[%get3A_846, %get3A_847, %get3A_848] {strides = array<i32>} : memref<2x256x128xf32, #tpu.memory_space<vmem>>, vector<1x1x16xf32>,
        %get3A_850 = vector.shape_cast %get3A_849 : vector<1x1x16xf32> to vector<16xf32>
        %mul3A_851 = arith.mulf %get3A_850, %mul3A_573 : vector<16xf32>
        %add3A_852 = arith.addf %mul3A_851, %sub3A_583 : vector<16xf32>
        %swap3A_853 = arith.constant 1 : i32
        %swap3A_854 = arith.index_cast %swap3A_853 : i32 to index
        %swap3A_855 = arith.index_cast %add3A_754 : i32 to index
        %swap3A_856 = arith.constant 96 : index
        %swap3A_857 = tpu.vector_load %arg4[%swap3A_854, %swap3A_855, %swap3A_856] {strides = array<i32>} : memref<2x256x128xf32, #tpu.memory_space<vmem>>, vector<1x1x16xf32>,
        %swap3A_858 = vector.shape_cast %swap3A_857 : vector<1x1x16xf32> to vector<16xf32>
        %swap3A_859 = vector.shape_cast %add3A_852 : vector<16xf32> to vector<1x1x16xf32>
        tpu.vector_store %arg4[%swap3A_854, %swap3A_855, %swap3A_856], %swap3A_859 {strides = array<i32>} : memref<2x256x128xf32, #tpu.memory_space<vmem>>, vector<1x1x16xf32>,
        %get3A_860 = arith.constant 1 : i32
        %get3A_861 = arith.index_cast %get3A_860 : i32 to index
        %get3A_862 = arith.index_cast %add3A_754 : i32 to index
        %get3A_863 = arith.constant 112 : index
        %get3A_864 = tpu.vector_load %arg4[%get3A_861, %get3A_862, %get3A_863] {strides = array<i32>} : memref<2x256x128xf32, #tpu.memory_space<vmem>>, vector<1x1x16xf32>,
        %get3A_865 = vector.shape_cast %get3A_864 : vector<1x1x16xf32> to vector<16xf32>
        %mul3A_866 = arith.mulf %get3A_865, %mul3A_592 : vector<16xf32>
        %add3A_867 = arith.addf %mul3A_866, %sub3A_602 : vector<16xf32>
        %swap3A_868 = arith.constant 1 : i32
        %swap3A_869 = arith.index_cast %swap3A_868 : i32 to index
        %swap3A_870 = arith.index_cast %add3A_754 : i32 to index
        %swap3A_871 = arith.constant 112 : index
        %swap3A_872 = tpu.vector_load %arg4[%swap3A_869, %swap3A_870, %swap3A_871] {strides = array<i32>} : memref<2x256x128xf32, #tpu.memory_space<vmem>>, vector<1x1x16xf32>,
        %swap3A_873 = vector.shape_cast %swap3A_872 : vector<1x1x16xf32> to vector<16xf32>
        %swap3A_874 = vector.shape_cast %add3A_867 : vector<16xf32> to vector<1x1x16xf32>
        tpu.vector_store %arg4[%swap3A_869, %swap3A_870, %swap3A_871], %swap3A_874 {strides = array<i32>} : memref<2x256x128xf32, #tpu.memory_space<vmem>>, vector<1x1x16xf32>,
        %mul3A_875 = arith.constant 4 : i32
        %mul3A_876 = arith.muli %mul3A_875, %scan3A_626 : i32
        %add3A_877 = arith.constant 2 : i32
        %add3A_878 = arith.addi %mul3A_876, %add3A_877 : i32
        %get3A_879 = arith.constant 1 : i32
        %get3A_880 = arith.index_cast %get3A_879 : i32 to index
        %get3A_881 = arith.index_cast %add3A_878 : i32 to index
        %get3A_882 = arith.constant 0 : index
        %get3A_883 = tpu.vector_load %arg4[%get3A_880, %get3A_881, %get3A_882] {strides = array<i32>} : memref<2x256x128xf32, #tpu.memory_space<vmem>>, vector<1x1x16xf32>,
        %get3A_884 = vector.shape_cast %get3A_883 : vector<1x1x16xf32> to vector<16xf32>
        %mul3A_885 = arith.mulf %get3A_884, %mul3A_459 : vector<16xf32>
        %add3A_886 = arith.addf %mul3A_885, %sub3A_469 : vector<16xf32>
        %swap3A_887 = arith.constant 1 : i32
        %swap3A_888 = arith.index_cast %swap3A_887 : i32 to index
        %swap3A_889 = arith.index_cast %add3A_878 : i32 to index
        %swap3A_890 = arith.constant 0 : index
        %swap3A_891 = tpu.vector_load %arg4[%swap3A_888, %swap3A_889, %swap3A_890] {strides = array<i32>} : memref<2x256x128xf32, #tpu.memory_space<vmem>>, vector<1x1x16xf32>,
        %swap3A_892 = vector.shape_cast %swap3A_891 : vector<1x1x16xf32> to vector<16xf32>
        %swap3A_893 = vector.shape_cast %add3A_886 : vector<16xf32> to vector<1x1x16xf32>
        tpu.vector_store %arg4[%swap3A_888, %swap3A_889, %swap3A_890], %swap3A_893 {strides = array<i32>} : memref<2x256x128xf32, #tpu.memory_space<vmem>>, vector<1x1x16xf32>,
        %get3A_894 = arith.constant 1 : i32
        %get3A_895 = arith.index_cast %get3A_894 : i32 to index
        %get3A_896 = arith.index_cast %add3A_878 : i32 to index
        %get3A_897 = arith.constant 16 : index
        %get3A_898 = tpu.vector_load %arg4[%get3A_895, %get3A_896, %get3A_897] {strides = array<i32>} : memref<2x256x128xf32, #tpu.memory_space<vmem>>, vector<1x1x16xf32>,
        %get3A_899 = vector.shape_cast %get3A_898 : vector<1x1x16xf32> to vector<16xf32>
        %mul3A_900 = arith.mulf %get3A_899, %mul3A_478 : vector<16xf32>
        %add3A_901 = arith.addf %mul3A_900, %sub3A_488 : vector<16xf32>
        %swap3A_902 = arith.constant 1 : i32
        %swap3A_903 = arith.index_cast %swap3A_902 : i32 to index
        %swap3A_904 = arith.index_cast %add3A_878 : i32 to index
        %swap3A_905 = arith.constant 16 : index
        %swap3A_906 = tpu.vector_load %arg4[%swap3A_903, %swap3A_904, %swap3A_905] {strides = array<i32>} : memref<2x256x128xf32, #tpu.memory_space<vmem>>, vector<1x1x16xf32>,
        %swap3A_907 = vector.shape_cast %swap3A_906 : vector<1x1x16xf32> to vector<16xf32>
        %swap3A_908 = vector.shape_cast %add3A_901 : vector<16xf32> to vector<1x1x16xf32>
        tpu.vector_store %arg4[%swap3A_903, %swap3A_904, %swap3A_905], %swap3A_908 {strides = array<i32>} : memref<2x256x128xf32, #tpu.memory_space<vmem>>, vector<1x1x16xf32>,
        %get3A_909 = arith.constant 1 : i32
        %get3A_910 = arith.index_cast %get3A_909 : i32 to index
        %get3A_911 = arith.index_cast %add3A_878 : i32 to index
        %get3A_912 = arith.constant 32 : index
        %get3A_913 = tpu.vector_load %arg4[%get3A_910, %get3A_911, %get3A_912] {strides = array<i32>} : memref<2x256x128xf32, #tpu.memory_space<vmem>>, vector<1x1x16xf32>,
        %get3A_914 = vector.shape_cast %get3A_913 : vector<1x1x16xf32> to vector<16xf32>
        %mul3A_915 = arith.mulf %get3A_914, %mul3A_497 : vector<16xf32>
        %add3A_916 = arith.addf %mul3A_915, %sub3A_507 : vector<16xf32>
        %swap3A_917 = arith.constant 1 : i32
        %swap3A_918 = arith.index_cast %swap3A_917 : i32 to index
        %swap3A_919 = arith.index_cast %add3A_878 : i32 to index
        %swap3A_920 = arith.constant 32 : index
        %swap3A_921 = tpu.vector_load %arg4[%swap3A_918, %swap3A_919, %swap3A_920] {strides = array<i32>} : memref<2x256x128xf32, #tpu.memory_space<vmem>>, vector<1x1x16xf32>,
        %swap3A_922 = vector.shape_cast %swap3A_921 : vector<1x1x16xf32> to vector<16xf32>
        %swap3A_923 = vector.shape_cast %add3A_916 : vector<16xf32> to vector<1x1x16xf32>
        tpu.vector_store %arg4[%swap3A_918, %swap3A_919, %swap3A_920], %swap3A_923 {strides = array<i32>} : memref<2x256x128xf32, #tpu.memory_space<vmem>>, vector<1x1x16xf32>,
        %get3A_924 = arith.constant 1 : i32
        %get3A_925 = arith.index_cast %get3A_924 : i32 to index
        %get3A_926 = arith.index_cast %add3A_878 : i32 to index
        %get3A_927 = arith.constant 48 : index
        %get3A_928 = tpu.vector_load %arg4[%get3A_925, %get3A_926, %get3A_927] {strides = array<i32>} : memref<2x256x128xf32, #tpu.memory_space<vmem>>, vector<1x1x16xf32>,
        %get3A_929 = vector.shape_cast %get3A_928 : vector<1x1x16xf32> to vector<16xf32>
        %mul3A_930 = arith.mulf %get3A_929, %mul3A_516 : vector<16xf32>
        %add3A_931 = arith.addf %mul3A_930, %sub3A_526 : vector<16xf32>
        %swap3A_932 = arith.constant 1 : i32
        %swap3A_933 = arith.index_cast %swap3A_932 : i32 to index
        %swap3A_934 = arith.index_cast %add3A_878 : i32 to index
        %swap3A_935 = arith.constant 48 : index
        %swap3A_936 = tpu.vector_load %arg4[%swap3A_933, %swap3A_934, %swap3A_935] {strides = array<i32>} : memref<2x256x128xf32, #tpu.memory_space<vmem>>, vector<1x1x16xf32>,
        %swap3A_937 = vector.shape_cast %swap3A_936 : vector<1x1x16xf32> to vector<16xf32>
        %swap3A_938 = vector.shape_cast %add3A_931 : vector<16xf32> to vector<1x1x16xf32>
        tpu.vector_store %arg4[%swap3A_933, %swap3A_934, %swap3A_935], %swap3A_938 {strides = array<i32>} : memref<2x256x128xf32, #tpu.memory_space<vmem>>, vector<1x1x16xf32>,
        %get3A_939 = arith.constant 1 : i32
        %get3A_940 = arith.index_cast %get3A_939 : i32 to index
        %get3A_941 = arith.index_cast %add3A_878 : i32 to index
        %get3A_942 = arith.constant 64 : index
        %get3A_943 = tpu.vector_load %arg4[%get3A_940, %get3A_941, %get3A_942] {strides = array<i32>} : memref<2x256x128xf32, #tpu.memory_space<vmem>>, vector<1x1x16xf32>,
        %get3A_944 = vector.shape_cast %get3A_943 : vector<1x1x16xf32> to vector<16xf32>
        %mul3A_945 = arith.mulf %get3A_944, %mul3A_535 : vector<16xf32>
        %add3A_946 = arith.addf %mul3A_945, %sub3A_545 : vector<16xf32>
        %swap3A_947 = arith.constant 1 : i32
        %swap3A_948 = arith.index_cast %swap3A_947 : i32 to index
        %swap3A_949 = arith.index_cast %add3A_878 : i32 to index
        %swap3A_950 = arith.constant 64 : index
        %swap3A_951 = tpu.vector_load %arg4[%swap3A_948, %swap3A_949, %swap3A_950] {strides = array<i32>} : memref<2x256x128xf32, #tpu.memory_space<vmem>>, vector<1x1x16xf32>,
        %swap3A_952 = vector.shape_cast %swap3A_951 : vector<1x1x16xf32> to vector<16xf32>
        %swap3A_953 = vector.shape_cast %add3A_946 : vector<16xf32> to vector<1x1x16xf32>
        tpu.vector_store %arg4[%swap3A_948, %swap3A_949, %swap3A_950], %swap3A_953 {strides = array<i32>} : memref<2x256x128xf32, #tpu.memory_space<vmem>>, vector<1x1x16xf32>,
        %get3A_954 = arith.constant 1 : i32
        %get3A_955 = arith.index_cast %get3A_954 : i32 to index
        %get3A_956 = arith.index_cast %add3A_878 : i32 to index
        %get3A_957 = arith.constant 80 : index
        %get3A_958 = tpu.vector_load %arg4[%get3A_955, %get3A_956, %get3A_957] {strides = array<i32>} : memref<2x256x128xf32, #tpu.memory_space<vmem>>, vector<1x1x16xf32>,
        %get3A_959 = vector.shape_cast %get3A_958 : vector<1x1x16xf32> to vector<16xf32>
        %mul3A_960 = arith.mulf %get3A_959, %mul3A_554 : vector<16xf32>
        %add3A_961 = arith.addf %mul3A_960, %sub3A_564 : vector<16xf32>
        %swap3A_962 = arith.constant 1 : i32
        %swap3A_963 = arith.index_cast %swap3A_962 : i32 to index
        %swap3A_964 = arith.index_cast %add3A_878 : i32 to index
        %swap3A_965 = arith.constant 80 : index
        %swap3A_966 = tpu.vector_load %arg4[%swap3A_963, %swap3A_964, %swap3A_965] {strides = array<i32>} : memref<2x256x128xf32, #tpu.memory_space<vmem>>, vector<1x1x16xf32>,
        %swap3A_967 = vector.shape_cast %swap3A_966 : vector<1x1x16xf32> to vector<16xf32>
        %swap3A_968 = vector.shape_cast %add3A_961 : vector<16xf32> to vector<1x1x16xf32>
        tpu.vector_store %arg4[%swap3A_963, %swap3A_964, %swap3A_965], %swap3A_968 {strides = array<i32>} : memref<2x256x128xf32, #tpu.memory_space<vmem>>, vector<1x1x16xf32>,
        %get3A_969 = arith.constant 1 : i32
        %get3A_970 = arith.index_cast %get3A_969 : i32 to index
        %get3A_971 = arith.index_cast %add3A_878 : i32 to index
        %get3A_972 = arith.constant 96 : index
        %get3A_973 = tpu.vector_load %arg4[%get3A_970, %get3A_971, %get3A_972] {strides = array<i32>} : memref<2x256x128xf32, #tpu.memory_space<vmem>>, vector<1x1x16xf32>,
        %get3A_974 = vector.shape_cast %get3A_973 : vector<1x1x16xf32> to vector<16xf32>
        %mul3A_975 = arith.mulf %get3A_974, %mul3A_573 : vector<16xf32>
        %add3A_976 = arith.addf %mul3A_975, %sub3A_583 : vector<16xf32>
        %swap3A_977 = arith.constant 1 : i32
        %swap3A_978 = arith.index_cast %swap3A_977 : i32 to index
        %swap3A_979 = arith.index_cast %add3A_878 : i32 to index
        %swap3A_980 = arith.constant 96 : index
        %swap3A_981 = tpu.vector_load %arg4[%swap3A_978, %swap3A_979, %swap3A_980] {strides = array<i32>} : memref<2x256x128xf32, #tpu.memory_space<vmem>>, vector<1x1x16xf32>,
        %swap3A_982 = vector.shape_cast %swap3A_981 : vector<1x1x16xf32> to vector<16xf32>
        %swap3A_983 = vector.shape_cast %add3A_976 : vector<16xf32> to vector<1x1x16xf32>
        tpu.vector_store %arg4[%swap3A_978, %swap3A_979, %swap3A_980], %swap3A_983 {strides = array<i32>} : memref<2x256x128xf32, #tpu.memory_space<vmem>>, vector<1x1x16xf32>,
        %get3A_984 = arith.constant 1 : i32
        %get3A_985 = arith.index_cast %get3A_984 : i32 to index
        %get3A_986 = arith.index_cast %add3A_878 : i32 to index
        %get3A_987 = arith.constant 112 : index
        %get3A_988 = tpu.vector_load %arg4[%get3A_985, %get3A_986, %get3A_987] {strides = array<i32>} : memref<2x256x128xf32, #tpu.memory_space<vmem>>, vector<1x1x16xf32>,
        %get3A_989 = vector.shape_cast %get3A_988 : vector<1x1x16xf32> to vector<16xf32>
        %mul3A_990 = arith.mulf %get3A_989, %mul3A_592 : vector<16xf32>
        %add3A_991 = arith.addf %mul3A_990, %sub3A_602 : vector<16xf32>
        %swap3A_992 = arith.constant 1 : i32
        %swap3A_993 = arith.index_cast %swap3A_992 : i32 to index
        %swap3A_994 = arith.index_cast %add3A_878 : i32 to index
        %swap3A_995 = arith.constant 112 : index
        %swap3A_996 = tpu.vector_load %arg4[%swap3A_993, %swap3A_994, %swap3A_995] {strides = array<i32>} : memref<2x256x128xf32, #tpu.memory_space<vmem>>, vector<1x1x16xf32>,
        %swap3A_997 = vector.shape_cast %swap3A_996 : vector<1x1x16xf32> to vector<16xf32>
        %swap3A_998 = vector.shape_cast %add3A_991 : vector<16xf32> to vector<1x1x16xf32>
        tpu.vector_store %arg4[%swap3A_993, %swap3A_994, %swap3A_995], %swap3A_998 {strides = array<i32>} : memref<2x256x128xf32, #tpu.memory_space<vmem>>, vector<1x1x16xf32>,
        %mul3A_999 = arith.constant 4 : i32
        %mul3A_1000 = arith.muli %mul3A_999, %scan3A_626 : i32
        %add3A_1001 = arith.constant 3 : i32
        %add3A_1002 = arith.addi %mul3A_1000, %add3A_1001 : i32
        %get3A_1003 = arith.constant 1 : i32
        %get3A_1004 = arith.index_cast %get3A_1003 : i32 to index
        %get3A_1005 = arith.index_cast %add3A_1002 : i32 to index
        %get3A_1006 = arith.constant 0 : index
        %get3A_1007 = tpu.vector_load %arg4[%get3A_1004, %get3A_1005, %get3A_1006] {strides = array<i32>} : memref<2x256x128xf32, #tpu.memory_space<vmem>>, vector<1x1x16xf32>,
        %get3A_1008 = vector.shape_cast %get3A_1007 : vector<1x1x16xf32> to vector<16xf32>
        %mul3A_1009 = arith.mulf %get3A_1008, %mul3A_459 : vector<16xf32>
        %add3A_1010 = arith.addf %mul3A_1009, %sub3A_469 : vector<16xf32>
        %swap3A_1011 = arith.constant 1 : i32
        %swap3A_1012 = arith.index_cast %swap3A_1011 : i32 to index
        %swap3A_1013 = arith.index_cast %add3A_1002 : i32 to index
        %swap3A_1014 = arith.constant 0 : index
        %swap3A_1015 = tpu.vector_load %arg4[%swap3A_1012, %swap3A_1013, %swap3A_1014] {strides = array<i32>} : memref<2x256x128xf32, #tpu.memory_space<vmem>>, vector<1x1x16xf32>,
        %swap3A_1016 = vector.shape_cast %swap3A_1015 : vector<1x1x16xf32> to vector<16xf32>
        %swap3A_1017 = vector.shape_cast %add3A_1010 : vector<16xf32> to vector<1x1x16xf32>
        tpu.vector_store %arg4[%swap3A_1012, %swap3A_1013, %swap3A_1014], %swap3A_1017 {strides = array<i32>} : memref<2x256x128xf32, #tpu.memory_space<vmem>>, vector<1x1x16xf32>,
        %get3A_1018 = arith.constant 1 : i32
        %get3A_1019 = arith.index_cast %get3A_1018 : i32 to index
        %get3A_1020 = arith.index_cast %add3A_1002 : i32 to index
        %get3A_1021 = arith.constant 16 : index
        %get3A_1022 = tpu.vector_load %arg4[%get3A_1019, %get3A_1020, %get3A_1021] {strides = array<i32>} : memref<2x256x128xf32, #tpu.memory_space<vmem>>, vector<1x1x16xf32>,
        %get3A_1023 = vector.shape_cast %get3A_1022 : vector<1x1x16xf32> to vector<16xf32>
        %mul3A_1024 = arith.mulf %get3A_1023, %mul3A_478 : vector<16xf32>
        %add3A_1025 = arith.addf %mul3A_1024, %sub3A_488 : vector<16xf32>
        %swap3A_1026 = arith.constant 1 : i32
        %swap3A_1027 = arith.index_cast %swap3A_1026 : i32 to index
        %swap3A_1028 = arith.index_cast %add3A_1002 : i32 to index
        %swap3A_1029 = arith.constant 16 : index
        %swap3A_1030 = tpu.vector_load %arg4[%swap3A_1027, %swap3A_1028, %swap3A_1029] {strides = array<i32>} : memref<2x256x128xf32, #tpu.memory_space<vmem>>, vector<1x1x16xf32>,
        %swap3A_1031 = vector.shape_cast %swap3A_1030 : vector<1x1x16xf32> to vector<16xf32>
        %swap3A_1032 = vector.shape_cast %add3A_1025 : vector<16xf32> to vector<1x1x16xf32>
        tpu.vector_store %arg4[%swap3A_1027, %swap3A_1028, %swap3A_1029], %swap3A_1032 {strides = array<i32>} : memref<2x256x128xf32, #tpu.memory_space<vmem>>, vector<1x1x16xf32>,
        %get3A_1033 = arith.constant 1 : i32
        %get3A_1034 = arith.index_cast %get3A_1033 : i32 to index
        %get3A_1035 = arith.index_cast %add3A_1002 : i32 to index
        %get3A_1036 = arith.constant 32 : index
        %get3A_1037 = tpu.vector_load %arg4[%get3A_1034, %get3A_1035, %get3A_1036] {strides = array<i32>} : memref<2x256x128xf32, #tpu.memory_space<vmem>>, vector<1x1x16xf32>,
        %get3A_1038 = vector.shape_cast %get3A_1037 : vector<1x1x16xf32> to vector<16xf32>
        %mul3A_1039 = arith.mulf %get3A_1038, %mul3A_497 : vector<16xf32>
        %add3A_1040 = arith.addf %mul3A_1039, %sub3A_507 : vector<16xf32>
        %swap3A_1041 = arith.constant 1 : i32
        %swap3A_1042 = arith.index_cast %swap3A_1041 : i32 to index
        %swap3A_1043 = arith.index_cast %add3A_1002 : i32 to index
        %swap3A_1044 = arith.constant 32 : index
        %swap3A_1045 = tpu.vector_load %arg4[%swap3A_1042, %swap3A_1043, %swap3A_1044] {strides = array<i32>} : memref<2x256x128xf32, #tpu.memory_space<vmem>>, vector<1x1x16xf32>,
        %swap3A_1046 = vector.shape_cast %swap3A_1045 : vector<1x1x16xf32> to vector<16xf32>
        %swap3A_1047 = vector.shape_cast %add3A_1040 : vector<16xf32> to vector<1x1x16xf32>
        tpu.vector_store %arg4[%swap3A_1042, %swap3A_1043, %swap3A_1044], %swap3A_1047 {strides = array<i32>} : memref<2x256x128xf32, #tpu.memory_space<vmem>>, vector<1x1x16xf32>,
        %get3A_1048 = arith.constant 1 : i32
        %get3A_1049 = arith.index_cast %get3A_1048 : i32 to index
        %get3A_1050 = arith.index_cast %add3A_1002 : i32 to index
        %get3A_1051 = arith.constant 48 : index
        %get3A_1052 = tpu.vector_load %arg4[%get3A_1049, %get3A_1050, %get3A_1051] {strides = array<i32>} : memref<2x256x128xf32, #tpu.memory_space<vmem>>, vector<1x1x16xf32>,
        %get3A_1053 = vector.shape_cast %get3A_1052 : vector<1x1x16xf32> to vector<16xf32>
        %mul3A_1054 = arith.mulf %get3A_1053, %mul3A_516 : vector<16xf32>
        %add3A_1055 = arith.addf %mul3A_1054, %sub3A_526 : vector<16xf32>
        %swap3A_1056 = arith.constant 1 : i32
        %swap3A_1057 = arith.index_cast %swap3A_1056 : i32 to index
        %swap3A_1058 = arith.index_cast %add3A_1002 : i32 to index
        %swap3A_1059 = arith.constant 48 : index
        %swap3A_1060 = tpu.vector_load %arg4[%swap3A_1057, %swap3A_1058, %swap3A_1059] {strides = array<i32>} : memref<2x256x128xf32, #tpu.memory_space<vmem>>, vector<1x1x16xf32>,
        %swap3A_1061 = vector.shape_cast %swap3A_1060 : vector<1x1x16xf32> to vector<16xf32>
        %swap3A_1062 = vector.shape_cast %add3A_1055 : vector<16xf32> to vector<1x1x16xf32>
        tpu.vector_store %arg4[%swap3A_1057, %swap3A_1058, %swap3A_1059], %swap3A_1062 {strides = array<i32>} : memref<2x256x128xf32, #tpu.memory_space<vmem>>, vector<1x1x16xf32>,
        %get3A_1063 = arith.constant 1 : i32
        %get3A_1064 = arith.index_cast %get3A_1063 : i32 to index
        %get3A_1065 = arith.index_cast %add3A_1002 : i32 to index
        %get3A_1066 = arith.constant 64 : index
        %get3A_1067 = tpu.vector_load %arg4[%get3A_1064, %get3A_1065, %get3A_1066] {strides = array<i32>} : memref<2x256x128xf32, #tpu.memory_space<vmem>>, vector<1x1x16xf32>,
        %get3A_1068 = vector.shape_cast %get3A_1067 : vector<1x1x16xf32> to vector<16xf32>
        %mul3A_1069 = arith.mulf %get3A_1068, %mul3A_535 : vector<16xf32>
        %add3A_1070 = arith.addf %mul3A_1069, %sub3A_545 : vector<16xf32>
        %swap3A_1071 = arith.constant 1 : i32
        %swap3A_1072 = arith.index_cast %swap3A_1071 : i32 to index
        %swap3A_1073 = arith.index_cast %add3A_1002 : i32 to index
        %swap3A_1074 = arith.constant 64 : index
        %swap3A_1075 = tpu.vector_load %arg4[%swap3A_1072, %swap3A_1073, %swap3A_1074] {strides = array<i32>} : memref<2x256x128xf32, #tpu.memory_space<vmem>>, vector<1x1x16xf32>,
        %swap3A_1076 = vector.shape_cast %swap3A_1075 : vector<1x1x16xf32> to vector<16xf32>
        %swap3A_1077 = vector.shape_cast %add3A_1070 : vector<16xf32> to vector<1x1x16xf32>
        tpu.vector_store %arg4[%swap3A_1072, %swap3A_1073, %swap3A_1074], %swap3A_1077 {strides = array<i32>} : memref<2x256x128xf32, #tpu.memory_space<vmem>>, vector<1x1x16xf32>,
        %get3A_1078 = arith.constant 1 : i32
        %get3A_1079 = arith.index_cast %get3A_1078 : i32 to index
        %get3A_1080 = arith.index_cast %add3A_1002 : i32 to index
        %get3A_1081 = arith.constant 80 : index
        %get3A_1082 = tpu.vector_load %arg4[%get3A_1079, %get3A_1080, %get3A_1081] {strides = array<i32>} : memref<2x256x128xf32, #tpu.memory_space<vmem>>, vector<1x1x16xf32>,
        %get3A_1083 = vector.shape_cast %get3A_1082 : vector<1x1x16xf32> to vector<16xf32>
        %mul3A_1084 = arith.mulf %get3A_1083, %mul3A_554 : vector<16xf32>
        %add3A_1085 = arith.addf %mul3A_1084, %sub3A_564 : vector<16xf32>
        %swap3A_1086 = arith.constant 1 : i32
        %swap3A_1087 = arith.index_cast %swap3A_1086 : i32 to index
        %swap3A_1088 = arith.index_cast %add3A_1002 : i32 to index
        %swap3A_1089 = arith.constant 80 : index
        %swap3A_1090 = tpu.vector_load %arg4[%swap3A_1087, %swap3A_1088, %swap3A_1089] {strides = array<i32>} : memref<2x256x128xf32, #tpu.memory_space<vmem>>, vector<1x1x16xf32>,
        %swap3A_1091 = vector.shape_cast %swap3A_1090 : vector<1x1x16xf32> to vector<16xf32>
        %swap3A_1092 = vector.shape_cast %add3A_1085 : vector<16xf32> to vector<1x1x16xf32>
        tpu.vector_store %arg4[%swap3A_1087, %swap3A_1088, %swap3A_1089], %swap3A_1092 {strides = array<i32>} : memref<2x256x128xf32, #tpu.memory_space<vmem>>, vector<1x1x16xf32>,
        %get3A_1093 = arith.constant 1 : i32
        %get3A_1094 = arith.index_cast %get3A_1093 : i32 to index
        %get3A_1095 = arith.index_cast %add3A_1002 : i32 to index
        %get3A_1096 = arith.constant 96 : index
        %get3A_1097 = tpu.vector_load %arg4[%get3A_1094, %get3A_1095, %get3A_1096] {strides = array<i32>} : memref<2x256x128xf32, #tpu.memory_space<vmem>>, vector<1x1x16xf32>,
        %get3A_1098 = vector.shape_cast %get3A_1097 : vector<1x1x16xf32> to vector<16xf32>
        %mul3A_1099 = arith.mulf %get3A_1098, %mul3A_573 : vector<16xf32>
        %add3A_1100 = arith.addf %mul3A_1099, %sub3A_583 : vector<16xf32>
        %swap3A_1101 = arith.constant 1 : i32
        %swap3A_1102 = arith.index_cast %swap3A_1101 : i32 to index
        %swap3A_1103 = arith.index_cast %add3A_1002 : i32 to index
        %swap3A_1104 = arith.constant 96 : index
        %swap3A_1105 = tpu.vector_load %arg4[%swap3A_1102, %swap3A_1103, %swap3A_1104] {strides = array<i32>} : memref<2x256x128xf32, #tpu.memory_space<vmem>>, vector<1x1x16xf32>,
        %swap3A_1106 = vector.shape_cast %swap3A_1105 : vector<1x1x16xf32> to vector<16xf32>
        %swap3A_1107 = vector.shape_cast %add3A_1100 : vector<16xf32> to vector<1x1x16xf32>
        tpu.vector_store %arg4[%swap3A_1102, %swap3A_1103, %swap3A_1104], %swap3A_1107 {strides = array<i32>} : memref<2x256x128xf32, #tpu.memory_space<vmem>>, vector<1x1x16xf32>,
        %get3A_1108 = arith.constant 1 : i32
        %get3A_1109 = arith.index_cast %get3A_1108 : i32 to index
        %get3A_1110 = arith.index_cast %add3A_1002 : i32 to index
        %get3A_1111 = arith.constant 112 : index
        %get3A_1112 = tpu.vector_load %arg4[%get3A_1109, %get3A_1110, %get3A_1111] {strides = array<i32>} : memref<2x256x128xf32, #tpu.memory_space<vmem>>, vector<1x1x16xf32>,
        %get3A_1113 = vector.shape_cast %get3A_1112 : vector<1x1x16xf32> to vector<16xf32>
        %mul3A_1114 = arith.mulf %get3A_1113, %mul3A_592 : vector<16xf32>
        %add3A_1115 = arith.addf %mul3A_1114, %sub3A_602 : vector<16xf32>
        %swap3A_1116 = arith.constant 1 : i32
        %swap3A_1117 = arith.index_cast %swap3A_1116 : i32 to index
        %swap3A_1118 = arith.index_cast %add3A_1002 : i32 to index
        %swap3A_1119 = arith.constant 112 : index
        %swap3A_1120 = tpu.vector_load %arg4[%swap3A_1117, %swap3A_1118, %swap3A_1119] {strides = array<i32>} : memref<2x256x128xf32, #tpu.memory_space<vmem>>, vector<1x1x16xf32>,
        %swap3A_1121 = vector.shape_cast %swap3A_1120 : vector<1x1x16xf32> to vector<16xf32>
        %swap3A_1122 = vector.shape_cast %add3A_1115 : vector<16xf32> to vector<1x1x16xf32>
        tpu.vector_store %arg4[%swap3A_1117, %swap3A_1118, %swap3A_1119], %swap3A_1122 {strides = array<i32>} : memref<2x256x128xf32, #tpu.memory_space<vmem>>, vector<1x1x16xf32>,
      }
      %scan3A_607 = arith.constant 64 : i32
      %dma_start3A_608 = arith.constant 1 : i32
      %dma_start3A_609 = arith.constant 0 : i32
      %dma_start3A_610 = arith.constant 0 : i32
      %dma_start3A_611 = tpu.memref_slice %arg4[%dma_start3A_608, %dma_start3A_609, %dma_start3A_610] : memref<2x256x128xf32, #tpu.memory_space<vmem>> -> memref<1x256x128xf32, #tpu.memory_space<vmem>>
      %dma_start3A_612 = tpu.memref_squeeze %dma_start3A_611 : memref<1x256x128xf32, #tpu.memory_space<vmem>> -> memref<256x128xf32, #tpu.memory_space<vmem>>
      %dma_start3A_613 = arith.constant 0 : i32
      %dma_start3A_614 = tpu.memref_slice %arg3[%get3A_434, %dma_start3A_613, %mul3A_2] : memref<32x256x4096xf32, #tpu.memory_space<hbm>> -> memref<1x256x128xf32, #tpu.memory_space<hbm>>
      %dma_start3A_615 = tpu.memref_squeeze %dma_start3A_614 : memref<1x256x128xf32, #tpu.memory_space<hbm>> -> memref<256x128xf32, #tpu.memory_space<hbm>>
      %dma_start3A_616 = arith.constant 0 : i32
      %dma_start3A_617 = tpu.memref_slice %arg3[%get3A_434, %dma_start3A_616, %mul3A_2] : memref<32x256x4096xf32, #tpu.memory_space<hbm>> -> memref<1x256x128xf32, #tpu.memory_space<hbm>>
      %dma_start3A_618 = tpu.memref_squeeze %dma_start3A_617 : memref<1x256x128xf32, #tpu.memory_space<hbm>> -> memref<256x128xf32, #tpu.memory_space<hbm>>
      %dma_start3A_619 = arith.constant 0 : i32
      %dma_start3A_620 = arith.constant 0 : i32
      %dma_start3A_621 = tpu.memref_slice %arg4[%dma_start3A_608, %dma_start3A_619, %dma_start3A_620] : memref<2x256x128xf32, #tpu.memory_space<vmem>> -> memref<1x256x128xf32, #tpu.memory_space<vmem>>
      %dma_start3A_622 = tpu.memref_squeeze %dma_start3A_621 : memref<1x256x128xf32, #tpu.memory_space<vmem>> -> memref<256x128xf32, #tpu.memory_space<vmem>>
      tpu.enqueue_dma source(%dma_start3A_622 : memref<256x128xf32, #tpu.memory_space<vmem>>) target(%dma_start3A_618 : memref<256x128xf32, #tpu.memory_space<hbm>>) target_semaphore(%arg12 : memref<!tpu.dma_semaphore, #tpu.memory_space<semaphore_mem>>)
      %lt3A = arith.constant 15 : i32
      %lt3A_623 = arith.cmpi slt, %scan3A_237, %lt3A : i32
      %convert_element_type3A = arith.extui %lt3A_623 : i1 to i32
      %cond3A = arith.constant 0 : i32
      %cond3A_624 = arith.cmpi ne, %convert_element_type3A, %cond3A : i32
      scf.if %cond3A_624 {
        %dma_wait3A_626 = arith.constant 0 : i32
        %dma_wait3A_627 = arith.constant 0 : i32
        %dma_wait3A_628 = arith.constant 0 : i32
        %dma_wait3A_629 = arith.constant 0 : i32
        %dma_wait3A_630 = tpu.memref_slice %arg4[%dma_wait3A_626, %dma_wait3A_628, %dma_wait3A_629] : memref<2x256x128xf32, #tpu.memory_space<vmem>> -> memref<1x256x128xf32, #tpu.memory_space<vmem>>
        %dma_wait3A_631 = tpu.memref_squeeze %dma_wait3A_630 : memref<1x256x128xf32, #tpu.memory_space<vmem>> -> memref<256x128xf32, #tpu.memory_space<vmem>>
        %dma_wait3A_632 = arith.constant 0 : i32
        %dma_wait3A_633 = tpu.memref_slice %arg3[%dma_wait3A_627, %dma_wait3A_632, %mul3A_2] : memref<32x256x4096xf32, #tpu.memory_space<hbm>> -> memref<1x256x128xf32, #tpu.memory_space<hbm>>
        %dma_wait3A_634 = tpu.memref_squeeze %dma_wait3A_633 : memref<1x256x128xf32, #tpu.memory_space<hbm>> -> memref<256x128xf32, #tpu.memory_space<hbm>>
        %dma_wait3A_635 = arith.constant 0 : i32
        %dma_wait3A_636 = tpu.memref_slice %arg3[%dma_wait3A_627, %dma_wait3A_635, %mul3A_2] : memref<32x256x4096xf32, #tpu.memory_space<hbm>> -> memref<1x256x128xf32, #tpu.memory_space<hbm>>
        %dma_wait3A_637 = tpu.memref_squeeze %dma_wait3A_636 : memref<1x256x128xf32, #tpu.memory_space<hbm>> -> memref<256x128xf32, #tpu.memory_space<hbm>>
        %dma_wait3A_638 = arith.constant 0 : i32
        %dma_wait3A_639 = arith.constant 0 : i32
        %dma_wait3A_640 = tpu.memref_slice %arg4[%dma_wait3A_626, %dma_wait3A_638, %dma_wait3A_639] : memref<2x256x128xf32, #tpu.memory_space<vmem>> -> memref<1x256x128xf32, #tpu.memory_space<vmem>>
        %dma_wait3A_641 = tpu.memref_squeeze %dma_wait3A_640 : memref<1x256x128xf32, #tpu.memory_space<vmem>> -> memref<256x128xf32, #tpu.memory_space<vmem>>
        tpu.wait_dma2 semaphore(%arg11 : memref<!tpu.dma_semaphore, #tpu.memory_space<semaphore_mem>>) src(%dma_wait3A_641 : memref<256x128xf32, #tpu.memory_space<vmem>>) dst(%dma_wait3A_637 : memref<256x128xf32, #tpu.memory_space<hbm>>)
        %mul3A_642 = arith.constant 2 : i32
        %mul3A_643 = arith.muli %mul3A_642, %scan3A_237 : i32
        %add3A_644 = arith.constant 2 : i32
        %add3A_645 = arith.addi %mul3A_643, %add3A_644 : i32
        %dma_start3A_646 = arith.constant 0 : i32
        %dma_start3A_647 = arith.constant 0 : i32
        %dma_start3A_648 = arith.constant 0 : i32
        %dma_start3A_649 = tpu.memref_slice %arg4[%dma_start3A_646, %dma_start3A_647, %dma_start3A_648] : memref<2x256x128xf32, #tpu.memory_space<vmem>> -> memref<1x256x128xf32, #tpu.memory_space<vmem>>
        %dma_start3A_650 = tpu.memref_squeeze %dma_start3A_649 : memref<1x256x128xf32, #tpu.memory_space<vmem>> -> memref<256x128xf32, #tpu.memory_space<vmem>>
        %dma_start3A_651 = arith.constant 0 : i32
        %dma_start3A_652 = tpu.memref_slice %arg2[%add3A_645, %dma_start3A_651, %mul3A_2] : memref<32x256x4096xf32, #tpu.memory_space<hbm>> -> memref<1x256x128xf32, #tpu.memory_space<hbm>>
        %dma_start3A_653 = tpu.memref_squeeze %dma_start3A_652 : memref<1x256x128xf32, #tpu.memory_space<hbm>> -> memref<256x128xf32, #tpu.memory_space<hbm>>
        %dma_start3A_654 = arith.constant 0 : i32
        %dma_start3A_655 = arith.constant 0 : i32
        %dma_start3A_656 = tpu.memref_slice %arg4[%dma_start3A_646, %dma_start3A_654, %dma_start3A_655] : memref<2x256x128xf32, #tpu.memory_space<vmem>> -> memref<1x256x128xf32, #tpu.memory_space<vmem>>
        %dma_start3A_657 = tpu.memref_squeeze %dma_start3A_656 : memref<1x256x128xf32, #tpu.memory_space<vmem>> -> memref<256x128xf32, #tpu.memory_space<vmem>>
        %dma_start3A_658 = arith.constant 0 : i32
        %dma_start3A_659 = tpu.memref_slice %arg2[%add3A_645, %dma_start3A_658, %mul3A_2] : memref<32x256x4096xf32, #tpu.memory_space<hbm>> -> memref<1x256x128xf32, #tpu.memory_space<hbm>>
        %dma_start3A_660 = tpu.memref_squeeze %dma_start3A_659 : memref<1x256x128xf32, #tpu.memory_space<hbm>> -> memref<256x128xf32, #tpu.memory_space<hbm>>
        tpu.enqueue_dma source(%dma_start3A_660 : memref<256x128xf32, #tpu.memory_space<hbm>>) target(%dma_start3A_657 : memref<256x128xf32, #tpu.memory_space<vmem>>) target_semaphore(%arg9 : memref<!tpu.dma_semaphore, #tpu.memory_space<semaphore_mem>>)
        %dma_wait3A_661 = arith.constant 1 : i32
        %dma_wait3A_662 = arith.constant 0 : i32
        %dma_wait3A_663 = arith.constant 0 : i32
        %dma_wait3A_664 = arith.constant 0 : i32
        %dma_wait3A_665 = tpu.memref_slice %arg4[%dma_wait3A_661, %dma_wait3A_663, %dma_wait3A_664] : memref<2x256x128xf32, #tpu.memory_space<vmem>> -> memref<1x256x128xf32, #tpu.memory_space<vmem>>
        %dma_wait3A_666 = tpu.memref_squeeze %dma_wait3A_665 : memref<1x256x128xf32, #tpu.memory_space<vmem>> -> memref<256x128xf32, #tpu.memory_space<vmem>>
        %dma_wait3A_667 = arith.constant 0 : i32
        %dma_wait3A_668 = tpu.memref_slice %arg3[%dma_wait3A_662, %dma_wait3A_667, %mul3A_2] : memref<32x256x4096xf32, #tpu.memory_space<hbm>> -> memref<1x256x128xf32, #tpu.memory_space<hbm>>
        %dma_wait3A_669 = tpu.memref_squeeze %dma_wait3A_668 : memref<1x256x128xf32, #tpu.memory_space<hbm>> -> memref<256x128xf32, #tpu.memory_space<hbm>>
        %dma_wait3A_670 = arith.constant 0 : i32
        %dma_wait3A_671 = tpu.memref_slice %arg3[%dma_wait3A_662, %dma_wait3A_670, %mul3A_2] : memref<32x256x4096xf32, #tpu.memory_space<hbm>> -> memref<1x256x128xf32, #tpu.memory_space<hbm>>
        %dma_wait3A_672 = tpu.memref_squeeze %dma_wait3A_671 : memref<1x256x128xf32, #tpu.memory_space<hbm>> -> memref<256x128xf32, #tpu.memory_space<hbm>>
        %dma_wait3A_673 = arith.constant 0 : i32
        %dma_wait3A_674 = arith.constant 0 : i32
        %dma_wait3A_675 = tpu.memref_slice %arg4[%dma_wait3A_661, %dma_wait3A_673, %dma_wait3A_674] : memref<2x256x128xf32, #tpu.memory_space<vmem>> -> memref<1x256x128xf32, #tpu.memory_space<vmem>>
        %dma_wait3A_676 = tpu.memref_squeeze %dma_wait3A_675 : memref<1x256x128xf32, #tpu.memory_space<vmem>> -> memref<256x128xf32, #tpu.memory_space<vmem>>
        tpu.wait_dma2 semaphore(%arg12 : memref<!tpu.dma_semaphore, #tpu.memory_space<semaphore_mem>>) src(%dma_wait3A_676 : memref<256x128xf32, #tpu.memory_space<vmem>>) dst(%dma_wait3A_672 : memref<256x128xf32, #tpu.memory_space<hbm>>)
        %mul3A_677 = arith.constant 2 : i32
        %mul3A_678 = arith.muli %mul3A_677, %scan3A_237 : i32
        %add3A_679 = arith.constant 3 : i32
        %add3A_680 = arith.addi %mul3A_678, %add3A_679 : i32
        %dma_start3A_681 = arith.constant 1 : i32
        %dma_start3A_682 = arith.constant 0 : i32
        %dma_start3A_683 = arith.constant 0 : i32
        %dma_start3A_684 = tpu.memref_slice %arg4[%dma_start3A_681, %dma_start3A_682, %dma_start3A_683] : memref<2x256x128xf32, #tpu.memory_space<vmem>> -> memref<1x256x128xf32, #tpu.memory_space<vmem>>
        %dma_start3A_685 = tpu.memref_squeeze %dma_start3A_684 : memref<1x256x128xf32, #tpu.memory_space<vmem>> -> memref<256x128xf32, #tpu.memory_space<vmem>>
        %dma_start3A_686 = arith.constant 0 : i32
        %dma_start3A_687 = tpu.memref_slice %arg2[%add3A_680, %dma_start3A_686, %mul3A_2] : memref<32x256x4096xf32, #tpu.memory_space<hbm>> -> memref<1x256x128xf32, #tpu.memory_space<hbm>>
        %dma_start3A_688 = tpu.memref_squeeze %dma_start3A_687 : memref<1x256x128xf32, #tpu.memory_space<hbm>> -> memref<256x128xf32, #tpu.memory_space<hbm>>
        %dma_start3A_689 = arith.constant 0 : i32
        %dma_start3A_690 = arith.constant 0 : i32
        %dma_start3A_691 = tpu.memref_slice %arg4[%dma_start3A_681, %dma_start3A_689, %dma_start3A_690] : memref<2x256x128xf32, #tpu.memory_space<vmem>> -> memref<1x256x128xf32, #tpu.memory_space<vmem>>
        %dma_start3A_692 = tpu.memref_squeeze %dma_start3A_691 : memref<1x256x128xf32, #tpu.memory_space<vmem>> -> memref<256x128xf32, #tpu.memory_space<vmem>>
        %dma_start3A_693 = arith.constant 0 : i32
        %dma_start3A_694 = tpu.memref_slice %arg2[%add3A_680, %dma_start3A_693, %mul3A_2] : memref<32x256x4096xf32, #tpu.memory_space<hbm>> -> memref<1x256x128xf32, #tpu.memory_space<hbm>>
        %dma_start3A_695 = tpu.memref_squeeze %dma_start3A_694 : memref<1x256x128xf32, #tpu.memory_space<hbm>> -> memref<256x128xf32, #tpu.memory_space<hbm>>
        tpu.enqueue_dma source(%dma_start3A_695 : memref<256x128xf32, #tpu.memory_space<hbm>>) target(%dma_start3A_692 : memref<256x128xf32, #tpu.memory_space<vmem>>) target_semaphore(%arg10 : memref<!tpu.dma_semaphore, #tpu.memory_space<semaphore_mem>>)
      } else {
      }
      %scan3A_625 = arith.constant 0 : i32
      scf.yield %scan3A_625 : i32
    }
    %scan3A_205 = arith.constant 16 : i32
    %dma_wait3A = arith.constant 0 : i32
    %dma_wait3A_206 = arith.constant 0 : i32
    %dma_wait3A_207 = arith.constant 0 : i32
    %dma_wait3A_208 = arith.constant 0 : i32
    %dma_wait3A_209 = tpu.memref_slice %arg4[%dma_wait3A, %dma_wait3A_207, %dma_wait3A_208] : memref<2x256x128xf32, #tpu.memory_space<vmem>> -> memref<1x256x128xf32, #tpu.memory_space<vmem>>
    %dma_wait3A_210 = tpu.memref_squeeze %dma_wait3A_209 : memref<1x256x128xf32, #tpu.memory_space<vmem>> -> memref<256x128xf32, #tpu.memory_space<vmem>>
    %dma_wait3A_211 = arith.constant 0 : i32
    %dma_wait3A_212 = tpu.memref_slice %arg3[%dma_wait3A_206, %dma_wait3A_211, %mul3A_2] : memref<32x256x4096xf32, #tpu.memory_space<hbm>> -> memref<1x256x128xf32, #tpu.memory_space<hbm>>
    %dma_wait3A_213 = tpu.memref_squeeze %dma_wait3A_212 : memref<1x256x128xf32, #tpu.memory_space<hbm>> -> memref<256x128xf32, #tpu.memory_space<hbm>>
    %dma_wait3A_214 = arith.constant 0 : i32
    %dma_wait3A_215 = tpu.memref_slice %arg3[%dma_wait3A_206, %dma_wait3A_214, %mul3A_2] : memref<32x256x4096xf32, #tpu.memory_space<hbm>> -> memref<1x256x128xf32, #tpu.memory_space<hbm>>
    %dma_wait3A_216 = tpu.memref_squeeze %dma_wait3A_215 : memref<1x256x128xf32, #tpu.memory_space<hbm>> -> memref<256x128xf32, #tpu.memory_space<hbm>>
    %dma_wait3A_217 = arith.constant 0 : i32
    %dma_wait3A_218 = arith.constant 0 : i32
    %dma_wait3A_219 = tpu.memref_slice %arg4[%dma_wait3A, %dma_wait3A_217, %dma_wait3A_218] : memref<2x256x128xf32, #tpu.memory_space<vmem>> -> memref<1x256x128xf32, #tpu.memory_space<vmem>>
    %dma_wait3A_220 = tpu.memref_squeeze %dma_wait3A_219 : memref<1x256x128xf32, #tpu.memory_space<vmem>> -> memref<256x128xf32, #tpu.memory_space<vmem>>
    tpu.wait_dma2 semaphore(%arg11 : memref<!tpu.dma_semaphore, #tpu.memory_space<semaphore_mem>>) src(%dma_wait3A_220 : memref<256x128xf32, #tpu.memory_space<vmem>>) dst(%dma_wait3A_216 : memref<256x128xf32, #tpu.memory_space<hbm>>)
    %dma_wait3A_221 = arith.constant 1 : i32
    %dma_wait3A_222 = arith.constant 0 : i32
    %dma_wait3A_223 = arith.constant 0 : i32
    %dma_wait3A_224 = arith.constant 0 : i32
    %dma_wait3A_225 = tpu.memref_slice %arg4[%dma_wait3A_221, %dma_wait3A_223, %dma_wait3A_224] : memref<2x256x128xf32, #tpu.memory_space<vmem>> -> memref<1x256x128xf32, #tpu.memory_space<vmem>>
    %dma_wait3A_226 = tpu.memref_squeeze %dma_wait3A_225 : memref<1x256x128xf32, #tpu.memory_space<vmem>> -> memref<256x128xf32, #tpu.memory_space<vmem>>
    %dma_wait3A_227 = arith.constant 0 : i32
    %dma_wait3A_228 = tpu.memref_slice %arg3[%dma_wait3A_222, %dma_wait3A_227, %mul3A_2] : memref<32x256x4096xf32, #tpu.memory_space<hbm>> -> memref<1x256x128xf32, #tpu.memory_space<hbm>>
    %dma_wait3A_229 = tpu.memref_squeeze %dma_wait3A_228 : memref<1x256x128xf32, #tpu.memory_space<hbm>> -> memref<256x128xf32, #tpu.memory_space<hbm>>
    %dma_wait3A_230 = arith.constant 0 : i32
    %dma_wait3A_231 = tpu.memref_slice %arg3[%dma_wait3A_222, %dma_wait3A_230, %mul3A_2] : memref<32x256x4096xf32, #tpu.memory_space<hbm>> -> memref<1x256x128xf32, #tpu.memory_space<hbm>>
    %dma_wait3A_232 = tpu.memref_squeeze %dma_wait3A_231 : memref<1x256x128xf32, #tpu.memory_space<hbm>> -> memref<256x128xf32, #tpu.memory_space<hbm>>
    %dma_wait3A_233 = arith.constant 0 : i32
    %dma_wait3A_234 = arith.constant 0 : i32
    %dma_wait3A_235 = tpu.memref_slice %arg4[%dma_wait3A_221, %dma_wait3A_233, %dma_wait3A_234] : memref<2x256x128xf32, #tpu.memory_space<vmem>> -> memref<1x256x128xf32, #tpu.memory_space<vmem>>
    %dma_wait3A_236 = tpu.memref_squeeze %dma_wait3A_235 : memref<1x256x128xf32, #tpu.memory_space<vmem>> -> memref<256x128xf32, #tpu.memory_space<vmem>>
    tpu.wait_dma2 semaphore(%arg12 : memref<!tpu.dma_semaphore, #tpu.memory_space<semaphore_mem>>) src(%dma_wait3A_236 : memref<256x128xf32, #tpu.memory_space<vmem>>) dst(%dma_wait3A_232 : memref<256x128xf32, #tpu.memory_space<hbm>>)
    return
  }
}

</mosaic_0001>

<sc_bundles>
// kernel: kernel.3.cloned.1.call-start
scs
__scs_entry_jumppad:
0x0: {  	(pc) =	sbr.rel $0x88, $3  }
0x1: {  	(tag) =	ssettag $0x0;
	lr =	simm.s32 $0x1  }
0x2: {  	[smem:$0x3FA0] =	sst lr;
	_ =	strace $0xD0000000  }
0x3: {  	_ = 	snop  }
0x4: {  	_ = 	snop  }
0x5: {  	_ = 	snop  }
0x6: {  	_ = 	snop  }
0x7: {  	_ = 	snop  }
__scs_overlays_trampoline_lowered:
0x8: {  	[smem:$0x3FAF] =	sst s0  }
0x9: {  	[smem:$0x3FB0] =	sst s1  }
0xa: {  	[smem:$0x3FB1] =	sst s2  }
0xb: {  	[smem:$0x3FB2] =	sst s3  }
0xc: {  	[smem:$0x3FB3] =	sst s4  }
0xd: {  	[smem:$0x3FB4] =	sst s5  }
0xe: {  	[smem:$0x3FB5] =	sst s6  }
0xf: {  	[smem:$0x3FB6] =	sst s7  }
0x10: {  	[smem:$0x3FB7] =	sst s8  }
0x11: {  	[smem:$0x3FB8] =	sst s9;
	s0 =	simm.s32 @!p0 $0x0  }
0x12: {  	s1 =	sld [smem:$0x3F9E];
	s0 =	simm.s32 @p0 $0x1  }
0x13: {  	[smem:$0x3FB9] =	sst s0;
	s0 =	simm.s32 @!p1 $0x0  }
0x14: {  	s2 =	sld [smem:$0x3F9D];
	s0 =	simm.s32 @p1 $0x1  }
0x15: {  	[smem:$0x3FBA] =	sst s0;
	s0 =	simm.s32 @!p2 $0x0  }
0x16: {  	s3 =	sld [smem:$0x3FDB];
	s0 =	simm.s32 @p2 $0x1  }
0x17: {  	s4 =	simm.s32 $0x1BF5;
	[smem:$0x3FBC] =	sst s0  }
0x18: {  	s0 =	sld [smem:$0x3F9F];
	_ =	swait.ge [sflag:s4], $0x0  }
0x19: {  	s7 =	sld [smem:$0x3FA0]  }
0x1a: {  	s8 =	sadd.s32 $0xFFFFE003, lr  }
0x1b: {  	s9 =	sadd.s32 $0xFFFFFEF7, lr;
	s5 =	simm.s32 $0xFFFFFFFF;
	p2 =	slt.u32 s8, $0xFFFFF086  }
0x1c: {  	p1 =	slt.u32 s9, $0xF7A;
	s5 =	simm.s32 @!p2 $0x0  }
0x1d: {  	s5 =	simm.s32 @p1 $0x1;
	p0 =	seq.s32 s7, s2  }
0x1e: {  	s7 =	smul.u32 @!p0 $0xF7A, s2;
	p2 =	seq.s32 @!p0 s5, $0x0  }
0x1f: {  	s9 =	smul.u32 $0xF7A, s1;
	s8 =	simm.s32 @!p0 $0x1BF5;
	p2 =	por !p2, p0  }
0x20: {  	[sflag:s8] =	ssyncset.s32 @!p0 $0xFFFFF086;
	s6 =	sadd.s32 @!p0 s3, s7;
	s7 =	simm.s32 @!p0 $0x108  }
0x21: {  	s3 =	sadd.s32 s3, s9;
	s6 =	sadd.s32 @!p0 $0x88, s6;
	s7 =	simm.s32 @p2 $0x1082  }
0x22: {  	[simem:s7], [sflag:s8] =	dma.local @!p0 [hbm:s6], $0xF7A  }
0x23: {  	s9 =	sor.u32 $0xD0000000, s2;
	s6 =	simm.s32 $0x108;
	_ =	swait.ge @!p0 [sflag:s8], $0x0  }
0x24: {  	s3 =	sadd.s32 $0x88, s3;
	s6 =	simm.s32 @!p1 $0x1082;
	[sflag:s4] =	ssyncset.s32 $0xFFFFF086  }
0x25: {  	[simem:s6], [sflag:s4] =	dma.local [hbm:s3], $0xF7A  }
0x26: {  	[smem:$0x3FA0] =	sst s1;
	(tag) =	ssettag s2;
	_ =	strace s9  }
0x27: {  	s1 =	sld [smem:$0x3FB0]  }
0x28: {  	s2 =	sld [smem:$0x3FB1]  }
0x29: {  	s4 =	sld [smem:$0x3FB3]  }
0x2a: {  	p0 =	seq.s32 s5, $0x0;
	s5 =	sld [smem:$0x3FB4]  }
0x2b: {  	s6 =	sld [smem:$0x3FB5]  }
0x2c: {  	s7 =	sld [smem:$0x3FB6]  }
0x2d: {  	s3 =	simm.s32 $0x108;
	s8 =	sld [smem:$0x3FB7]  }
0x2e: {  	s3 =	simm.s32 @!p0 $0x1082;
	s9 =	sld [smem:$0x3FB8]  }
0x2f: {  	lr =	sadd.s32 s0, s3;
	s0 =	sld [smem:$0x3FAF]  }
0x30: {  	s3 =	sld [smem:$0x3FB2]  }
0x31: {  	[smem:$0x3FBB] =	sst s10  }
0x32: {  	s10 =	sld [smem:$0x3FB9];
	_ =	sdelay $0x3  }
0x33: {  	p0 =	seq.s32 s10, $0x1;
	s10 =	sld [smem:$0x3FBB];
	_ =	sdelay $0x3  }
0x34: {  	[smem:$0x3FBB] =	sst s10  }
0x35: {  	s10 =	sld [smem:$0x3FBA];
	_ =	sdelay $0x3  }
0x36: {  	p1 =	seq.s32 s10, $0x1;
	s10 =	sld [smem:$0x3FBB];
	_ =	sdelay $0x3  }
0x37: {  	[smem:$0x3FBB] =	sst s10  }
0x38: {  	s10 =	sld [smem:$0x3FBC]  }
0x39: {  	_ = 	snop;
	(pc) =	sbr.ind lr, $3  }
0x3a: {  	_ = 	snop  }
0x3b: {  	_ = 	snop  }
0x3c: {  	p2 =	seq.s32 s10, $0x1;
	s10 =	sld [smem:$0x3FBB]  }
0x3d: {  	_ =	shalt  }
0x3e: {  	_ =	shalt  }
0x3f: {  	_ =	shalt  }
0x40: {  	_ =	shalt  }
0x41: {  	_ =	shalt  }
0x42: {  	_ =	shalt  }
0x43: {  	_ =	shalt  }
0x44: {  	_ =	shalt  }
0x45: {  	_ =	shalt  }
0x46: {  	_ =	shalt  }
0x47: {  	_ =	shalt  }
0x48: {  	_ =	shalt  }
0x49: {  	_ =	shalt  }
0x4a: {  	_ =	shalt  }
0x4b: {  	_ =	shalt  }
0x4c: {  	_ =	shalt  }
0x4d: {  	_ =	shalt  }
0x4e: {  	_ =	shalt  }
0x4f: {  	_ =	shalt  }
0x50: {  	_ =	shalt  }
0x51: {  	_ =	shalt  }
0x52: {  	_ =	shalt  }
0x53: {  	_ =	shalt  }
0x54: {  	_ =	shalt  }
0x55: {  	_ =	shalt  }
0x56: {  	_ =	shalt  }
0x57: {  	_ =	shalt  }
0x58: {  	_ =	shalt  }
0x59: {  	_ =	shalt  }
0x5a: {  	_ =	shalt  }
0x5b: {  	_ =	shalt  }
0x5c: {  	_ =	shalt  }
0x5d: {  	_ =	shalt  }
0x5e: {  	_ =	shalt  }
0x5f: {  	_ =	shalt  }
0x60: {  	_ =	shalt  }
0x61: {  	_ =	shalt  }
0x62: {  	_ =	shalt  }
0x63: {  	_ =	shalt  }
0x64: {  	_ =	shalt  }
0x65: {  	_ =	shalt  }
0x66: {  	_ =	shalt  }
0x67: {  	_ =	shalt  }
0x68: {  	_ =	shalt  }
0x69: {  	_ =	shalt  }
0x6a: {  	_ =	shalt  }
0x6b: {  	_ =	shalt  }
0x6c: {  	_ =	shalt  }
0x6d: {  	_ =	shalt  }
0x6e: {  	_ =	shalt  }
0x6f: {  	_ =	shalt  }
0x70: {  	_ =	shalt  }
0x71: {  	_ =	shalt  }
0x72: {  	_ =	shalt  }
0x73: {  	_ =	shalt  }
0x74: {  	_ =	shalt  }
0x75: {  	_ =	shalt  }
0x76: {  	_ =	shalt  }
0x77: {  	_ =	shalt  }
0x78: {  	_ =	shalt  }
0x79: {  	_ =	shalt  }
0x7a: {  	_ =	shalt  }
0x7b: {  	_ =	shalt  }
0x7c: {  	_ =	shalt  }
0x7d: {  	_ =	shalt  }
0x7e: {  	_ =	shalt  }
0x7f: {  	_ =	shalt  }
0x80: {  	_ =	shalt  }
0x81: {  	_ =	shalt  }
0x82: {  	_ =	shalt  }
0x83: {  	_ =	shalt  }
0x84: {  	_ =	shalt  }
0x85: {  	_ =	shalt  }
0x86: {  	_ =	shalt  }
0x87: {  	_ =	shalt  }
.Lfunc_end0:
.L_simem_size_0:
called_computation_lowered:
.L_overlay_start_0:
0x88: {  	s2 =	sld [smem:$0x3FD9]  }
0x89: {  	s3 =	sld [smem:$0x3FFE];
	_ =	sdelay $0x1  }
0x8a: {  	s1 =	srdreg.scid  }
0x8b: {  	s0 =	sand.u32 $0x1, s1  }
0x8c: {  	s17 =	sshll.u32 s0, $0xA;
	s2 =	sadd.s32 s3, s2  }
0x8d: {  	s2 =	sadd.s32 s2, s17  }
0x8e: {  	[smem:$0x3FC7] =	sst s2  }
0x8f: {  	_ = 	snop  }
0x90: {  	s2 =	sld [smem:$0x3FD0];
	(tm) =	ssettm $0x1  }
0x91: {  	s18 =	sld [smem:$0x3FFB];
	_ =	sdelay $0x3  }
0x92: {  	_ =	strace s18  }
0x93: {  	s3 =	sld [smem:$0x3FFC];
	_ =	sdelay $0x3  }
0x94: {  	_ =	strace s3  }
0x95: {  	s3 =	sld [smem:$0x3FFD];
	_ =	sdelay $0x3  }
0x96: {  	_ =	strace s3  }
0x97: {  	_ =	strace $0x8FFFFFFF  }
0x98: {  	s19 =	sld [smem:$0x3FDB];
	_ =	sdelay $0x1  }
0x99: {  	s4 =	simm.s32 $_scs_section_size  }
0x9a: {  	s5 =	simm.s32 $_size__tile_overlayer_lowered;
	s6 =	simm.s32 $_tile_overlayer_lowered  }
0x9b: {  	s22 =	simm.s32 $0x1BFF;
	s21 =	sshll.u32 s6, $0x1;
	s3 =	sadd.s32 s4, s19  }
0x9c: {  	s7 =	simm.s32 $0x0;
	s20 =	sshll.u32 s5, $0x1;
	s5 =	sadd.s32 s21, s3  }
0x9d: {  	[timem:s7], [sflag:s22] =	dma.local [hbm:s5], s20  }
0x9e: {  	_ =	swait.ge [sflag:s22], s20  }
0x9f: {  	s4 =	ssub.s32 $0x0, s20;
	[sflag:s22] =	ssyncset.done $0x0  }
0xa0: {  	[sflag:s22] =	ssyncadd.s32 s4;
	_ =	sdelay $0x1  }
0xa1: {  	s23 =	simm.s32 $0x1B8B  }
0xa2: {  	_ =	swait.ge [sflag:s23], $0x1  }
0xa3: {  	[sflag:s23] =	ssyncset.done $0x0  }
0xa4: {  	s25 =	simm.s32 $0x1B8E;
	s24 =	sld [smem:$0x3FFE];
	[sflag:s23] =	ssyncadd.s32 $0xFFFFFFFF  }
0xa5: {  	s26 =	simm.s32 $execute0_lowered;
	[smem:$0x3FD2] =	sst s25  }
0xa6: {  	s5 =	sshll.u32 s26, $0x1;
	_ =	strace $0x80000046;
	[dreg:$0x1] =	wrdreg $0xFFFFFFFF  }
0xa7: {  	s28 =	simm.s32 $_size_execute0_lowered;
	s3 =	sadd.s32 s3, s5;
	[dreg:$0x0] =	wrdreg $0x0  }
0xa8: {  	s5 =	sshll.u32 s28, $0x1;
	[dreg:$0x2] =	wrdreg s3  }
0xa9: {  	[dreg:$0x3] =	wrdreg s5  }
0xaa: {  	[dreg:$0x4] =	wrdreg $0xC0  }
0xab: {  	_ =	task [dreg:s7], $0x5FFFF  }
0xac: {  	[dreg:$0x1] =	wrdreg $0xFFFFFFFF  }
0xad: {  	[dreg:$0x0] =	wrdreg $0x60  }
0xae: {  	[dreg:$0x2] =	wrdreg s2  }
0xaf: {  	[dreg:$0x3] =	wrdreg s24  }
0xb0: {  	[dreg:$0x4] =	wrdreg $0x9  }
0xb1: {  	_ =	task.clear_ibuf [dreg:s7], $0x5FFFF;
	_ =	strace $0x90000046  }
0xb2: {  	s29 =	simm.s32 $0x9;
	_ =	strace $0x80000048  }
0xb3: {  	_ =	swait.ge [sflag:s29], $0x1  }
0xb4: {  	[sflag:s29] =	ssyncadd.s32 $0xFFFFFFFF  }
0xb5: {  	_ =	strace $0x90000048  }
0xb6: {  	_ =	sfence  }
0xb7: {  	s30 =	sld [smem:$0x0];
	_ =	sdelay $0x2  }
0xb8: {  	s31 =	sshll.u32 s1, $0xD;
	s1 =	sshrl.u32 s1, $0x2  }
0xb9: {  	s3 =	sand.u32 $0x4000, s31;
	s1 =	sadd.s32 s1, s30  }
0xba: {  	s0 =	sor.u32 s3, s0;
	s1 =	sshll.u32 s1, $0x11  }
0xbb: {  	s0 =	sor.u32 s1, s0  }
0xbc: {  	s0 =	sadd.s32 $0x8F2B, s0  }
0xbd: {  	[sflag:s0] =	ssyncadd.remote.s32 $0x1  }
0xbe: {  	_ =	sfence.sel $0xFFFF  }
0xbf: {  	[dreg:$0x0] =	wrdreg $0xFFFFFFFF;
	(pc) =	sbr.abs _section_cstart, $3  }
0xc0: {  	[dreg:$0x1] =	wrdreg $0xFFFFFFFF  }
0xc1: {  	_ =	task.clear_ibuf [dreg:s7], $0x2FFFF;
	_ =	strace $0x9FFFFFFF  }
0xc2: {  	(tm) =	ssettm $0x7FFFFFFF  }
0xc3: {  	_ =	shalt  }
tec
execute0_lowered:
.L_overlay_start_1:
0x0: {  	(tag) =	ssettag $0x1  }
0x1: {  	s2 =	rddreg [dreg:$0x0]  }
0x2: {  	s0 =	rddreg [dreg:$0x1]  }
0x3: {  	s1 =	srdreg.scid;
	s4 =	stileid.u32  }
0x4: {  	s3 =	simm.s32 $0x0;
	s15 =	simm.s32 $0x2;
	s18 =	simm.s32 $0x1  }
0x5: {  	s28 =	simm.s32 $0x4;
	s11 =	simm.s32 $0xA;
	s12 =	simm.s32 $0x18  }
0x6: {  	s13 =	simm.s32 $0x12;
	s14 =	simm.s32 $0x14;
	s16 =	simm.s32 $0x1B  }
0x7: {  	s17 =	simm.s32 $0x1E;
	s19 =	simm.s32 $0x1D;
	s20 =	simm.s32 $0x3  }
0x8: {  	s21 =	simm.s32 $0x8;
	s22 =	simm.s32 $0x400;
	s23 =	simm.s32 $0x8000  }
0x9: {  	s24 =	simm.s32 $0x0;
	s1 =	sand.u32 $0x1, s1;
	s4 =	sshll.u32 s4, $0xB  }
.Ltmp0:
0xa: {  	[smem:$0x7FF] =	sst s3;
	s5 =	sshll.u32 s1, $0xA;
	(pc) =	sbr.rel .LBB2_1-.Ltmp0, $4  }
0xb: {  	_ =	strace $0x80000047;
	s1 =	ssub.s32 $0x2, s1;
	s4 =	sor.u32 s5, s4  }
0xc: {  	s5 =	sadd.s32 $0x400, s0;
	s31 =	sshrl.u32 s1, $0x1;
	s6 =	sshrl.u32 s4, $0x3  }
0xd: {  	s0 =	ssub.s32 s1, s31;
	s8 =	sor.u32 $0x200000, s4;
	s6 =	sadd.s32 s2, s6  }
0xe: {  	s9 =	sor.u32 $0x300000, s4;
	s10 =	smax.u32 s0, $0x1;
	s7 =	sadd.s32 $0x20000, s6  }
.LBB2_15:
0xf: {  	s24 =	sadd.s32 $0x1, s24  }
0x10: {  	p0 =	sne.s32 s24, s10  }
.Ltmp1:
0x11: {  	_ = 	snop;
	(pc) =	sbr.rel @!p0 .LBB2_16-.Ltmp1, $4  }
0x12: {  	_ = 	snop  }
0x13: {  	_ =	swait.ge [sflag:s28], $0x8000  }
0x14: {  	[sflag:s28] =	ssyncset.done $0x0  }
0x15: {  	[sflag:s28] =	ssyncadd.s32 $0xFFFF8000  }
.LBB2_1:
0x16: {  	s0 =	simm.s32 $0x19  }
0x17: {  	[tilespmem:s3], [sflag:$0x1] =	stream.strided.gather [hbm4b:s6+s22], $0x8000, s23, s22, $0x38;
	[tilespmem:$0x13000] =	vst v63  }
0x18: {  	s1 =	simm.s32 $0x1C;
	[smem:$0x0] =	sst s0  }
0x19: {  	s25 =	simm.s32 $0x6;
	[smem:$0x1] =	sst s1  }
0x1a: {  	[tilespmem:s23], [sflag:$0x2] =	stream.strided.gather [hbm4b:s7+s22], $0x8000, s23, s22, $0x38;
	[tilespmem:$0x13000] =	vst v63  }
0x1b: {  	s26 =	simm.s32 $0x9;
	[smem:$0x2] =	sst s25  }
0x1c: {  	[smem:$0x3] =	sst s26  }
0x1d: {  	s29 =	simm.s32 $0x7;
	[smem:$0x4] =	sst s15  }
0x1e: {  	s30 =	simm.s32 $0xB;
	[smem:$0x5] =	sst s29  }
0x1f: {  	[smem:$0x6] =	sst s30  }
0x20: {  	s31 =	simm.s32 $0x11;
	[smem:$0x7] =	sst s18  }
0x21: {  	s1 =	simm.s32 $0x13;
	[smem:$0x8] =	sst s31  }
0x22: {  	s25 =	simm.s32 $0xD;
	[smem:$0x9] =	sst s1  }
0x23: {  	s26 =	simm.s32 $0xE;
	[smem:$0xA] =	sst s25  }
0x24: {  	s29 =	simm.s32 $0x1F;
	[smem:$0xB] =	sst s26  }
0x25: {  	s30 =	simm.s32 $0x15;
	[smem:$0xC] =	sst s29  }
0x26: {  	s31 =	simm.s32 $0x16;
	[smem:$0xD] =	sst s30  }
0x27: {  	s1 =	simm.s32 $0xF;
	[smem:$0xE] =	sst s31  }
0x28: {  	[smem:$0xF] =	sst s1  }
0x29: {  	s25 =	simm.s32 $0x17;
	[smem:$0x10] =	sst s28  }
0x2a: {  	s26 =	simm.s32 $0xC;
	[smem:$0x11] =	sst s25  }
0x2b: {  	s29 =	simm.s32 $0x5;
	[smem:$0x12] =	sst s26  }
0x2c: {  	s30 =	simm.s32 $0x10;
	[smem:$0x13] =	sst s29  }
0x2d: {  	s31 =	simm.s32 $0x1A;
	[smem:$0x14] =	sst s30  }
0x2e: {  	[smem:$0x15] =	sst s31  }
0x2f: {  	[smem:$0x16] =	sst s11  }
0x30: {  	[smem:$0x17] =	sst s12  }
0x31: {  	[smem:$0x18] =	sst s13  }
0x32: {  	[smem:$0x19] =	sst s14  }
0x33: {  	[smem:$0x1A] =	sst s16  }
0x34: {  	[smem:$0x1B] =	sst s17  }
0x35: {  	[smem:$0x1C] =	sst s19  }
0x36: {  	[smem:$0x1D] =	sst s20  }
0x37: {  	[smem:$0x1E] =	sst s21  }
0x38: {  	s25 =	simm.s32 $0x0;
	[smem:$0x1F] =	sst s3  }
.LBB2_2:
0x39: {  	_ =	swait.ge [sflag:s18], $0x8000  }
0x3a: {  	[sflag:s18] =	ssyncset.done $0x0  }
0x3b: {  	s26 =	simm.s32 $0x0;
	[sflag:s18] =	ssyncadd.s32 $0xFFFF8000  }
0x3c: {  	v1 =	vld [tilespmem:s26+$0x0]  }
0x3d: {  	v2 =	vld [tilespmem:s26+$0x10]  }
0x3e: {  	v3 =	vld [tilespmem:s26+$0x80]  }
0x3f: {  	v4 =	vld [tilespmem:s26+$0x90]  }
0x40: {  	v5 =	vld [tilespmem:s26+$0x100]  }
0x41: {  	v0 =	vimm.f32 $0.0e+00;
	v7 =	vld [tilespmem:s26+$0x110];
	v6 =	vmul.f32 v1, v1  }
0x42: {  	v11 =	vld [tilespmem:s26+$0x190];
	v8 =	vmul.f32 v2, v2;
	v1 =	vadd.f32 v1, v0  }
0x43: {  	v9 =	vld [tilespmem:s26+$0x180];
	v10 =	vmul.f32 v3, v3;
	v2 =	vadd.f32 v2, v0;
	v6 =	vadd.f32 v6, v0  }
0x44: {  	v12 =	vld [tilespmem:s26+$0x20];
	v13 =	vmul.f32 v4, v4;
	v8 =	vadd.f32 v8, v0;
	v1 =	vadd.f32 v3, v1  }
0x45: {  	v14 =	vld [tilespmem:s26+$0x30];
	v2 =	vadd.f32 v4, v2;
	v3 =	vadd.f32 v10, v6  }
0x46: {  	v6 =	vmul.f32 v5, v5;
	v4 =	vadd.f32 v13, v8;
	v8 =	vld [tilespmem:s26+$0xA0];
	v10 =	vmul.f32 v7, v7  }
0x47: {  	v15 =	vmul.f32 v11, v11;
	v13 =	vld [tilespmem:s26+$0xB0];
	v1 =	vadd.f32 v5, v1;
	v2 =	vadd.f32 v7, v2  }
0x48: {  	v5 =	vmul.f32 v9, v9;
	v3 =	vadd.f32 v6, v3;
	v4 =	vadd.f32 v10, v4;
	v10 =	vld [tilespmem:s26+$0x120]  }
0x49: {  	v17 =	vld [tilespmem:s26+$0x130];
	v16 =	vmul.f32 v12, v12;
	v9 =	vadd.f32 v9, v1;
	v7 =	vadd.f32 v11, v2  }
0x4a: {  	v1 =	vmul.f32 v14, v14;
	v6 =	vadd.f32 v5, v3;
	v2 =	vadd.f32 v15, v4;
	v3 =	vld [tilespmem:s26+$0x1A0]  }
0x4b: {  	v4 =	vadd.f32 v12, v0;
	v5 =	vadd.f32 v16, v0;
	v12 =	vld [tilespmem:s26+$0x1B0];
	v11 =	vmul.f32 v8, v8  }
0x4c: {  	v14 =	vadd.f32 v14, v0;
	v1 =	vadd.f32 v1, v0;
	v15 =	vld [tilespmem:s26+$0x40];
	v16 =	vmul.f32 v13, v13  }
0x4d: {  	v20 =	vld [tilespmem:s26+$0xC0];
	v4 =	vadd.f32 v8, v4;
	v5 =	vadd.f32 v11, v5;
	v8 =	vmul.f32 v10, v10  }
0x4e: {  	v24 =	vld [tilespmem:s26+$0x50];
	v11 =	vadd.f32 v13, v14;
	v1 =	vadd.f32 v16, v1;
	v13 =	vmul.f32 v17, v17  }
0x4f: {  	v19 =	vld [tilespmem:s26+$0xD0];
	v4 =	vadd.f32 v10, v4;
	v5 =	vadd.f32 v8, v5;
	v8 =	vmul.f32 v3, v3  }
0x50: {  	v11 =	vadd.f32 v17, v11;
	v1 =	vadd.f32 v13, v1;
	v13 =	vmul.f32 v12, v12  }
0x51: {  	v22 =	vld [tilespmem:s26+$0x140];
	v16 =	vmul.f32 v15, v15;
	v14 =	vadd.f32 v15, v0;
	v10 =	vadd.f32 v3, v4  }
0x52: {  	v21 =	vld [tilespmem:s26+$0x150];
	v23 =	vmul.f32 v20, v20;
	v3 =	vadd.f32 v8, v5;
	v4 =	vadd.f32 v12, v11  }
0x53: {  	v18 =	vld [tilespmem:s26+$0x1C0];
	v5 =	vmul.f32 v24, v24;
	v1 =	vadd.f32 v13, v1;
	v15 =	vadd.f32 v16, v0  }
0x54: {  	v17 =	vld [tilespmem:s26+$0x1D0];
	v24 =	vadd.f32 v24, v0;
	v13 =	vmul.f32 v19, v19;
	v11 =	vimm.f32 $0.0e+00  }
0x55: {  	s29 =	simm.s32 $0x800;
	v16 =	vld [tilespmem:s26+$0x60];
	v8 =	vimm.f32 $0.0e+00;
	v12 =	vadd.f32 v5, v0;
	v5 =	vimm.f32 $0.0e+00  }
.LBB2_3:
0x56: {  	p0 =	sne.s32 s29, $0x1F800;
	v25 =	vld [tilespmem:s26+$0x70];
	v14 =	vadd.f32 v20, v14;
	v15 =	vadd.f32 v23, v15;
	v20 =	vmul.f32 v22, v22  }
0x57: {  	v19 =	vadd.f32 v19, v24;
	v12 =	vadd.f32 v13, v12;
	v23 =	vld [tilespmem:s26+$0xE0];
	v13 =	vmul.f32 v21, v21  }
0x58: {  	v24 =	vld [tilespmem:s26+$0xF0];
	v14 =	vadd.f32 v22, v14;
	v15 =	vadd.f32 v20, v15;
	v20 =	vmul.f32 v18, v18  }
0x59: {  	v19 =	vadd.f32 v21, v19;
	v13 =	vadd.f32 v13, v12;
	v21 =	vld [tilespmem:s26+$0x160];
	v22 =	vmul.f32 v17, v17  }
0x5a: {  	v26 =	vmul.f32 v16, v16;
	v27 =	vld [tilespmem:s26+$0x170];
	v14 =	vadd.f32 v18, v14;
	v15 =	vadd.f32 v20, v15  }
0x5b: {  	v18 =	vmul.f32 v25, v25;
	v12 =	vadd.f32 v17, v19;
	v13 =	vadd.f32 v22, v13;
	v17 =	vld [tilespmem:s26+$0x1E0]  }
0x5c: {  	v0 =	vadd.f32 v16, v0;
	v11 =	vadd.f32 v26, v11;
	v16 =	vmul.f32 v23, v23;
	v19 =	vld [tilespmem:s26+$0x1F0];
	s26 =	sshra.s32 s29, $0x2  }
0x5d: {  	v8 =	vadd.f32 v25, v8;
	v20 =	vld [tilespmem:s26+$0x0];
	v5 =	vadd.f32 v18, v5;
	v18 =	vmul.f32 v24, v24  }
0x5e: {  	v0 =	vadd.f32 v23, v0;
	v22 =	vld [tilespmem:s26+$0x10];
	v11 =	vadd.f32 v16, v11;
	v16 =	vmul.f32 v21, v21  }
0x5f: {  	v8 =	vadd.f32 v24, v8;
	v23 =	vld [tilespmem:s26+$0x80];
	v5 =	vadd.f32 v18, v5;
	v18 =	vmul.f32 v27, v27  }
0x60: {  	v0 =	vadd.f32 v21, v0;
	v24 =	vld [tilespmem:s26+$0x90];
	v11 =	vadd.f32 v16, v11;
	v16 =	vmul.f32 v17, v17  }
0x61: {  	v8 =	vadd.f32 v27, v8;
	v21 =	vld [tilespmem:s26+$0x100];
	v5 =	vadd.f32 v18, v5;
	v18 =	vmul.f32 v19, v19  }
0x62: {  	v0 =	vadd.f32 v17, v0;
	v25 =	vmul.f32 v20, v20;
	v26 =	vld [tilespmem:s26+$0x110];
	v11 =	vadd.f32 v16, v11  }
0x63: {  	v8 =	vadd.f32 v19, v8;
	v16 =	vmul.f32 v22, v22;
	v17 =	vld [tilespmem:s26+$0x180];
	v5 =	vadd.f32 v18, v5  }
0x64: {  	v9 =	vadd.f32 v20, v9;
	v6 =	vadd.f32 v25, v6;
	v18 =	vmul.f32 v23, v23;
	v19 =	vld [tilespmem:s26+$0x190]  }
0x65: {  	v7 =	vadd.f32 v22, v7;
	v2 =	vadd.f32 v16, v2;
	v16 =	vld [tilespmem:s26+$0x20];
	v20 =	vmul.f32 v24, v24  }
0x66: {  	v9 =	vadd.f32 v23, v9;
	v22 =	vld [tilespmem:s26+$0x30];
	v6 =	vadd.f32 v18, v6;
	v18 =	vmul.f32 v21, v21  }
0x67: {  	v7 =	vadd.f32 v24, v7;
	v2 =	vadd.f32 v20, v2;
	v20 =	vld [tilespmem:s26+$0xA0];
	v23 =	vmul.f32 v26, v26  }
0x68: {  	v9 =	vadd.f32 v21, v9;
	v24 =	vld [tilespmem:s26+$0xB0];
	v6 =	vadd.f32 v18, v6;
	v18 =	vmul.f32 v17, v17  }
0x69: {  	v7 =	vadd.f32 v26, v7;
	v2 =	vadd.f32 v23, v2;
	v21 =	vld [tilespmem:s26+$0x120];
	v23 =	vmul.f32 v19, v19  }
0x6a: {  	v9 =	vadd.f32 v17, v9;
	v25 =	vmul.f32 v16, v16;
	v26 =	vld [tilespmem:s26+$0x130];
	v6 =	vadd.f32 v18, v6  }
0x6b: {  	v7 =	vadd.f32 v19, v7;
	v17 =	vmul.f32 v22, v22;
	v2 =	vadd.f32 v23, v2;
	v18 =	vld [tilespmem:s26+$0x1A0]  }
0x6c: {  	v10 =	vadd.f32 v16, v10;
	v3 =	vadd.f32 v25, v3;
	v16 =	vmul.f32 v20, v20;
	v23 =	vld [tilespmem:s26+$0x1B0]  }
0x6d: {  	v4 =	vadd.f32 v22, v4;
	v1 =	vadd.f32 v17, v1;
	v17 =	vld [tilespmem:s26+$0x40];
	v19 =	vmul.f32 v24, v24  }
0x6e: {  	v10 =	vadd.f32 v20, v10;
	v25 =	vld [tilespmem:s26+$0x50];
	v3 =	vadd.f32 v16, v3;
	v16 =	vmul.f32 v21, v21  }
0x6f: {  	v4 =	vadd.f32 v24, v4;
	v1 =	vadd.f32 v19, v1;
	v20 =	vld [tilespmem:s26+$0xC0];
	v22 =	vmul.f32 v26, v26  }
0x70: {  	v10 =	vadd.f32 v21, v10;
	v19 =	vld [tilespmem:s26+$0xD0];
	v3 =	vadd.f32 v16, v3;
	v16 =	vmul.f32 v18, v18  }
.Ltmp2:
0x71: {  	v4 =	vadd.f32 v26, v4;
	v1 =	vadd.f32 v22, v1;
	v22 =	vld [tilespmem:s26+$0x140];
	v24 =	vmul.f32 v23, v23;
	(pc) =	sbr.rel @p0 .LBB2_3-.Ltmp2, $4  }
0x72: {  	v10 =	vadd.f32 v18, v10;
	v26 =	vmul.f32 v17, v17;
	v21 =	vld [tilespmem:s26+$0x150];
	v3 =	vadd.f32 v16, v3  }
0x73: {  	v4 =	vadd.f32 v23, v4;
	v16 =	vmul.f32 v25, v25;
	v1 =	vadd.f32 v24, v1;
	v18 =	vld [tilespmem:s26+$0x1C0]  }
0x74: {  	v14 =	vadd.f32 v17, v14;
	v15 =	vadd.f32 v26, v15;
	v23 =	vmul.f32 v20, v20;
	v17 =	vld [tilespmem:s26+$0x1D0]  }
0x75: {  	s29 =	sadd.s32 $0x800, s29;
	v24 =	vadd.f32 v25, v12;
	v12 =	vadd.f32 v16, v13;
	v16 =	vld [tilespmem:s26+$0x60];
	v13 =	vmul.f32 v19, v19  }
0x76: {  	v9 =	vmul.f32 $3.906250000e-03, v9  }
0x77: {  	v7 =	vmul.f32 $3.906250000e-03, v7  }
0x78: {  	v14 =	vadd.f32 v20, v14;
	v15 =	vadd.f32 v23, v15;
	v25 =	vmul.f32 $2.560000000e+02, v9  }
0x79: {  	v20 =	vmul.f32 v22, v22;
	v19 =	vadd.f32 v19, v24;
	v23 =	vmul.f32 $2.560000000e+02, v7  }
0x7a: {  	v12 =	vadd.f32 v13, v12;
	v13 =	vmul.f32 v21, v21;
	v25 =	vmul.f32 v25, v9  }
0x7b: {  	v14 =	vadd.f32 v22, v14;
	v15 =	vadd.f32 v20, v15;
	v20 =	vmul.f32 v23, v7  }
0x7c: {  	v19 =	vadd.f32 v21, v19;
	v6 =	vsub.f32 v6, v25  }
0x7d: {  	v22 =	vld [tilespmem:s26+$0x70];
	v12 =	vadd.f32 v13, v12;
	v13 =	vmul.f32 v18, v18;
	v2 =	vsub.f32 v2, v20  }
0x7e: {  	v21 =	vmul.f32 v16, v16;
	v14 =	vadd.f32 v18, v14;
	v6 =	vmul.f32 $3.921568860e-03, v6  }
0x7f: {  	v16 =	vadd.f32 v16, v0;
	v24 =	vmul.f32 $3.921568860e-03, v2;
	v2 =	vmul.f32 $3.906250000e-03, v10  }
0x80: {  	v13 =	vadd.f32 v13, v15;
	v20 =	vmul.f32 v17, v17;
	v6 =	vadd.f32 $9.999999740e-06, v6  }
0x81: {  	v17 =	vadd.f32 v17, v19;
	v11 =	vadd.f32 v21, v11;
	v19 =	vmul.f32 $2.560000000e+02, v2  }
0x82: {  	v27 =	vld [tilespmem:s26+$0xF0];
	v25 =	vmul.f32 v22, v22;
	v18 =	vshra.s32 v6, $0x1;
	v23 =	vmul.f32 $5.000000000e-01, v6  }
0x83: {  	v10 =	vadd.f32 $9.999999740e-06, v24;
	v0 =	vmul.f32 v19, v2;
	v19 =	vld [tilespmem:s26+$0x160];
	v15 =	vsub.s32 $0x5F3759DF, v18  }
0x84: {  	v14 =	vmul.f32 $3.906250000e-03, v14;
	v12 =	vadd.f32 v20, v12;
	v18 =	vld [tilespmem:s26+$0xE0];
	v26 =	vmul.f32 v15, v23  }
0x85: {  	v17 =	vmul.f32 $3.906250000e-03, v17;
	v5 =	vadd.f32 v25, v5;
	v24 =	vshra.s32 v10, $0x1  }
0x86: {  	v29 =	vld [tilespmem:s26+$0x170];
	v3 =	vsub.f32 v3, v0;
	v20 =	vmul.f32 v15, v26;
	v26 =	vmul.f32 $5.000000000e-01, v10  }
0x87: {  	v24 =	vsub.s32 $0x5F3759DF, v24;
	v0 =	vmul.f32 $3.906250000e-03, v4;
	v4 =	vadd.f32 v22, v8  }
0x88: {  	v57 =	vld [tilespmem:s26+$0x1F0];
	v3 =	vmul.f32 $3.921568860e-03, v3;
	v20 =	vsub.f32 $1.500000000e+00, v20;
	v21 =	vmul.f32 v24, v26  }
0x89: {  	v4 =	vadd.f32 v27, v4;
	v25 =	vmul.f32 v19, v19;
	v28 =	vmul.f32 v18, v18  }
0x8a: {  	v8 =	vmul.f32 v15, v20;
	v15 =	vmul.f32 v24, v21  }
0x8b: {  	v3 =	vadd.f32 $9.999999740e-06, v3;
	v4 =	vadd.f32 v29, v4;
	v20 =	vmul.f32 $2.560000000e+02, v0  }
0x8c: {  	v21 =	vmul.f32 v27, v27;
	v22 =	vmul.f32 v8, v23;
	v15 =	vsub.f32 $1.500000000e+00, v15  }
0x8d: {  	v30 =	vmul.f32 $5.000000000e-01, v3;
	v4 =	vadd.f32 v57, v4;
	v20 =	vmul.f32 v20, v0  }
0x8e: {  	v16 =	vadd.f32 v18, v16;
	v18 =	vmul.f32 v22, v8;
	v15 =	vmul.f32 v24, v15  }
0x8f: {  	v4 =	vmul.f32 $3.906250000e-03, v4;
	v22 =	vld [tilespmem:s26+$0x1E0];
	v24 =	vshra.s32 v3, $0x1;
	v1 =	vsub.f32 v1, v20  }
0x90: {  	v24 =	vsub.s32 $0x5F3759DF, v24;
	v18 =	vsub.f32 $1.500000000e+00, v18;
	v20 =	vmul.f32 v15, v26  }
0x91: {  	v55 =	vmul.f32 v24, v30;
	v1 =	vmul.f32 $3.921568860e-03, v1  }
0x92: {  	v16 =	vadd.f32 v19, v16;
	v8 =	vmul.f32 v18, v8;
	v18 =	vmul.f32 v20, v15  }
0x93: {  	v5 =	vadd.f32 v21, v5;
	v20 =	vmul.f32 v29, v29;
	v27 =	vmul.f32 v24, v55  }
0x94: {  	v1 =	vadd.f32 $9.999999740e-06, v1;
	v56 =	vmul.f32 v22, v22;
	v16 =	vadd.f32 v22, v16  }
0x95: {  	v23 =	vmul.f32 v8, v23;
	v18 =	vsub.f32 $1.500000000e+00, v18;
	v27 =	vsub.f32 $1.500000000e+00, v27  }
0x96: {  	v32 =	vmul.f32 $5.000000000e-01, v1;
	v5 =	vadd.f32 v20, v5;
	v20 =	vmul.f32 $2.560000000e+02, v17  }
0x97: {  	v11 =	vadd.f32 v28, v11;
	v16 =	vmul.f32 $3.906250000e-03, v16;
	v15 =	vmul.f32 v18, v15  }
0x98: {  	v31 =	vshra.s32 v1, $0x1;
	v23 =	vmul.f32 v23, v8;
	v21 =	vmul.f32 v24, v27  }
0x99: {  	v18 =	vsub.s32 $0x5F3759DF, v31;
	v19 =	vmul.f32 v15, v26;
	v26 =	vmul.f32 $2.560000000e+02, v14  }
0x9a: {  	v27 =	vmul.f32 v57, v57;
	v24 =	vmul.f32 v18, v32  }
0x9b: {  	v11 =	vadd.f32 v25, v11;
	v25 =	vmul.f32 v21, v30;
	v26 =	vmul.f32 v26, v14  }
0x9c: {  	v24 =	vmul.f32 v18, v24;
	v19 =	vmul.f32 v19, v15  }
0x9d: {  	v23 =	vsub.f32 $1.500000000e+00, v23;
	v25 =	vmul.f32 v25, v21;
	v13 =	vsub.f32 v13, v26  }
0x9e: {  	v20 =	vmul.f32 v20, v17;
	v24 =	vsub.f32 $1.500000000e+00, v24;
	v19 =	vsub.f32 $1.500000000e+00, v19  }
0x9f: {  	v8 =	vmul.f32 v23, v8;
	v23 =	vsub.f32 $1.500000000e+00, v25;
	v13 =	vmul.f32 $3.921568860e-03, v13  }
0xa0: {  	v12 =	vsub.f32 v12, v20;
	v18 =	vmul.f32 v18, v24;
	v15 =	vmul.f32 v19, v15  }
0xa1: {  	v19 =	vmul.f32 v23, v21;
	v23 =	vmul.f32 $2.560000000e+02, v16;
	v13 =	vadd.f32 $9.999999740e-06, v13  }
0xa2: {  	v11 =	vadd.f32 v56, v11;
	v12 =	vmul.f32 $3.921568860e-03, v12;
	v21 =	vmul.f32 v18, v32  }
0xa3: {  	v23 =	vmul.f32 v23, v16;
	v24 =	vshra.s32 v13, $0x1;
	v25 =	vmul.f32 $5.000000000e-01, v13  }
0xa4: {  	v21 =	vmul.f32 v21, v18;
	v20 =	vsub.s32 $0x5F3759DF, v24;
	v24 =	vmul.f32 $2.560000000e+02, v4  }
0xa5: {  	v5 =	vadd.f32 v27, v5;
	v22 =	vmul.f32 v19, v30;
	v26 =	vmul.f32 v20, v25  }
0xa6: {  	v11 =	vsub.f32 v11, v23;
	v21 =	vsub.f32 $1.500000000e+00, v21;
	v23 =	vmul.f32 v24, v4  }
0xa7: {  	v12 =	vadd.f32 $9.999999740e-06, v12;
	v22 =	vmul.f32 v22, v19;
	v24 =	vmul.f32 v20, v26  }
0xa8: {  	v11 =	vmul.f32 $3.921568860e-03, v11;
	v18 =	vmul.f32 v21, v18;
	v5 =	vsub.f32 v5, v23  }
0xa9: {  	v23 =	vshra.s32 v12, $0x1;
	v21 =	vsub.f32 $1.500000000e+00, v24;
	v24 =	vmul.f32 $5.000000000e-01, v12  }
0xaa: {  	v11 =	vadd.f32 $9.999999740e-06, v11;
	v23 =	vsub.s32 $0x5F3759DF, v23;
	v5 =	vmul.f32 $3.921568860e-03, v5  }
0xab: {  	v22 =	vsub.f32 $1.500000000e+00, v22;
	v20 =	vmul.f32 v20, v21;
	v21 =	vmul.f32 v23, v24  }
0xac: {  	v26 =	vshra.s32 v11, $0x1;
	v27 =	vmul.f32 $5.000000000e-01, v11;
	v5 =	vadd.f32 $9.999999740e-06, v5  }
0xad: {  	v26 =	vsub.s32 $0x5F3759DF, v26;
	v58 =	vmul.f32 v20, v25;
	v21 =	vmul.f32 v23, v21  }
0xae: {  	v59 =	vmul.f32 v26, v27;
	v60 =	vshra.s32 v5, $0x1;
	v61 =	vmul.f32 $5.000000000e-01, v5  }
0xaf: {  	v28 =	vmul.f32 v58, v20;
	v21 =	vsub.f32 $1.500000000e+00, v21;
	v30 =	vsub.s32 $0x5F3759DF, v60  }
0xb0: {  	v29 =	vmul.f32 v26, v59;
	v33 =	vmul.f32 v30, v61  }
0xb1: {  	v19 =	vmul.f32 v22, v19;
	v21 =	vmul.f32 v23, v21;
	v22 =	vsub.f32 $1.500000000e+00, v28  }
0xb2: {  	v6 =	vmul.f32 v8, v6;
	v62 =	vsub.f32 $1.500000000e+00, v29;
	v63 =	vmul.f32 v30, v33  }
0xb3: {  	s26 =	sshll.u32 s25, $0x8;
	v20 =	vmul.f32 v22, v20;
	v22 =	vmul.f32 v21, v24  }
0xb4: {  	[tilespmem:s26+$0x10000] =	vst v9;
	v23 =	vmul.f32 v18, v32;
	v9 =	vmul.f32 v26, v62  }
0xb5: {  	[tilespmem:s26+$0x10010] =	vst v7;
	v7 =	vmul.f32 v15, v10;
	v26 =	vsub.f32 $1.500000000e+00, v63;
	v22 =	vmul.f32 v22, v21  }
0xb6: {  	[tilespmem:s26+$0x11000] =	vst v8;
	v8 =	vmul.f32 v23, v18;
	v23 =	vmul.f32 v9, v27  }
0xb7: {  	[tilespmem:s26+$0x12000] =	vst v6;
	v3 =	vmul.f32 v19, v3;
	v6 =	vmul.f32 v30, v26;
	v10 =	vsub.f32 $1.500000000e+00, v22  }
0xb8: {  	[tilespmem:s26+$0x11010] =	vst v15;
	v8 =	vsub.f32 $1.500000000e+00, v8;
	v15 =	vmul.f32 v20, v25;
	v22 =	vmul.f32 v23, v9  }
0xb9: {  	[tilespmem:s26+$0x12010] =	vst v7;
	v7 =	vmul.f32 v10, v21;
	v10 =	vmul.f32 v6, v61  }
0xba: {  	[tilespmem:s26+$0x10020] =	vst v2;
	v2 =	vmul.f32 v8, v18;
	v8 =	vmul.f32 v15, v20  }
0xbb: {  	[tilespmem:s26+$0x10030] =	vst v0;
	v15 =	vsub.f32 $1.500000000e+00, v22;
	v18 =	vmul.f32 v7, v24;
	v10 =	vmul.f32 v10, v6  }
0xbc: {  	[tilespmem:s26+$0x12020] =	vst v3;
	v3 =	vsub.f32 $1.500000000e+00, v8;
	v0 =	vmul.f32 v2, v1  }
0xbd: {  	[tilespmem:s26+$0x10040] =	vst v14;
	v8 =	vmul.f32 v15, v9;
	v1 =	vmul.f32 v18, v7;
	v9 =	vsub.f32 $1.500000000e+00, v10  }
0xbe: {  	[tilespmem:s26+$0x11030] =	vst v2;
	v2 =	vmul.f32 v3, v20  }
0xbf: {  	[tilespmem:s26+$0x12030] =	vst v0;
	v3 =	vmul.f32 v8, v27;
	v0 =	vsub.f32 $1.500000000e+00, v1;
	v1 =	vmul.f32 v9, v6  }
0xc0: {  	[tilespmem:s26+$0x10050] =	vst v17;
	v6 =	vmul.f32 v2, v13  }
0xc1: {  	[tilespmem:s26+$0x11040] =	vst v2;
	v3 =	vmul.f32 v3, v8;
	v2 =	vmul.f32 v1, v61  }
0xc2: {  	[tilespmem:s26+$0x10070] =	vst v4  }
0xc3: {  	[tilespmem:s26+$0x10060] =	vst v16;
	v0 =	vmul.f32 v0, v7;
	v3 =	vsub.f32 $1.500000000e+00, v3;
	v2 =	vmul.f32 v2, v1  }
0xc4: {  	[tilespmem:s26+$0x12040] =	vst v6  }
0xc5: {  	v6 =	vmul.f32 v0, v12;
	[tilespmem:s26+$0x11050] =	vst v0;
	v0 =	vmul.f32 v3, v8;
	v2 =	vsub.f32 $1.500000000e+00, v2  }
0xc6: {  	[tilespmem:s26+$0x11020] =	vst v19  }
0xc7: {  	v3 =	vmul.f32 v0, v11;
	[tilespmem:s26+$0x11060] =	vst v0;
	v0 =	vmul.f32 v2, v1  }
0xc8: {  	s29 =	sshll.u32 s25, $0x15;
	p0 =	seq.s32 s25, $0xF;
	[tilespmem:s26+$0x12050] =	vst v6  }
0xc9: {  	s0 =	sadd.s32 @!p0 s8, s29;
	[tilespmem:s26+$0x12060] =	vst v3;
	v1 =	vmul.f32 v0, v5  }
0xca: {  	s30 =	simm.s32 @!p0 $0x400;
	s0 =	sshrl.u32 @!p0 s0, $0x3;
	[tilespmem:s26+$0x11070] =	vst v0  }
0xcb: {  	s31 =	simm.s32 @!p0 $0x8000;
	s1 =	simm.s32 @!p0 $0x0;
	s0 =	sadd.s32 @!p0 s2, s0;
	[tilespmem:s26+$0x12070] =	vst v1  }
0xcc: {  	[tilespmem:s1], [sflag:$0x1] =	stream.strided.gather @!p0 [hbm4b:s0+s30], $0x8000, s31, s30, $0x38;
	[tilespmem:$0x13000] =	vst v63  }
0xcd: {  	_ =	swait.ge [sflag:s15], $0x8000  }
0xce: {  	[sflag:s15] =	ssyncset.done $0x0  }
0xcf: {  	s30 =	simm.s32 $0x0;
	[sflag:s15] =	ssyncadd.s32 $0xFFFF8000  }
0xd0: {  	v1 =	vld [tilespmem:s30+$0x8000]  }
0xd1: {  	v2 =	vld [tilespmem:s30+$0x8010]  }
0xd2: {  	v3 =	vld [tilespmem:s30+$0x8080]  }
0xd3: {  	v4 =	vld [tilespmem:s30+$0x8090]  }
0xd4: {  	v5 =	vld [tilespmem:s30+$0x8100]  }
0xd5: {  	v0 =	vimm.f32 $0.0e+00;
	v7 =	vld [tilespmem:s30+$0x8110];
	v6 =	vmul.f32 v1, v1  }
0xd6: {  	v11 =	vld [tilespmem:s30+$0x8190];
	v8 =	vmul.f32 v2, v2;
	v1 =	vadd.f32 v1, v0  }
0xd7: {  	v9 =	vld [tilespmem:s30+$0x8180];
	v10 =	vmul.f32 v3, v3;
	v2 =	vadd.f32 v2, v0;
	v6 =	vadd.f32 v6, v0  }
0xd8: {  	v12 =	vld [tilespmem:s30+$0x8020];
	v13 =	vmul.f32 v4, v4;
	v8 =	vadd.f32 v8, v0;
	v1 =	vadd.f32 v3, v1  }
0xd9: {  	v14 =	vld [tilespmem:s30+$0x8030];
	v2 =	vadd.f32 v4, v2;
	v3 =	vadd.f32 v10, v6  }
0xda: {  	v6 =	vmul.f32 v5, v5;
	v4 =	vadd.f32 v13, v8;
	v10 =	vld [tilespmem:s30+$0x80A0];
	v8 =	vmul.f32 v7, v7  }
0xdb: {  	v15 =	vmul.f32 v11, v11;
	v13 =	vld [tilespmem:s30+$0x80B0];
	v1 =	vadd.f32 v5, v1;
	v2 =	vadd.f32 v7, v2  }
0xdc: {  	v5 =	vmul.f32 v9, v9;
	v7 =	vld [tilespmem:s30+$0x8120];
	v3 =	vadd.f32 v6, v3;
	v4 =	vadd.f32 v8, v4  }
0xdd: {  	v17 =	vld [tilespmem:s30+$0x8130];
	v16 =	vmul.f32 v12, v12;
	v9 =	vadd.f32 v9, v1;
	v8 =	vadd.f32 v11, v2  }
0xde: {  	v1 =	vmul.f32 v14, v14;
	v6 =	vadd.f32 v5, v3;
	v2 =	vadd.f32 v15, v4;
	v3 =	vld [tilespmem:s30+$0x81A0]  }
0xdf: {  	v4 =	vadd.f32 v12, v0;
	v5 =	vadd.f32 v16, v0;
	v12 =	vld [tilespmem:s30+$0x81B0];
	v11 =	vmul.f32 v10, v10  }
0xe0: {  	v14 =	vadd.f32 v14, v0;
	v1 =	vadd.f32 v1, v0;
	v15 =	vld [tilespmem:s30+$0x8040];
	v16 =	vmul.f32 v13, v13  }
0xe1: {  	v20 =	vld [tilespmem:s30+$0x80C0];
	v4 =	vadd.f32 v10, v4;
	v10 =	vmul.f32 v7, v7;
	v5 =	vadd.f32 v11, v5  }
0xe2: {  	v24 =	vld [tilespmem:s30+$0x8050];
	v11 =	vadd.f32 v13, v14;
	v1 =	vadd.f32 v16, v1;
	v13 =	vmul.f32 v17, v17  }
0xe3: {  	v19 =	vld [tilespmem:s30+$0x80D0];
	v4 =	vadd.f32 v7, v4;
	v5 =	vadd.f32 v10, v5;
	v7 =	vmul.f32 v3, v3  }
0xe4: {  	v11 =	vadd.f32 v17, v11;
	v1 =	vadd.f32 v13, v1;
	v13 =	vmul.f32 v12, v12  }
0xe5: {  	v22 =	vld [tilespmem:s30+$0x8140];
	v16 =	vmul.f32 v15, v15;
	v14 =	vadd.f32 v15, v0;
	v10 =	vadd.f32 v3, v4  }
0xe6: {  	v21 =	vld [tilespmem:s30+$0x8150];
	v23 =	vmul.f32 v20, v20;
	v3 =	vadd.f32 v7, v5;
	v4 =	vadd.f32 v12, v11  }
0xe7: {  	v18 =	vld [tilespmem:s30+$0x81C0];
	v5 =	vmul.f32 v24, v24;
	v1 =	vadd.f32 v13, v1;
	v15 =	vadd.f32 v16, v0  }
0xe8: {  	v17 =	vld [tilespmem:s30+$0x81D0];
	v24 =	vadd.f32 v24, v0;
	v13 =	vmul.f32 v19, v19;
	v11 =	vimm.f32 $0.0e+00  }
0xe9: {  	s31 =	simm.s32 $0x800;
	v16 =	vld [tilespmem:s30+$0x8060];
	v7 =	vimm.f32 $0.0e+00;
	v12 =	vadd.f32 v5, v0;
	v5 =	vimm.f32 $0.0e+00  }
.LBB2_5:
0xea: {  	p1 =	sne.s32 s31, $0x1F800;
	v25 =	vld [tilespmem:s30+$0x8070];
	v14 =	vadd.f32 v20, v14;
	v15 =	vadd.f32 v23, v15;
	v20 =	vmul.f32 v22, v22  }
0xeb: {  	v19 =	vadd.f32 v19, v24;
	v12 =	vadd.f32 v13, v12;
	v23 =	vld [tilespmem:s30+$0x80E0];
	v13 =	vmul.f32 v21, v21  }
0xec: {  	v24 =	vld [tilespmem:s30+$0x80F0];
	v14 =	vadd.f32 v22, v14;
	v15 =	vadd.f32 v20, v15;
	v20 =	vmul.f32 v18, v18  }
0xed: {  	v19 =	vadd.f32 v21, v19;
	v13 =	vadd.f32 v13, v12;
	v21 =	vld [tilespmem:s30+$0x8160];
	v22 =	vmul.f32 v17, v17  }
0xee: {  	v26 =	vmul.f32 v16, v16;
	v27 =	vld [tilespmem:s30+$0x8170];
	v14 =	vadd.f32 v18, v14;
	v15 =	vadd.f32 v20, v15  }
0xef: {  	v18 =	vmul.f32 v25, v25;
	v12 =	vadd.f32 v17, v19;
	v13 =	vadd.f32 v22, v13;
	v17 =	vld [tilespmem:s30+$0x81E0]  }
0xf0: {  	v0 =	vadd.f32 v16, v0;
	v11 =	vadd.f32 v26, v11;
	v16 =	vmul.f32 v23, v23;
	v19 =	vld [tilespmem:s30+$0x81F0];
	s30 =	sshra.s32 s31, $0x2  }
0xf1: {  	v7 =	vadd.f32 v25, v7;
	v20 =	vld [tilespmem:s30+$0x8000];
	v5 =	vadd.f32 v18, v5;
	v18 =	vmul.f32 v24, v24  }
0xf2: {  	v0 =	vadd.f32 v23, v0;
	v22 =	vld [tilespmem:s30+$0x8010];
	v11 =	vadd.f32 v16, v11;
	v16 =	vmul.f32 v21, v21  }
0xf3: {  	v7 =	vadd.f32 v24, v7;
	v23 =	vld [tilespmem:s30+$0x8080];
	v5 =	vadd.f32 v18, v5;
	v18 =	vmul.f32 v27, v27  }
0xf4: {  	v0 =	vadd.f32 v21, v0;
	v24 =	vld [tilespmem:s30+$0x8090];
	v11 =	vadd.f32 v16, v11;
	v16 =	vmul.f32 v17, v17  }
0xf5: {  	v7 =	vadd.f32 v27, v7;
	v21 =	vld [tilespmem:s30+$0x8100];
	v5 =	vadd.f32 v18, v5;
	v18 =	vmul.f32 v19, v19  }
0xf6: {  	v0 =	vadd.f32 v17, v0;
	v25 =	vmul.f32 v20, v20;
	v26 =	vld [tilespmem:s30+$0x8110];
	v11 =	vadd.f32 v16, v11  }
0xf7: {  	v7 =	vadd.f32 v19, v7;
	v16 =	vmul.f32 v22, v22;
	v17 =	vld [tilespmem:s30+$0x8180];
	v5 =	vadd.f32 v18, v5  }
0xf8: {  	v9 =	vadd.f32 v20, v9;
	v6 =	vadd.f32 v25, v6;
	v18 =	vmul.f32 v23, v23;
	v19 =	vld [tilespmem:s30+$0x8190]  }
0xf9: {  	v8 =	vadd.f32 v22, v8;
	v2 =	vadd.f32 v16, v2;
	v16 =	vld [tilespmem:s30+$0x8020];
	v20 =	vmul.f32 v24, v24  }
0xfa: {  	v9 =	vadd.f32 v23, v9;
	v22 =	vld [tilespmem:s30+$0x8030];
	v6 =	vadd.f32 v18, v6;
	v18 =	vmul.f32 v21, v21  }
0xfb: {  	v8 =	vadd.f32 v24, v8;
	v2 =	vadd.f32 v20, v2;
	v20 =	vld [tilespmem:s30+$0x80A0];
	v23 =	vmul.f32 v26, v26  }
0xfc: {  	v9 =	vadd.f32 v21, v9;
	v24 =	vld [tilespmem:s30+$0x80B0];
	v6 =	vadd.f32 v18, v6;
	v18 =	vmul.f32 v17, v17  }
0xfd: {  	v8 =	vadd.f32 v26, v8;
	v2 =	vadd.f32 v23, v2;
	v21 =	vld [tilespmem:s30+$0x8120];
	v23 =	vmul.f32 v19, v19  }
0xfe: {  	v9 =	vadd.f32 v17, v9;
	v25 =	vmul.f32 v16, v16;
	v26 =	vld [tilespmem:s30+$0x8130];
	v6 =	vadd.f32 v18, v6  }
0xff: {  	v8 =	vadd.f32 v19, v8;
	v17 =	vmul.f32 v22, v22;
	v2 =	vadd.f32 v23, v2;
	v18 =	vld [tilespmem:s30+$0x81A0]  }
0x100: {  	v10 =	vadd.f32 v16, v10;
	v3 =	vadd.f32 v25, v3;
	v16 =	vmul.f32 v20, v20;
	v23 =	vld [tilespmem:s30+$0x81B0]  }
0x101: {  	v4 =	vadd.f32 v22, v4;
	v1 =	vadd.f32 v17, v1;
	v17 =	vld [tilespmem:s30+$0x8040];
	v19 =	vmul.f32 v24, v24  }
0x102: {  	v10 =	vadd.f32 v20, v10;
	v25 =	vld [tilespmem:s30+$0x8050];
	v3 =	vadd.f32 v16, v3;
	v16 =	vmul.f32 v21, v21  }
0x103: {  	v4 =	vadd.f32 v24, v4;
	v1 =	vadd.f32 v19, v1;
	v20 =	vld [tilespmem:s30+$0x80C0];
	v22 =	vmul.f32 v26, v26  }
0x104: {  	v10 =	vadd.f32 v21, v10;
	v19 =	vld [tilespmem:s30+$0x80D0];
	v3 =	vadd.f32 v16, v3;
	v16 =	vmul.f32 v18, v18  }
.Ltmp3:
0x105: {  	v4 =	vadd.f32 v26, v4;
	v1 =	vadd.f32 v22, v1;
	v22 =	vld [tilespmem:s30+$0x8140];
	v24 =	vmul.f32 v23, v23;
	(pc) =	sbr.rel @p1 .LBB2_5-.Ltmp3, $4  }
0x106: {  	v10 =	vadd.f32 v18, v10;
	v26 =	vmul.f32 v17, v17;
	v21 =	vld [tilespmem:s30+$0x8150];
	v3 =	vadd.f32 v16, v3  }
0x107: {  	v4 =	vadd.f32 v23, v4;
	v16 =	vmul.f32 v25, v25;
	v1 =	vadd.f32 v24, v1;
	v18 =	vld [tilespmem:s30+$0x81C0]  }
0x108: {  	v14 =	vadd.f32 v17, v14;
	v15 =	vadd.f32 v26, v15;
	v23 =	vmul.f32 v20, v20;
	v17 =	vld [tilespmem:s30+$0x81D0]  }
0x109: {  	s31 =	sadd.s32 $0x800, s31;
	v24 =	vadd.f32 v25, v12;
	v12 =	vadd.f32 v16, v13;
	v16 =	vld [tilespmem:s30+$0x8060];
	v13 =	vmul.f32 v19, v19  }
0x10a: {  	v9 =	vmul.f32 $3.906250000e-03, v9;
	v8 =	vmul.f32 $3.906250000e-03, v8;
	v14 =	vadd.f32 v20, v14;
	v63 =	vld [tilespmem:s30+$0x8070]  }
0x10b: {  	v15 =	vadd.f32 v23, v15;
	v59 =	vmul.f32 v22, v22;
	v37 =	vld [tilespmem:s30+$0x80E0];
	v19 =	vadd.f32 v19, v24  }
0x10c: {  	v27 =	vld [tilespmem:s30+$0x80F0];
	v12 =	vadd.f32 v13, v12;
	v61 =	vmul.f32 v21, v21;
	v25 =	vmul.f32 $2.560000000e+02, v9  }
0x10d: {  	v44 =	vld [tilespmem:s30+$0x8160];
	v60 =	vmul.f32 $2.560000000e+02, v8;
	v14 =	vadd.f32 v22, v14;
	v15 =	vadd.f32 v59, v15  }
0x10e: {  	v29 =	vld [tilespmem:s30+$0x8170];
	v30 =	vmul.f32 v18, v18;
	v19 =	vadd.f32 v21, v19;
	v31 =	vmul.f32 v17, v17  }
0x10f: {  	v54 =	vld [tilespmem:s30+$0x81E0];
	v12 =	vadd.f32 v61, v12;
	v25 =	vmul.f32 v25, v9;
	v62 =	vmul.f32 v60, v8  }
0x110: {  	v32 =	vmul.f32 v16, v16;
	v14 =	vadd.f32 v18, v14;
	v13 =	vadd.f32 v30, v15  }
0x111: {  	v42 =	vadd.f32 v16, v0;
	v0 =	vmul.f32 $3.906250000e-03, v4;
	v38 =	vmul.f32 v63, v63  }
0x112: {  	v17 =	vadd.f32 v17, v19;
	v12 =	vadd.f32 v31, v12;
	v28 =	vmul.f32 v37, v37  }
0x113: {  	v46 =	vadd.f32 v63, v7;
	v50 =	vmul.f32 v27, v27;
	v52 =	vmul.f32 v44, v44  }
0x114: {  	v59 =	vmul.f32 v29, v29;
	v61 =	vmul.f32 v54, v54;
	v6 =	vsub.f32 v6, v25  }
0x115: {  	v2 =	vsub.f32 v2, v62;
	v11 =	vadd.f32 v32, v11;
	v49 =	vmul.f32 $2.560000000e+02, v0  }
0x116: {  	v16 =	vadd.f32 v37, v42;
	v14 =	vmul.f32 $3.906250000e-03, v14;
	v5 =	vadd.f32 v38, v5  }
0x117: {  	v4 =	vadd.f32 v27, v46;
	v17 =	vmul.f32 $3.906250000e-03, v17;
	v6 =	vmul.f32 $3.921568860e-03, v6  }
0x118: {  	v35 =	vmul.f32 $3.921568860e-03, v2;
	v11 =	vadd.f32 v28, v11;
	v16 =	vadd.f32 v44, v16  }
0x119: {  	v2 =	vmul.f32 $3.906250000e-03, v10;
	v5 =	vadd.f32 v50, v5;
	v4 =	vadd.f32 v29, v4  }
0x11a: {  	v63 =	vld [tilespmem:s30+$0x81F0];
	v37 =	vmul.f32 $2.560000000e+02, v14;
	v6 =	vadd.f32 $9.999999740e-06, v6;
	v10 =	vadd.f32 $9.999999740e-06, v35  }
0x11b: {  	v42 =	vmul.f32 $2.560000000e+02, v17;
	v39 =	vmul.f32 $2.560000000e+02, v2;
	v11 =	vadd.f32 v52, v11  }
0x11c: {  	v33 =	vshra.s32 v6, $0x1;
	v34 =	vmul.f32 $5.000000000e-01, v6;
	v24 =	vshra.s32 v10, $0x1  }
0x11d: {  	v41 =	vmul.f32 $5.000000000e-01, v10;
	v43 =	vmul.f32 v39, v2;
	v36 =	vsub.s32 $0x5F3759DF, v33  }
0x11e: {  	v16 =	vadd.f32 v54, v16;
	v24 =	vsub.s32 $0x5F3759DF, v24;
	v26 =	vmul.f32 v36, v34  }
0x11f: {  	v38 =	vmul.f32 v63, v63;
	v45 =	vmul.f32 v24, v41;
	v3 =	vsub.f32 v3, v43  }
0x120: {  	v4 =	vadd.f32 v63, v4;
	v16 =	vmul.f32 $3.906250000e-03, v16;
	v40 =	vmul.f32 v36, v26  }
0x121: {  	v5 =	vadd.f32 v59, v5;
	v48 =	vmul.f32 v24, v45;
	v3 =	vmul.f32 $3.921568860e-03, v3  }
0x122: {  	v4 =	vmul.f32 $3.906250000e-03, v4;
	v26 =	vmul.f32 v37, v14;
	v20 =	vsub.f32 $1.500000000e+00, v40  }
0x123: {  	v44 =	vmul.f32 $2.560000000e+02, v16;
	v15 =	vsub.f32 $1.500000000e+00, v48;
	v3 =	vadd.f32 $9.999999740e-06, v3  }
0x124: {  	v13 =	vsub.f32 v13, v26;
	v48 =	vmul.f32 $2.560000000e+02, v4;
	v47 =	vmul.f32 v36, v20  }
0x125: {  	v5 =	vadd.f32 v38, v5;
	v20 =	vmul.f32 v49, v0;
	v15 =	vmul.f32 v24, v15  }
0x126: {  	v55 =	vshra.s32 v3, $0x1;
	v30 =	vmul.f32 $5.000000000e-01, v3;
	v13 =	vmul.f32 $3.921568860e-03, v13  }
0x127: {  	v50 =	vmul.f32 v48, v4;
	v24 =	vsub.s32 $0x5F3759DF, v55;
	v51 =	vmul.f32 v47, v34  }
0x128: {  	v1 =	vsub.f32 v1, v20;
	v56 =	vmul.f32 v15, v41;
	v57 =	vmul.f32 v24, v30  }
0x129: {  	v13 =	vadd.f32 $9.999999740e-06, v13;
	v20 =	vmul.f32 v42, v17;
	v53 =	vmul.f32 v51, v47  }
0x12a: {  	v5 =	vsub.f32 v5, v50;
	v1 =	vmul.f32 $3.921568860e-03, v1;
	v58 =	vmul.f32 v56, v15  }
0x12b: {  	v60 =	vmul.f32 v24, v57;
	v45 =	vshra.s32 v13, $0x1;
	v18 =	vsub.f32 $1.500000000e+00, v53  }
0x12c: {  	v46 =	vmul.f32 $5.000000000e-01, v13;
	v12 =	vsub.f32 v12, v20;
	v1 =	vadd.f32 $9.999999740e-06, v1  }
0x12d: {  	v5 =	vmul.f32 $3.921568860e-03, v5;
	v27 =	vsub.f32 $1.500000000e+00, v60;
	v7 =	vmul.f32 v18, v47  }
0x12e: {  	v12 =	vmul.f32 $3.921568860e-03, v12;
	v31 =	vshra.s32 v1, $0x1;
	v32 =	vmul.f32 $5.000000000e-01, v1  }
0x12f: {  	v18 =	vsub.f32 $1.500000000e+00, v58;
	v62 =	vsub.s32 $0x5F3759DF, v31;
	v23 =	vmul.f32 v7, v34  }
0x130: {  	v33 =	vmul.f32 v24, v27;
	v47 =	vsub.s32 $0x5F3759DF, v45;
	v34 =	vmul.f32 v62, v32  }
0x131: {  	v5 =	vadd.f32 $9.999999740e-06, v5;
	v49 =	vmul.f32 v47, v46;
	v23 =	vmul.f32 v23, v7  }
0x132: {  	v11 =	vadd.f32 v61, v11;
	v15 =	vmul.f32 v18, v15;
	v24 =	vmul.f32 v62, v34  }
0x133: {  	v61 =	vmul.f32 $5.000000000e-01, v5;
	v36 =	vmul.f32 v33, v30;
	v23 =	vsub.f32 $1.500000000e+00, v23  }
0x134: {  	v51 =	vmul.f32 v47, v49;
	v35 =	vmul.f32 v15, v41;
	v24 =	vsub.f32 $1.500000000e+00, v24  }
0x135: {  	v12 =	vadd.f32 $9.999999740e-06, v12;
	v7 =	vmul.f32 v23, v7;
	v23 =	vmul.f32 v44, v16  }
0x136: {  	v60 =	vshra.s32 v5, $0x1;
	v25 =	vmul.f32 v36, v33;
	v18 =	vmul.f32 v62, v24  }
0x137: {  	v54 =	vmul.f32 $5.000000000e-01, v12;
	v52 =	vsub.f32 $1.500000000e+00, v51;
	v11 =	vsub.f32 v11, v23  }
0x138: {  	v19 =	vmul.f32 v35, v15;
	v39 =	vsub.f32 $1.500000000e+00, v25;
	v41 =	vmul.f32 v18, v32  }
0x139: {  	v53 =	vshra.s32 v12, $0x1;
	v20 =	vmul.f32 v47, v52;
	v11 =	vmul.f32 $3.921568860e-03, v11  }
0x13a: {  	v19 =	vsub.f32 $1.500000000e+00, v19;
	v40 =	vmul.f32 v39, v33;
	v21 =	vmul.f32 v41, v18  }
0x13b: {  	v58 =	vmul.f32 v20, v46;
	v23 =	vsub.s32 $0x5F3759DF, v53;
	v11 =	vadd.f32 $9.999999740e-06, v11  }
0x13c: {  	v15 =	vmul.f32 v19, v15;
	v55 =	vmul.f32 v23, v54;
	v21 =	vsub.f32 $1.500000000e+00, v21  }
0x13d: {  	v43 =	vmul.f32 v40, v30;
	v56 =	vshra.s32 v11, $0x1;
	v57 =	vmul.f32 $5.000000000e-01, v11  }
0x13e: {  	v18 =	vmul.f32 v21, v18;
	v21 =	vmul.f32 v23, v55;
	v26 =	vsub.s32 $0x5F3759DF, v56  }
0x13f: {  	v30 =	vsub.s32 $0x5F3759DF, v60;
	v6 =	vmul.f32 v7, v6;
	v59 =	vmul.f32 v26, v57  }
0x140: {  	v28 =	vmul.f32 v58, v20;
	v33 =	vmul.f32 v30, v61;
	v21 =	vsub.f32 $1.500000000e+00, v21  }
0x141: {  	v22 =	vmul.f32 v43, v40;
	v29 =	vmul.f32 v26, v59  }
0x142: {  	v62 =	vsub.f32 $1.500000000e+00, v28;
	v33 =	vmul.f32 v30, v33;
	v21 =	vmul.f32 v23, v21  }
0x143: {  	[tilespmem:s26+$0x10080] =	vst v9;
	v22 =	vsub.f32 $1.500000000e+00, v22;
	v63 =	vmul.f32 v18, v32;
	v32 =	vsub.f32 $1.500000000e+00, v29  }
0x144: {  	[tilespmem:s26+$0x10090] =	vst v8;
	v20 =	vmul.f32 v62, v20;
	v36 =	vsub.f32 $1.500000000e+00, v33;
	v34 =	vmul.f32 v21, v54  }
0x145: {  	[tilespmem:s26+$0x100B0] =	vst v0;
	v19 =	vmul.f32 v22, v40;
	v35 =	vmul.f32 v26, v32  }
0x146: {  	[tilespmem:s26+$0x100C0] =	vst v14;
	v38 =	vmul.f32 v30, v36;
	v22 =	vmul.f32 v34, v21  }
0x147: {  	[tilespmem:s26+$0x100D0] =	vst v17;
	v42 =	vmul.f32 v20, v46;
	v39 =	vmul.f32 v35, v57  }
0x148: {  	[tilespmem:s26+$0x100A0] =	vst v2;
	v40 =	vmul.f32 v15, v10;
	v45 =	vmul.f32 v38, v61;
	v41 =	vsub.f32 $1.500000000e+00, v22  }
0x149: {  	[tilespmem:s26+$0x100E0] =	vst v16;
	v47 =	vmul.f32 v42, v20;
	v43 =	vmul.f32 v39, v35  }
0x14a: {  	[tilespmem:s26+$0x100F0] =	vst v4;
	v10 =	vmul.f32 v45, v38;
	v44 =	vmul.f32 v41, v21  }
0x14b: {  	[tilespmem:s26+$0x11080] =	vst v7;
	v37 =	vmul.f32 v63, v18;
	v50 =	vsub.f32 $1.500000000e+00, v47;
	v48 =	vsub.f32 $1.500000000e+00, v43  }
0x14c: {  	[tilespmem:s26+$0x12080] =	vst v6;
	v3 =	vmul.f32 v19, v3;
	v49 =	vmul.f32 v44, v54;
	v54 =	vsub.f32 $1.500000000e+00, v10  }
0x14d: {  	[tilespmem:s26+$0x11090] =	vst v15;
	v7 =	vsub.f32 $1.500000000e+00, v37;
	v55 =	vmul.f32 v50, v20;
	v51 =	vmul.f32 v48, v35  }
0x14e: {  	[tilespmem:s26+$0x12090] =	vst v40;
	v53 =	vmul.f32 v49, v44;
	v58 =	vmul.f32 v54, v38  }
0x14f: {  	[tilespmem:s26+$0x110A0] =	vst v19;
	v46 =	vmul.f32 v7, v18;
	v56 =	vmul.f32 v51, v57  }
0x150: {  	[tilespmem:s26+$0x120A0] =	vst v3;
	v59 =	vmul.f32 v55, v13;
	v57 =	vsub.f32 $1.500000000e+00, v53;
	v60 =	vmul.f32 v58, v61  }
0x151: {  	[tilespmem:s26+$0x110C0] =	vst v55;
	v52 =	vmul.f32 v46, v1;
	v3 =	vmul.f32 v56, v51  }
0x152: {  	[tilespmem:s26+$0x110B0] =	vst v46;
	v0 =	vmul.f32 v57, v44;
	v2 =	vmul.f32 v60, v58  }
0x153: {  	[tilespmem:s26+$0x120C0] =	vst v59;
	v3 =	vsub.f32 $1.500000000e+00, v3  }
0x154: {  	[tilespmem:s26+$0x120B0] =	vst v52;
	v61 =	vmul.f32 v0, v12;
	v2 =	vsub.f32 $1.500000000e+00, v2  }
0x155: {  	[tilespmem:s26+$0x110D0] =	vst v0;
	v62 =	vmul.f32 v3, v51  }
.Ltmp4:
0x156: {  	[tilespmem:s26+$0x120D0] =	vst v61;
	v63 =	vmul.f32 v2, v58;
	(pc) =	sbr.rel @p0 .LBB2_8-.Ltmp4, $4  }
0x157: {  	v3 =	vmul.f32 v62, v11;
	[tilespmem:s26+$0x110E0] =	vst v62  }
0x158: {  	v1 =	vmul.f32 v63, v5;
	[tilespmem:s26+$0x110F0] =	vst v63  }
0x159: {  	[tilespmem:s26+$0x120E0] =	vst v3  }
0x15a: {  	[tilespmem:s26+$0x120F0] =	vst v1  }
.Ltmp5:
0x15b: {  	(pc) =	sbr.rel .LBB2_2-.Ltmp5, $4  }
0x15c: {  	s0 =	sadd.s32 s9, s29  }
0x15d: {  	s0 =	sshrl.u32 s0, $0x3  }
0x15e: {  	s25 =	sadd.s32 $0x1, s25;
	s0 =	sadd.s32 s2, s0  }
0x15f: {  	[tilespmem:s23], [sflag:$0x2] =	stream.strided.gather [hbm4b:s0+s22], $0x8000, s23, s22, $0x38;
	[tilespmem:$0x13000] =	vst v63  }
.LBB2_8:
0x160: {  	s25 =	simm.s32 $0x0  }
0x161: {  	[tilespmem:s25], [sflag:$0x1] =	stream.strided.gather [hbm4b:s6+s22], $0x8000, s23, s22, $0x38;
	[tilespmem:$0x13000] =	vst v63  }
0x162: {  	_ = 	snop  }
0x163: {  	[tilespmem:s23], [sflag:$0x2] =	stream.strided.gather [hbm4b:s7+s22], $0x8000, s23, s22, $0x38;
	[tilespmem:$0x13000] =	vst v63  }
.LBB2_9:
0x164: {  	s0 =	sshll.u32 s25, $0x1  }
0x165: {  	s29 =	sand.u32 $0x3FFFFFFE, s0  }
0x166: {  	s30 =	sld [smem:s29+$0x0];
	_ =	swait.ge [sflag:s18], $0x8000  }
0x167: {  	[sflag:s18] =	ssyncset.done $0x0  }
0x168: {  	s26 =	sshll.u32 s25, $0x8;
	[sflag:s18] =	ssyncadd.s32 $0xFFFF8000  }
0x169: {  	v0 =	vld [tilespmem:s26+$0x11000]  }
0x16a: {  	v2 =	vld [tilespmem:s26+$0x10000]  }
0x16b: {  	v4 =	vld [tilespmem:s26+$0x11010]  }
0x16c: {  	v7 =	vld [tilespmem:s26+$0x10010]  }
0x16d: {  	v8 =	vld [tilespmem:s26+$0x11020]  }
0x16e: {  	v11 =	vld [tilespmem:s26+$0x10020]  }
0x16f: {  	v12 =	vld [tilespmem:s26+$0x11030]  }
0x170: {  	v15 =	vld [tilespmem:s26+$0x10030]  }
0x171: {  	v16 =	vld [tilespmem:s26+$0x11040]  }
0x172: {  	v19 =	vld [tilespmem:s26+$0x10040]  }
0x173: {  	v20 =	vld [tilespmem:s26+$0x11050]  }
0x174: {  	v23 =	vld [tilespmem:s26+$0x10050]  }
0x175: {  	v24 =	vld [tilespmem:s26+$0x11060]  }
0x176: {  	v27 =	vld [tilespmem:s26+$0x10060]  }
0x177: {  	v28 =	vld [tilespmem:s26+$0x11070]  }
0x178: {  	s31 =	simm.s32 $0x0;
	v31 =	vld [tilespmem:s26+$0x10070]  }
0x179: {  	v32 =	vld [tilespmem:s31+$0x0]  }
0x17a: {  	v33 =	vld [tilespmem:s31+$0x10]  }
0x17b: {  	v34 =	vld [tilespmem:s31+$0x20]  }
0x17c: {  	v36 =	vld [tilespmem:s31+$0x30]  }
0x17d: {  	s1 =	sshll.u32 s30, $0x7;
	v37 =	vld [tilespmem:s31+$0x40]  }
0x17e: {  	v1 =	vld [tilespmem:s1+$0x12000]  }
0x17f: {  	v3 =	vld [tilespmem:s1+$0x10000]  }
0x180: {  	v5 =	vld [tilespmem:s1+$0x12010]  }
0x181: {  	v6 =	vld [tilespmem:s1+$0x10010]  }
0x182: {  	v9 =	vld [tilespmem:s1+$0x12020]  }
0x183: {  	v10 =	vld [tilespmem:s1+$0x10020]  }
0x184: {  	v13 =	vld [tilespmem:s1+$0x12030]  }
0x185: {  	v14 =	vld [tilespmem:s1+$0x10030];
	v0 =	vmul.f32 v1, v0  }
0x186: {  	v17 =	vld [tilespmem:s1+$0x12040]  }
0x187: {  	v18 =	vld [tilespmem:s1+$0x10040];
	v35 =	vmul.f32 v2, v0;
	v2 =	vmul.f32 v5, v4  }
0x188: {  	v21 =	vld [tilespmem:s1+$0x12050];
	v1 =	vmul.f32 v9, v8  }
0x189: {  	v22 =	vld [tilespmem:s1+$0x10050];
	v3 =	vsub.f32 v3, v35;
	v5 =	vmul.f32 v7, v2;
	v7 =	vmul.f32 v32, v0  }
0x18a: {  	v25 =	vld [tilespmem:s1+$0x12060];
	v8 =	vmul.f32 v11, v1;
	v4 =	vmul.f32 v13, v12  }
0x18b: {  	v26 =	vld [tilespmem:s1+$0x10060];
	v9 =	vmul.f32 v33, v2;
	v5 =	vsub.f32 v6, v5;
	v11 =	vadd.f32 v7, v3  }
0x18c: {  	v29 =	vld [tilespmem:s1+$0x12070];
	v6 =	vsub.f32 v10, v8  }
0x18d: {  	v30 =	vld [tilespmem:s1+$0x10070];
	v8 =	vmul.f32 v15, v4;
	v7 =	vmul.f32 v17, v16;
	[tilespmem:s31+$0x0] =	vst v11;
	v11 =	vadd.f32 v9, v5  }
0x18e: {  	v61 =	vld [tilespmem:s31+$0x50];
	v12 =	vmul.f32 v36, v4;
	v10 =	vmul.f32 v34, v1  }
0x18f: {  	v8 =	vsub.f32 v14, v8;
	v9 =	vmul.f32 v21, v20;
	[tilespmem:s31+$0x10] =	vst v11;
	v11 =	vmul.f32 v19, v7  }
0x190: {  	v62 =	vld [tilespmem:s31+$0x60];
	v13 =	vadd.f32 v10, v6;
	v10 =	vmul.f32 v25, v24  }
0x191: {  	v63 =	vld [tilespmem:s31+$0x70];
	v14 =	vmul.f32 v23, v9;
	v11 =	vsub.f32 v18, v11;
	v18 =	vadd.f32 v12, v8  }
0x192: {  	v38 =	vld [tilespmem:s31+$0x80];
	v15 =	vmul.f32 v37, v7;
	[tilespmem:s31+$0x20] =	vst v13;
	v13 =	vmul.f32 v29, v28  }
0x193: {  	v16 =	vld [tilespmem:s31+$0x90];
	v12 =	vsub.f32 v22, v14;
	v14 =	vmul.f32 v27, v10;
	[tilespmem:s31+$0x30] =	vst v18;
	v18 =	vmul.f32 v61, v9  }
0x194: {  	v17 =	vld [tilespmem:s31+$0xA0];
	v21 =	vmul.f32 v31, v13;
	v15 =	vadd.f32 v15, v11  }
0x195: {  	v20 =	vld [tilespmem:s31+$0xC0];
	v22 =	vmul.f32 v62, v10;
	v14 =	vsub.f32 v26, v14;
	v18 =	vadd.f32 v18, v12  }
0x196: {  	v19 =	vld [tilespmem:s31+$0xB0];
	[tilespmem:s31+$0x40] =	vst v15;
	v15 =	vsub.f32 v30, v21;
	v21 =	vmul.f32 v63, v13  }
0x197: {  	v24 =	vmul.f32 v38, v0;
	v22 =	vadd.f32 v22, v14;
	[tilespmem:s31+$0x50] =	vst v18;
	v18 =	vld [tilespmem:s31+$0xE0]  }
0x198: {  	v23 =	vld [tilespmem:s31+$0xD0];
	v16 =	vmul.f32 v16, v2;
	v21 =	vadd.f32 v21, v15  }
0x199: {  	v24 =	vadd.f32 v24, v3;
	v17 =	vmul.f32 v17, v1;
	[tilespmem:s31+$0x60] =	vst v22;
	v22 =	vld [tilespmem:s31+$0xF0]  }
0x19a: {  	v16 =	vadd.f32 v16, v5;
	v20 =	vmul.f32 v20, v7;
	[tilespmem:s31+$0x70] =	vst v21;
	v21 =	vld [tilespmem:s31+$0x100]  }
0x19b: {  	[tilespmem:s31+$0x80] =	vst v24;
	v24 =	vld [tilespmem:s31+$0x110];
	v17 =	vadd.f32 v17, v6;
	v19 =	vmul.f32 v19, v4  }
0x19c: {  	[tilespmem:s31+$0x90] =	vst v16;
	v20 =	vadd.f32 v20, v11;
	v18 =	vmul.f32 v18, v10  }
0x19d: {  	v16 =	vld [tilespmem:s31+$0x120];
	[tilespmem:s31+$0xA0] =	vst v17;
	v23 =	vmul.f32 v23, v9;
	v19 =	vadd.f32 v19, v8  }
0x19e: {  	v17 =	vld [tilespmem:s31+$0x130];
	[tilespmem:s31+$0xC0] =	vst v20;
	v22 =	vmul.f32 v22, v13;
	v18 =	vadd.f32 v18, v14  }
0x19f: {  	v23 =	vadd.f32 v23, v12;
	[tilespmem:s31+$0xB0] =	vst v19;
	v19 =	vld [tilespmem:s31+$0x140];
	v21 =	vmul.f32 v21, v0  }
0x1a0: {  	v22 =	vadd.f32 v22, v15;
	[tilespmem:s31+$0xE0] =	vst v18;
	v18 =	vmul.f32 v24, v2  }
0x1a1: {  	v20 =	vld [tilespmem:s31+$0x150];
	[tilespmem:s31+$0xD0] =	vst v23;
	v21 =	vadd.f32 v21, v3  }
0x1a2: {  	v23 =	vld [tilespmem:s31+$0x160];
	[tilespmem:s31+$0xF0] =	vst v22;
	v18 =	vadd.f32 v18, v5  }
0x1a3: {  	v25 =	vld [tilespmem:s31+$0x170];
	v16 =	vmul.f32 v16, v1;
	[tilespmem:s31+$0x100] =	vst v21  }
0x1a4: {  	v22 =	vld [tilespmem:s31+$0x180];
	v21 =	vmul.f32 v17, v4;
	[tilespmem:s31+$0x110] =	vst v18;
	v18 =	vmul.f32 v19, v7  }
0x1a5: {  	v26 =	vld [tilespmem:s31+$0x190];
	v16 =	vadd.f32 v16, v6  }
0x1a6: {  	v20 =	vmul.f32 v20, v9;
	v17 =	vld [tilespmem:s31+$0x1A0];
	v19 =	vadd.f32 v21, v8;
	v21 =	vadd.f32 v18, v11  }
0x1a7: {  	[tilespmem:s31+$0x120] =	vst v16;
	v16 =	vld [tilespmem:s31+$0x1B0];
	v23 =	vmul.f32 v23, v10  }
0x1a8: {  	v20 =	vadd.f32 v20, v12;
	v18 =	vld [tilespmem:s31+$0x1C0];
	[tilespmem:s31+$0x140] =	vst v21;
	v21 =	vmul.f32 v25, v13  }
0x1a9: {  	v23 =	vadd.f32 v23, v14;
	v24 =	vmul.f32 v22, v0;
	[tilespmem:s31+$0x130] =	vst v19;
	v19 =	vld [tilespmem:s31+$0x1D0]  }
0x1aa: {  	s0 =	simm.s32 $0x800;
	[tilespmem:s31+$0x150] =	vst v20;
	v20 =	vld [tilespmem:s31+$0x1E0];
	v22 =	vmul.f32 v26, v2;
	v21 =	vadd.f32 v21, v15  }
.LBB2_10:
0x1ab: {  	s1 =	sshra.s32 s0, $0x2;
	p0 =	sne.s32 s0, $0x1F800;
	[tilespmem:s31+$0x160] =	vst v23;
	v23 =	vadd.f32 v24, v3;
	v17 =	vmul.f32 v17, v1;
	v24 =	vld [tilespmem:s31+$0x1F0]  }
0x1ac: {  	v25 =	vld [tilespmem:s1+$0x0];
	[tilespmem:s31+$0x170] =	vst v21;
	v21 =	vadd.f32 v22, v5;
	v16 =	vmul.f32 v16, v4  }
0x1ad: {  	v22 =	vld [tilespmem:s1+$0x10];
	[tilespmem:s31+$0x180] =	vst v23;
	v17 =	vadd.f32 v17, v6;
	v18 =	vmul.f32 v18, v7  }
0x1ae: {  	v23 =	vld [tilespmem:s1+$0x20];
	[tilespmem:s31+$0x190] =	vst v21;
	v16 =	vadd.f32 v16, v8;
	v19 =	vmul.f32 v19, v9  }
0x1af: {  	v21 =	vld [tilespmem:s1+$0x30];
	[tilespmem:s31+$0x1A0] =	vst v17;
	v17 =	vadd.f32 v18, v11;
	v18 =	vmul.f32 v20, v10  }
0x1b0: {  	v20 =	vld [tilespmem:s1+$0x40];
	[tilespmem:s31+$0x1B0] =	vst v16;
	v16 =	vadd.f32 v19, v12;
	v19 =	vmul.f32 v24, v13  }
0x1b1: {  	v24 =	vmul.f32 v25, v0;
	v25 =	vld [tilespmem:s1+$0x50];
	[tilespmem:s31+$0x1C0] =	vst v17;
	v17 =	vadd.f32 v18, v14  }
0x1b2: {  	v18 =	vmul.f32 v22, v2;
	v22 =	vld [tilespmem:s1+$0x60];
	[tilespmem:s31+$0x1D0] =	vst v16;
	v16 =	vadd.f32 v19, v15  }
0x1b3: {  	v19 =	vadd.f32 v24, v3;
	v23 =	vmul.f32 v23, v1;
	v24 =	vld [tilespmem:s1+$0x70];
	[tilespmem:s31+$0x1E0] =	vst v17  }
0x1b4: {  	v17 =	vadd.f32 v18, v5;
	v18 =	vmul.f32 v21, v4;
	v21 =	vld [tilespmem:s1+$0x80];
	[tilespmem:s31+$0x1F0] =	vst v16;
	s31 =	smov.u32 s1  }
0x1b5: {  	[tilespmem:s31+$0x0] =	vst v19;
	v16 =	vadd.f32 v23, v6;
	v19 =	vmul.f32 v20, v7;
	v20 =	vld [tilespmem:s31+$0x90]  }
0x1b6: {  	[tilespmem:s31+$0x10] =	vst v17;
	v17 =	vadd.f32 v18, v8;
	v18 =	vmul.f32 v25, v9;
	v23 =	vld [tilespmem:s31+$0xA0]  }
0x1b7: {  	[tilespmem:s31+$0x20] =	vst v16;
	v16 =	vadd.f32 v19, v11;
	v19 =	vmul.f32 v22, v10;
	v22 =	vld [tilespmem:s31+$0xB0]  }
0x1b8: {  	[tilespmem:s31+$0x30] =	vst v17;
	v17 =	vadd.f32 v18, v12;
	v18 =	vmul.f32 v24, v13;
	v24 =	vld [tilespmem:s31+$0xC0]  }
0x1b9: {  	[tilespmem:s31+$0x40] =	vst v16;
	v16 =	vadd.f32 v19, v14;
	v19 =	vmul.f32 v21, v0;
	v21 =	vld [tilespmem:s31+$0xD0]  }
0x1ba: {  	[tilespmem:s31+$0x50] =	vst v17;
	v17 =	vadd.f32 v18, v15;
	v18 =	vmul.f32 v20, v2;
	v20 =	vld [tilespmem:s31+$0xE0]  }
0x1bb: {  	[tilespmem:s31+$0x60] =	vst v16;
	v16 =	vadd.f32 v19, v3;
	v19 =	vmul.f32 v23, v1;
	v23 =	vld [tilespmem:s31+$0xF0]  }
0x1bc: {  	[tilespmem:s31+$0x70] =	vst v17;
	v17 =	vadd.f32 v18, v5;
	v18 =	vmul.f32 v22, v4;
	v22 =	vld [tilespmem:s31+$0x100]  }
0x1bd: {  	[tilespmem:s31+$0x80] =	vst v16;
	v16 =	vadd.f32 v19, v6;
	v19 =	vmul.f32 v24, v7;
	v24 =	vld [tilespmem:s31+$0x110]  }
0x1be: {  	[tilespmem:s31+$0x90] =	vst v17;
	v17 =	vadd.f32 v18, v8;
	v18 =	vmul.f32 v21, v9;
	v21 =	vld [tilespmem:s31+$0x120]  }
0x1bf: {  	[tilespmem:s31+$0xA0] =	vst v16;
	v16 =	vadd.f32 v19, v11;
	v19 =	vmul.f32 v20, v10;
	v20 =	vld [tilespmem:s31+$0x130]  }
0x1c0: {  	[tilespmem:s31+$0xB0] =	vst v17;
	v17 =	vadd.f32 v18, v12;
	v18 =	vmul.f32 v23, v13;
	v23 =	vld [tilespmem:s31+$0x140]  }
0x1c1: {  	[tilespmem:s31+$0xC0] =	vst v16;
	v16 =	vadd.f32 v19, v14;
	v19 =	vmul.f32 v22, v0;
	v22 =	vld [tilespmem:s31+$0x150]  }
0x1c2: {  	[tilespmem:s31+$0xD0] =	vst v17;
	v17 =	vadd.f32 v18, v15;
	v18 =	vmul.f32 v24, v2;
	v24 =	vld [tilespmem:s31+$0x160]  }
0x1c3: {  	[tilespmem:s31+$0xE0] =	vst v16;
	v16 =	vadd.f32 v19, v3;
	v19 =	vmul.f32 v21, v1;
	v21 =	vld [tilespmem:s31+$0x170]  }
0x1c4: {  	[tilespmem:s31+$0xF0] =	vst v17;
	v17 =	vadd.f32 v18, v5;
	v18 =	vmul.f32 v20, v4;
	v20 =	vld [tilespmem:s31+$0x180]  }
0x1c5: {  	[tilespmem:s31+$0x100] =	vst v16;
	v16 =	vadd.f32 v19, v6;
	v19 =	vmul.f32 v23, v7;
	v25 =	vld [tilespmem:s31+$0x190]  }
.Ltmp6:
0x1c6: {  	[tilespmem:s31+$0x110] =	vst v17;
	v18 =	vadd.f32 v18, v8;
	v22 =	vmul.f32 v22, v9;
	v17 =	vld [tilespmem:s31+$0x1A0];
	(pc) =	sbr.rel @p0 .LBB2_10-.Ltmp6, $4  }
0x1c7: {  	[tilespmem:s31+$0x120] =	vst v16;
	v19 =	vadd.f32 v19, v11;
	v23 =	vmul.f32 v24, v10;
	v16 =	vld [tilespmem:s31+$0x1B0]  }
0x1c8: {  	[tilespmem:s31+$0x130] =	vst v18;
	v22 =	vadd.f32 v22, v12;
	v21 =	vmul.f32 v21, v13;
	v18 =	vld [tilespmem:s31+$0x1C0]  }
0x1c9: {  	[tilespmem:s31+$0x140] =	vst v19;
	v23 =	vadd.f32 v23, v14;
	v24 =	vmul.f32 v20, v0;
	v19 =	vld [tilespmem:s31+$0x1D0]  }
0x1ca: {  	s0 =	sadd.s32 $0x800, s0;
	[tilespmem:s31+$0x150] =	vst v22;
	v21 =	vadd.f32 v21, v15;
	v22 =	vmul.f32 v25, v2;
	v20 =	vld [tilespmem:s31+$0x1E0]  }
0x1cb: {  	[tilespmem:s31+$0x160] =	vst v23;
	v0 =	vadd.f32 v24, v3;
	v1 =	vmul.f32 v17, v1;
	v2 =	vld [tilespmem:s31+$0x1F0]  }
0x1cc: {  	[tilespmem:s31+$0x170] =	vst v21;
	v3 =	vadd.f32 v22, v5;
	v4 =	vmul.f32 v16, v4  }
0x1cd: {  	[tilespmem:s31+$0x180] =	vst v0;
	v0 =	vadd.f32 v1, v6;
	v1 =	vmul.f32 v18, v7  }
0x1ce: {  	[tilespmem:s31+$0x190] =	vst v3;
	v3 =	vadd.f32 v4, v8;
	v4 =	vmul.f32 v19, v9  }
0x1cf: {  	[tilespmem:s31+$0x1A0] =	vst v0;
	v0 =	vadd.f32 v1, v11;
	v1 =	vmul.f32 v20, v10  }
0x1d0: {  	[tilespmem:s31+$0x1B0] =	vst v3;
	v3 =	vadd.f32 v4, v12;
	v2 =	vmul.f32 v2, v13  }
0x1d1: {  	s0 =	sshll.u32 s30, $0x14;
	[tilespmem:s31+$0x1C0] =	vst v0;
	v0 =	vadd.f32 v1, v14  }
0x1d2: {  	s0 =	sor.u32 s4, s0;
	[tilespmem:s31+$0x1D0] =	vst v3;
	v1 =	vadd.f32 v2, v15  }
0x1d3: {  	s0 =	sshrl.u32 s0, $0x3;
	[tilespmem:s31+$0x1E0] =	vst v0  }
0x1d4: {  	s1 =	simm.s32 $0x0;
	s0 =	sadd.s32 s5, s0;
	[tilespmem:s31+$0x1F0] =	vst v1  }
0x1d5: {  	[hbm4b:s0+s22] =	stream.strided.scatter [tilespmem:s1], [sflag:$0x3], $0x8000, s23, s22, $0x38;
	[tilespmem:$0x13000] =	vst v63  }
0x1d6: {  	s29 =	sld [smem:s29+$0x1];
	_ =	swait.ge [sflag:s15], $0x8000  }
0x1d7: {  	[sflag:s15] =	ssyncset.done $0x0  }
0x1d8: {  	[sflag:s15] =	ssyncadd.s32 $0xFFFF8000  }
0x1d9: {  	s31 =	sshll.u32 s29, $0x7;
	v0 =	vld [tilespmem:s26+$0x11080]  }
0x1da: {  	v1 =	vld [tilespmem:s31+$0x12000]  }
0x1db: {  	v3 =	vld [tilespmem:s31+$0x10000]  }
0x1dc: {  	v2 =	vld [tilespmem:s26+$0x10080]  }
0x1dd: {  	v4 =	vld [tilespmem:s26+$0x11090]  }
0x1de: {  	v5 =	vld [tilespmem:s31+$0x12010]  }
0x1df: {  	v6 =	vld [tilespmem:s31+$0x10010]  }
0x1e0: {  	v7 =	vld [tilespmem:s26+$0x10090]  }
0x1e1: {  	v8 =	vld [tilespmem:s26+$0x110A0]  }
0x1e2: {  	v9 =	vld [tilespmem:s31+$0x12020]  }
0x1e3: {  	v10 =	vld [tilespmem:s31+$0x10020]  }
0x1e4: {  	v11 =	vld [tilespmem:s26+$0x100A0]  }
0x1e5: {  	v12 =	vld [tilespmem:s26+$0x110B0]  }
0x1e6: {  	v13 =	vld [tilespmem:s31+$0x12030]  }
0x1e7: {  	v14 =	vld [tilespmem:s31+$0x10030]  }
0x1e8: {  	v15 =	vld [tilespmem:s26+$0x100B0]  }
0x1e9: {  	v16 =	vld [tilespmem:s26+$0x110C0]  }
0x1ea: {  	v17 =	vld [tilespmem:s31+$0x12040]  }
0x1eb: {  	v18 =	vld [tilespmem:s31+$0x10040]  }
0x1ec: {  	v19 =	vld [tilespmem:s26+$0x100C0]  }
0x1ed: {  	v20 =	vld [tilespmem:s26+$0x110D0]  }
0x1ee: {  	v21 =	vld [tilespmem:s31+$0x12050]  }
0x1ef: {  	v23 =	vld [tilespmem:s26+$0x100D0]  }
0x1f0: {  	v24 =	vld [tilespmem:s26+$0x110E0]  }
0x1f1: {  	v27 =	vld [tilespmem:s26+$0x100E0]  }
0x1f2: {  	v28 =	vld [tilespmem:s26+$0x110F0]  }
0x1f3: {  	v31 =	vld [tilespmem:s26+$0x100F0];
	s26 =	simm.s32 $0x0  }
0x1f4: {  	v32 =	vld [tilespmem:s26+$0x8000]  }
0x1f5: {  	v22 =	vld [tilespmem:s31+$0x10050];
	v0 =	vmul.f32 v1, v0  }
0x1f6: {  	v33 =	vld [tilespmem:s26+$0x8010]  }
0x1f7: {  	v25 =	vld [tilespmem:s31+$0x12060];
	v35 =	vmul.f32 v2, v0;
	v2 =	vmul.f32 v5, v4  }
0x1f8: {  	v34 =	vld [tilespmem:s26+$0x8020];
	v1 =	vmul.f32 v9, v8  }
0x1f9: {  	v36 =	vld [tilespmem:s26+$0x8030];
	v3 =	vsub.f32 v3, v35;
	v5 =	vmul.f32 v7, v2;
	v7 =	vmul.f32 v32, v0  }
0x1fa: {  	v26 =	vld [tilespmem:s31+$0x10060];
	v8 =	vmul.f32 v11, v1;
	v4 =	vmul.f32 v13, v12  }
0x1fb: {  	v29 =	vld [tilespmem:s31+$0x12070];
	v9 =	vmul.f32 v33, v2;
	v5 =	vsub.f32 v6, v5;
	v11 =	vadd.f32 v7, v3  }
0x1fc: {  	v30 =	vld [tilespmem:s31+$0x10070];
	v6 =	vsub.f32 v10, v8  }
0x1fd: {  	v37 =	vld [tilespmem:s26+$0x8040];
	v8 =	vmul.f32 v15, v4;
	v7 =	vmul.f32 v17, v16;
	[tilespmem:s26+$0x8000] =	vst v11;
	v11 =	vadd.f32 v9, v5  }
0x1fe: {  	v61 =	vld [tilespmem:s26+$0x8050];
	v12 =	vmul.f32 v36, v4;
	v10 =	vmul.f32 v34, v1  }
0x1ff: {  	v8 =	vsub.f32 v14, v8;
	v9 =	vmul.f32 v21, v20;
	[tilespmem:s26+$0x8010] =	vst v11;
	v11 =	vmul.f32 v19, v7  }
0x200: {  	v62 =	vld [tilespmem:s26+$0x8060];
	v13 =	vadd.f32 v10, v6;
	v10 =	vmul.f32 v25, v24  }
0x201: {  	v63 =	vld [tilespmem:s26+$0x8070];
	v14 =	vmul.f32 v23, v9;
	v11 =	vsub.f32 v18, v11;
	v18 =	vadd.f32 v12, v8  }
0x202: {  	v38 =	vld [tilespmem:s26+$0x8080];
	v15 =	vmul.f32 v37, v7;
	[tilespmem:s26+$0x8020] =	vst v13;
	v13 =	vmul.f32 v29, v28  }
0x203: {  	v16 =	vld [tilespmem:s26+$0x8090];
	v12 =	vsub.f32 v22, v14;
	v14 =	vmul.f32 v27, v10;
	[tilespmem:s26+$0x8030] =	vst v18;
	v18 =	vmul.f32 v61, v9  }
0x204: {  	v17 =	vld [tilespmem:s26+$0x80A0];
	v21 =	vmul.f32 v31, v13;
	v15 =	vadd.f32 v15, v11  }
0x205: {  	v20 =	vld [tilespmem:s26+$0x80C0];
	v22 =	vmul.f32 v62, v10;
	v14 =	vsub.f32 v26, v14;
	v18 =	vadd.f32 v18, v12  }
0x206: {  	v19 =	vld [tilespmem:s26+$0x80B0];
	[tilespmem:s26+$0x8040] =	vst v15;
	v15 =	vsub.f32 v30, v21;
	v21 =	vmul.f32 v63, v13  }
0x207: {  	v24 =	vmul.f32 v38, v0;
	v22 =	vadd.f32 v22, v14;
	[tilespmem:s26+$0x8050] =	vst v18;
	v18 =	vld [tilespmem:s26+$0x80E0]  }
0x208: {  	v23 =	vld [tilespmem:s26+$0x80D0];
	v16 =	vmul.f32 v16, v2;
	v21 =	vadd.f32 v21, v15  }
0x209: {  	v24 =	vadd.f32 v24, v3;
	v17 =	vmul.f32 v17, v1;
	[tilespmem:s26+$0x8060] =	vst v22;
	v22 =	vld [tilespmem:s26+$0x80F0]  }
0x20a: {  	v16 =	vadd.f32 v16, v5;
	v20 =	vmul.f32 v20, v7;
	[tilespmem:s26+$0x8070] =	vst v21;
	v21 =	vld [tilespmem:s26+$0x8100]  }
0x20b: {  	[tilespmem:s26+$0x8080] =	vst v24;
	v24 =	vld [tilespmem:s26+$0x8110];
	v17 =	vadd.f32 v17, v6;
	v19 =	vmul.f32 v19, v4  }
0x20c: {  	[tilespmem:s26+$0x8090] =	vst v16;
	v20 =	vadd.f32 v20, v11;
	v18 =	vmul.f32 v18, v10  }
0x20d: {  	v16 =	vld [tilespmem:s26+$0x8120];
	[tilespmem:s26+$0x80A0] =	vst v17;
	v23 =	vmul.f32 v23, v9;
	v19 =	vadd.f32 v19, v8  }
0x20e: {  	v17 =	vld [tilespmem:s26+$0x8130];
	[tilespmem:s26+$0x80C0] =	vst v20;
	v22 =	vmul.f32 v22, v13;
	v18 =	vadd.f32 v18, v14  }
0x20f: {  	v23 =	vadd.f32 v23, v12;
	[tilespmem:s26+$0x80B0] =	vst v19;
	v19 =	vld [tilespmem:s26+$0x8140];
	v21 =	vmul.f32 v21, v0  }
0x210: {  	v22 =	vadd.f32 v22, v15;
	[tilespmem:s26+$0x80E0] =	vst v18;
	v18 =	vmul.f32 v24, v2  }
0x211: {  	v20 =	vld [tilespmem:s26+$0x8150];
	[tilespmem:s26+$0x80D0] =	vst v23;
	v21 =	vadd.f32 v21, v3  }
0x212: {  	v23 =	vld [tilespmem:s26+$0x8160];
	[tilespmem:s26+$0x80F0] =	vst v22;
	v18 =	vadd.f32 v18, v5  }
0x213: {  	v25 =	vld [tilespmem:s26+$0x8170];
	v16 =	vmul.f32 v16, v1;
	[tilespmem:s26+$0x8100] =	vst v21  }
0x214: {  	v22 =	vld [tilespmem:s26+$0x8180];
	v21 =	vmul.f32 v17, v4;
	[tilespmem:s26+$0x8110] =	vst v18;
	v18 =	vmul.f32 v19, v7  }
0x215: {  	v26 =	vld [tilespmem:s26+$0x8190];
	v16 =	vadd.f32 v16, v6  }
0x216: {  	v20 =	vmul.f32 v20, v9;
	v17 =	vld [tilespmem:s26+$0x81A0];
	v19 =	vadd.f32 v21, v8;
	v21 =	vadd.f32 v18, v11  }
0x217: {  	[tilespmem:s26+$0x8120] =	vst v16;
	v16 =	vld [tilespmem:s26+$0x81B0];
	v23 =	vmul.f32 v23, v10  }
0x218: {  	v20 =	vadd.f32 v20, v12;
	v18 =	vld [tilespmem:s26+$0x81C0];
	[tilespmem:s26+$0x8140] =	vst v21;
	v21 =	vmul.f32 v25, v13  }
0x219: {  	v23 =	vadd.f32 v23, v14;
	v24 =	vmul.f32 v22, v0;
	[tilespmem:s26+$0x8130] =	vst v19;
	v19 =	vld [tilespmem:s26+$0x81D0]  }
0x21a: {  	s0 =	simm.s32 $0x800;
	[tilespmem:s26+$0x8150] =	vst v20;
	v20 =	vld [tilespmem:s26+$0x81E0];
	v22 =	vmul.f32 v26, v2;
	v21 =	vadd.f32 v21, v15  }
.LBB2_12:
0x21b: {  	s1 =	sshra.s32 s0, $0x2;
	p0 =	sne.s32 s0, $0x1F800;
	[tilespmem:s26+$0x8160] =	vst v23;
	v23 =	vadd.f32 v24, v3;
	v17 =	vmul.f32 v17, v1;
	v24 =	vld [tilespmem:s26+$0x81F0]  }
0x21c: {  	v25 =	vld [tilespmem:s1+$0x8000];
	[tilespmem:s26+$0x8170] =	vst v21;
	v21 =	vadd.f32 v22, v5;
	v16 =	vmul.f32 v16, v4  }
0x21d: {  	v22 =	vld [tilespmem:s1+$0x8010];
	[tilespmem:s26+$0x8180] =	vst v23;
	v17 =	vadd.f32 v17, v6;
	v18 =	vmul.f32 v18, v7  }
0x21e: {  	v23 =	vld [tilespmem:s1+$0x8020];
	[tilespmem:s26+$0x8190] =	vst v21;
	v16 =	vadd.f32 v16, v8;
	v19 =	vmul.f32 v19, v9  }
0x21f: {  	v21 =	vld [tilespmem:s1+$0x8030];
	[tilespmem:s26+$0x81A0] =	vst v17;
	v17 =	vadd.f32 v18, v11;
	v18 =	vmul.f32 v20, v10  }
0x220: {  	v20 =	vld [tilespmem:s1+$0x8040];
	[tilespmem:s26+$0x81B0] =	vst v16;
	v16 =	vadd.f32 v19, v12;
	v19 =	vmul.f32 v24, v13  }
0x221: {  	v24 =	vmul.f32 v25, v0;
	v25 =	vld [tilespmem:s1+$0x8050];
	[tilespmem:s26+$0x81C0] =	vst v17;
	v17 =	vadd.f32 v18, v14  }
0x222: {  	v18 =	vmul.f32 v22, v2;
	v22 =	vld [tilespmem:s1+$0x8060];
	[tilespmem:s26+$0x81D0] =	vst v16;
	v16 =	vadd.f32 v19, v15  }
0x223: {  	v19 =	vadd.f32 v24, v3;
	v23 =	vmul.f32 v23, v1;
	v24 =	vld [tilespmem:s1+$0x8070];
	[tilespmem:s26+$0x81E0] =	vst v17  }
0x224: {  	v17 =	vadd.f32 v18, v5;
	v18 =	vmul.f32 v21, v4;
	v21 =	vld [tilespmem:s1+$0x8080];
	[tilespmem:s26+$0x81F0] =	vst v16;
	s26 =	smov.u32 s1  }
0x225: {  	[tilespmem:s26+$0x8000] =	vst v19;
	v16 =	vadd.f32 v23, v6;
	v19 =	vmul.f32 v20, v7;
	v20 =	vld [tilespmem:s26+$0x8090]  }
0x226: {  	[tilespmem:s26+$0x8010] =	vst v17;
	v17 =	vadd.f32 v18, v8;
	v18 =	vmul.f32 v25, v9;
	v23 =	vld [tilespmem:s26+$0x80A0]  }
0x227: {  	[tilespmem:s26+$0x8020] =	vst v16;
	v16 =	vadd.f32 v19, v11;
	v19 =	vmul.f32 v22, v10;
	v22 =	vld [tilespmem:s26+$0x80B0]  }
0x228: {  	[tilespmem:s26+$0x8030] =	vst v17;
	v17 =	vadd.f32 v18, v12;
	v18 =	vmul.f32 v24, v13;
	v24 =	vld [tilespmem:s26+$0x80C0]  }
0x229: {  	[tilespmem:s26+$0x8040] =	vst v16;
	v16 =	vadd.f32 v19, v14;
	v19 =	vmul.f32 v21, v0;
	v21 =	vld [tilespmem:s26+$0x80D0]  }
0x22a: {  	[tilespmem:s26+$0x8050] =	vst v17;
	v17 =	vadd.f32 v18, v15;
	v18 =	vmul.f32 v20, v2;
	v20 =	vld [tilespmem:s26+$0x80E0]  }
0x22b: {  	[tilespmem:s26+$0x8060] =	vst v16;
	v16 =	vadd.f32 v19, v3;
	v19 =	vmul.f32 v23, v1;
	v23 =	vld [tilespmem:s26+$0x80F0]  }
0x22c: {  	[tilespmem:s26+$0x8070] =	vst v17;
	v17 =	vadd.f32 v18, v5;
	v18 =	vmul.f32 v22, v4;
	v22 =	vld [tilespmem:s26+$0x8100]  }
0x22d: {  	[tilespmem:s26+$0x8080] =	vst v16;
	v16 =	vadd.f32 v19, v6;
	v19 =	vmul.f32 v24, v7;
	v24 =	vld [tilespmem:s26+$0x8110]  }
0x22e: {  	[tilespmem:s26+$0x8090] =	vst v17;
	v17 =	vadd.f32 v18, v8;
	v18 =	vmul.f32 v21, v9;
	v21 =	vld [tilespmem:s26+$0x8120]  }
0x22f: {  	[tilespmem:s26+$0x80A0] =	vst v16;
	v16 =	vadd.f32 v19, v11;
	v19 =	vmul.f32 v20, v10;
	v20 =	vld [tilespmem:s26+$0x8130]  }
0x230: {  	[tilespmem:s26+$0x80B0] =	vst v17;
	v17 =	vadd.f32 v18, v12;
	v18 =	vmul.f32 v23, v13;
	v23 =	vld [tilespmem:s26+$0x8140]  }
0x231: {  	[tilespmem:s26+$0x80C0] =	vst v16;
	v16 =	vadd.f32 v19, v14;
	v19 =	vmul.f32 v22, v0;
	v22 =	vld [tilespmem:s26+$0x8150]  }
0x232: {  	[tilespmem:s26+$0x80D0] =	vst v17;
	v17 =	vadd.f32 v18, v15;
	v18 =	vmul.f32 v24, v2;
	v24 =	vld [tilespmem:s26+$0x8160]  }
0x233: {  	[tilespmem:s26+$0x80E0] =	vst v16;
	v16 =	vadd.f32 v19, v3;
	v19 =	vmul.f32 v21, v1;
	v21 =	vld [tilespmem:s26+$0x8170]  }
0x234: {  	[tilespmem:s26+$0x80F0] =	vst v17;
	v17 =	vadd.f32 v18, v5;
	v18 =	vmul.f32 v20, v4;
	v20 =	vld [tilespmem:s26+$0x8180]  }
0x235: {  	[tilespmem:s26+$0x8100] =	vst v16;
	v16 =	vadd.f32 v19, v6;
	v19 =	vmul.f32 v23, v7;
	v25 =	vld [tilespmem:s26+$0x8190]  }
.Ltmp7:
0x236: {  	[tilespmem:s26+$0x8110] =	vst v17;
	v18 =	vadd.f32 v18, v8;
	v22 =	vmul.f32 v22, v9;
	v17 =	vld [tilespmem:s26+$0x81A0];
	(pc) =	sbr.rel @p0 .LBB2_12-.Ltmp7, $4  }
0x237: {  	[tilespmem:s26+$0x8120] =	vst v16;
	v19 =	vadd.f32 v19, v11;
	v23 =	vmul.f32 v24, v10;
	v16 =	vld [tilespmem:s26+$0x81B0]  }
0x238: {  	[tilespmem:s26+$0x8130] =	vst v18;
	v22 =	vadd.f32 v22, v12;
	v21 =	vmul.f32 v21, v13;
	v18 =	vld [tilespmem:s26+$0x81C0]  }
0x239: {  	[tilespmem:s26+$0x8140] =	vst v19;
	v23 =	vadd.f32 v23, v14;
	v24 =	vmul.f32 v20, v0;
	v19 =	vld [tilespmem:s26+$0x81D0]  }
0x23a: {  	s0 =	sadd.s32 $0x800, s0;
	[tilespmem:s26+$0x8150] =	vst v22;
	v21 =	vadd.f32 v21, v15;
	v22 =	vmul.f32 v25, v2;
	v20 =	vld [tilespmem:s26+$0x81E0]  }
0x23b: {  	[tilespmem:s26+$0x8160] =	vst v23;
	v0 =	vadd.f32 v24, v3;
	v1 =	vmul.f32 v17, v1;
	v2 =	vld [tilespmem:s26+$0x81F0]  }
0x23c: {  	[tilespmem:s26+$0x8170] =	vst v21;
	v54 =	vadd.f32 v22, v5;
	v4 =	vmul.f32 v16, v4  }
0x23d: {  	[tilespmem:s26+$0x8180] =	vst v0;
	v55 =	vadd.f32 v1, v6;
	v56 =	vmul.f32 v18, v7  }
0x23e: {  	[tilespmem:s26+$0x8190] =	vst v54;
	v57 =	vadd.f32 v4, v8;
	v58 =	vmul.f32 v19, v9  }
0x23f: {  	[tilespmem:s26+$0x81A0] =	vst v55;
	v59 =	vadd.f32 v56, v11;
	v60 =	vmul.f32 v20, v10  }
0x240: {  	[tilespmem:s26+$0x81B0] =	vst v57;
	v61 =	vadd.f32 v58, v12;
	v2 =	vmul.f32 v2, v13  }
0x241: {  	s0 =	sshll.u32 s29, $0x14;
	[tilespmem:s26+$0x81C0] =	vst v59;
	v62 =	vadd.f32 v60, v14  }
0x242: {  	s0 =	sor.u32 s4, s0;
	[tilespmem:s26+$0x81D0] =	vst v61;
	v63 =	vadd.f32 v2, v15  }
0x243: {  	p0 =	seq.s32 s25, $0xF;
	s0 =	sshrl.u32 s0, $0x3;
	[tilespmem:s26+$0x81E0] =	vst v62  }
.Ltmp8:
0x244: {  	s0 =	sadd.s32 s5, s0;
	[tilespmem:s26+$0x81F0] =	vst v63;
	(pc) =	sbr.rel @p0 .LBB2_15-.Ltmp8, $4  }
0x245: {  	[hbm4b:s0+s22] =	stream.strided.scatter [tilespmem:s23], [sflag:$0x4], $0x8000, s23, s22, $0x38;
	[tilespmem:$0x13000] =	vst v63  }
0x246: {  	_ =	swait.ge [sflag:s20], $0x8000  }
0x247: {  	[sflag:s20] =	ssyncset.done $0x0  }
0x248: {  	[sflag:s20] =	ssyncadd.s32 $0xFFFF8000  }
0x249: {  	s0 =	sshll.u32 s25, $0x15  }
0x24a: {  	s1 =	sadd.s32 s8, s0  }
0x24b: {  	s1 =	sshrl.u32 s1, $0x3  }
0x24c: {  	s1 =	sadd.s32 s2, s1  }
0x24d: {  	[tilespmem:s3], [sflag:$0x1] =	stream.strided.gather [hbm4b:s1+s22], $0x8000, s23, s22, $0x38;
	[tilespmem:$0x13000] =	vst v63  }
.Ltmp9:
0x24e: {  	_ = 	snop;
	(pc) =	sbr.rel .LBB2_9-.Ltmp9, $4  }
0x24f: {  	s0 =	sadd.s32 s9, s0;
	_ =	swait.ge [sflag:s28], $0x8000  }
0x250: {  	s0 =	sshrl.u32 s0, $0x3;
	[sflag:s28] =	ssyncset.done $0x0  }
0x251: {  	s25 =	sadd.s32 $0x1, s25;
	s0 =	sadd.s32 s2, s0;
	[sflag:s28] =	ssyncadd.s32 $0xFFFF8000  }
0x252: {  	[tilespmem:s23], [sflag:$0x2] =	stream.strided.gather [hbm4b:s0+s22], $0x8000, s23, s22, $0x38;
	[tilespmem:$0x13000] =	vst v63  }
.LBB2_16:
0x253: {  	_ =	sfence.sel $0x180000  }
0x254: {  	[bflag:$0x0] =	sbarrier.arrive $0xFFFF  }
0x255: {  	_ =	strace $0x90000047  }
0x256: {  	s0 =	stileid.u32;
	[bflag:$0x2] =	sbarrier.arrive $0xFFFF  }
0x257: {  	p0 =	sne.s32 s0, $0x0;
	s0 =	rddreg [dreg:$0x2]  }
0x258: {  	s0 =	sadd.s32 @!p0 $0x100000, s0  }
0x259: {  	[sflag:s0] =	ssyncadd.tile.s32 @!p0 $0x1;
	_ =	shalt  }
.Lfunc_end2:
_tile_overlayer_lowered:
.L_overlay_start_2:
0x25a: {  	(tag) =	ssettag $0x2  }
0x25b: {  	s0 =	rddreg [dreg:$0x0];
	s2 =	stileid.u32  }
0x25c: {  	s1 =	rddreg [dreg:$0x1];
	p0 =	sne.s32 s2, $0x0  }
0x25d: {  	s3 =	rddreg [dreg:$0x2];
	[bflag:$0x3] =	sbarrier.arrive $0xFFFF;
	s2 =	simm.s32 @!p0 $0x1C05  }
0x25e: {  	[timem:s3], [sflag:s2] =	dma.local @!p0 [hbm:s0], s1  }
0x25f: {  	s0 =	simm.s32 @!p0 $0x5  }
0x260: {  	_ =	swait.ge @!p0 [sflag:s0], s1  }
0x261: {  	s1 =	ssub.s32 @!p0 $0x0, s1;
	[sflag:s0] =	ssyncset.done @!p0 $0x0  }
0x262: {  	[sflag:s0] =	ssyncadd.s32 @!p0 s1  }
0x263: {  	[bflag:$0x3] =	sbarrier.arrive $0xFFFF  }
0x264: {  	_ =	shalt  }

</sc_bundles>
